<compile_context>
chip_gen: v7x
topology: tpu7x:2x2x1
jax: 0.10.2.dev20260603
libtpu: 0.0.44.dev20260713+nightly
codegen_flags: <defaults>
</compile_context>

<pallas_src>
import functools

import jax
import jax.numpy as jnp
from jax import lax
from jax.experimental import pallas as pl
from jax.experimental.pallas import tpu as pltpu
from jax.experimental.pallas import tpu_sc as plsc

_F32 = jnp.float32
_BF16 = jnp.bfloat16
_I32 = jnp.int32
_U32 = jnp.uint32
_MARGIN = 0.03
_NT = 4

_NC = 2
_NS = 16
_NW = _NC * _NS
_C = 128
_L = 16


def _pack_body(states_ref, ws1, bs1, ws2, bs2, wr1, wrpa, wrpb,
               wi1, bi1, wi2, bi2, wpa, wpb, bp,
               tsrc_ref, tdst_ref, d_ref):
    x = states_ref[...]
    h = jnp.maximum(x @ ws1[...] + bs1[...], 0.0)
    senc = jnp.maximum(h @ ws2[...] + bs2[...], 0.0)
    p = x @ wr1[...]
    a = senc @ wrpa[...]
    b = senc @ wrpb[...]
    hi = jnp.maximum(x @ wi1[...] + bi1[...], 0.0)
    eu = jnp.maximum(hi @ wi2[...] + bi2[...], 0.0)
    ux = jnp.abs(x[:, 0:1])
    uy = jnp.abs(x[:, _NT:_NT + 1])
    u = jnp.where((ux > 1.0 - _MARGIN) | (uy > 1.0 - _MARGIN), 1.0, 0.0)
    d_ref[...] = senc @ wpa[...] + (eu * u) @ wpb[...] + bp[...]

    def bits(v):
        return lax.bitcast_convert_type(v.astype(_BF16).astype(_F32), _U32)

    pw = bits(p) >> 16
    mask_hi = jnp.uint32(0xFFFF0000)
    tsrc_ref[...] = lax.bitcast_convert_type(pw | (bits(a) & mask_hi), _I32)
    tdst_ref[...] = lax.bitcast_convert_type(pw | (bits(b) & mask_hi), _I32)


def _edge_body(gsrc_ref, gdst_ref, wr2, br1, br2, wrpc, brp, out_ref):
    us = gsrc_ref[...]
    ud = gdst_ref[...]
    mask_hi = jnp.int32(-65536)
    ps = lax.bitcast_convert_type(us << 16, _F32)
    pd = lax.bitcast_convert_type(ud << 16, _F32)
    asrc = lax.bitcast_convert_type(us & mask_hi, _F32)
    bdst = lax.bitcast_convert_type(ud & mask_hi, _F32)
    h1 = jnp.maximum(ps - pd + br1[...], 0.0).astype(_BF16)
    er = lax.dot_general(h1, wr2[...], (((1,), (0,)), ((), ())),
                         preferred_element_type=_F32) + br2[...]
    er = jnp.maximum(er, 0.0).astype(_BF16)
    t = lax.dot_general(er, wrpc[...], (((1,), (0,)), ((), ())),
                        preferred_element_type=_F32)
    out_ref[...] = jnp.maximum(asrc + bdst + t + brp[...], 0.0)


def _head_body(agg_ref, d_ref, wp1, we1, be1, we2, be2, we3, be3, out_ref):
    agg = (agg_ref[0] + agg_ref[1]) + (agg_ref[2] + agg_ref[3])
    ne = jnp.maximum(agg @ wp1[...] + d_ref[...], 0.0)
    hh = jnp.maximum(ne @ we1[...] + be1[...], 0.0)
    hh = jnp.maximum(hh @ we2[...] + be2[...], 0.0)
    out_ref[...] = hh @ we3[...] + be3[...]


def kernel(states, edge_index, Ws1, bs1, Ws2, bs2, Wr1, br1, Wr2, br2,
           Wrp, brp, Wi1, bi1, Wi2, bi2, Wp, bp, We1, be1, We2, be2,
           We3, be3):
    n, s_dim = states.shape
    e = edge_index.shape[1]
    ef = Wrp.shape[1]
    g_dim = We3.shape[1]

    per_w = -(-e // (_NW * 4 * _C)) * 4 * _C
    ep = per_w * _NW
    chunks = per_w // _C
    n_pad = -(-n // 128) * 128
    zr = n_pad // _NS
    dummy = n_pad - 1

    src3 = jnp.pad(edge_index[0], (0, ep - e)).reshape(_NW, chunks, _C)
    dst3 = jnp.pad(edge_index[1], (0, ep - e)).reshape(_NW, chunks, _C)
    s0 = states[:, 0]
    s4 = states[:, _NT]

    bn = 2000
    full = lambda shp: pl.BlockSpec(shp, lambda i: (0,) * len(shp))
    row = lambda w: pl.BlockSpec((1, w), lambda i: (0, 0))
    tsrc, tdst, dvec = pl.pallas_call(
        _pack_body,
        grid=(n // bn,),
        in_specs=[
            pl.BlockSpec((bn, s_dim), lambda i: (i, 0)),
            full((s_dim, 128)), row(128), full((128, 128)), row(128),
            full((s_dim, 128)), full((128, 128)), full((128, 128)),
            full((s_dim, 128)), row(128), full((128, 16)), row(16),
            full((128, 128)), full((16, 128)), row(128),
        ],
        out_specs=[
            pl.BlockSpec((bn, 128), lambda i: (i, 0)),
            pl.BlockSpec((bn, 128), lambda i: (i, 0)),
            pl.BlockSpec((bn, 128), lambda i: (i, 0)),
        ],
        out_shape=[
            jax.ShapeDtypeStruct((n, 128), _I32),
            jax.ShapeDtypeStruct((n, 128), _I32),
            jax.ShapeDtypeStruct((n, 128), _F32),
        ],
    )(states, Ws1, bs1.reshape(1, -1), Ws2, bs2.reshape(1, -1),
      Wr1, Wrp[0:128], Wrp[128:256],
      Wi1, bi1.reshape(1, -1), Wi2, bi2.reshape(1, -1),
      Wp[0:128], Wp[128:144], bp.reshape(1, -1))

    mesh = plsc.VectorSubcoreMesh(core_axis_name="c", subcore_axis_name="s")
    hchunks = chunks // 2
    hper_w = per_w // 2
    hep = ep // 2

    cg = 128
    gchunks = hper_w // cg

    @functools.partial(
        pl.kernel,
        mesh=mesh,
        out_type=[jax.ShapeDtypeStruct((hep, 128), _I32),
                  jax.ShapeDtypeStruct((hep, 128), _I32)],
        scratch_types=[
            pltpu.VMEM((gchunks // 2, 2 * cg), _I32),
            pltpu.VMEM((gchunks // 2, 2 * cg), _I32),
            pltpu.VMEM((2, cg, 128), _I32),
            pltpu.VMEM((2, cg, 128), _I32),
            pltpu.SemaphoreType.DMA,
            pltpu.SemaphoreType.DMA,
            pltpu.SemaphoreType.DMA,
            pltpu.SemaphoreType.DMA,
        ],
    )
    def _gather_k(src_hbm, dst_hbm, ts_hbm, td_hbm, gs_hbm, gd_hbm,
                  idxs_v, idxd_v, rows_s, rows_d,
                  sem_g0, sem_g1, sem_o0, sem_o1):
        c = lax.axis_index("c")
        s = lax.axis_index("s")
        wid = s * _NC + c
        base = wid * hper_w
        pltpu.sync_copy(src_hbm.at[wid], idxs_v)
        pltpu.sync_copy(dst_hbm.at[wid], idxd_v)
        sem_g = (sem_g0, sem_g1)
        sem_o = (sem_o0, sem_o1)

        def gathers(row, col, b):
            pltpu.async_copy(ts_hbm.at[idxs_v.at[row, pl.ds(col, cg)]],
                             rows_s.at[b], sem_g[b])
            pltpu.async_copy(td_hbm.at[idxd_v.at[row, pl.ds(col, cg)]],
                             rows_d.at[b], sem_g[b])

        def wait_gathers(b):
            pltpu.make_async_copy(
                ts_hbm.at[idxs_v.at[0, pl.ds(0, cg)]], rows_s.at[b],
                sem_g[b]).wait()
            pltpu.make_async_copy(
                td_hbm.at[idxd_v.at[0, pl.ds(0, cg)]], rows_d.at[b],
                sem_g[b]).wait()

        def wait_outs(b):
            pltpu.make_async_copy(
                rows_s.at[b], gs_hbm.at[pl.ds(0, cg)], sem_o[b]).wait()
            pltpu.make_async_copy(
                rows_d.at[b], gd_hbm.at[pl.ds(0, cg)], sem_o[b]).wait()

        gathers(0, 0, 0)

        def body(i2, carry):
            for b in range(2):
                i = i2 * 2 + b
                nb = 1 - b

                if b == 0:
                    @pl.when(i2 > 0)
                    def _():
                        wait_outs(nb)

                    gathers(i2, cg, nb)
                else:
                    wait_outs(nb)

                    @pl.when(i + 1 < gchunks)
                    def _():
                        gathers(i2 + 1, 0, nb)

                wait_gathers(b)
                off = base + i * cg
                pltpu.async_copy(rows_s.at[b], gs_hbm.at[pl.ds(off, cg)],
                                 sem_o[b])
                pltpu.async_copy(rows_d.at[b], gd_hbm.at[pl.ds(off, cg)],
                                 sem_o[b])
            return carry

        lax.fori_loop(0, gchunks // 2, body, 0)
        wait_outs(1)

    be = 1024

    def _edge_mlp(gsrc, gdst):
        return pl.pallas_call(
            _edge_body,
            grid=(hep // be,),
            in_specs=[
                pl.BlockSpec((be, 128), lambda i: (i, 0)),
                pl.BlockSpec((be, 128), lambda i: (i, 0)),
                full((128, 128)), row(128), row(128), full((128, ef)),
                row(ef),
            ],
            out_specs=pl.BlockSpec((be, ef), lambda i: (i, 0)),
            out_shape=jax.ShapeDtypeStruct((hep, ef), _F32),
        )(gsrc, gdst, Wr2.astype(_BF16), br1.reshape(1, -1),
          br2.reshape(1, -1), Wrp[256:384].astype(_BF16), brp.reshape(1, -1))

    zeros_blk = jnp.zeros((zr, ef), _F32)
    thr = jnp.float32(2.0 * _MARGIN)

    @functools.partial(
        pl.kernel,
        mesh=mesh,
        out_type=jax.ShapeDtypeStruct((_NC, n_pad, ef), _F32),
        scratch_types=[
            pltpu.VMEM((_C,), _I32),
            pltpu.VMEM((_C,), _I32),
            pltpu.VMEM((2, _C), _I32),
            pltpu.VMEM((2, _C, ef), _F32),
            pltpu.VMEM((_C,), _F32),
            pltpu.VMEM((_C,), _F32),
            pltpu.VMEM((_C,), _F32),
            pltpu.VMEM((_C,), _F32),
            pltpu.VMEM_SHARED((n_pad, ef), _F32),
            pltpu.SemaphoreType.DMA,
            pltpu.SemaphoreType.DMA,
            pltpu.SemaphoreType.DMA,
            pltpu.SemaphoreType.DMA,
            pltpu.SemaphoreType.DMA,
        ],
    )
    def _scatter_k(src_hbm, dst_hbm, eff_hbm, s0_hbm, s4_hbm, z_hbm, agg_hbm,
                   idxs_v, idxd_v, idxm_v, val_v, s0s_v, s0d_v, s4s_v, s4d_v,
                   acc_sh, sem_v0, sem_v1, sem_m, sem_s0, sem_s1):
        c = lax.axis_index("c")
        s = lax.axis_index("s")
        wid = s * _NC + c
        base = wid * hper_w
        sem_v = (sem_v0, sem_v1)
        sem_s = (sem_s0, sem_s1)
        pltpu.sync_copy(z_hbm, acc_sh.at[pl.ds(s * zr, zr)])
        plsc.subcore_barrier()
        pltpu.async_copy(eff_hbm.at[pl.ds(base, _C)], val_v.at[0], sem_v[0])

        def body(i2, carry):
            for b in range(2):
                i = i2 * 2 + b
                nb = 1 - b
                pltpu.sync_copy(src_hbm.at[wid, i], idxs_v)
                pltpu.sync_copy(dst_hbm.at[wid, i], idxd_v)
                g1 = pltpu.async_copy(s0_hbm.at[idxs_v], s0s_v, sem_m)
                g2 = pltpu.async_copy(s0_hbm.at[idxd_v], s0d_v, sem_m)
                g3 = pltpu.async_copy(s4_hbm.at[idxs_v], s4s_v, sem_m)
                g4 = pltpu.async_copy(s4_hbm.at[idxd_v], s4d_v, sem_m)

                @pl.when((i2 > 0) | (b > 0))
                def _():
                    pltpu.make_async_copy(
                        val_v.at[nb], acc_sh.at[idxm_v.at[nb]],
                        sem_s[nb]).wait()

                @pl.when(i + 1 < hchunks)
                def _():
                    off = base + (i + 1) * _C
                    pltpu.async_copy(eff_hbm.at[pl.ds(off, _C)],
                                     val_v.at[nb], sem_v[nb])

                pltpu.make_async_copy(
                    eff_hbm.at[pl.ds(0, _C)], val_v.at[b], sem_v[b]).wait()
                g1.wait()
                g2.wait()
                g3.wait()
                g4.wait()
                for j in range(_C // _L):
                    sl = pl.ds(j * _L, _L)
                    di = idxd_v[sl]
                    relx = s0s_v[sl] - s0d_v[sl]
                    rely = s4s_v[sl] - s4d_v[sl]
                    sel = (jnp.abs(relx) > thr) | (jnp.abs(rely) > thr)
                    idxm_v[b, sl] = jnp.where(sel, di, dummy)

                pltpu.async_copy(val_v.at[b], acc_sh.at[idxm_v.at[b]],
                                 sem_s[b], add=True)
            return carry

        lax.fori_loop(0, hchunks // 2, body, 0)
        pltpu.make_async_copy(
            val_v.at[1], acc_sh.at[idxm_v.at[1]], sem_s[1]).wait()
        plsc.subcore_barrier()
        pltpu.sync_copy(acc_sh.at[pl.ds(s * zr, zr)],
                        agg_hbm.at[c, pl.ds(s * zr, zr)])

    tsrc_p = jnp.pad(tsrc, ((0, n_pad - n), (0, 0)))
    tdst_p = jnp.pad(tdst, ((0, n_pad - n), (0, 0)))
    parts = []
    for h in range(2):
        sl = slice(h * hchunks, (h + 1) * hchunks)
        src_h = src3[:, sl]
        dst_h = dst3[:, sl]
        gsrc, gdst = _gather_k(src_h.reshape(_NW, gchunks // 2, 2 * cg),
                               dst_h.reshape(_NW, gchunks // 2, 2 * cg),
                               tsrc_p, tdst_p)
        eff_h = _edge_mlp(gsrc, gdst)
        parts.append(_scatter_k(src_h, dst_h, eff_h, s0, s4, zeros_blk))
    aggp = jnp.concatenate(parts, axis=0)

    agg2 = aggp[:, :n, :]
    g_out = pl.pallas_call(
        _head_body,
        grid=(n // bn,),
        in_specs=[
            pl.BlockSpec((2 * _NC, bn, ef), lambda i: (0, i, 0)),
            pl.BlockSpec((bn, 128), lambda i: (i, 0)),
            full((128, 128)),
            full((ef, 128)), row(128), full((128, 128)), row(128),
            full((128, g_dim)), row(g_dim),
        ],
        out_specs=pl.BlockSpec((bn, g_dim), lambda i: (i, 0)),
        out_shape=jax.ShapeDtypeStruct((n, g_dim), _F32),
    )(agg2, dvec, Wp[0:128], We1, be1.reshape(1, -1),
      We2, be2.reshape(1, -1), We3, be3.reshape(1, -1))

    return g_out

# --- scband reference (transcript-rebuilt; emitter-appended) ---
"""Pipeline reference for scband-koopman-operators-17205638988031 (READ-ONLY COPY).

The authoritative reference and input builder live on the scoring server;
editing this copy changes nothing except your own understanding.
"""

import jax, jax.numpy as jnp
import numpy as np

N, E = 10000, 320000
S, H, ES, RD, EF, UD, G = 128, 128, 128, 128, 128, 16, 64
MARGIN, NT = 0.03, 4

def _w(key, fan_in, fan_out):
    return jax.random.normal(key, (fan_in, fan_out), dtype=jnp.float32) * (1.0 / np.sqrt(fan_in))

def setup_inputs(seed: int = 0) -> dict:
    key = jax.random.key(seed)
    ks = jax.random.split(key, 16)
    inp = {}
    inp["states"] = jax.random.normal(ks[0], (N, S), dtype=jnp.float32)
    inp["edge_index"] = jax.random.randint(ks[1], (2, E), 0, N, dtype=jnp.int32)
    # StateEncoder
    inp["Ws1"] = _w(ks[2], S, H); inp["bs1"] = jnp.zeros((H,), jnp.float32)
    inp["Ws2"] = _w(ks[3], H, ES); inp["bs2"] = jnp.zeros((ES,), jnp.float32)
    # RelationEncoder (collision_margin path: output_size only)
    inp["Wr1"] = _w(ks[4], S, H); inp["br1"] = jnp.zeros((H,), jnp.float32)
    inp["Wr2"] = _w(ks[5], H, RD); inp["br2"] = jnp.zeros((RD,), jnp.float32)
    # RelationPropagator: Linear(2*es + rd, nf_effect)
    inp["Wrp"] = _w(ks[6], 2 * ES + RD, EF); inp["brp"] = jnp.zeros((EF,), jnp.float32)
    # InputEncoder (collision_margin path)
    inp["Wi1"] = _w(ks[7], S, H); inp["bi1"] = jnp.zeros((H,), jnp.float32)
    inp["Wi2"] = _w(ks[8], H, UD); inp["bi2"] = jnp.zeros((UD,), jnp.float32)
    # InputPropagator: Linear(es + ud, nf_effect)
    inp["Wp"] = _w(ks[9], EF + UD, EF); inp["bp"] = jnp.zeros((EF,), jnp.float32)
    # Embedding to observables g
    inp["We1"] = _w(ks[10], EF, H); inp["be1"] = jnp.zeros((H,), jnp.float32)
    inp["We2"] = _w(ks[11], H, H); inp["be2"] = jnp.zeros((H,), jnp.float32)
    inp["We3"] = _w(ks[12], H, G); inp["be3"] = jnp.zeros((G,), jnp.float32)
    return inp

def reference(states, edge_index, Ws1, bs1, Ws2, bs2, Wr1, br1, Wr2, br2, Wrp, brp, Wi1, bi1, Wi2, bi2, Wp, bp, We1, be1, We2, be2, We3, be3):
    src = edge_index[0]
    dst = edge_index[1]
    # per-particle state encoding
    s_enc = jax.nn.relu(jax.nn.relu(states @ Ws1 + bs1) @ Ws2 + bs2)
    # relative states + relation encoding
    rel = states[src] - states[dst]
    er = jax.nn.relu(jax.nn.relu(rel @ Wr1 + br1) @ Wr2 + br2)
    # get_rel_states_mask (collision_margin path)
    rx = jnp.abs(rel[:, 0:1]); ry = jnp.abs(rel[:, NT:NT + 1])
    sel = jnp.where((rx > 2 * MARGIN) | (ry > 2 * MARGIN), 1.0, 0.0)
    # relation propagation over edges
    edge_in = jnp.concatenate([s_enc[src], s_enc[dst], er], axis=-1)
    edge_eff = jax.nn.relu(edge_in @ Wrp + brp) * sel
    # scatter-add aggregation to destination nodes
    agg = jax.ops.segment_sum(edge_eff, dst, num_segments=states.shape[0])
    # input encoding + get_u_states_mask (collision_margin path)
    eu = jax.nn.relu(jax.nn.relu(states @ Wi1 + bi1) @ Wi2 + bi2)
    ux = jnp.abs(states[:, 0:1]); uy = jnp.abs(states[:, NT:NT + 1])
    u = jnp.where((ux > 1 - MARGIN) | (uy > 1 - MARGIN), 1.0, 0.0)
    # node propagation
    node_in = jnp.concatenate([s_enc + agg, eu * u], axis=-1)
    node_eff = jax.nn.relu(node_in @ Wp + bp)
    # embedding to Koopman observables g
    hh = jax.nn.relu(node_eff @ We1 + be1)
    hh = jax.nn.relu(hh @ We2 + be2)
    g_out = hh @ We3 + be3
    return g_out

if __name__ == "__main__":
    import jax
    _d = setup_inputs()
    print(jax.jit(kernel)(*tuple(_d.values())))

</pallas_src>

<mosaic_0001>
#map = affine_map<(d0, d1) -> (0, 0, 0)>
#map1 = affine_map<(d0, d1) -> (0, 0)>
module attributes {stable_mosaic.version = 14 : i64} {
  func.func @_gather_k(%arg0: i32, %arg1: i32, %arg2: memref<32x20x256xi32, #tpu.memory_space<hbm>>, %arg3: memref<32x20x256xi32, #tpu.memory_space<hbm>>, %arg4: memref<10112x128xi32, #tpu.memory_space<hbm>>, %arg5: memref<10112x128xi32, #tpu.memory_space<hbm>>, %arg6: memref<163840x128xi32, #tpu.memory_space<hbm>>, %arg7: memref<163840x128xi32, #tpu.memory_space<hbm>>, %arg8: memref<20x256xi32, #tpu.memory_space<vmem>>, %arg9: memref<20x256xi32, #tpu.memory_space<vmem>>, %arg10: memref<2x128x128xi32, #tpu.memory_space<vmem>>, %arg11: memref<2x128x128xi32, #tpu.memory_space<vmem>>, %arg12: memref<!tpu.dma_semaphore, #tpu.memory_space<semaphore_mem>>, %arg13: memref<!tpu.dma_semaphore, #tpu.memory_space<semaphore_mem>>, %arg14: memref<!tpu.dma_semaphore, #tpu.memory_space<semaphore_mem>>, %arg15: memref<!tpu.dma_semaphore, #tpu.memory_space<semaphore_mem>>) attributes {dimension_semantics = [#tpu.dimension_semantics<core_parallel>, #tpu.dimension_semantics<subcore_parallel>], iteration_bounds = array<i64: 2, 16>, scalar_prefetch = 0 : i64, scratch_operands = 8 : i64, tpu.core_type = #tpu.core_type<sc_vector_subcore>, window_params = [{transform_indices = #map}, {transform_indices = #map}, {transform_indices = #map1}, {transform_indices = #map1}, {transform_indices = #map1}, {transform_indices = #map1}]} {
    %mul3A = arith.constant 2 : i32
    %mul3A_0 = arith.muli %arg1, %mul3A : i32
    %add3A = arith.addi %mul3A_0, %arg0 : i32
    %mul3A_1 = arith.constant 5120 : i32
    %mul3A_2 = arith.muli %add3A, %mul3A_1 : i32
    "tpu.region"() ({
      %run_scoped3A = tpu.sem_alloc : memref<!tpu.dma_semaphore, #tpu.memory_space<semaphore_mem>>
      %dma_start3A_60 = arith.constant 0 : i32
      %dma_start3A_61 = arith.constant 0 : i32
      %dma_start3A_62 = tpu.memref_slice %arg2[%add3A, %dma_start3A_60, %dma_start3A_61] : memref<32x20x256xi32, #tpu.memory_space<hbm>> -> memref<1x20x256xi32, #tpu.memory_space<hbm>>
      %dma_start3A_63 = tpu.memref_squeeze %dma_start3A_62 : memref<1x20x256xi32, #tpu.memory_space<hbm>> -> memref<20x256xi32, #tpu.memory_space<hbm>>
      %dma_start3A_64 = arith.constant 0 : i32
      %dma_start3A_65 = arith.constant 0 : i32
      %dma_start3A_66 = tpu.memref_slice %arg2[%add3A, %dma_start3A_64, %dma_start3A_65] : memref<32x20x256xi32, #tpu.memory_space<hbm>> -> memref<1x20x256xi32, #tpu.memory_space<hbm>>
      %dma_start3A_67 = tpu.memref_squeeze %dma_start3A_66 : memref<1x20x256xi32, #tpu.memory_space<hbm>> -> memref<20x256xi32, #tpu.memory_space<hbm>>
      tpu.enqueue_dma source(%dma_start3A_67 : memref<20x256xi32, #tpu.memory_space<hbm>>) target(%arg8 : memref<20x256xi32, #tpu.memory_space<vmem>>) target_semaphore(%run_scoped3A : memref<!tpu.dma_semaphore, #tpu.memory_space<semaphore_mem>>)
      %dma_wait3A_68 = arith.constant 0 : i32
      %dma_wait3A_69 = arith.constant 0 : i32
      %dma_wait3A_70 = tpu.memref_slice %arg2[%add3A, %dma_wait3A_68, %dma_wait3A_69] : memref<32x20x256xi32, #tpu.memory_space<hbm>> -> memref<1x20x256xi32, #tpu.memory_space<hbm>>
      %dma_wait3A_71 = tpu.memref_squeeze %dma_wait3A_70 : memref<1x20x256xi32, #tpu.memory_space<hbm>> -> memref<20x256xi32, #tpu.memory_space<hbm>>
      %dma_wait3A_72 = arith.constant 0 : i32
      %dma_wait3A_73 = arith.constant 0 : i32
      %dma_wait3A_74 = tpu.memref_slice %arg2[%add3A, %dma_wait3A_72, %dma_wait3A_73] : memref<32x20x256xi32, #tpu.memory_space<hbm>> -> memref<1x20x256xi32, #tpu.memory_space<hbm>>
      %dma_wait3A_75 = tpu.memref_squeeze %dma_wait3A_74 : memref<1x20x256xi32, #tpu.memory_space<hbm>> -> memref<20x256xi32, #tpu.memory_space<hbm>>
      tpu.wait_dma2 semaphore(%run_scoped3A : memref<!tpu.dma_semaphore, #tpu.memory_space<semaphore_mem>>) src(%dma_wait3A_75 : memref<20x256xi32, #tpu.memory_space<hbm>>) dst(%arg8 : memref<20x256xi32, #tpu.memory_space<vmem>>)
      tpu.yield
    }) : () -> ()
    "tpu.region"() ({
      %run_scoped3A = tpu.sem_alloc : memref<!tpu.dma_semaphore, #tpu.memory_space<semaphore_mem>>
      %dma_start3A_60 = arith.constant 0 : i32
      %dma_start3A_61 = arith.constant 0 : i32
      %dma_start3A_62 = tpu.memref_slice %arg3[%add3A, %dma_start3A_60, %dma_start3A_61] : memref<32x20x256xi32, #tpu.memory_space<hbm>> -> memref<1x20x256xi32, #tpu.memory_space<hbm>>
      %dma_start3A_63 = tpu.memref_squeeze %dma_start3A_62 : memref<1x20x256xi32, #tpu.memory_space<hbm>> -> memref<20x256xi32, #tpu.memory_space<hbm>>
      %dma_start3A_64 = arith.constant 0 : i32
      %dma_start3A_65 = arith.constant 0 : i32
      %dma_start3A_66 = tpu.memref_slice %arg3[%add3A, %dma_start3A_64, %dma_start3A_65] : memref<32x20x256xi32, #tpu.memory_space<hbm>> -> memref<1x20x256xi32, #tpu.memory_space<hbm>>
      %dma_start3A_67 = tpu.memref_squeeze %dma_start3A_66 : memref<1x20x256xi32, #tpu.memory_space<hbm>> -> memref<20x256xi32, #tpu.memory_space<hbm>>
      tpu.enqueue_dma source(%dma_start3A_67 : memref<20x256xi32, #tpu.memory_space<hbm>>) target(%arg9 : memref<20x256xi32, #tpu.memory_space<vmem>>) target_semaphore(%run_scoped3A : memref<!tpu.dma_semaphore, #tpu.memory_space<semaphore_mem>>)
      %dma_wait3A_68 = arith.constant 0 : i32
      %dma_wait3A_69 = arith.constant 0 : i32
      %dma_wait3A_70 = tpu.memref_slice %arg3[%add3A, %dma_wait3A_68, %dma_wait3A_69] : memref<32x20x256xi32, #tpu.memory_space<hbm>> -> memref<1x20x256xi32, #tpu.memory_space<hbm>>
      %dma_wait3A_71 = tpu.memref_squeeze %dma_wait3A_70 : memref<1x20x256xi32, #tpu.memory_space<hbm>> -> memref<20x256xi32, #tpu.memory_space<hbm>>
      %dma_wait3A_72 = arith.constant 0 : i32
      %dma_wait3A_73 = arith.constant 0 : i32
      %dma_wait3A_74 = tpu.memref_slice %arg3[%add3A, %dma_wait3A_72, %dma_wait3A_73] : memref<32x20x256xi32, #tpu.memory_space<hbm>> -> memref<1x20x256xi32, #tpu.memory_space<hbm>>
      %dma_wait3A_75 = tpu.memref_squeeze %dma_wait3A_74 : memref<1x20x256xi32, #tpu.memory_space<hbm>> -> memref<20x256xi32, #tpu.memory_space<hbm>>
      tpu.wait_dma2 semaphore(%run_scoped3A : memref<!tpu.dma_semaphore, #tpu.memory_space<semaphore_mem>>) src(%dma_wait3A_75 : memref<20x256xi32, #tpu.memory_space<hbm>>) dst(%arg9 : memref<20x256xi32, #tpu.memory_space<vmem>>)
      tpu.yield
    }) : () -> ()
    %dma_start3A = arith.constant 0 : i32
    %dma_start3A_3 = arith.constant 0 : i32
    %dma_start3A_4 = arith.constant 0 : i32
    %dma_start3A_5 = arith.constant 0 : i32
    %dma_start3A_6 = tpu.memref_slice %arg10[%dma_start3A_3, %dma_start3A_4, %dma_start3A_5] : memref<2x128x128xi32, #tpu.memory_space<vmem>> -> memref<1x128x128xi32, #tpu.memory_space<vmem>>
    %dma_start3A_7 = tpu.memref_squeeze %dma_start3A_6 : memref<1x128x128xi32, #tpu.memory_space<vmem>> -> memref<128x128xi32, #tpu.memory_space<vmem>>
    %dma_start3A_8 = arith.constant 0 : i32
    %dma_start3A_9 = tpu.memref_slice %arg8[%dma_start3A, %dma_start3A_8] : memref<20x256xi32, #tpu.memory_space<vmem>> -> memref<1x128xi32, #tpu.memory_space<vmem>>
    %dma_start3A_10 = tpu.memref_squeeze %dma_start3A_9 : memref<1x128xi32, #tpu.memory_space<vmem>> -> memref<128xi32, #tpu.memory_space<vmem>>
    %dma_start3A_11 = arith.constant 0 : i32
    %dma_start3A_12 = arith.constant 0 : i32
    %dma_start3A_13 = tpu.memref_slice %arg4[%dma_start3A_11, %dma_start3A_12] : memref<10112x128xi32, #tpu.memory_space<hbm>> -> memref<10112x128xi32, #tpu.memory_space<hbm>>
    tpu.enqueue_indirect_dma source(%dma_start3A_13 : memref<10112x128xi32, #tpu.memory_space<hbm>>) target(%dma_start3A_7 : memref<128x128xi32, #tpu.memory_space<vmem>>) offsets(%dma_start3A_10 : memref<128xi32, #tpu.memory_space<vmem>>) semaphore(%arg12 : memref<!tpu.dma_semaphore, #tpu.memory_space<semaphore_mem>>)
    %dma_start3A_14 = arith.constant 0 : i32
    %dma_start3A_15 = arith.constant 0 : i32
    %dma_start3A_16 = arith.constant 0 : i32
    %dma_start3A_17 = arith.constant 0 : i32
    %dma_start3A_18 = tpu.memref_slice %arg11[%dma_start3A_15, %dma_start3A_16, %dma_start3A_17] : memref<2x128x128xi32, #tpu.memory_space<vmem>> -> memref<1x128x128xi32, #tpu.memory_space<vmem>>
    %dma_start3A_19 = tpu.memref_squeeze %dma_start3A_18 : memref<1x128x128xi32, #tpu.memory_space<vmem>> -> memref<128x128xi32, #tpu.memory_space<vmem>>
    %dma_start3A_20 = arith.constant 0 : i32
    %dma_start3A_21 = tpu.memref_slice %arg9[%dma_start3A_14, %dma_start3A_20] : memref<20x256xi32, #tpu.memory_space<vmem>> -> memref<1x128xi32, #tpu.memory_space<vmem>>
    %dma_start3A_22 = tpu.memref_squeeze %dma_start3A_21 : memref<1x128xi32, #tpu.memory_space<vmem>> -> memref<128xi32, #tpu.memory_space<vmem>>
    %dma_start3A_23 = arith.constant 0 : i32
    %dma_start3A_24 = arith.constant 0 : i32
    %dma_start3A_25 = tpu.memref_slice %arg5[%dma_start3A_23, %dma_start3A_24] : memref<10112x128xi32, #tpu.memory_space<hbm>> -> memref<10112x128xi32, #tpu.memory_space<hbm>>
    tpu.enqueue_indirect_dma source(%dma_start3A_25 : memref<10112x128xi32, #tpu.memory_space<hbm>>) target(%dma_start3A_19 : memref<128x128xi32, #tpu.memory_space<vmem>>) offsets(%dma_start3A_22 : memref<128xi32, #tpu.memory_space<vmem>>) semaphore(%arg12 : memref<!tpu.dma_semaphore, #tpu.memory_space<semaphore_mem>>)
    %scan3A = arith.constant 0 : i32
    %scan3A_26 = arith.constant 0 : i32
    %scan3A_27 = arith.constant 20 : i32
    %scan3A_28 = arith.addi %scan3A_26, %scan3A_27 : i32
    %scan3A_29 = arith.constant 1 : i32
    scf.for %scan3A_60 = %scan3A_26 to %scan3A_28 step %scan3A_29  : i32 {
      %mul3A_61 = arith.constant 2 : i32
      %mul3A_62 = arith.muli %scan3A_60, %mul3A_61 : i32
      %add3A_63 = arith.constant 0 : i32
      %add3A_64 = arith.addi %mul3A_62, %add3A_63 : i32
      %gt3A = arith.constant 0 : i32
      %gt3A_65 = arith.cmpi sgt, %scan3A_60, %gt3A : i32
      %convert_element_type3A = arith.extui %gt3A_65 : i1 to i32
      %cond3A = arith.constant 0 : i32
      %cond3A_66 = arith.cmpi ne, %convert_element_type3A, %cond3A : i32
      scf.if %cond3A_66 {
        %dma_wait3A_235 = arith.constant 1 : i32
        %dma_wait3A_236 = arith.constant 0 : i32
        %dma_wait3A_237 = arith.constant 0 : i32
        %dma_wait3A_238 = tpu.memref_slice %arg10[%dma_wait3A_235, %dma_wait3A_236, %dma_wait3A_237] : memref<2x128x128xi32, #tpu.memory_space<vmem>> -> memref<1x128x128xi32, #tpu.memory_space<vmem>>
        %dma_wait3A_239 = tpu.memref_squeeze %dma_wait3A_238 : memref<1x128x128xi32, #tpu.memory_space<vmem>> -> memref<128x128xi32, #tpu.memory_space<vmem>>
        %dma_wait3A_240 = arith.constant 0 : i32
        %dma_wait3A_241 = arith.constant 0 : i32
        %dma_wait3A_242 = tpu.memref_slice %arg6[%dma_wait3A_240, %dma_wait3A_241] : memref<163840x128xi32, #tpu.memory_space<hbm>> -> memref<128x128xi32, #tpu.memory_space<hbm>>
        %dma_wait3A_243 = arith.constant 0 : i32
        %dma_wait3A_244 = arith.constant 0 : i32
        %dma_wait3A_245 = tpu.memref_slice %arg6[%dma_wait3A_243, %dma_wait3A_244] : memref<163840x128xi32, #tpu.memory_space<hbm>> -> memref<128x128xi32, #tpu.memory_space<hbm>>
        %dma_wait3A_246 = arith.constant 0 : i32
        %dma_wait3A_247 = arith.constant 0 : i32
        %dma_wait3A_248 = tpu.memref_slice %arg10[%dma_wait3A_235, %dma_wait3A_246, %dma_wait3A_247] : memref<2x128x128xi32, #tpu.memory_space<vmem>> -> memref<1x128x128xi32, #tpu.memory_space<vmem>>
        %dma_wait3A_249 = tpu.memref_squeeze %dma_wait3A_248 : memref<1x128x128xi32, #tpu.memory_space<vmem>> -> memref<128x128xi32, #tpu.memory_space<vmem>>
        tpu.wait_dma2 semaphore(%arg15 : memref<!tpu.dma_semaphore, #tpu.memory_space<semaphore_mem>>) src(%dma_wait3A_249 : memref<128x128xi32, #tpu.memory_space<vmem>>) dst(%dma_wait3A_245 : memref<128x128xi32, #tpu.memory_space<hbm>>)
        %dma_wait3A_250 = arith.constant 1 : i32
        %dma_wait3A_251 = arith.constant 0 : i32
        %dma_wait3A_252 = arith.constant 0 : i32
        %dma_wait3A_253 = tpu.memref_slice %arg11[%dma_wait3A_250, %dma_wait3A_251, %dma_wait3A_252] : memref<2x128x128xi32, #tpu.memory_space<vmem>> -> memref<1x128x128xi32, #tpu.memory_space<vmem>>
        %dma_wait3A_254 = tpu.memref_squeeze %dma_wait3A_253 : memref<1x128x128xi32, #tpu.memory_space<vmem>> -> memref<128x128xi32, #tpu.memory_space<vmem>>
        %dma_wait3A_255 = arith.constant 0 : i32
        %dma_wait3A_256 = arith.constant 0 : i32
        %dma_wait3A_257 = tpu.memref_slice %arg7[%dma_wait3A_255, %dma_wait3A_256] : memref<163840x128xi32, #tpu.memory_space<hbm>> -> memref<128x128xi32, #tpu.memory_space<hbm>>
        %dma_wait3A_258 = arith.constant 0 : i32
        %dma_wait3A_259 = arith.constant 0 : i32
        %dma_wait3A_260 = tpu.memref_slice %arg7[%dma_wait3A_258, %dma_wait3A_259] : memref<163840x128xi32, #tpu.memory_space<hbm>> -> memref<128x128xi32, #tpu.memory_space<hbm>>
        %dma_wait3A_261 = arith.constant 0 : i32
        %dma_wait3A_262 = arith.constant 0 : i32
        %dma_wait3A_263 = tpu.memref_slice %arg11[%dma_wait3A_250, %dma_wait3A_261, %dma_wait3A_262] : memref<2x128x128xi32, #tpu.memory_space<vmem>> -> memref<1x128x128xi32, #tpu.memory_space<vmem>>
        %dma_wait3A_264 = tpu.memref_squeeze %dma_wait3A_263 : memref<1x128x128xi32, #tpu.memory_space<vmem>> -> memref<128x128xi32, #tpu.memory_space<vmem>>
        tpu.wait_dma2 semaphore(%arg15 : memref<!tpu.dma_semaphore, #tpu.memory_space<semaphore_mem>>) src(%dma_wait3A_264 : memref<128x128xi32, #tpu.memory_space<vmem>>) dst(%dma_wait3A_260 : memref<128x128xi32, #tpu.memory_space<hbm>>)
      } else {
      }
      %dma_start3A_67 = arith.constant 1 : i32
      %dma_start3A_68 = arith.constant 0 : i32
      %dma_start3A_69 = arith.constant 0 : i32
      %dma_start3A_70 = tpu.memref_slice %arg10[%dma_start3A_67, %dma_start3A_68, %dma_start3A_69] : memref<2x128x128xi32, #tpu.memory_space<vmem>> -> memref<1x128x128xi32, #tpu.memory_space<vmem>>
      %dma_start3A_71 = tpu.memref_squeeze %dma_start3A_70 : memref<1x128x128xi32, #tpu.memory_space<vmem>> -> memref<128x128xi32, #tpu.memory_space<vmem>>
      %dma_start3A_72 = arith.constant 128 : i32
      %dma_start3A_73 = tpu.memref_slice %arg8[%scan3A_60, %dma_start3A_72] : memref<20x256xi32, #tpu.memory_space<vmem>> -> memref<1x128xi32, #tpu.memory_space<vmem>>
      %dma_start3A_74 = tpu.memref_squeeze %dma_start3A_73 : memref<1x128xi32, #tpu.memory_space<vmem>> -> memref<128xi32, #tpu.memory_space<vmem>>
      %dma_start3A_75 = arith.constant 0 : i32
      %dma_start3A_76 = arith.constant 0 : i32
      %dma_start3A_77 = tpu.memref_slice %arg4[%dma_start3A_75, %dma_start3A_76] : memref<10112x128xi32, #tpu.memory_space<hbm>> -> memref<10112x128xi32, #tpu.memory_space<hbm>>
      tpu.enqueue_indirect_dma source(%dma_start3A_77 : memref<10112x128xi32, #tpu.memory_space<hbm>>) target(%dma_start3A_71 : memref<128x128xi32, #tpu.memory_space<vmem>>) offsets(%dma_start3A_74 : memref<128xi32, #tpu.memory_space<vmem>>) semaphore(%arg13 : memref<!tpu.dma_semaphore, #tpu.memory_space<semaphore_mem>>)
      %dma_start3A_78 = arith.constant 1 : i32
      %dma_start3A_79 = arith.constant 0 : i32
      %dma_start3A_80 = arith.constant 0 : i32
      %dma_start3A_81 = tpu.memref_slice %arg11[%dma_start3A_78, %dma_start3A_79, %dma_start3A_80] : memref<2x128x128xi32, #tpu.memory_space<vmem>> -> memref<1x128x128xi32, #tpu.memory_space<vmem>>
      %dma_start3A_82 = tpu.memref_squeeze %dma_start3A_81 : memref<1x128x128xi32, #tpu.memory_space<vmem>> -> memref<128x128xi32, #tpu.memory_space<vmem>>
      %dma_start3A_83 = arith.constant 128 : i32
      %dma_start3A_84 = tpu.memref_slice %arg9[%scan3A_60, %dma_start3A_83] : memref<20x256xi32, #tpu.memory_space<vmem>> -> memref<1x128xi32, #tpu.memory_space<vmem>>
      %dma_start3A_85 = tpu.memref_squeeze %dma_start3A_84 : memref<1x128xi32, #tpu.memory_space<vmem>> -> memref<128xi32, #tpu.memory_space<vmem>>
      %dma_start3A_86 = arith.constant 0 : i32
      %dma_start3A_87 = arith.constant 0 : i32
      %dma_start3A_88 = tpu.memref_slice %arg5[%dma_start3A_86, %dma_start3A_87] : memref<10112x128xi32, #tpu.memory_space<hbm>> -> memref<10112x128xi32, #tpu.memory_space<hbm>>
      tpu.enqueue_indirect_dma source(%dma_start3A_88 : memref<10112x128xi32, #tpu.memory_space<hbm>>) target(%dma_start3A_82 : memref<128x128xi32, #tpu.memory_space<vmem>>) offsets(%dma_start3A_85 : memref<128xi32, #tpu.memory_space<vmem>>) semaphore(%arg13 : memref<!tpu.dma_semaphore, #tpu.memory_space<semaphore_mem>>)
      %dma_wait3A_89 = arith.constant 0 : i32
      %dma_wait3A_90 = arith.constant 0 : i32
      %dma_wait3A_91 = arith.constant 0 : i32
      %dma_wait3A_92 = arith.constant 0 : i32
      %dma_wait3A_93 = tpu.memref_slice %arg10[%dma_wait3A_90, %dma_wait3A_91, %dma_wait3A_92] : memref<2x128x128xi32, #tpu.memory_space<vmem>> -> memref<1x128x128xi32, #tpu.memory_space<vmem>>
      %dma_wait3A_94 = tpu.memref_squeeze %dma_wait3A_93 : memref<1x128x128xi32, #tpu.memory_space<vmem>> -> memref<128x128xi32, #tpu.memory_space<vmem>>
      %dma_wait3A_95 = arith.constant 0 : i32
      %dma_wait3A_96 = tpu.memref_slice %arg8[%dma_wait3A_89, %dma_wait3A_95] : memref<20x256xi32, #tpu.memory_space<vmem>> -> memref<1x128xi32, #tpu.memory_space<vmem>>
      %dma_wait3A_97 = tpu.memref_squeeze %dma_wait3A_96 : memref<1x128xi32, #tpu.memory_space<vmem>> -> memref<128xi32, #tpu.memory_space<vmem>>
      %dma_wait3A_98 = arith.constant 0 : i32
      %dma_wait3A_99 = arith.constant 0 : i32
      %dma_wait3A_100 = tpu.memref_slice %arg4[%dma_wait3A_98, %dma_wait3A_99] : memref<10112x128xi32, #tpu.memory_space<hbm>> -> memref<10112x128xi32, #tpu.memory_space<hbm>>
      tpu.wait_indirect_dma semaphore(%arg12 : memref<!tpu.dma_semaphore, #tpu.memory_space<semaphore_mem>>) src(%dma_wait3A_100 : memref<10112x128xi32, #tpu.memory_space<hbm>>) dst(%dma_wait3A_94 : memref<128x128xi32, #tpu.memory_space<vmem>>)
      %dma_wait3A_101 = arith.constant 0 : i32
      %dma_wait3A_102 = arith.constant 0 : i32
      %dma_wait3A_103 = arith.constant 0 : i32
      %dma_wait3A_104 = arith.constant 0 : i32
      %dma_wait3A_105 = tpu.memref_slice %arg11[%dma_wait3A_102, %dma_wait3A_103, %dma_wait3A_104] : memref<2x128x128xi32, #tpu.memory_space<vmem>> -> memref<1x128x128xi32, #tpu.memory_space<vmem>>
      %dma_wait3A_106 = tpu.memref_squeeze %dma_wait3A_105 : memref<1x128x128xi32, #tpu.memory_space<vmem>> -> memref<128x128xi32, #tpu.memory_space<vmem>>
      %dma_wait3A_107 = arith.constant 0 : i32
      %dma_wait3A_108 = tpu.memref_slice %arg9[%dma_wait3A_101, %dma_wait3A_107] : memref<20x256xi32, #tpu.memory_space<vmem>> -> memref<1x128xi32, #tpu.memory_space<vmem>>
      %dma_wait3A_109 = tpu.memref_squeeze %dma_wait3A_108 : memref<1x128xi32, #tpu.memory_space<vmem>> -> memref<128xi32, #tpu.memory_space<vmem>>
      %dma_wait3A_110 = arith.constant 0 : i32
      %dma_wait3A_111 = arith.constant 0 : i32
      %dma_wait3A_112 = tpu.memref_slice %arg5[%dma_wait3A_110, %dma_wait3A_111] : memref<10112x128xi32, #tpu.memory_space<hbm>> -> memref<10112x128xi32, #tpu.memory_space<hbm>>
      tpu.wait_indirect_dma semaphore(%arg12 : memref<!tpu.dma_semaphore, #tpu.memory_space<semaphore_mem>>) src(%dma_wait3A_112 : memref<10112x128xi32, #tpu.memory_space<hbm>>) dst(%dma_wait3A_106 : memref<128x128xi32, #tpu.memory_space<vmem>>)
      %mul3A_113 = arith.constant 128 : i32
      %mul3A_114 = arith.muli %add3A_64, %mul3A_113 : i32
      %add3A_115 = arith.addi %mul3A_2, %mul3A_114 : i32
      %dma_start3A_116 = arith.constant 0 : i32
      %dma_start3A_117 = arith.constant 0 : i32
      %dma_start3A_118 = arith.constant 0 : i32
      %dma_start3A_119 = tpu.memref_slice %arg10[%dma_start3A_116, %dma_start3A_117, %dma_start3A_118] : memref<2x128x128xi32, #tpu.memory_space<vmem>> -> memref<1x128x128xi32, #tpu.memory_space<vmem>>
      %dma_start3A_120 = tpu.memref_squeeze %dma_start3A_119 : memref<1x128x128xi32, #tpu.memory_space<vmem>> -> memref<128x128xi32, #tpu.memory_space<vmem>>
      %dma_start3A_121 = arith.constant 0 : i32
      %dma_start3A_122 = tpu.memref_slice %arg6[%add3A_115, %dma_start3A_121] : memref<163840x128xi32, #tpu.memory_space<hbm>> -> memref<128x128xi32, #tpu.memory_space<hbm>>
      %dma_start3A_123 = arith.constant 0 : i32
      %dma_start3A_124 = tpu.memref_slice %arg6[%add3A_115, %dma_start3A_123] : memref<163840x128xi32, #tpu.memory_space<hbm>> -> memref<128x128xi32, #tpu.memory_space<hbm>>
      %dma_start3A_125 = arith.constant 0 : i32
      %dma_start3A_126 = arith.constant 0 : i32
      %dma_start3A_127 = tpu.memref_slice %arg10[%dma_start3A_116, %dma_start3A_125, %dma_start3A_126] : memref<2x128x128xi32, #tpu.memory_space<vmem>> -> memref<1x128x128xi32, #tpu.memory_space<vmem>>
      %dma_start3A_128 = tpu.memref_squeeze %dma_start3A_127 : memref<1x128x128xi32, #tpu.memory_space<vmem>> -> memref<128x128xi32, #tpu.memory_space<vmem>>
      tpu.enqueue_dma source(%dma_start3A_128 : memref<128x128xi32, #tpu.memory_space<vmem>>) target(%dma_start3A_124 : memref<128x128xi32, #tpu.memory_space<hbm>>) target_semaphore(%arg14 : memref<!tpu.dma_semaphore, #tpu.memory_space<semaphore_mem>>)
      %dma_start3A_129 = arith.constant 0 : i32
      %dma_start3A_130 = arith.constant 0 : i32
      %dma_start3A_131 = arith.constant 0 : i32
      %dma_start3A_132 = tpu.memref_slice %arg11[%dma_start3A_129, %dma_start3A_130, %dma_start3A_131] : memref<2x128x128xi32, #tpu.memory_space<vmem>> -> memref<1x128x128xi32, #tpu.memory_space<vmem>>
      %dma_start3A_133 = tpu.memref_squeeze %dma_start3A_132 : memref<1x128x128xi32, #tpu.memory_space<vmem>> -> memref<128x128xi32, #tpu.memory_space<vmem>>
      %dma_start3A_134 = arith.constant 0 : i32
      %dma_start3A_135 = tpu.memref_slice %arg7[%add3A_115, %dma_start3A_134] : memref<163840x128xi32, #tpu.memory_space<hbm>> -> memref<128x128xi32, #tpu.memory_space<hbm>>
      %dma_start3A_136 = arith.constant 0 : i32
      %dma_start3A_137 = tpu.memref_slice %arg7[%add3A_115, %dma_start3A_136] : memref<163840x128xi32, #tpu.memory_space<hbm>> -> memref<128x128xi32, #tpu.memory_space<hbm>>
      %dma_start3A_138 = arith.constant 0 : i32
      %dma_start3A_139 = arith.constant 0 : i32
      %dma_start3A_140 = tpu.memref_slice %arg11[%dma_start3A_129, %dma_start3A_138, %dma_start3A_139] : memref<2x128x128xi32, #tpu.memory_space<vmem>> -> memref<1x128x128xi32, #tpu.memory_space<vmem>>
      %dma_start3A_141 = tpu.memref_squeeze %dma_start3A_140 : memref<1x128x128xi32, #tpu.memory_space<vmem>> -> memref<128x128xi32, #tpu.memory_space<vmem>>
      tpu.enqueue_dma source(%dma_start3A_141 : memref<128x128xi32, #tpu.memory_space<vmem>>) target(%dma_start3A_137 : memref<128x128xi32, #tpu.memory_space<hbm>>) target_semaphore(%arg14 : memref<!tpu.dma_semaphore, #tpu.memory_space<semaphore_mem>>)
      %mul3A_142 = arith.constant 2 : i32
      %mul3A_143 = arith.muli %scan3A_60, %mul3A_142 : i32
      %add3A_144 = arith.constant 1 : i32
      %add3A_145 = arith.addi %mul3A_143, %add3A_144 : i32
      %dma_wait3A_146 = arith.constant 0 : i32
      %dma_wait3A_147 = arith.constant 0 : i32
      %dma_wait3A_148 = arith.constant 0 : i32
      %dma_wait3A_149 = tpu.memref_slice %arg10[%dma_wait3A_146, %dma_wait3A_147, %dma_wait3A_148] : memref<2x128x128xi32, #tpu.memory_space<vmem>> -> memref<1x128x128xi32, #tpu.memory_space<vmem>>
      %dma_wait3A_150 = tpu.memref_squeeze %dma_wait3A_149 : memref<1x128x128xi32, #tpu.memory_space<vmem>> -> memref<128x128xi32, #tpu.memory_space<vmem>>
      %dma_wait3A_151 = arith.constant 0 : i32
      %dma_wait3A_152 = arith.constant 0 : i32
      %dma_wait3A_153 = tpu.memref_slice %arg6[%dma_wait3A_151, %dma_wait3A_152] : memref<163840x128xi32, #tpu.memory_space<hbm>> -> memref<128x128xi32, #tpu.memory_space<hbm>>
      %dma_wait3A_154 = arith.constant 0 : i32
      %dma_wait3A_155 = arith.constant 0 : i32
      %dma_wait3A_156 = tpu.memref_slice %arg6[%dma_wait3A_154, %dma_wait3A_155] : memref<163840x128xi32, #tpu.memory_space<hbm>> -> memref<128x128xi32, #tpu.memory_space<hbm>>
      %dma_wait3A_157 = arith.constant 0 : i32
      %dma_wait3A_158 = arith.constant 0 : i32
      %dma_wait3A_159 = tpu.memref_slice %arg10[%dma_wait3A_146, %dma_wait3A_157, %dma_wait3A_158] : memref<2x128x128xi32, #tpu.memory_space<vmem>> -> memref<1x128x128xi32, #tpu.memory_space<vmem>>
      %dma_wait3A_160 = tpu.memref_squeeze %dma_wait3A_159 : memref<1x128x128xi32, #tpu.memory_space<vmem>> -> memref<128x128xi32, #tpu.memory_space<vmem>>
      tpu.wait_dma2 semaphore(%arg14 : memref<!tpu.dma_semaphore, #tpu.memory_space<semaphore_mem>>) src(%dma_wait3A_160 : memref<128x128xi32, #tpu.memory_space<vmem>>) dst(%dma_wait3A_156 : memref<128x128xi32, #tpu.memory_space<hbm>>)
      %dma_wait3A_161 = arith.constant 0 : i32
      %dma_wait3A_162 = arith.constant 0 : i32
      %dma_wait3A_163 = arith.constant 0 : i32
      %dma_wait3A_164 = tpu.memref_slice %arg11[%dma_wait3A_161, %dma_wait3A_162, %dma_wait3A_163] : memref<2x128x128xi32, #tpu.memory_space<vmem>> -> memref<1x128x128xi32, #tpu.memory_space<vmem>>
      %dma_wait3A_165 = tpu.memref_squeeze %dma_wait3A_164 : memref<1x128x128xi32, #tpu.memory_space<vmem>> -> memref<128x128xi32, #tpu.memory_space<vmem>>
      %dma_wait3A_166 = arith.constant 0 : i32
      %dma_wait3A_167 = arith.constant 0 : i32
      %dma_wait3A_168 = tpu.memref_slice %arg7[%dma_wait3A_166, %dma_wait3A_167] : memref<163840x128xi32, #tpu.memory_space<hbm>> -> memref<128x128xi32, #tpu.memory_space<hbm>>
      %dma_wait3A_169 = arith.constant 0 : i32
      %dma_wait3A_170 = arith.constant 0 : i32
      %dma_wait3A_171 = tpu.memref_slice %arg7[%dma_wait3A_169, %dma_wait3A_170] : memref<163840x128xi32, #tpu.memory_space<hbm>> -> memref<128x128xi32, #tpu.memory_space<hbm>>
      %dma_wait3A_172 = arith.constant 0 : i32
      %dma_wait3A_173 = arith.constant 0 : i32
      %dma_wait3A_174 = tpu.memref_slice %arg11[%dma_wait3A_161, %dma_wait3A_172, %dma_wait3A_173] : memref<2x128x128xi32, #tpu.memory_space<vmem>> -> memref<1x128x128xi32, #tpu.memory_space<vmem>>
      %dma_wait3A_175 = tpu.memref_squeeze %dma_wait3A_174 : memref<1x128x128xi32, #tpu.memory_space<vmem>> -> memref<128x128xi32, #tpu.memory_space<vmem>>
      tpu.wait_dma2 semaphore(%arg14 : memref<!tpu.dma_semaphore, #tpu.memory_space<semaphore_mem>>) src(%dma_wait3A_175 : memref<128x128xi32, #tpu.memory_space<vmem>>) dst(%dma_wait3A_171 : memref<128x128xi32, #tpu.memory_space<hbm>>)
      %add3A_176 = arith.constant 1 : i32
      %add3A_177 = arith.addi %add3A_145, %add3A_176 : i32
      %lt3A = arith.constant 40 : i32
      %lt3A_178 = arith.cmpi slt, %add3A_177, %lt3A : i32
      %convert_element_type3A_179 = arith.extui %lt3A_178 : i1 to i32
      %cond3A_180 = arith.constant 0 : i32
      %cond3A_181 = arith.cmpi ne, %convert_element_type3A_179, %cond3A_180 : i32
      scf.if %cond3A_181 {
        %add3A_235 = arith.constant 1 : i32
        %add3A_236 = arith.addi %scan3A_60, %add3A_235 : i32
        %dma_start3A_237 = arith.constant 0 : i32
        %dma_start3A_238 = arith.constant 0 : i32
        %dma_start3A_239 = arith.constant 0 : i32
        %dma_start3A_240 = tpu.memref_slice %arg10[%dma_start3A_237, %dma_start3A_238, %dma_start3A_239] : memref<2x128x128xi32, #tpu.memory_space<vmem>> -> memref<1x128x128xi32, #tpu.memory_space<vmem>>
        %dma_start3A_241 = tpu.memref_squeeze %dma_start3A_240 : memref<1x128x128xi32, #tpu.memory_space<vmem>> -> memref<128x128xi32, #tpu.memory_space<vmem>>
        %dma_start3A_242 = arith.constant 0 : i32
        %dma_start3A_243 = tpu.memref_slice %arg8[%add3A_236, %dma_start3A_242] : memref<20x256xi32, #tpu.memory_space<vmem>> -> memref<1x128xi32, #tpu.memory_space<vmem>>
        %dma_start3A_244 = tpu.memref_squeeze %dma_start3A_243 : memref<1x128xi32, #tpu.memory_space<vmem>> -> memref<128xi32, #tpu.memory_space<vmem>>
        %dma_start3A_245 = arith.constant 0 : i32
        %dma_start3A_246 = arith.constant 0 : i32
        %dma_start3A_247 = tpu.memref_slice %arg4[%dma_start3A_245, %dma_start3A_246] : memref<10112x128xi32, #tpu.memory_space<hbm>> -> memref<10112x128xi32, #tpu.memory_space<hbm>>
        tpu.enqueue_indirect_dma source(%dma_start3A_247 : memref<10112x128xi32, #tpu.memory_space<hbm>>) target(%dma_start3A_241 : memref<128x128xi32, #tpu.memory_space<vmem>>) offsets(%dma_start3A_244 : memref<128xi32, #tpu.memory_space<vmem>>) semaphore(%arg12 : memref<!tpu.dma_semaphore, #tpu.memory_space<semaphore_mem>>)
        %dma_start3A_248 = arith.constant 0 : i32
        %dma_start3A_249 = arith.constant 0 : i32
        %dma_start3A_250 = arith.constant 0 : i32
        %dma_start3A_251 = tpu.memref_slice %arg11[%dma_start3A_248, %dma_start3A_249, %dma_start3A_250] : memref<2x128x128xi32, #tpu.memory_space<vmem>> -> memref<1x128x128xi32, #tpu.memory_space<vmem>>
        %dma_start3A_252 = tpu.memref_squeeze %dma_start3A_251 : memref<1x128x128xi32, #tpu.memory_space<vmem>> -> memref<128x128xi32, #tpu.memory_space<vmem>>
        %dma_start3A_253 = arith.constant 0 : i32
        %dma_start3A_254 = tpu.memref_slice %arg9[%add3A_236, %dma_start3A_253] : memref<20x256xi32, #tpu.memory_space<vmem>> -> memref<1x128xi32, #tpu.memory_space<vmem>>
        %dma_start3A_255 = tpu.memref_squeeze %dma_start3A_254 : memref<1x128xi32, #tpu.memory_space<vmem>> -> memref<128xi32, #tpu.memory_space<vmem>>
        %dma_start3A_256 = arith.constant 0 : i32
        %dma_start3A_257 = arith.constant 0 : i32
        %dma_start3A_258 = tpu.memref_slice %arg5[%dma_start3A_256, %dma_start3A_257] : memref<10112x128xi32, #tpu.memory_space<hbm>> -> memref<10112x128xi32, #tpu.memory_space<hbm>>
        tpu.enqueue_indirect_dma source(%dma_start3A_258 : memref<10112x128xi32, #tpu.memory_space<hbm>>) target(%dma_start3A_252 : memref<128x128xi32, #tpu.memory_space<vmem>>) offsets(%dma_start3A_255 : memref<128xi32, #tpu.memory_space<vmem>>) semaphore(%arg12 : memref<!tpu.dma_semaphore, #tpu.memory_space<semaphore_mem>>)
      } else {
      }
      %dma_wait3A_182 = arith.constant 0 : i32
      %dma_wait3A_183 = arith.constant 1 : i32
      %dma_wait3A_184 = arith.constant 0 : i32
      %dma_wait3A_185 = arith.constant 0 : i32
      %dma_wait3A_186 = tpu.memref_slice %arg10[%dma_wait3A_183, %dma_wait3A_184, %dma_wait3A_185] : memref<2x128x128xi32, #tpu.memory_space<vmem>> -> memref<1x128x128xi32, #tpu.memory_space<vmem>>
      %dma_wait3A_187 = tpu.memref_squeeze %dma_wait3A_186 : memref<1x128x128xi32, #tpu.memory_space<vmem>> -> memref<128x128xi32, #tpu.memory_space<vmem>>
      %dma_wait3A_188 = arith.constant 0 : i32
      %dma_wait3A_189 = tpu.memref_slice %arg8[%dma_wait3A_182, %dma_wait3A_188] : memref<20x256xi32, #tpu.memory_space<vmem>> -> memref<1x128xi32, #tpu.memory_space<vmem>>
      %dma_wait3A_190 = tpu.memref_squeeze %dma_wait3A_189 : memref<1x128xi32, #tpu.memory_space<vmem>> -> memref<128xi32, #tpu.memory_space<vmem>>
      %dma_wait3A_191 = arith.constant 0 : i32
      %dma_wait3A_192 = arith.constant 0 : i32
      %dma_wait3A_193 = tpu.memref_slice %arg4[%dma_wait3A_191, %dma_wait3A_192] : memref<10112x128xi32, #tpu.memory_space<hbm>> -> memref<10112x128xi32, #tpu.memory_space<hbm>>
      tpu.wait_indirect_dma semaphore(%arg13 : memref<!tpu.dma_semaphore, #tpu.memory_space<semaphore_mem>>) src(%dma_wait3A_193 : memref<10112x128xi32, #tpu.memory_space<hbm>>) dst(%dma_wait3A_187 : memref<128x128xi32, #tpu.memory_space<vmem>>)
      %dma_wait3A_194 = arith.constant 0 : i32
      %dma_wait3A_195 = arith.constant 1 : i32
      %dma_wait3A_196 = arith.constant 0 : i32
      %dma_wait3A_197 = arith.constant 0 : i32
      %dma_wait3A_198 = tpu.memref_slice %arg11[%dma_wait3A_195, %dma_wait3A_196, %dma_wait3A_197] : memref<2x128x128xi32, #tpu.memory_space<vmem>> -> memref<1x128x128xi32, #tpu.memory_space<vmem>>
      %dma_wait3A_199 = tpu.memref_squeeze %dma_wait3A_198 : memref<1x128x128xi32, #tpu.memory_space<vmem>> -> memref<128x128xi32, #tpu.memory_space<vmem>>
      %dma_wait3A_200 = arith.constant 0 : i32
      %dma_wait3A_201 = tpu.memref_slice %arg9[%dma_wait3A_194, %dma_wait3A_200] : memref<20x256xi32, #tpu.memory_space<vmem>> -> memref<1x128xi32, #tpu.memory_space<vmem>>
      %dma_wait3A_202 = tpu.memref_squeeze %dma_wait3A_201 : memref<1x128xi32, #tpu.memory_space<vmem>> -> memref<128xi32, #tpu.memory_space<vmem>>
      %dma_wait3A_203 = arith.constant 0 : i32
      %dma_wait3A_204 = arith.constant 0 : i32
      %dma_wait3A_205 = tpu.memref_slice %arg5[%dma_wait3A_203, %dma_wait3A_204] : memref<10112x128xi32, #tpu.memory_space<hbm>> -> memref<10112x128xi32, #tpu.memory_space<hbm>>
      tpu.wait_indirect_dma semaphore(%arg13 : memref<!tpu.dma_semaphore, #tpu.memory_space<semaphore_mem>>) src(%dma_wait3A_205 : memref<10112x128xi32, #tpu.memory_space<hbm>>) dst(%dma_wait3A_199 : memref<128x128xi32, #tpu.memory_space<vmem>>)
      %mul3A_206 = arith.constant 128 : i32
      %mul3A_207 = arith.muli %add3A_145, %mul3A_206 : i32
      %add3A_208 = arith.addi %mul3A_2, %mul3A_207 : i32
      %dma_start3A_209 = arith.constant 1 : i32
      %dma_start3A_210 = arith.constant 0 : i32
      %dma_start3A_211 = arith.constant 0 : i32
      %dma_start3A_212 = tpu.memref_slice %arg10[%dma_start3A_209, %dma_start3A_210, %dma_start3A_211] : memref<2x128x128xi32, #tpu.memory_space<vmem>> -> memref<1x128x128xi32, #tpu.memory_space<vmem>>
      %dma_start3A_213 = tpu.memref_squeeze %dma_start3A_212 : memref<1x128x128xi32, #tpu.memory_space<vmem>> -> memref<128x128xi32, #tpu.memory_space<vmem>>
      %dma_start3A_214 = arith.constant 0 : i32
      %dma_start3A_215 = tpu.memref_slice %arg6[%add3A_208, %dma_start3A_214] : memref<163840x128xi32, #tpu.memory_space<hbm>> -> memref<128x128xi32, #tpu.memory_space<hbm>>
      %dma_start3A_216 = arith.constant 0 : i32
      %dma_start3A_217 = tpu.memref_slice %arg6[%add3A_208, %dma_start3A_216] : memref<163840x128xi32, #tpu.memory_space<hbm>> -> memref<128x128xi32, #tpu.memory_space<hbm>>
      %dma_start3A_218 = arith.constant 0 : i32
      %dma_start3A_219 = arith.constant 0 : i32
      %dma_start3A_220 = tpu.memref_slice %arg10[%dma_start3A_209, %dma_start3A_218, %dma_start3A_219] : memref<2x128x128xi32, #tpu.memory_space<vmem>> -> memref<1x128x128xi32, #tpu.memory_space<vmem>>
      %dma_start3A_221 = tpu.memref_squeeze %dma_start3A_220 : memref<1x128x128xi32, #tpu.memory_space<vmem>> -> memref<128x128xi32, #tpu.memory_space<vmem>>
      tpu.enqueue_dma source(%dma_start3A_221 : memref<128x128xi32, #tpu.memory_space<vmem>>) target(%dma_start3A_217 : memref<128x128xi32, #tpu.memory_space<hbm>>) target_semaphore(%arg15 : memref<!tpu.dma_semaphore, #tpu.memory_space<semaphore_mem>>)
      %dma_start3A_222 = arith.constant 1 : i32
      %dma_start3A_223 = arith.constant 0 : i32
      %dma_start3A_224 = arith.constant 0 : i32
      %dma_start3A_225 = tpu.memref_slice %arg11[%dma_start3A_222, %dma_start3A_223, %dma_start3A_224] : memref<2x128x128xi32, #tpu.memory_space<vmem>> -> memref<1x128x128xi32, #tpu.memory_space<vmem>>
      %dma_start3A_226 = tpu.memref_squeeze %dma_start3A_225 : memref<1x128x128xi32, #tpu.memory_space<vmem>> -> memref<128x128xi32, #tpu.memory_space<vmem>>
      %dma_start3A_227 = arith.constant 0 : i32
      %dma_start3A_228 = tpu.memref_slice %arg7[%add3A_208, %dma_start3A_227] : memref<163840x128xi32, #tpu.memory_space<hbm>> -> memref<128x128xi32, #tpu.memory_space<hbm>>
      %dma_start3A_229 = arith.constant 0 : i32
      %dma_start3A_230 = tpu.memref_slice %arg7[%add3A_208, %dma_start3A_229] : memref<163840x128xi32, #tpu.memory_space<hbm>> -> memref<128x128xi32, #tpu.memory_space<hbm>>
      %dma_start3A_231 = arith.constant 0 : i32
      %dma_start3A_232 = arith.constant 0 : i32
      %dma_start3A_233 = tpu.memref_slice %arg11[%dma_start3A_222, %dma_start3A_231, %dma_start3A_232] : memref<2x128x128xi32, #tpu.memory_space<vmem>> -> memref<1x128x128xi32, #tpu.memory_space<vmem>>
      %dma_start3A_234 = tpu.memref_squeeze %dma_start3A_233 : memref<1x128x128xi32, #tpu.memory_space<vmem>> -> memref<128x128xi32, #tpu.memory_space<vmem>>
      tpu.enqueue_dma source(%dma_start3A_234 : memref<128x128xi32, #tpu.memory_space<vmem>>) target(%dma_start3A_230 : memref<128x128xi32, #tpu.memory_space<hbm>>) target_semaphore(%arg15 : memref<!tpu.dma_semaphore, #tpu.memory_space<semaphore_mem>>)
    }
    %scan3A_30 = arith.constant 20 : i32
    %dma_wait3A = arith.constant 1 : i32
    %dma_wait3A_31 = arith.constant 0 : i32
    %dma_wait3A_32 = arith.constant 0 : i32
    %dma_wait3A_33 = tpu.memref_slice %arg10[%dma_wait3A, %dma_wait3A_31, %dma_wait3A_32] : memref<2x128x128xi32, #tpu.memory_space<vmem>> -> memref<1x128x128xi32, #tpu.memory_space<vmem>>
    %dma_wait3A_34 = tpu.memref_squeeze %dma_wait3A_33 : memref<1x128x128xi32, #tpu.memory_space<vmem>> -> memref<128x128xi32, #tpu.memory_space<vmem>>
    %dma_wait3A_35 = arith.constant 0 : i32
    %dma_wait3A_36 = arith.constant 0 : i32
    %dma_wait3A_37 = tpu.memref_slice %arg6[%dma_wait3A_35, %dma_wait3A_36] : memref<163840x128xi32, #tpu.memory_space<hbm>> -> memref<128x128xi32, #tpu.memory_space<hbm>>
    %dma_wait3A_38 = arith.constant 0 : i32
    %dma_wait3A_39 = arith.constant 0 : i32
    %dma_wait3A_40 = tpu.memref_slice %arg6[%dma_wait3A_38, %dma_wait3A_39] : memref<163840x128xi32, #tpu.memory_space<hbm>> -> memref<128x128xi32, #tpu.memory_space<hbm>>
    %dma_wait3A_41 = arith.constant 0 : i32
    %dma_wait3A_42 = arith.constant 0 : i32
    %dma_wait3A_43 = tpu.memref_slice %arg10[%dma_wait3A, %dma_wait3A_41, %dma_wait3A_42] : memref<2x128x128xi32, #tpu.memory_space<vmem>> -> memref<1x128x128xi32, #tpu.memory_space<vmem>>
    %dma_wait3A_44 = tpu.memref_squeeze %dma_wait3A_43 : memref<1x128x128xi32, #tpu.memory_space<vmem>> -> memref<128x128xi32, #tpu.memory_space<vmem>>
    tpu.wait_dma2 semaphore(%arg15 : memref<!tpu.dma_semaphore, #tpu.memory_space<semaphore_mem>>) src(%dma_wait3A_44 : memref<128x128xi32, #tpu.memory_space<vmem>>) dst(%dma_wait3A_40 : memref<128x128xi32, #tpu.memory_space<hbm>>)
    %dma_wait3A_45 = arith.constant 1 : i32
    %dma_wait3A_46 = arith.constant 0 : i32
    %dma_wait3A_47 = arith.constant 0 : i32
    %dma_wait3A_48 = tpu.memref_slice %arg11[%dma_wait3A_45, %dma_wait3A_46, %dma_wait3A_47] : memref<2x128x128xi32, #tpu.memory_space<vmem>> -> memref<1x128x128xi32, #tpu.memory_space<vmem>>
    %dma_wait3A_49 = tpu.memref_squeeze %dma_wait3A_48 : memref<1x128x128xi32, #tpu.memory_space<vmem>> -> memref<128x128xi32, #tpu.memory_space<vmem>>
    %dma_wait3A_50 = arith.constant 0 : i32
    %dma_wait3A_51 = arith.constant 0 : i32
    %dma_wait3A_52 = tpu.memref_slice %arg7[%dma_wait3A_50, %dma_wait3A_51] : memref<163840x128xi32, #tpu.memory_space<hbm>> -> memref<128x128xi32, #tpu.memory_space<hbm>>
    %dma_wait3A_53 = arith.constant 0 : i32
    %dma_wait3A_54 = arith.constant 0 : i32
    %dma_wait3A_55 = tpu.memref_slice %arg7[%dma_wait3A_53, %dma_wait3A_54] : memref<163840x128xi32, #tpu.memory_space<hbm>> -> memref<128x128xi32, #tpu.memory_space<hbm>>
    %dma_wait3A_56 = arith.constant 0 : i32
    %dma_wait3A_57 = arith.constant 0 : i32
    %dma_wait3A_58 = tpu.memref_slice %arg11[%dma_wait3A_45, %dma_wait3A_56, %dma_wait3A_57] : memref<2x128x128xi32, #tpu.memory_space<vmem>> -> memref<1x128x128xi32, #tpu.memory_space<vmem>>
    %dma_wait3A_59 = tpu.memref_squeeze %dma_wait3A_58 : memref<1x128x128xi32, #tpu.memory_space<vmem>> -> memref<128x128xi32, #tpu.memory_space<vmem>>
    tpu.wait_dma2 semaphore(%arg15 : memref<!tpu.dma_semaphore, #tpu.memory_space<semaphore_mem>>) src(%dma_wait3A_59 : memref<128x128xi32, #tpu.memory_space<vmem>>) dst(%dma_wait3A_55 : memref<128x128xi32, #tpu.memory_space<hbm>>)
    return
  }
}

#map = affine_map<(d0, d1) -> (0, 0, 0)>
#map1 = affine_map<(d0, d1) -> (0, 0)>
#map2 = affine_map<(d0, d1) -> (0)>
module attributes {stable_mosaic.version = 14 : i64} {
  func.func @_rewritten_body(%arg0: i32, %arg1: i32, %arg2: memref<32x40x128xi32, #tpu.memory_space<hbm>>, %arg3: memref<32x40x128xi32, #tpu.memory_space<hbm>>, %arg4: memref<163840x128xf32, #tpu.memory_space<hbm>>, %arg5: memref<10000xf32, #tpu.memory_space<hbm>>, %arg6: memref<10000xf32, #tpu.memory_space<hbm>>, %arg7: memref<632x128xf32, #tpu.memory_space<hbm>>, %arg8: memref<1xf32, #tpu.memory_space<hbm>>, %arg9: memref<2x10112x128xf32, #tpu.memory_space<hbm>>, %arg10: memref<128xi32, #tpu.memory_space<vmem>>, %arg11: memref<128xi32, #tpu.memory_space<vmem>>, %arg12: memref<2x128xi32, #tpu.memory_space<vmem>>, %arg13: memref<2x128x128xf32, #tpu.memory_space<vmem>>, %arg14: memref<128xf32, #tpu.memory_space<vmem>>, %arg15: memref<128xf32, #tpu.memory_space<vmem>>, %arg16: memref<128xf32, #tpu.memory_space<vmem>>, %arg17: memref<128xf32, #tpu.memory_space<vmem>>, %arg18: memref<10112x128xf32, #tpu.memory_space<vmem_shared>>, %arg19: memref<!tpu.dma_semaphore, #tpu.memory_space<semaphore_mem>>, %arg20: memref<!tpu.dma_semaphore, #tpu.memory_space<semaphore_mem>>, %arg21: memref<!tpu.dma_semaphore, #tpu.memory_space<semaphore_mem>>, %arg22: memref<!tpu.dma_semaphore, #tpu.memory_space<semaphore_mem>>, %arg23: memref<!tpu.dma_semaphore, #tpu.memory_space<semaphore_mem>>) attributes {dimension_semantics = [#tpu.dimension_semantics<core_parallel>, #tpu.dimension_semantics<subcore_parallel>], iteration_bounds = array<i64: 2, 16>, scalar_prefetch = 0 : i64, scratch_operands = 14 : i64, tpu.core_type = #tpu.core_type<sc_vector_subcore>, window_params = [{transform_indices = #map}, {transform_indices = #map}, {transform_indices = #map1}, {transform_indices = #map2}, {transform_indices = #map2}, {transform_indices = #map1}, {transform_indices = #map2}, {transform_indices = #map}]} {
    %empty_ref3A = memref.alloca() : memref<16xf32, #tpu.memory_space<vmem>>
    "tpu.region"() ({
      %run_scoped3A = tpu.sem_alloc : memref<!tpu.dma_semaphore, #tpu.memory_space<semaphore_mem>>
      %dma_start3A_40 = arith.constant 0 : i32
      %dma_start3A_41 = tpu.memref_slice %empty_ref3A[%dma_start3A_40] : memref<16xf32, #tpu.memory_space<vmem>> -> memref<1xf32, #tpu.memory_space<vmem>>
      %dma_start3A_42 = arith.constant 0 : i32
      %dma_start3A_43 = tpu.memref_slice %empty_ref3A[%dma_start3A_42] : memref<16xf32, #tpu.memory_space<vmem>> -> memref<1xf32, #tpu.memory_space<vmem>>
      tpu.enqueue_dma source(%arg8 : memref<1xf32, #tpu.memory_space<hbm>>) target(%dma_start3A_43 : memref<1xf32, #tpu.memory_space<vmem>>) target_semaphore(%run_scoped3A : memref<!tpu.dma_semaphore, #tpu.memory_space<semaphore_mem>>)
      %dma_wait3A_44 = arith.constant 0 : i32
      %dma_wait3A_45 = tpu.memref_slice %empty_ref3A[%dma_wait3A_44] : memref<16xf32, #tpu.memory_space<vmem>> -> memref<1xf32, #tpu.memory_space<vmem>>
      %dma_wait3A_46 = arith.constant 0 : i32
      %dma_wait3A_47 = tpu.memref_slice %empty_ref3A[%dma_wait3A_46] : memref<16xf32, #tpu.memory_space<vmem>> -> memref<1xf32, #tpu.memory_space<vmem>>
      tpu.wait_dma2 semaphore(%run_scoped3A : memref<!tpu.dma_semaphore, #tpu.memory_space<semaphore_mem>>) src(%arg8 : memref<1xf32, #tpu.memory_space<hbm>>) dst(%dma_wait3A_47 : memref<1xf32, #tpu.memory_space<vmem>>)
      tpu.yield
    }) : () -> ()
    %get3A = arith.constant 0 : index
    %get3A_0 = tpu.vector_load %empty_ref3A[%get3A] {strides = array<i32>} : memref<16xf32, #tpu.memory_space<vmem>>, vector<16xf32>,
    %get3A_1 = vector.shape_cast %get3A_0 : vector<16xf32> to vector<16xf32>
    %slice3A = vector.extract_strided_slice %get3A_1 {offsets = [0], sizes = [1], strides = [1]} : vector<16xf32> to vector<1xf32>
    %squeeze3A = vector.extract %slice3A[0] : f32 from vector<1xf32>
    %mul3A = arith.constant 2 : i32
    %mul3A_2 = arith.muli %arg1, %mul3A : i32
    %add3A = arith.addi %mul3A_2, %arg0 : i32
    %mul3A_3 = arith.constant 5120 : i32
    %mul3A_4 = arith.muli %add3A, %mul3A_3 : i32
    %mul3A_5 = arith.constant 632 : i32
    %mul3A_6 = arith.muli %arg1, %mul3A_5 : i32
    "tpu.region"() ({
      %run_scoped3A = tpu.sem_alloc : memref<!tpu.dma_semaphore, #tpu.memory_space<semaphore_mem>>
      %dma_start3A_40 = arith.constant 0 : i32
      %dma_start3A_41 = tpu.memref_slice %arg18[%mul3A_6, %dma_start3A_40] : memref<10112x128xf32, #tpu.memory_space<vmem_shared>> -> memref<632x128xf32, #tpu.memory_space<vmem_shared>>
      tpu.enqueue_dma source(%arg7 : memref<632x128xf32, #tpu.memory_space<hbm>>) target(%dma_start3A_41 : memref<632x128xf32, #tpu.memory_space<vmem_shared>>) target_semaphore(%run_scoped3A : memref<!tpu.dma_semaphore, #tpu.memory_space<semaphore_mem>>)
      %dma_wait3A_42 = arith.constant 0 : i32
      %dma_wait3A_43 = tpu.memref_slice %arg18[%mul3A_6, %dma_wait3A_42] : memref<10112x128xf32, #tpu.memory_space<vmem_shared>> -> memref<632x128xf32, #tpu.memory_space<vmem_shared>>
      tpu.wait_dma2 semaphore(%run_scoped3A : memref<!tpu.dma_semaphore, #tpu.memory_space<semaphore_mem>>) src(%arg7 : memref<632x128xf32, #tpu.memory_space<hbm>>) dst(%dma_wait3A_43 : memref<632x128xf32, #tpu.memory_space<vmem_shared>>)
      tpu.yield
    }) : () -> ()
    %barrier3A = arith.constant 0 : index
    tpu.barrier barrier_id(%barrier3A)
    %dma_start3A = arith.constant 0 : i32
    %dma_start3A_7 = arith.constant 0 : i32
    %dma_start3A_8 = arith.constant 0 : i32
    %dma_start3A_9 = tpu.memref_slice %arg13[%dma_start3A, %dma_start3A_7, %dma_start3A_8] : memref<2x128x128xf32, #tpu.memory_space<vmem>> -> memref<1x128x128xf32, #tpu.memory_space<vmem>>
    %dma_start3A_10 = tpu.memref_squeeze %dma_start3A_9 : memref<1x128x128xf32, #tpu.memory_space<vmem>> -> memref<128x128xf32, #tpu.memory_space<vmem>>
    %dma_start3A_11 = arith.constant 0 : i32
    %dma_start3A_12 = tpu.memref_slice %arg4[%mul3A_4, %dma_start3A_11] : memref<163840x128xf32, #tpu.memory_space<hbm>> -> memref<128x128xf32, #tpu.memory_space<hbm>>
    %dma_start3A_13 = arith.constant 0 : i32
    %dma_start3A_14 = arith.constant 0 : i32
    %dma_start3A_15 = tpu.memref_slice %arg13[%dma_start3A, %dma_start3A_13, %dma_start3A_14] : memref<2x128x128xf32, #tpu.memory_space<vmem>> -> memref<1x128x128xf32, #tpu.memory_space<vmem>>
    %dma_start3A_16 = tpu.memref_squeeze %dma_start3A_15 : memref<1x128x128xf32, #tpu.memory_space<vmem>> -> memref<128x128xf32, #tpu.memory_space<vmem>>
    %dma_start3A_17 = arith.constant 0 : i32
    %dma_start3A_18 = tpu.memref_slice %arg4[%mul3A_4, %dma_start3A_17] : memref<163840x128xf32, #tpu.memory_space<hbm>> -> memref<128x128xf32, #tpu.memory_space<hbm>>
    tpu.enqueue_dma source(%dma_start3A_18 : memref<128x128xf32, #tpu.memory_space<hbm>>) target(%dma_start3A_16 : memref<128x128xf32, #tpu.memory_space<vmem>>) target_semaphore(%arg19 : memref<!tpu.dma_semaphore, #tpu.memory_space<semaphore_mem>>)
    %scan3A = arith.constant 0 : i32
    %scan3A_19 = arith.constant 0 : i32
    %scan3A_20 = arith.constant 20 : i32
    %scan3A_21 = arith.addi %scan3A_19, %scan3A_20 : i32
    %scan3A_22 = arith.constant 1 : i32
    scf.for %scan3A_40 = %scan3A_19 to %scan3A_21 step %scan3A_22  : i32 {
      %mul3A_41 = arith.constant 2 : i32
      %mul3A_42 = arith.muli %scan3A_40, %mul3A_41 : i32
      %add3A_43 = arith.constant 0 : i32
      %add3A_44 = arith.addi %mul3A_42, %add3A_43 : i32
      "tpu.region"() ({
        %run_scoped3A = tpu.sem_alloc : memref<!tpu.dma_semaphore, #tpu.memory_space<semaphore_mem>>
        %dma_start3A_680 = arith.constant 0 : i32
        %dma_start3A_681 = tpu.memref_slice %arg2[%add3A, %add3A_44, %dma_start3A_680] : memref<32x40x128xi32, #tpu.memory_space<hbm>> -> memref<1x1x128xi32, #tpu.memory_space<hbm>>
        %dma_start3A_682 = tpu.memref_squeeze %dma_start3A_681 : memref<1x1x128xi32, #tpu.memory_space<hbm>> -> memref<128xi32, #tpu.memory_space<hbm>>
        %dma_start3A_683 = arith.constant 0 : i32
        %dma_start3A_684 = tpu.memref_slice %arg2[%add3A, %add3A_44, %dma_start3A_683] : memref<32x40x128xi32, #tpu.memory_space<hbm>> -> memref<1x1x128xi32, #tpu.memory_space<hbm>>
        %dma_start3A_685 = tpu.memref_squeeze %dma_start3A_684 : memref<1x1x128xi32, #tpu.memory_space<hbm>> -> memref<128xi32, #tpu.memory_space<hbm>>
        tpu.enqueue_dma source(%dma_start3A_685 : memref<128xi32, #tpu.memory_space<hbm>>) target(%arg10 : memref<128xi32, #tpu.memory_space<vmem>>) target_semaphore(%run_scoped3A : memref<!tpu.dma_semaphore, #tpu.memory_space<semaphore_mem>>)
        %dma_wait3A_686 = arith.constant 0 : i32
        %dma_wait3A_687 = tpu.memref_slice %arg2[%add3A, %add3A_44, %dma_wait3A_686] : memref<32x40x128xi32, #tpu.memory_space<hbm>> -> memref<1x1x128xi32, #tpu.memory_space<hbm>>
        %dma_wait3A_688 = tpu.memref_squeeze %dma_wait3A_687 : memref<1x1x128xi32, #tpu.memory_space<hbm>> -> memref<128xi32, #tpu.memory_space<hbm>>
        %dma_wait3A_689 = arith.constant 0 : i32
        %dma_wait3A_690 = tpu.memref_slice %arg2[%add3A, %add3A_44, %dma_wait3A_689] : memref<32x40x128xi32, #tpu.memory_space<hbm>> -> memref<1x1x128xi32, #tpu.memory_space<hbm>>
        %dma_wait3A_691 = tpu.memref_squeeze %dma_wait3A_690 : memref<1x1x128xi32, #tpu.memory_space<hbm>> -> memref<128xi32, #tpu.memory_space<hbm>>
        tpu.wait_dma2 semaphore(%run_scoped3A : memref<!tpu.dma_semaphore, #tpu.memory_space<semaphore_mem>>) src(%dma_wait3A_691 : memref<128xi32, #tpu.memory_space<hbm>>) dst(%arg10 : memref<128xi32, #tpu.memory_space<vmem>>)
        tpu.yield
      }) : () -> ()
      "tpu.region"() ({
        %run_scoped3A = tpu.sem_alloc : memref<!tpu.dma_semaphore, #tpu.memory_space<semaphore_mem>>
        %dma_start3A_680 = arith.constant 0 : i32
        %dma_start3A_681 = tpu.memref_slice %arg3[%add3A, %add3A_44, %dma_start3A_680] : memref<32x40x128xi32, #tpu.memory_space<hbm>> -> memref<1x1x128xi32, #tpu.memory_space<hbm>>
        %dma_start3A_682 = tpu.memref_squeeze %dma_start3A_681 : memref<1x1x128xi32, #tpu.memory_space<hbm>> -> memref<128xi32, #tpu.memory_space<hbm>>
        %dma_start3A_683 = arith.constant 0 : i32
        %dma_start3A_684 = tpu.memref_slice %arg3[%add3A, %add3A_44, %dma_start3A_683] : memref<32x40x128xi32, #tpu.memory_space<hbm>> -> memref<1x1x128xi32, #tpu.memory_space<hbm>>
        %dma_start3A_685 = tpu.memref_squeeze %dma_start3A_684 : memref<1x1x128xi32, #tpu.memory_space<hbm>> -> memref<128xi32, #tpu.memory_space<hbm>>
        tpu.enqueue_dma source(%dma_start3A_685 : memref<128xi32, #tpu.memory_space<hbm>>) target(%arg11 : memref<128xi32, #tpu.memory_space<vmem>>) target_semaphore(%run_scoped3A : memref<!tpu.dma_semaphore, #tpu.memory_space<semaphore_mem>>)
        %dma_wait3A_686 = arith.constant 0 : i32
        %dma_wait3A_687 = tpu.memref_slice %arg3[%add3A, %add3A_44, %dma_wait3A_686] : memref<32x40x128xi32, #tpu.memory_space<hbm>> -> memref<1x1x128xi32, #tpu.memory_space<hbm>>
        %dma_wait3A_688 = tpu.memref_squeeze %dma_wait3A_687 : memref<1x1x128xi32, #tpu.memory_space<hbm>> -> memref<128xi32, #tpu.memory_space<hbm>>
        %dma_wait3A_689 = arith.constant 0 : i32
        %dma_wait3A_690 = tpu.memref_slice %arg3[%add3A, %add3A_44, %dma_wait3A_689] : memref<32x40x128xi32, #tpu.memory_space<hbm>> -> memref<1x1x128xi32, #tpu.memory_space<hbm>>
        %dma_wait3A_691 = tpu.memref_squeeze %dma_wait3A_690 : memref<1x1x128xi32, #tpu.memory_space<hbm>> -> memref<128xi32, #tpu.memory_space<hbm>>
        tpu.wait_dma2 semaphore(%run_scoped3A : memref<!tpu.dma_semaphore, #tpu.memory_space<semaphore_mem>>) src(%dma_wait3A_691 : memref<128xi32, #tpu.memory_space<hbm>>) dst(%arg11 : memref<128xi32, #tpu.memory_space<vmem>>)
        tpu.yield
      }) : () -> ()
      %dma_start3A_45 = arith.constant 0 : i32
      %dma_start3A_46 = tpu.memref_slice %arg5[%dma_start3A_45] : memref<10000xf32, #tpu.memory_space<hbm>> -> memref<10000xf32, #tpu.memory_space<hbm>>
      tpu.enqueue_indirect_dma source(%dma_start3A_46 : memref<10000xf32, #tpu.memory_space<hbm>>) target(%arg14 : memref<128xf32, #tpu.memory_space<vmem>>) offsets(%arg10 : memref<128xi32, #tpu.memory_space<vmem>>) semaphore(%arg21 : memref<!tpu.dma_semaphore, #tpu.memory_space<semaphore_mem>>)
      %dma_start3A_47 = arith.constant 0 : i32
      %dma_start3A_48 = tpu.memref_slice %arg5[%dma_start3A_47] : memref<10000xf32, #tpu.memory_space<hbm>> -> memref<10000xf32, #tpu.memory_space<hbm>>
      tpu.enqueue_indirect_dma source(%dma_start3A_48 : memref<10000xf32, #tpu.memory_space<hbm>>) target(%arg15 : memref<128xf32, #tpu.memory_space<vmem>>) offsets(%arg11 : memref<128xi32, #tpu.memory_space<vmem>>) semaphore(%arg21 : memref<!tpu.dma_semaphore, #tpu.memory_space<semaphore_mem>>)
      %dma_start3A_49 = arith.constant 0 : i32
      %dma_start3A_50 = tpu.memref_slice %arg6[%dma_start3A_49] : memref<10000xf32, #tpu.memory_space<hbm>> -> memref<10000xf32, #tpu.memory_space<hbm>>
      tpu.enqueue_indirect_dma source(%dma_start3A_50 : memref<10000xf32, #tpu.memory_space<hbm>>) target(%arg16 : memref<128xf32, #tpu.memory_space<vmem>>) offsets(%arg10 : memref<128xi32, #tpu.memory_space<vmem>>) semaphore(%arg21 : memref<!tpu.dma_semaphore, #tpu.memory_space<semaphore_mem>>)
      %dma_start3A_51 = arith.constant 0 : i32
      %dma_start3A_52 = tpu.memref_slice %arg6[%dma_start3A_51] : memref<10000xf32, #tpu.memory_space<hbm>> -> memref<10000xf32, #tpu.memory_space<hbm>>
      tpu.enqueue_indirect_dma source(%dma_start3A_52 : memref<10000xf32, #tpu.memory_space<hbm>>) target(%arg17 : memref<128xf32, #tpu.memory_space<vmem>>) offsets(%arg11 : memref<128xi32, #tpu.memory_space<vmem>>) semaphore(%arg21 : memref<!tpu.dma_semaphore, #tpu.memory_space<semaphore_mem>>)
      %gt3A = arith.constant 0 : i32
      %gt3A_53 = arith.cmpi sgt, %scan3A_40, %gt3A : i32
      %or3A = arith.constant false
      %or3A_54 = arith.ori %gt3A_53, %or3A : i1
      %convert_element_type3A = arith.extui %or3A_54 : i1 to i32
      %cond3A = arith.constant 0 : i32
      %cond3A_55 = arith.cmpi ne, %convert_element_type3A, %cond3A : i32
      scf.if %cond3A_55 {
        %dma_wait3A_680 = arith.constant 1 : i32
        %dma_wait3A_681 = arith.constant 1 : i32
        %dma_wait3A_682 = arith.constant 0 : i32
        %dma_wait3A_683 = arith.constant 0 : i32
        %dma_wait3A_684 = tpu.memref_slice %arg13[%dma_wait3A_680, %dma_wait3A_682, %dma_wait3A_683] : memref<2x128x128xf32, #tpu.memory_space<vmem>> -> memref<1x128x128xf32, #tpu.memory_space<vmem>>
        %dma_wait3A_685 = tpu.memref_squeeze %dma_wait3A_684 : memref<1x128x128xf32, #tpu.memory_space<vmem>> -> memref<128x128xf32, #tpu.memory_space<vmem>>
        %dma_wait3A_686 = arith.constant 0 : i32
        %dma_wait3A_687 = tpu.memref_slice %arg12[%dma_wait3A_681, %dma_wait3A_686] : memref<2x128xi32, #tpu.memory_space<vmem>> -> memref<1x128xi32, #tpu.memory_space<vmem>>
        %dma_wait3A_688 = tpu.memref_squeeze %dma_wait3A_687 : memref<1x128xi32, #tpu.memory_space<vmem>> -> memref<128xi32, #tpu.memory_space<vmem>>
        %dma_wait3A_689 = arith.constant 0 : i32
        %dma_wait3A_690 = arith.constant 0 : i32
        %dma_wait3A_691 = tpu.memref_slice %arg18[%dma_wait3A_689, %dma_wait3A_690] : memref<10112x128xf32, #tpu.memory_space<vmem_shared>> -> memref<10112x128xf32, #tpu.memory_space<vmem_shared>>
        tpu.wait_indirect_dma semaphore(%arg23 : memref<!tpu.dma_semaphore, #tpu.memory_space<semaphore_mem>>) src(%dma_wait3A_685 : memref<128x128xf32, #tpu.memory_space<vmem>>) dst(%dma_wait3A_691 : memref<10112x128xf32, #tpu.memory_space<vmem_shared>>)
      } else {
      }
      %add3A_56 = arith.constant 1 : i32
      %add3A_57 = arith.addi %add3A_44, %add3A_56 : i32
      %lt3A = arith.constant 40 : i32
      %lt3A_58 = arith.cmpi slt, %add3A_57, %lt3A : i32
      %convert_element_type3A_59 = arith.extui %lt3A_58 : i1 to i32
      %cond3A_60 = arith.constant 0 : i32
      %cond3A_61 = arith.cmpi ne, %convert_element_type3A_59, %cond3A_60 : i32
      scf.if %cond3A_61 {
        %add3A_680 = arith.constant 1 : i32
        %add3A_681 = arith.addi %add3A_44, %add3A_680 : i32
        %mul3A_682 = arith.constant 128 : i32
        %mul3A_683 = arith.muli %add3A_681, %mul3A_682 : i32
        %add3A_684 = arith.addi %mul3A_4, %mul3A_683 : i32
        %dma_start3A_685 = arith.constant 1 : i32
        %dma_start3A_686 = arith.constant 0 : i32
        %dma_start3A_687 = arith.constant 0 : i32
        %dma_start3A_688 = tpu.memref_slice %arg13[%dma_start3A_685, %dma_start3A_686, %dma_start3A_687] : memref<2x128x128xf32, #tpu.memory_space<vmem>> -> memref<1x128x128xf32, #tpu.memory_space<vmem>>
        %dma_start3A_689 = tpu.memref_squeeze %dma_start3A_688 : memref<1x128x128xf32, #tpu.memory_space<vmem>> -> memref<128x128xf32, #tpu.memory_space<vmem>>
        %dma_start3A_690 = arith.constant 0 : i32
        %dma_start3A_691 = tpu.memref_slice %arg4[%add3A_684, %dma_start3A_690] : memref<163840x128xf32, #tpu.memory_space<hbm>> -> memref<128x128xf32, #tpu.memory_space<hbm>>
        %dma_start3A_692 = arith.constant 0 : i32
        %dma_start3A_693 = arith.constant 0 : i32
        %dma_start3A_694 = tpu.memref_slice %arg13[%dma_start3A_685, %dma_start3A_692, %dma_start3A_693] : memref<2x128x128xf32, #tpu.memory_space<vmem>> -> memref<1x128x128xf32, #tpu.memory_space<vmem>>
        %dma_start3A_695 = tpu.memref_squeeze %dma_start3A_694 : memref<1x128x128xf32, #tpu.memory_space<vmem>> -> memref<128x128xf32, #tpu.memory_space<vmem>>
        %dma_start3A_696 = arith.constant 0 : i32
        %dma_start3A_697 = tpu.memref_slice %arg4[%add3A_684, %dma_start3A_696] : memref<163840x128xf32, #tpu.memory_space<hbm>> -> memref<128x128xf32, #tpu.memory_space<hbm>>
        tpu.enqueue_dma source(%dma_start3A_697 : memref<128x128xf32, #tpu.memory_space<hbm>>) target(%dma_start3A_695 : memref<128x128xf32, #tpu.memory_space<vmem>>) target_semaphore(%arg20 : memref<!tpu.dma_semaphore, #tpu.memory_space<semaphore_mem>>)
      } else {
      }
      %dma_wait3A_62 = arith.constant 0 : i32
      %dma_wait3A_63 = arith.constant 0 : i32
      %dma_wait3A_64 = arith.constant 0 : i32
      %dma_wait3A_65 = tpu.memref_slice %arg13[%dma_wait3A_62, %dma_wait3A_63, %dma_wait3A_64] : memref<2x128x128xf32, #tpu.memory_space<vmem>> -> memref<1x128x128xf32, #tpu.memory_space<vmem>>
      %dma_wait3A_66 = tpu.memref_squeeze %dma_wait3A_65 : memref<1x128x128xf32, #tpu.memory_space<vmem>> -> memref<128x128xf32, #tpu.memory_space<vmem>>
      %dma_wait3A_67 = arith.constant 0 : i32
      %dma_wait3A_68 = arith.constant 0 : i32
      %dma_wait3A_69 = tpu.memref_slice %arg4[%dma_wait3A_67, %dma_wait3A_68] : memref<163840x128xf32, #tpu.memory_space<hbm>> -> memref<128x128xf32, #tpu.memory_space<hbm>>
      %dma_wait3A_70 = arith.constant 0 : i32
      %dma_wait3A_71 = arith.constant 0 : i32
      %dma_wait3A_72 = tpu.memref_slice %arg13[%dma_wait3A_62, %dma_wait3A_70, %dma_wait3A_71] : memref<2x128x128xf32, #tpu.memory_space<vmem>> -> memref<1x128x128xf32, #tpu.memory_space<vmem>>
      %dma_wait3A_73 = tpu.memref_squeeze %dma_wait3A_72 : memref<1x128x128xf32, #tpu.memory_space<vmem>> -> memref<128x128xf32, #tpu.memory_space<vmem>>
      %dma_wait3A_74 = arith.constant 0 : i32
      %dma_wait3A_75 = arith.constant 0 : i32
      %dma_wait3A_76 = tpu.memref_slice %arg4[%dma_wait3A_74, %dma_wait3A_75] : memref<163840x128xf32, #tpu.memory_space<hbm>> -> memref<128x128xf32, #tpu.memory_space<hbm>>
      tpu.wait_dma2 semaphore(%arg19 : memref<!tpu.dma_semaphore, #tpu.memory_space<semaphore_mem>>) src(%dma_wait3A_76 : memref<128x128xf32, #tpu.memory_space<hbm>>) dst(%dma_wait3A_73 : memref<128x128xf32, #tpu.memory_space<vmem>>)
      %dma_wait3A_77 = arith.constant 0 : i32
      %dma_wait3A_78 = tpu.memref_slice %arg5[%dma_wait3A_77] : memref<10000xf32, #tpu.memory_space<hbm>> -> memref<10000xf32, #tpu.memory_space<hbm>>
      tpu.wait_indirect_dma semaphore(%arg21 : memref<!tpu.dma_semaphore, #tpu.memory_space<semaphore_mem>>) src(%dma_wait3A_78 : memref<10000xf32, #tpu.memory_space<hbm>>) dst(%arg14 : memref<128xf32, #tpu.memory_space<vmem>>)
      %dma_wait3A_79 = arith.constant 0 : i32
      %dma_wait3A_80 = tpu.memref_slice %arg5[%dma_wait3A_79] : memref<10000xf32, #tpu.memory_space<hbm>> -> memref<10000xf32, #tpu.memory_space<hbm>>
      tpu.wait_indirect_dma semaphore(%arg21 : memref<!tpu.dma_semaphore, #tpu.memory_space<semaphore_mem>>) src(%dma_wait3A_80 : memref<10000xf32, #tpu.memory_space<hbm>>) dst(%arg15 : memref<128xf32, #tpu.memory_space<vmem>>)
      %dma_wait3A_81 = arith.constant 0 : i32
      %dma_wait3A_82 = tpu.memref_slice %arg6[%dma_wait3A_81] : memref<10000xf32, #tpu.memory_space<hbm>> -> memref<10000xf32, #tpu.memory_space<hbm>>
      tpu.wait_indirect_dma semaphore(%arg21 : memref<!tpu.dma_semaphore, #tpu.memory_space<semaphore_mem>>) src(%dma_wait3A_82 : memref<10000xf32, #tpu.memory_space<hbm>>) dst(%arg16 : memref<128xf32, #tpu.memory_space<vmem>>)
      %dma_wait3A_83 = arith.constant 0 : i32
      %dma_wait3A_84 = tpu.memref_slice %arg6[%dma_wait3A_83] : memref<10000xf32, #tpu.memory_space<hbm>> -> memref<10000xf32, #tpu.memory_space<hbm>>
      tpu.wait_indirect_dma semaphore(%arg21 : memref<!tpu.dma_semaphore, #tpu.memory_space<semaphore_mem>>) src(%dma_wait3A_84 : memref<10000xf32, #tpu.memory_space<hbm>>) dst(%arg17 : memref<128xf32, #tpu.memory_space<vmem>>)
      %get3A_85 = arith.constant 0 : index
      %get3A_86 = tpu.vector_load %arg11[%get3A_85] {strides = array<i32>} : memref<128xi32, #tpu.memory_space<vmem>>, vector<16xi32>,
      %get3A_87 = vector.shape_cast %get3A_86 : vector<16xi32> to vector<16xi32>
      %get3A_88 = arith.constant 0 : index
      %get3A_89 = tpu.vector_load %arg14[%get3A_88] {strides = array<i32>} : memref<128xf32, #tpu.memory_space<vmem>>, vector<16xf32>,
      %get3A_90 = vector.shape_cast %get3A_89 : vector<16xf32> to vector<16xf32>
      %get3A_91 = arith.constant 0 : index
      %get3A_92 = tpu.vector_load %arg15[%get3A_91] {strides = array<i32>} : memref<128xf32, #tpu.memory_space<vmem>>, vector<16xf32>,
      %get3A_93 = vector.shape_cast %get3A_92 : vector<16xf32> to vector<16xf32>
      %sub3A = arith.subf %get3A_90, %get3A_93 : vector<16xf32>
      %get3A_94 = arith.constant 0 : index
      %get3A_95 = tpu.vector_load %arg16[%get3A_94] {strides = array<i32>} : memref<128xf32, #tpu.memory_space<vmem>>, vector<16xf32>,
      %get3A_96 = vector.shape_cast %get3A_95 : vector<16xf32> to vector<16xf32>
      %get3A_97 = arith.constant 0 : index
      %get3A_98 = tpu.vector_load %arg17[%get3A_97] {strides = array<i32>} : memref<128xf32, #tpu.memory_space<vmem>>, vector<16xf32>,
      %get3A_99 = vector.shape_cast %get3A_98 : vector<16xf32> to vector<16xf32>
      %sub3A_100 = arith.subf %get3A_96, %get3A_99 : vector<16xf32>
      %abs3A = math.absf %sub3A : vector<16xf32>
      %gt3A_101 = vector.broadcast %squeeze3A : f32 to vector<16xf32>
      %gt3A_102 = arith.cmpf ogt, %abs3A, %gt3A_101 : vector<16xf32>
      %abs3A_103 = math.absf %sub3A_100 : vector<16xf32>
      %gt3A_104 = vector.broadcast %squeeze3A : f32 to vector<16xf32>
      %gt3A_105 = arith.cmpf ogt, %abs3A_103, %gt3A_104 : vector<16xf32>
      %or3A_106 = arith.ori %gt3A_102, %gt3A_105 : vector<16xi1>
      %jit3A = arith.constant 10111 : i32
      %broadcast_in_dim3A = vector.broadcast %jit3A : i32 to vector<16xi32>
      %select_n3A = arith.select %or3A_106, %get3A_87, %broadcast_in_dim3A : vector<16xi1>, vector<16xi32>
      %swap3A = arith.constant 0 : i32
      %swap3A_107 = arith.index_cast %swap3A : i32 to index
      %swap3A_108 = arith.constant 0 : index
      %swap3A_109 = tpu.vector_load %arg12[%swap3A_107, %swap3A_108] {strides = array<i32>} : memref<2x128xi32, #tpu.memory_space<vmem>>, vector<1x16xi32>,
      %swap3A_110 = vector.shape_cast %swap3A_109 : vector<1x16xi32> to vector<16xi32>
      %swap3A_111 = vector.shape_cast %select_n3A : vector<16xi32> to vector<1x16xi32>
      tpu.vector_store %arg12[%swap3A_107, %swap3A_108], %swap3A_111 {strides = array<i32>} : memref<2x128xi32, #tpu.memory_space<vmem>>, vector<1x16xi32>,
      %get3A_112 = arith.constant 16 : index
      %get3A_113 = tpu.vector_load %arg11[%get3A_112] {strides = array<i32>} : memref<128xi32, #tpu.memory_space<vmem>>, vector<16xi32>,
      %get3A_114 = vector.shape_cast %get3A_113 : vector<16xi32> to vector<16xi32>
      %get3A_115 = arith.constant 16 : index
      %get3A_116 = tpu.vector_load %arg14[%get3A_115] {strides = array<i32>} : memref<128xf32, #tpu.memory_space<vmem>>, vector<16xf32>,
      %get3A_117 = vector.shape_cast %get3A_116 : vector<16xf32> to vector<16xf32>
      %get3A_118 = arith.constant 16 : index
      %get3A_119 = tpu.vector_load %arg15[%get3A_118] {strides = array<i32>} : memref<128xf32, #tpu.memory_space<vmem>>, vector<16xf32>,
      %get3A_120 = vector.shape_cast %get3A_119 : vector<16xf32> to vector<16xf32>
      %sub3A_121 = arith.subf %get3A_117, %get3A_120 : vector<16xf32>
      %get3A_122 = arith.constant 16 : index
      %get3A_123 = tpu.vector_load %arg16[%get3A_122] {strides = array<i32>} : memref<128xf32, #tpu.memory_space<vmem>>, vector<16xf32>,
      %get3A_124 = vector.shape_cast %get3A_123 : vector<16xf32> to vector<16xf32>
      %get3A_125 = arith.constant 16 : index
      %get3A_126 = tpu.vector_load %arg17[%get3A_125] {strides = array<i32>} : memref<128xf32, #tpu.memory_space<vmem>>, vector<16xf32>,
      %get3A_127 = vector.shape_cast %get3A_126 : vector<16xf32> to vector<16xf32>
      %sub3A_128 = arith.subf %get3A_124, %get3A_127 : vector<16xf32>
      %abs3A_129 = math.absf %sub3A_121 : vector<16xf32>
      %gt3A_130 = vector.broadcast %squeeze3A : f32 to vector<16xf32>
      %gt3A_131 = arith.cmpf ogt, %abs3A_129, %gt3A_130 : vector<16xf32>
      %abs3A_132 = math.absf %sub3A_128 : vector<16xf32>
      %gt3A_133 = vector.broadcast %squeeze3A : f32 to vector<16xf32>
      %gt3A_134 = arith.cmpf ogt, %abs3A_132, %gt3A_133 : vector<16xf32>
      %or3A_135 = arith.ori %gt3A_131, %gt3A_134 : vector<16xi1>
      %jit3A_136 = arith.constant 10111 : i32
      %broadcast_in_dim3A_137 = vector.broadcast %jit3A_136 : i32 to vector<16xi32>
      %select_n3A_138 = arith.select %or3A_135, %get3A_114, %broadcast_in_dim3A_137 : vector<16xi1>, vector<16xi32>
      %swap3A_139 = arith.constant 0 : i32
      %swap3A_140 = arith.index_cast %swap3A_139 : i32 to index
      %swap3A_141 = arith.constant 16 : index
      %swap3A_142 = tpu.vector_load %arg12[%swap3A_140, %swap3A_141] {strides = array<i32>} : memref<2x128xi32, #tpu.memory_space<vmem>>, vector<1x16xi32>,
      %swap3A_143 = vector.shape_cast %swap3A_142 : vector<1x16xi32> to vector<16xi32>
      %swap3A_144 = vector.shape_cast %select_n3A_138 : vector<16xi32> to vector<1x16xi32>
      tpu.vector_store %arg12[%swap3A_140, %swap3A_141], %swap3A_144 {strides = array<i32>} : memref<2x128xi32, #tpu.memory_space<vmem>>, vector<1x16xi32>,
      %get3A_145 = arith.constant 32 : index
      %get3A_146 = tpu.vector_load %arg11[%get3A_145] {strides = array<i32>} : memref<128xi32, #tpu.memory_space<vmem>>, vector<16xi32>,
      %get3A_147 = vector.shape_cast %get3A_146 : vector<16xi32> to vector<16xi32>
      %get3A_148 = arith.constant 32 : index
      %get3A_149 = tpu.vector_load %arg14[%get3A_148] {strides = array<i32>} : memref<128xf32, #tpu.memory_space<vmem>>, vector<16xf32>,
      %get3A_150 = vector.shape_cast %get3A_149 : vector<16xf32> to vector<16xf32>
      %get3A_151 = arith.constant 32 : index
      %get3A_152 = tpu.vector_load %arg15[%get3A_151] {strides = array<i32>} : memref<128xf32, #tpu.memory_space<vmem>>, vector<16xf32>,
      %get3A_153 = vector.shape_cast %get3A_152 : vector<16xf32> to vector<16xf32>
      %sub3A_154 = arith.subf %get3A_150, %get3A_153 : vector<16xf32>
      %get3A_155 = arith.constant 32 : index
      %get3A_156 = tpu.vector_load %arg16[%get3A_155] {strides = array<i32>} : memref<128xf32, #tpu.memory_space<vmem>>, vector<16xf32>,
      %get3A_157 = vector.shape_cast %get3A_156 : vector<16xf32> to vector<16xf32>
      %get3A_158 = arith.constant 32 : index
      %get3A_159 = tpu.vector_load %arg17[%get3A_158] {strides = array<i32>} : memref<128xf32, #tpu.memory_space<vmem>>, vector<16xf32>,
      %get3A_160 = vector.shape_cast %get3A_159 : vector<16xf32> to vector<16xf32>
      %sub3A_161 = arith.subf %get3A_157, %get3A_160 : vector<16xf32>
      %abs3A_162 = math.absf %sub3A_154 : vector<16xf32>
      %gt3A_163 = vector.broadcast %squeeze3A : f32 to vector<16xf32>
      %gt3A_164 = arith.cmpf ogt, %abs3A_162, %gt3A_163 : vector<16xf32>
      %abs3A_165 = math.absf %sub3A_161 : vector<16xf32>
      %gt3A_166 = vector.broadcast %squeeze3A : f32 to vector<16xf32>
      %gt3A_167 = arith.cmpf ogt, %abs3A_165, %gt3A_166 : vector<16xf32>
      %or3A_168 = arith.ori %gt3A_164, %gt3A_167 : vector<16xi1>
      %jit3A_169 = arith.constant 10111 : i32
      %broadcast_in_dim3A_170 = vector.broadcast %jit3A_169 : i32 to vector<16xi32>
      %select_n3A_171 = arith.select %or3A_168, %get3A_147, %broadcast_in_dim3A_170 : vector<16xi1>, vector<16xi32>
      %swap3A_172 = arith.constant 0 : i32
      %swap3A_173 = arith.index_cast %swap3A_172 : i32 to index
      %swap3A_174 = arith.constant 32 : index
      %swap3A_175 = tpu.vector_load %arg12[%swap3A_173, %swap3A_174] {strides = array<i32>} : memref<2x128xi32, #tpu.memory_space<vmem>>, vector<1x16xi32>,
      %swap3A_176 = vector.shape_cast %swap3A_175 : vector<1x16xi32> to vector<16xi32>
      %swap3A_177 = vector.shape_cast %select_n3A_171 : vector<16xi32> to vector<1x16xi32>
      tpu.vector_store %arg12[%swap3A_173, %swap3A_174], %swap3A_177 {strides = array<i32>} : memref<2x128xi32, #tpu.memory_space<vmem>>, vector<1x16xi32>,
      %get3A_178 = arith.constant 48 : index
      %get3A_179 = tpu.vector_load %arg11[%get3A_178] {strides = array<i32>} : memref<128xi32, #tpu.memory_space<vmem>>, vector<16xi32>,
      %get3A_180 = vector.shape_cast %get3A_179 : vector<16xi32> to vector<16xi32>
      %get3A_181 = arith.constant 48 : index
      %get3A_182 = tpu.vector_load %arg14[%get3A_181] {strides = array<i32>} : memref<128xf32, #tpu.memory_space<vmem>>, vector<16xf32>,
      %get3A_183 = vector.shape_cast %get3A_182 : vector<16xf32> to vector<16xf32>
      %get3A_184 = arith.constant 48 : index
      %get3A_185 = tpu.vector_load %arg15[%get3A_184] {strides = array<i32>} : memref<128xf32, #tpu.memory_space<vmem>>, vector<16xf32>,
      %get3A_186 = vector.shape_cast %get3A_185 : vector<16xf32> to vector<16xf32>
      %sub3A_187 = arith.subf %get3A_183, %get3A_186 : vector<16xf32>
      %get3A_188 = arith.constant 48 : index
      %get3A_189 = tpu.vector_load %arg16[%get3A_188] {strides = array<i32>} : memref<128xf32, #tpu.memory_space<vmem>>, vector<16xf32>,
      %get3A_190 = vector.shape_cast %get3A_189 : vector<16xf32> to vector<16xf32>
      %get3A_191 = arith.constant 48 : index
      %get3A_192 = tpu.vector_load %arg17[%get3A_191] {strides = array<i32>} : memref<128xf32, #tpu.memory_space<vmem>>, vector<16xf32>,
      %get3A_193 = vector.shape_cast %get3A_192 : vector<16xf32> to vector<16xf32>
      %sub3A_194 = arith.subf %get3A_190, %get3A_193 : vector<16xf32>
      %abs3A_195 = math.absf %sub3A_187 : vector<16xf32>
      %gt3A_196 = vector.broadcast %squeeze3A : f32 to vector<16xf32>
      %gt3A_197 = arith.cmpf ogt, %abs3A_195, %gt3A_196 : vector<16xf32>
      %abs3A_198 = math.absf %sub3A_194 : vector<16xf32>
      %gt3A_199 = vector.broadcast %squeeze3A : f32 to vector<16xf32>
      %gt3A_200 = arith.cmpf ogt, %abs3A_198, %gt3A_199 : vector<16xf32>
      %or3A_201 = arith.ori %gt3A_197, %gt3A_200 : vector<16xi1>
      %jit3A_202 = arith.constant 10111 : i32
      %broadcast_in_dim3A_203 = vector.broadcast %jit3A_202 : i32 to vector<16xi32>
      %select_n3A_204 = arith.select %or3A_201, %get3A_180, %broadcast_in_dim3A_203 : vector<16xi1>, vector<16xi32>
      %swap3A_205 = arith.constant 0 : i32
      %swap3A_206 = arith.index_cast %swap3A_205 : i32 to index
      %swap3A_207 = arith.constant 48 : index
      %swap3A_208 = tpu.vector_load %arg12[%swap3A_206, %swap3A_207] {strides = array<i32>} : memref<2x128xi32, #tpu.memory_space<vmem>>, vector<1x16xi32>,
      %swap3A_209 = vector.shape_cast %swap3A_208 : vector<1x16xi32> to vector<16xi32>
      %swap3A_210 = vector.shape_cast %select_n3A_204 : vector<16xi32> to vector<1x16xi32>
      tpu.vector_store %arg12[%swap3A_206, %swap3A_207], %swap3A_210 {strides = array<i32>} : memref<2x128xi32, #tpu.memory_space<vmem>>, vector<1x16xi32>,
      %get3A_211 = arith.constant 64 : index
      %get3A_212 = tpu.vector_load %arg11[%get3A_211] {strides = array<i32>} : memref<128xi32, #tpu.memory_space<vmem>>, vector<16xi32>,
      %get3A_213 = vector.shape_cast %get3A_212 : vector<16xi32> to vector<16xi32>
      %get3A_214 = arith.constant 64 : index
      %get3A_215 = tpu.vector_load %arg14[%get3A_214] {strides = array<i32>} : memref<128xf32, #tpu.memory_space<vmem>>, vector<16xf32>,
      %get3A_216 = vector.shape_cast %get3A_215 : vector<16xf32> to vector<16xf32>
      %get3A_217 = arith.constant 64 : index
      %get3A_218 = tpu.vector_load %arg15[%get3A_217] {strides = array<i32>} : memref<128xf32, #tpu.memory_space<vmem>>, vector<16xf32>,
      %get3A_219 = vector.shape_cast %get3A_218 : vector<16xf32> to vector<16xf32>
      %sub3A_220 = arith.subf %get3A_216, %get3A_219 : vector<16xf32>
      %get3A_221 = arith.constant 64 : index
      %get3A_222 = tpu.vector_load %arg16[%get3A_221] {strides = array<i32>} : memref<128xf32, #tpu.memory_space<vmem>>, vector<16xf32>,
      %get3A_223 = vector.shape_cast %get3A_222 : vector<16xf32> to vector<16xf32>
      %get3A_224 = arith.constant 64 : index
      %get3A_225 = tpu.vector_load %arg17[%get3A_224] {strides = array<i32>} : memref<128xf32, #tpu.memory_space<vmem>>, vector<16xf32>,
      %get3A_226 = vector.shape_cast %get3A_225 : vector<16xf32> to vector<16xf32>
      %sub3A_227 = arith.subf %get3A_223, %get3A_226 : vector<16xf32>
      %abs3A_228 = math.absf %sub3A_220 : vector<16xf32>
      %gt3A_229 = vector.broadcast %squeeze3A : f32 to vector<16xf32>
      %gt3A_230 = arith.cmpf ogt, %abs3A_228, %gt3A_229 : vector<16xf32>
      %abs3A_231 = math.absf %sub3A_227 : vector<16xf32>
      %gt3A_232 = vector.broadcast %squeeze3A : f32 to vector<16xf32>
      %gt3A_233 = arith.cmpf ogt, %abs3A_231, %gt3A_232 : vector<16xf32>
      %or3A_234 = arith.ori %gt3A_230, %gt3A_233 : vector<16xi1>
      %jit3A_235 = arith.constant 10111 : i32
      %broadcast_in_dim3A_236 = vector.broadcast %jit3A_235 : i32 to vector<16xi32>
      %select_n3A_237 = arith.select %or3A_234, %get3A_213, %broadcast_in_dim3A_236 : vector<16xi1>, vector<16xi32>
      %swap3A_238 = arith.constant 0 : i32
      %swap3A_239 = arith.index_cast %swap3A_238 : i32 to index
      %swap3A_240 = arith.constant 64 : index
      %swap3A_241 = tpu.vector_load %arg12[%swap3A_239, %swap3A_240] {strides = array<i32>} : memref<2x128xi32, #tpu.memory_space<vmem>>, vector<1x16xi32>,
      %swap3A_242 = vector.shape_cast %swap3A_241 : vector<1x16xi32> to vector<16xi32>
      %swap3A_243 = vector.shape_cast %select_n3A_237 : vector<16xi32> to vector<1x16xi32>
      tpu.vector_store %arg12[%swap3A_239, %swap3A_240], %swap3A_243 {strides = array<i32>} : memref<2x128xi32, #tpu.memory_space<vmem>>, vector<1x16xi32>,
      %get3A_244 = arith.constant 80 : index
      %get3A_245 = tpu.vector_load %arg11[%get3A_244] {strides = array<i32>} : memref<128xi32, #tpu.memory_space<vmem>>, vector<16xi32>,
      %get3A_246 = vector.shape_cast %get3A_245 : vector<16xi32> to vector<16xi32>
      %get3A_247 = arith.constant 80 : index
      %get3A_248 = tpu.vector_load %arg14[%get3A_247] {strides = array<i32>} : memref<128xf32, #tpu.memory_space<vmem>>, vector<16xf32>,
      %get3A_249 = vector.shape_cast %get3A_248 : vector<16xf32> to vector<16xf32>
      %get3A_250 = arith.constant 80 : index
      %get3A_251 = tpu.vector_load %arg15[%get3A_250] {strides = array<i32>} : memref<128xf32, #tpu.memory_space<vmem>>, vector<16xf32>,
      %get3A_252 = vector.shape_cast %get3A_251 : vector<16xf32> to vector<16xf32>
      %sub3A_253 = arith.subf %get3A_249, %get3A_252 : vector<16xf32>
      %get3A_254 = arith.constant 80 : index
      %get3A_255 = tpu.vector_load %arg16[%get3A_254] {strides = array<i32>} : memref<128xf32, #tpu.memory_space<vmem>>, vector<16xf32>,
      %get3A_256 = vector.shape_cast %get3A_255 : vector<16xf32> to vector<16xf32>
      %get3A_257 = arith.constant 80 : index
      %get3A_258 = tpu.vector_load %arg17[%get3A_257] {strides = array<i32>} : memref<128xf32, #tpu.memory_space<vmem>>, vector<16xf32>,
      %get3A_259 = vector.shape_cast %get3A_258 : vector<16xf32> to vector<16xf32>
      %sub3A_260 = arith.subf %get3A_256, %get3A_259 : vector<16xf32>
      %abs3A_261 = math.absf %sub3A_253 : vector<16xf32>
      %gt3A_262 = vector.broadcast %squeeze3A : f32 to vector<16xf32>
      %gt3A_263 = arith.cmpf ogt, %abs3A_261, %gt3A_262 : vector<16xf32>
      %abs3A_264 = math.absf %sub3A_260 : vector<16xf32>
      %gt3A_265 = vector.broadcast %squeeze3A : f32 to vector<16xf32>
      %gt3A_266 = arith.cmpf ogt, %abs3A_264, %gt3A_265 : vector<16xf32>
      %or3A_267 = arith.ori %gt3A_263, %gt3A_266 : vector<16xi1>
      %jit3A_268 = arith.constant 10111 : i32
      %broadcast_in_dim3A_269 = vector.broadcast %jit3A_268 : i32 to vector<16xi32>
      %select_n3A_270 = arith.select %or3A_267, %get3A_246, %broadcast_in_dim3A_269 : vector<16xi1>, vector<16xi32>
      %swap3A_271 = arith.constant 0 : i32
      %swap3A_272 = arith.index_cast %swap3A_271 : i32 to index
      %swap3A_273 = arith.constant 80 : index
      %swap3A_274 = tpu.vector_load %arg12[%swap3A_272, %swap3A_273] {strides = array<i32>} : memref<2x128xi32, #tpu.memory_space<vmem>>, vector<1x16xi32>,
      %swap3A_275 = vector.shape_cast %swap3A_274 : vector<1x16xi32> to vector<16xi32>
      %swap3A_276 = vector.shape_cast %select_n3A_270 : vector<16xi32> to vector<1x16xi32>
      tpu.vector_store %arg12[%swap3A_272, %swap3A_273], %swap3A_276 {strides = array<i32>} : memref<2x128xi32, #tpu.memory_space<vmem>>, vector<1x16xi32>,
      %get3A_277 = arith.constant 96 : index
      %get3A_278 = tpu.vector_load %arg11[%get3A_277] {strides = array<i32>} : memref<128xi32, #tpu.memory_space<vmem>>, vector<16xi32>,
      %get3A_279 = vector.shape_cast %get3A_278 : vector<16xi32> to vector<16xi32>
      %get3A_280 = arith.constant 96 : index
      %get3A_281 = tpu.vector_load %arg14[%get3A_280] {strides = array<i32>} : memref<128xf32, #tpu.memory_space<vmem>>, vector<16xf32>,
      %get3A_282 = vector.shape_cast %get3A_281 : vector<16xf32> to vector<16xf32>
      %get3A_283 = arith.constant 96 : index
      %get3A_284 = tpu.vector_load %arg15[%get3A_283] {strides = array<i32>} : memref<128xf32, #tpu.memory_space<vmem>>, vector<16xf32>,
      %get3A_285 = vector.shape_cast %get3A_284 : vector<16xf32> to vector<16xf32>
      %sub3A_286 = arith.subf %get3A_282, %get3A_285 : vector<16xf32>
      %get3A_287 = arith.constant 96 : index
      %get3A_288 = tpu.vector_load %arg16[%get3A_287] {strides = array<i32>} : memref<128xf32, #tpu.memory_space<vmem>>, vector<16xf32>,
      %get3A_289 = vector.shape_cast %get3A_288 : vector<16xf32> to vector<16xf32>
      %get3A_290 = arith.constant 96 : index
      %get3A_291 = tpu.vector_load %arg17[%get3A_290] {strides = array<i32>} : memref<128xf32, #tpu.memory_space<vmem>>, vector<16xf32>,
      %get3A_292 = vector.shape_cast %get3A_291 : vector<16xf32> to vector<16xf32>
      %sub3A_293 = arith.subf %get3A_289, %get3A_292 : vector<16xf32>
      %abs3A_294 = math.absf %sub3A_286 : vector<16xf32>
      %gt3A_295 = vector.broadcast %squeeze3A : f32 to vector<16xf32>
      %gt3A_296 = arith.cmpf ogt, %abs3A_294, %gt3A_295 : vector<16xf32>
      %abs3A_297 = math.absf %sub3A_293 : vector<16xf32>
      %gt3A_298 = vector.broadcast %squeeze3A : f32 to vector<16xf32>
      %gt3A_299 = arith.cmpf ogt, %abs3A_297, %gt3A_298 : vector<16xf32>
      %or3A_300 = arith.ori %gt3A_296, %gt3A_299 : vector<16xi1>
      %jit3A_301 = arith.constant 10111 : i32
      %broadcast_in_dim3A_302 = vector.broadcast %jit3A_301 : i32 to vector<16xi32>
      %select_n3A_303 = arith.select %or3A_300, %get3A_279, %broadcast_in_dim3A_302 : vector<16xi1>, vector<16xi32>
      %swap3A_304 = arith.constant 0 : i32
      %swap3A_305 = arith.index_cast %swap3A_304 : i32 to index
      %swap3A_306 = arith.constant 96 : index
      %swap3A_307 = tpu.vector_load %arg12[%swap3A_305, %swap3A_306] {strides = array<i32>} : memref<2x128xi32, #tpu.memory_space<vmem>>, vector<1x16xi32>,
      %swap3A_308 = vector.shape_cast %swap3A_307 : vector<1x16xi32> to vector<16xi32>
      %swap3A_309 = vector.shape_cast %select_n3A_303 : vector<16xi32> to vector<1x16xi32>
      tpu.vector_store %arg12[%swap3A_305, %swap3A_306], %swap3A_309 {strides = array<i32>} : memref<2x128xi32, #tpu.memory_space<vmem>>, vector<1x16xi32>,
      %get3A_310 = arith.constant 112 : index
      %get3A_311 = tpu.vector_load %arg11[%get3A_310] {strides = array<i32>} : memref<128xi32, #tpu.memory_space<vmem>>, vector<16xi32>,
      %get3A_312 = vector.shape_cast %get3A_311 : vector<16xi32> to vector<16xi32>
      %get3A_313 = arith.constant 112 : index
      %get3A_314 = tpu.vector_load %arg14[%get3A_313] {strides = array<i32>} : memref<128xf32, #tpu.memory_space<vmem>>, vector<16xf32>,
      %get3A_315 = vector.shape_cast %get3A_314 : vector<16xf32> to vector<16xf32>
      %get3A_316 = arith.constant 112 : index
      %get3A_317 = tpu.vector_load %arg15[%get3A_316] {strides = array<i32>} : memref<128xf32, #tpu.memory_space<vmem>>, vector<16xf32>,
      %get3A_318 = vector.shape_cast %get3A_317 : vector<16xf32> to vector<16xf32>
      %sub3A_319 = arith.subf %get3A_315, %get3A_318 : vector<16xf32>
      %get3A_320 = arith.constant 112 : index
      %get3A_321 = tpu.vector_load %arg16[%get3A_320] {strides = array<i32>} : memref<128xf32, #tpu.memory_space<vmem>>, vector<16xf32>,
      %get3A_322 = vector.shape_cast %get3A_321 : vector<16xf32> to vector<16xf32>
      %get3A_323 = arith.constant 112 : index
      %get3A_324 = tpu.vector_load %arg17[%get3A_323] {strides = array<i32>} : memref<128xf32, #tpu.memory_space<vmem>>, vector<16xf32>,
      %get3A_325 = vector.shape_cast %get3A_324 : vector<16xf32> to vector<16xf32>
      %sub3A_326 = arith.subf %get3A_322, %get3A_325 : vector<16xf32>
      %abs3A_327 = math.absf %sub3A_319 : vector<16xf32>
      %gt3A_328 = vector.broadcast %squeeze3A : f32 to vector<16xf32>
      %gt3A_329 = arith.cmpf ogt, %abs3A_327, %gt3A_328 : vector<16xf32>
      %abs3A_330 = math.absf %sub3A_326 : vector<16xf32>
      %gt3A_331 = vector.broadcast %squeeze3A : f32 to vector<16xf32>
      %gt3A_332 = arith.cmpf ogt, %abs3A_330, %gt3A_331 : vector<16xf32>
      %or3A_333 = arith.ori %gt3A_329, %gt3A_332 : vector<16xi1>
      %jit3A_334 = arith.constant 10111 : i32
      %broadcast_in_dim3A_335 = vector.broadcast %jit3A_334 : i32 to vector<16xi32>
      %select_n3A_336 = arith.select %or3A_333, %get3A_312, %broadcast_in_dim3A_335 : vector<16xi1>, vector<16xi32>
      %swap3A_337 = arith.constant 0 : i32
      %swap3A_338 = arith.index_cast %swap3A_337 : i32 to index
      %swap3A_339 = arith.constant 112 : index
      %swap3A_340 = tpu.vector_load %arg12[%swap3A_338, %swap3A_339] {strides = array<i32>} : memref<2x128xi32, #tpu.memory_space<vmem>>, vector<1x16xi32>,
      %swap3A_341 = vector.shape_cast %swap3A_340 : vector<1x16xi32> to vector<16xi32>
      %swap3A_342 = vector.shape_cast %select_n3A_336 : vector<16xi32> to vector<1x16xi32>
      tpu.vector_store %arg12[%swap3A_338, %swap3A_339], %swap3A_342 {strides = array<i32>} : memref<2x128xi32, #tpu.memory_space<vmem>>, vector<1x16xi32>,
      %dma_start3A_343 = arith.constant 0 : i32
      %dma_start3A_344 = arith.constant 0 : i32
      %dma_start3A_345 = arith.constant 0 : i32
      %dma_start3A_346 = arith.constant 0 : i32
      %dma_start3A_347 = tpu.memref_slice %arg13[%dma_start3A_343, %dma_start3A_345, %dma_start3A_346] : memref<2x128x128xf32, #tpu.memory_space<vmem>> -> memref<1x128x128xf32, #tpu.memory_space<vmem>>
      %dma_start3A_348 = tpu.memref_squeeze %dma_start3A_347 : memref<1x128x128xf32, #tpu.memory_space<vmem>> -> memref<128x128xf32, #tpu.memory_space<vmem>>
      %dma_start3A_349 = arith.constant 0 : i32
      %dma_start3A_350 = tpu.memref_slice %arg12[%dma_start3A_344, %dma_start3A_349] : memref<2x128xi32, #tpu.memory_space<vmem>> -> memref<1x128xi32, #tpu.memory_space<vmem>>
      %dma_start3A_351 = tpu.memref_squeeze %dma_start3A_350 : memref<1x128xi32, #tpu.memory_space<vmem>> -> memref<128xi32, #tpu.memory_space<vmem>>
      %dma_start3A_352 = arith.constant 0 : i32
      %dma_start3A_353 = arith.constant 0 : i32
      %dma_start3A_354 = tpu.memref_slice %arg18[%dma_start3A_352, %dma_start3A_353] : memref<10112x128xf32, #tpu.memory_space<vmem_shared>> -> memref<10112x128xf32, #tpu.memory_space<vmem_shared>>
      tpu.enqueue_indirect_dma source(%dma_start3A_348 : memref<128x128xf32, #tpu.memory_space<vmem>>) target(%dma_start3A_354 : memref<10112x128xf32, #tpu.memory_space<vmem_shared>>) offsets(%dma_start3A_351 : memref<128xi32, #tpu.memory_space<vmem>>) semaphore(%arg22 : memref<!tpu.dma_semaphore, #tpu.memory_space<semaphore_mem>>) {add = true}
      %mul3A_355 = arith.constant 2 : i32
      %mul3A_356 = arith.muli %scan3A_40, %mul3A_355 : i32
      %add3A_357 = arith.constant 1 : i32
      %add3A_358 = arith.addi %mul3A_356, %add3A_357 : i32
      "tpu.region"() ({
        %run_scoped3A = tpu.sem_alloc : memref<!tpu.dma_semaphore, #tpu.memory_space<semaphore_mem>>
        %dma_start3A_680 = arith.constant 0 : i32
        %dma_start3A_681 = tpu.memref_slice %arg2[%add3A, %add3A_358, %dma_start3A_680] : memref<32x40x128xi32, #tpu.memory_space<hbm>> -> memref<1x1x128xi32, #tpu.memory_space<hbm>>
        %dma_start3A_682 = tpu.memref_squeeze %dma_start3A_681 : memref<1x1x128xi32, #tpu.memory_space<hbm>> -> memref<128xi32, #tpu.memory_space<hbm>>
        %dma_start3A_683 = arith.constant 0 : i32
        %dma_start3A_684 = tpu.memref_slice %arg2[%add3A, %add3A_358, %dma_start3A_683] : memref<32x40x128xi32, #tpu.memory_space<hbm>> -> memref<1x1x128xi32, #tpu.memory_space<hbm>>
        %dma_start3A_685 = tpu.memref_squeeze %dma_start3A_684 : memref<1x1x128xi32, #tpu.memory_space<hbm>> -> memref<128xi32, #tpu.memory_space<hbm>>
        tpu.enqueue_dma source(%dma_start3A_685 : memref<128xi32, #tpu.memory_space<hbm>>) target(%arg10 : memref<128xi32, #tpu.memory_space<vmem>>) target_semaphore(%run_scoped3A : memref<!tpu.dma_semaphore, #tpu.memory_space<semaphore_mem>>)
        %dma_wait3A_686 = arith.constant 0 : i32
        %dma_wait3A_687 = tpu.memref_slice %arg2[%add3A, %add3A_358, %dma_wait3A_686] : memref<32x40x128xi32, #tpu.memory_space<hbm>> -> memref<1x1x128xi32, #tpu.memory_space<hbm>>
        %dma_wait3A_688 = tpu.memref_squeeze %dma_wait3A_687 : memref<1x1x128xi32, #tpu.memory_space<hbm>> -> memref<128xi32, #tpu.memory_space<hbm>>
        %dma_wait3A_689 = arith.constant 0 : i32
        %dma_wait3A_690 = tpu.memref_slice %arg2[%add3A, %add3A_358, %dma_wait3A_689] : memref<32x40x128xi32, #tpu.memory_space<hbm>> -> memref<1x1x128xi32, #tpu.memory_space<hbm>>
        %dma_wait3A_691 = tpu.memref_squeeze %dma_wait3A_690 : memref<1x1x128xi32, #tpu.memory_space<hbm>> -> memref<128xi32, #tpu.memory_space<hbm>>
        tpu.wait_dma2 semaphore(%run_scoped3A : memref<!tpu.dma_semaphore, #tpu.memory_space<semaphore_mem>>) src(%dma_wait3A_691 : memref<128xi32, #tpu.memory_space<hbm>>) dst(%arg10 : memref<128xi32, #tpu.memory_space<vmem>>)
        tpu.yield
      }) : () -> ()
      "tpu.region"() ({
        %run_scoped3A = tpu.sem_alloc : memref<!tpu.dma_semaphore, #tpu.memory_space<semaphore_mem>>
        %dma_start3A_680 = arith.constant 0 : i32
        %dma_start3A_681 = tpu.memref_slice %arg3[%add3A, %add3A_358, %dma_start3A_680] : memref<32x40x128xi32, #tpu.memory_space<hbm>> -> memref<1x1x128xi32, #tpu.memory_space<hbm>>
        %dma_start3A_682 = tpu.memref_squeeze %dma_start3A_681 : memref<1x1x128xi32, #tpu.memory_space<hbm>> -> memref<128xi32, #tpu.memory_space<hbm>>
        %dma_start3A_683 = arith.constant 0 : i32
        %dma_start3A_684 = tpu.memref_slice %arg3[%add3A, %add3A_358, %dma_start3A_683] : memref<32x40x128xi32, #tpu.memory_space<hbm>> -> memref<1x1x128xi32, #tpu.memory_space<hbm>>
        %dma_start3A_685 = tpu.memref_squeeze %dma_start3A_684 : memref<1x1x128xi32, #tpu.memory_space<hbm>> -> memref<128xi32, #tpu.memory_space<hbm>>
        tpu.enqueue_dma source(%dma_start3A_685 : memref<128xi32, #tpu.memory_space<hbm>>) target(%arg11 : memref<128xi32, #tpu.memory_space<vmem>>) target_semaphore(%run_scoped3A : memref<!tpu.dma_semaphore, #tpu.memory_space<semaphore_mem>>)
        %dma_wait3A_686 = arith.constant 0 : i32
        %dma_wait3A_687 = tpu.memref_slice %arg3[%add3A, %add3A_358, %dma_wait3A_686] : memref<32x40x128xi32, #tpu.memory_space<hbm>> -> memref<1x1x128xi32, #tpu.memory_space<hbm>>
        %dma_wait3A_688 = tpu.memref_squeeze %dma_wait3A_687 : memref<1x1x128xi32, #tpu.memory_space<hbm>> -> memref<128xi32, #tpu.memory_space<hbm>>
        %dma_wait3A_689 = arith.constant 0 : i32
        %dma_wait3A_690 = tpu.memref_slice %arg3[%add3A, %add3A_358, %dma_wait3A_689] : memref<32x40x128xi32, #tpu.memory_space<hbm>> -> memref<1x1x128xi32, #tpu.memory_space<hbm>>
        %dma_wait3A_691 = tpu.memref_squeeze %dma_wait3A_690 : memref<1x1x128xi32, #tpu.memory_space<hbm>> -> memref<128xi32, #tpu.memory_space<hbm>>
        tpu.wait_dma2 semaphore(%run_scoped3A : memref<!tpu.dma_semaphore, #tpu.memory_space<semaphore_mem>>) src(%dma_wait3A_691 : memref<128xi32, #tpu.memory_space<hbm>>) dst(%arg11 : memref<128xi32, #tpu.memory_space<vmem>>)
        tpu.yield
      }) : () -> ()
      %dma_start3A_359 = arith.constant 0 : i32
      %dma_start3A_360 = tpu.memref_slice %arg5[%dma_start3A_359] : memref<10000xf32, #tpu.memory_space<hbm>> -> memref<10000xf32, #tpu.memory_space<hbm>>
      tpu.enqueue_indirect_dma source(%dma_start3A_360 : memref<10000xf32, #tpu.memory_space<hbm>>) target(%arg14 : memref<128xf32, #tpu.memory_space<vmem>>) offsets(%arg10 : memref<128xi32, #tpu.memory_space<vmem>>) semaphore(%arg21 : memref<!tpu.dma_semaphore, #tpu.memory_space<semaphore_mem>>)
      %dma_start3A_361 = arith.constant 0 : i32
      %dma_start3A_362 = tpu.memref_slice %arg5[%dma_start3A_361] : memref<10000xf32, #tpu.memory_space<hbm>> -> memref<10000xf32, #tpu.memory_space<hbm>>
      tpu.enqueue_indirect_dma source(%dma_start3A_362 : memref<10000xf32, #tpu.memory_space<hbm>>) target(%arg15 : memref<128xf32, #tpu.memory_space<vmem>>) offsets(%arg11 : memref<128xi32, #tpu.memory_space<vmem>>) semaphore(%arg21 : memref<!tpu.dma_semaphore, #tpu.memory_space<semaphore_mem>>)
      %dma_start3A_363 = arith.constant 0 : i32
      %dma_start3A_364 = tpu.memref_slice %arg6[%dma_start3A_363] : memref<10000xf32, #tpu.memory_space<hbm>> -> memref<10000xf32, #tpu.memory_space<hbm>>
      tpu.enqueue_indirect_dma source(%dma_start3A_364 : memref<10000xf32, #tpu.memory_space<hbm>>) target(%arg16 : memref<128xf32, #tpu.memory_space<vmem>>) offsets(%arg10 : memref<128xi32, #tpu.memory_space<vmem>>) semaphore(%arg21 : memref<!tpu.dma_semaphore, #tpu.memory_space<semaphore_mem>>)
      %dma_start3A_365 = arith.constant 0 : i32
      %dma_start3A_366 = tpu.memref_slice %arg6[%dma_start3A_365] : memref<10000xf32, #tpu.memory_space<hbm>> -> memref<10000xf32, #tpu.memory_space<hbm>>
      tpu.enqueue_indirect_dma source(%dma_start3A_366 : memref<10000xf32, #tpu.memory_space<hbm>>) target(%arg17 : memref<128xf32, #tpu.memory_space<vmem>>) offsets(%arg11 : memref<128xi32, #tpu.memory_space<vmem>>) semaphore(%arg21 : memref<!tpu.dma_semaphore, #tpu.memory_space<semaphore_mem>>)
      %gt3A_367 = arith.constant 0 : i32
      %gt3A_368 = arith.cmpi sgt, %scan3A_40, %gt3A_367 : i32
      %or3A_369 = arith.constant true
      %or3A_370 = arith.ori %gt3A_368, %or3A_369 : i1
      %convert_element_type3A_371 = arith.extui %or3A_370 : i1 to i32
      %cond3A_372 = arith.constant 0 : i32
      %cond3A_373 = arith.cmpi ne, %convert_element_type3A_371, %cond3A_372 : i32
      scf.if %cond3A_373 {
        %dma_wait3A_680 = arith.constant 0 : i32
        %dma_wait3A_681 = arith.constant 0 : i32
        %dma_wait3A_682 = arith.constant 0 : i32
        %dma_wait3A_683 = arith.constant 0 : i32
        %dma_wait3A_684 = tpu.memref_slice %arg13[%dma_wait3A_680, %dma_wait3A_682, %dma_wait3A_683] : memref<2x128x128xf32, #tpu.memory_space<vmem>> -> memref<1x128x128xf32, #tpu.memory_space<vmem>>
        %dma_wait3A_685 = tpu.memref_squeeze %dma_wait3A_684 : memref<1x128x128xf32, #tpu.memory_space<vmem>> -> memref<128x128xf32, #tpu.memory_space<vmem>>
        %dma_wait3A_686 = arith.constant 0 : i32
        %dma_wait3A_687 = tpu.memref_slice %arg12[%dma_wait3A_681, %dma_wait3A_686] : memref<2x128xi32, #tpu.memory_space<vmem>> -> memref<1x128xi32, #tpu.memory_space<vmem>>
        %dma_wait3A_688 = tpu.memref_squeeze %dma_wait3A_687 : memref<1x128xi32, #tpu.memory_space<vmem>> -> memref<128xi32, #tpu.memory_space<vmem>>
        %dma_wait3A_689 = arith.constant 0 : i32
        %dma_wait3A_690 = arith.constant 0 : i32
        %dma_wait3A_691 = tpu.memref_slice %arg18[%dma_wait3A_689, %dma_wait3A_690] : memref<10112x128xf32, #tpu.memory_space<vmem_shared>> -> memref<10112x128xf32, #tpu.memory_space<vmem_shared>>
        tpu.wait_indirect_dma semaphore(%arg22 : memref<!tpu.dma_semaphore, #tpu.memory_space<semaphore_mem>>) src(%dma_wait3A_685 : memref<128x128xf32, #tpu.memory_space<vmem>>) dst(%dma_wait3A_691 : memref<10112x128xf32, #tpu.memory_space<vmem_shared>>)
      } else {
      }
      %add3A_374 = arith.constant 1 : i32
      %add3A_375 = arith.addi %add3A_358, %add3A_374 : i32
      %lt3A_376 = arith.constant 40 : i32
      %lt3A_377 = arith.cmpi slt, %add3A_375, %lt3A_376 : i32
      %convert_element_type3A_378 = arith.extui %lt3A_377 : i1 to i32
      %cond3A_379 = arith.constant 0 : i32
      %cond3A_380 = arith.cmpi ne, %convert_element_type3A_378, %cond3A_379 : i32
      scf.if %cond3A_380 {
        %add3A_680 = arith.constant 1 : i32
        %add3A_681 = arith.addi %add3A_358, %add3A_680 : i32
        %mul3A_682 = arith.constant 128 : i32
        %mul3A_683 = arith.muli %add3A_681, %mul3A_682 : i32
        %add3A_684 = arith.addi %mul3A_4, %mul3A_683 : i32
        %dma_start3A_685 = arith.constant 0 : i32
        %dma_start3A_686 = arith.constant 0 : i32
        %dma_start3A_687 = arith.constant 0 : i32
        %dma_start3A_688 = tpu.memref_slice %arg13[%dma_start3A_685, %dma_start3A_686, %dma_start3A_687] : memref<2x128x128xf32, #tpu.memory_space<vmem>> -> memref<1x128x128xf32, #tpu.memory_space<vmem>>
        %dma_start3A_689 = tpu.memref_squeeze %dma_start3A_688 : memref<1x128x128xf32, #tpu.memory_space<vmem>> -> memref<128x128xf32, #tpu.memory_space<vmem>>
        %dma_start3A_690 = arith.constant 0 : i32
        %dma_start3A_691 = tpu.memref_slice %arg4[%add3A_684, %dma_start3A_690] : memref<163840x128xf32, #tpu.memory_space<hbm>> -> memref<128x128xf32, #tpu.memory_space<hbm>>
        %dma_start3A_692 = arith.constant 0 : i32
        %dma_start3A_693 = arith.constant 0 : i32
        %dma_start3A_694 = tpu.memref_slice %arg13[%dma_start3A_685, %dma_start3A_692, %dma_start3A_693] : memref<2x128x128xf32, #tpu.memory_space<vmem>> -> memref<1x128x128xf32, #tpu.memory_space<vmem>>
        %dma_start3A_695 = tpu.memref_squeeze %dma_start3A_694 : memref<1x128x128xf32, #tpu.memory_space<vmem>> -> memref<128x128xf32, #tpu.memory_space<vmem>>
        %dma_start3A_696 = arith.constant 0 : i32
        %dma_start3A_697 = tpu.memref_slice %arg4[%add3A_684, %dma_start3A_696] : memref<163840x128xf32, #tpu.memory_space<hbm>> -> memref<128x128xf32, #tpu.memory_space<hbm>>
        tpu.enqueue_dma source(%dma_start3A_697 : memref<128x128xf32, #tpu.memory_space<hbm>>) target(%dma_start3A_695 : memref<128x128xf32, #tpu.memory_space<vmem>>) target_semaphore(%arg19 : memref<!tpu.dma_semaphore, #tpu.memory_space<semaphore_mem>>)
      } else {
      }
      %dma_wait3A_381 = arith.constant 1 : i32
      %dma_wait3A_382 = arith.constant 0 : i32
      %dma_wait3A_383 = arith.constant 0 : i32
      %dma_wait3A_384 = tpu.memref_slice %arg13[%dma_wait3A_381, %dma_wait3A_382, %dma_wait3A_383] : memref<2x128x128xf32, #tpu.memory_space<vmem>> -> memref<1x128x128xf32, #tpu.memory_space<vmem>>
      %dma_wait3A_385 = tpu.memref_squeeze %dma_wait3A_384 : memref<1x128x128xf32, #tpu.memory_space<vmem>> -> memref<128x128xf32, #tpu.memory_space<vmem>>
      %dma_wait3A_386 = arith.constant 0 : i32
      %dma_wait3A_387 = arith.constant 0 : i32
      %dma_wait3A_388 = tpu.memref_slice %arg4[%dma_wait3A_386, %dma_wait3A_387] : memref<163840x128xf32, #tpu.memory_space<hbm>> -> memref<128x128xf32, #tpu.memory_space<hbm>>
      %dma_wait3A_389 = arith.constant 0 : i32
      %dma_wait3A_390 = arith.constant 0 : i32
      %dma_wait3A_391 = tpu.memref_slice %arg13[%dma_wait3A_381, %dma_wait3A_389, %dma_wait3A_390] : memref<2x128x128xf32, #tpu.memory_space<vmem>> -> memref<1x128x128xf32, #tpu.memory_space<vmem>>
      %dma_wait3A_392 = tpu.memref_squeeze %dma_wait3A_391 : memref<1x128x128xf32, #tpu.memory_space<vmem>> -> memref<128x128xf32, #tpu.memory_space<vmem>>
      %dma_wait3A_393 = arith.constant 0 : i32
      %dma_wait3A_394 = arith.constant 0 : i32
      %dma_wait3A_395 = tpu.memref_slice %arg4[%dma_wait3A_393, %dma_wait3A_394] : memref<163840x128xf32, #tpu.memory_space<hbm>> -> memref<128x128xf32, #tpu.memory_space<hbm>>
      tpu.wait_dma2 semaphore(%arg20 : memref<!tpu.dma_semaphore, #tpu.memory_space<semaphore_mem>>) src(%dma_wait3A_395 : memref<128x128xf32, #tpu.memory_space<hbm>>) dst(%dma_wait3A_392 : memref<128x128xf32, #tpu.memory_space<vmem>>)
      %dma_wait3A_396 = arith.constant 0 : i32
      %dma_wait3A_397 = tpu.memref_slice %arg5[%dma_wait3A_396] : memref<10000xf32, #tpu.memory_space<hbm>> -> memref<10000xf32, #tpu.memory_space<hbm>>
      tpu.wait_indirect_dma semaphore(%arg21 : memref<!tpu.dma_semaphore, #tpu.memory_space<semaphore_mem>>) src(%dma_wait3A_397 : memref<10000xf32, #tpu.memory_space<hbm>>) dst(%arg14 : memref<128xf32, #tpu.memory_space<vmem>>)
      %dma_wait3A_398 = arith.constant 0 : i32
      %dma_wait3A_399 = tpu.memref_slice %arg5[%dma_wait3A_398] : memref<10000xf32, #tpu.memory_space<hbm>> -> memref<10000xf32, #tpu.memory_space<hbm>>
      tpu.wait_indirect_dma semaphore(%arg21 : memref<!tpu.dma_semaphore, #tpu.memory_space<semaphore_mem>>) src(%dma_wait3A_399 : memref<10000xf32, #tpu.memory_space<hbm>>) dst(%arg15 : memref<128xf32, #tpu.memory_space<vmem>>)
      %dma_wait3A_400 = arith.constant 0 : i32
      %dma_wait3A_401 = tpu.memref_slice %arg6[%dma_wait3A_400] : memref<10000xf32, #tpu.memory_space<hbm>> -> memref<10000xf32, #tpu.memory_space<hbm>>
      tpu.wait_indirect_dma semaphore(%arg21 : memref<!tpu.dma_semaphore, #tpu.memory_space<semaphore_mem>>) src(%dma_wait3A_401 : memref<10000xf32, #tpu.memory_space<hbm>>) dst(%arg16 : memref<128xf32, #tpu.memory_space<vmem>>)
      %dma_wait3A_402 = arith.constant 0 : i32
      %dma_wait3A_403 = tpu.memref_slice %arg6[%dma_wait3A_402] : memref<10000xf32, #tpu.memory_space<hbm>> -> memref<10000xf32, #tpu.memory_space<hbm>>
      tpu.wait_indirect_dma semaphore(%arg21 : memref<!tpu.dma_semaphore, #tpu.memory_space<semaphore_mem>>) src(%dma_wait3A_403 : memref<10000xf32, #tpu.memory_space<hbm>>) dst(%arg17 : memref<128xf32, #tpu.memory_space<vmem>>)
      %get3A_404 = arith.constant 0 : index
      %get3A_405 = tpu.vector_load %arg11[%get3A_404] {strides = array<i32>} : memref<128xi32, #tpu.memory_space<vmem>>, vector<16xi32>,
      %get3A_406 = vector.shape_cast %get3A_405 : vector<16xi32> to vector<16xi32>
      %get3A_407 = arith.constant 0 : index
      %get3A_408 = tpu.vector_load %arg14[%get3A_407] {strides = array<i32>} : memref<128xf32, #tpu.memory_space<vmem>>, vector<16xf32>,
      %get3A_409 = vector.shape_cast %get3A_408 : vector<16xf32> to vector<16xf32>
      %get3A_410 = arith.constant 0 : index
      %get3A_411 = tpu.vector_load %arg15[%get3A_410] {strides = array<i32>} : memref<128xf32, #tpu.memory_space<vmem>>, vector<16xf32>,
      %get3A_412 = vector.shape_cast %get3A_411 : vector<16xf32> to vector<16xf32>
      %sub3A_413 = arith.subf %get3A_409, %get3A_412 : vector<16xf32>
      %get3A_414 = arith.constant 0 : index
      %get3A_415 = tpu.vector_load %arg16[%get3A_414] {strides = array<i32>} : memref<128xf32, #tpu.memory_space<vmem>>, vector<16xf32>,
      %get3A_416 = vector.shape_cast %get3A_415 : vector<16xf32> to vector<16xf32>
      %get3A_417 = arith.constant 0 : index
      %get3A_418 = tpu.vector_load %arg17[%get3A_417] {strides = array<i32>} : memref<128xf32, #tpu.memory_space<vmem>>, vector<16xf32>,
      %get3A_419 = vector.shape_cast %get3A_418 : vector<16xf32> to vector<16xf32>
      %sub3A_420 = arith.subf %get3A_416, %get3A_419 : vector<16xf32>
      %abs3A_421 = math.absf %sub3A_413 : vector<16xf32>
      %gt3A_422 = vector.broadcast %squeeze3A : f32 to vector<16xf32>
      %gt3A_423 = arith.cmpf ogt, %abs3A_421, %gt3A_422 : vector<16xf32>
      %abs3A_424 = math.absf %sub3A_420 : vector<16xf32>
      %gt3A_425 = vector.broadcast %squeeze3A : f32 to vector<16xf32>
      %gt3A_426 = arith.cmpf ogt, %abs3A_424, %gt3A_425 : vector<16xf32>
      %or3A_427 = arith.ori %gt3A_423, %gt3A_426 : vector<16xi1>
      %jit3A_428 = arith.constant 10111 : i32
      %broadcast_in_dim3A_429 = vector.broadcast %jit3A_428 : i32 to vector<16xi32>
      %select_n3A_430 = arith.select %or3A_427, %get3A_406, %broadcast_in_dim3A_429 : vector<16xi1>, vector<16xi32>
      %swap3A_431 = arith.constant 1 : i32
      %swap3A_432 = arith.index_cast %swap3A_431 : i32 to index
      %swap3A_433 = arith.constant 0 : index
      %swap3A_434 = tpu.vector_load %arg12[%swap3A_432, %swap3A_433] {strides = array<i32>} : memref<2x128xi32, #tpu.memory_space<vmem>>, vector<1x16xi32>,
      %swap3A_435 = vector.shape_cast %swap3A_434 : vector<1x16xi32> to vector<16xi32>
      %swap3A_436 = vector.shape_cast %select_n3A_430 : vector<16xi32> to vector<1x16xi32>
      tpu.vector_store %arg12[%swap3A_432, %swap3A_433], %swap3A_436 {strides = array<i32>} : memref<2x128xi32, #tpu.memory_space<vmem>>, vector<1x16xi32>,
      %get3A_437 = arith.constant 16 : index
      %get3A_438 = tpu.vector_load %arg11[%get3A_437] {strides = array<i32>} : memref<128xi32, #tpu.memory_space<vmem>>, vector<16xi32>,
      %get3A_439 = vector.shape_cast %get3A_438 : vector<16xi32> to vector<16xi32>
      %get3A_440 = arith.constant 16 : index
      %get3A_441 = tpu.vector_load %arg14[%get3A_440] {strides = array<i32>} : memref<128xf32, #tpu.memory_space<vmem>>, vector<16xf32>,
      %get3A_442 = vector.shape_cast %get3A_441 : vector<16xf32> to vector<16xf32>
      %get3A_443 = arith.constant 16 : index
      %get3A_444 = tpu.vector_load %arg15[%get3A_443] {strides = array<i32>} : memref<128xf32, #tpu.memory_space<vmem>>, vector<16xf32>,
      %get3A_445 = vector.shape_cast %get3A_444 : vector<16xf32> to vector<16xf32>
      %sub3A_446 = arith.subf %get3A_442, %get3A_445 : vector<16xf32>
      %get3A_447 = arith.constant 16 : index
      %get3A_448 = tpu.vector_load %arg16[%get3A_447] {strides = array<i32>} : memref<128xf32, #tpu.memory_space<vmem>>, vector<16xf32>,
      %get3A_449 = vector.shape_cast %get3A_448 : vector<16xf32> to vector<16xf32>
      %get3A_450 = arith.constant 16 : index
      %get3A_451 = tpu.vector_load %arg17[%get3A_450] {strides = array<i32>} : memref<128xf32, #tpu.memory_space<vmem>>, vector<16xf32>,
      %get3A_452 = vector.shape_cast %get3A_451 : vector<16xf32> to vector<16xf32>
      %sub3A_453 = arith.subf %get3A_449, %get3A_452 : vector<16xf32>
      %abs3A_454 = math.absf %sub3A_446 : vector<16xf32>
      %gt3A_455 = vector.broadcast %squeeze3A : f32 to vector<16xf32>
      %gt3A_456 = arith.cmpf ogt, %abs3A_454, %gt3A_455 : vector<16xf32>
      %abs3A_457 = math.absf %sub3A_453 : vector<16xf32>
      %gt3A_458 = vector.broadcast %squeeze3A : f32 to vector<16xf32>
      %gt3A_459 = arith.cmpf ogt, %abs3A_457, %gt3A_458 : vector<16xf32>
      %or3A_460 = arith.ori %gt3A_456, %gt3A_459 : vector<16xi1>
      %jit3A_461 = arith.constant 10111 : i32
      %broadcast_in_dim3A_462 = vector.broadcast %jit3A_461 : i32 to vector<16xi32>
      %select_n3A_463 = arith.select %or3A_460, %get3A_439, %broadcast_in_dim3A_462 : vector<16xi1>, vector<16xi32>
      %swap3A_464 = arith.constant 1 : i32
      %swap3A_465 = arith.index_cast %swap3A_464 : i32 to index
      %swap3A_466 = arith.constant 16 : index
      %swap3A_467 = tpu.vector_load %arg12[%swap3A_465, %swap3A_466] {strides = array<i32>} : memref<2x128xi32, #tpu.memory_space<vmem>>, vector<1x16xi32>,
      %swap3A_468 = vector.shape_cast %swap3A_467 : vector<1x16xi32> to vector<16xi32>
      %swap3A_469 = vector.shape_cast %select_n3A_463 : vector<16xi32> to vector<1x16xi32>
      tpu.vector_store %arg12[%swap3A_465, %swap3A_466], %swap3A_469 {strides = array<i32>} : memref<2x128xi32, #tpu.memory_space<vmem>>, vector<1x16xi32>,
      %get3A_470 = arith.constant 32 : index
      %get3A_471 = tpu.vector_load %arg11[%get3A_470] {strides = array<i32>} : memref<128xi32, #tpu.memory_space<vmem>>, vector<16xi32>,
      %get3A_472 = vector.shape_cast %get3A_471 : vector<16xi32> to vector<16xi32>
      %get3A_473 = arith.constant 32 : index
      %get3A_474 = tpu.vector_load %arg14[%get3A_473] {strides = array<i32>} : memref<128xf32, #tpu.memory_space<vmem>>, vector<16xf32>,
      %get3A_475 = vector.shape_cast %get3A_474 : vector<16xf32> to vector<16xf32>
      %get3A_476 = arith.constant 32 : index
      %get3A_477 = tpu.vector_load %arg15[%get3A_476] {strides = array<i32>} : memref<128xf32, #tpu.memory_space<vmem>>, vector<16xf32>,
      %get3A_478 = vector.shape_cast %get3A_477 : vector<16xf32> to vector<16xf32>
      %sub3A_479 = arith.subf %get3A_475, %get3A_478 : vector<16xf32>
      %get3A_480 = arith.constant 32 : index
      %get3A_481 = tpu.vector_load %arg16[%get3A_480] {strides = array<i32>} : memref<128xf32, #tpu.memory_space<vmem>>, vector<16xf32>,
      %get3A_482 = vector.shape_cast %get3A_481 : vector<16xf32> to vector<16xf32>
      %get3A_483 = arith.constant 32 : index
      %get3A_484 = tpu.vector_load %arg17[%get3A_483] {strides = array<i32>} : memref<128xf32, #tpu.memory_space<vmem>>, vector<16xf32>,
      %get3A_485 = vector.shape_cast %get3A_484 : vector<16xf32> to vector<16xf32>
      %sub3A_486 = arith.subf %get3A_482, %get3A_485 : vector<16xf32>
      %abs3A_487 = math.absf %sub3A_479 : vector<16xf32>
      %gt3A_488 = vector.broadcast %squeeze3A : f32 to vector<16xf32>
      %gt3A_489 = arith.cmpf ogt, %abs3A_487, %gt3A_488 : vector<16xf32>
      %abs3A_490 = math.absf %sub3A_486 : vector<16xf32>
      %gt3A_491 = vector.broadcast %squeeze3A : f32 to vector<16xf32>
      %gt3A_492 = arith.cmpf ogt, %abs3A_490, %gt3A_491 : vector<16xf32>
      %or3A_493 = arith.ori %gt3A_489, %gt3A_492 : vector<16xi1>
      %jit3A_494 = arith.constant 10111 : i32
      %broadcast_in_dim3A_495 = vector.broadcast %jit3A_494 : i32 to vector<16xi32>
      %select_n3A_496 = arith.select %or3A_493, %get3A_472, %broadcast_in_dim3A_495 : vector<16xi1>, vector<16xi32>
      %swap3A_497 = arith.constant 1 : i32
      %swap3A_498 = arith.index_cast %swap3A_497 : i32 to index
      %swap3A_499 = arith.constant 32 : index
      %swap3A_500 = tpu.vector_load %arg12[%swap3A_498, %swap3A_499] {strides = array<i32>} : memref<2x128xi32, #tpu.memory_space<vmem>>, vector<1x16xi32>,
      %swap3A_501 = vector.shape_cast %swap3A_500 : vector<1x16xi32> to vector<16xi32>
      %swap3A_502 = vector.shape_cast %select_n3A_496 : vector<16xi32> to vector<1x16xi32>
      tpu.vector_store %arg12[%swap3A_498, %swap3A_499], %swap3A_502 {strides = array<i32>} : memref<2x128xi32, #tpu.memory_space<vmem>>, vector<1x16xi32>,
      %get3A_503 = arith.constant 48 : index
      %get3A_504 = tpu.vector_load %arg11[%get3A_503] {strides = array<i32>} : memref<128xi32, #tpu.memory_space<vmem>>, vector<16xi32>,
      %get3A_505 = vector.shape_cast %get3A_504 : vector<16xi32> to vector<16xi32>
      %get3A_506 = arith.constant 48 : index
      %get3A_507 = tpu.vector_load %arg14[%get3A_506] {strides = array<i32>} : memref<128xf32, #tpu.memory_space<vmem>>, vector<16xf32>,
      %get3A_508 = vector.shape_cast %get3A_507 : vector<16xf32> to vector<16xf32>
      %get3A_509 = arith.constant 48 : index
      %get3A_510 = tpu.vector_load %arg15[%get3A_509] {strides = array<i32>} : memref<128xf32, #tpu.memory_space<vmem>>, vector<16xf32>,
      %get3A_511 = vector.shape_cast %get3A_510 : vector<16xf32> to vector<16xf32>
      %sub3A_512 = arith.subf %get3A_508, %get3A_511 : vector<16xf32>
      %get3A_513 = arith.constant 48 : index
      %get3A_514 = tpu.vector_load %arg16[%get3A_513] {strides = array<i32>} : memref<128xf32, #tpu.memory_space<vmem>>, vector<16xf32>,
      %get3A_515 = vector.shape_cast %get3A_514 : vector<16xf32> to vector<16xf32>
      %get3A_516 = arith.constant 48 : index
      %get3A_517 = tpu.vector_load %arg17[%get3A_516] {strides = array<i32>} : memref<128xf32, #tpu.memory_space<vmem>>, vector<16xf32>,
      %get3A_518 = vector.shape_cast %get3A_517 : vector<16xf32> to vector<16xf32>
      %sub3A_519 = arith.subf %get3A_515, %get3A_518 : vector<16xf32>
      %abs3A_520 = math.absf %sub3A_512 : vector<16xf32>
      %gt3A_521 = vector.broadcast %squeeze3A : f32 to vector<16xf32>
      %gt3A_522 = arith.cmpf ogt, %abs3A_520, %gt3A_521 : vector<16xf32>
      %abs3A_523 = math.absf %sub3A_519 : vector<16xf32>
      %gt3A_524 = vector.broadcast %squeeze3A : f32 to vector<16xf32>
      %gt3A_525 = arith.cmpf ogt, %abs3A_523, %gt3A_524 : vector<16xf32>
      %or3A_526 = arith.ori %gt3A_522, %gt3A_525 : vector<16xi1>
      %jit3A_527 = arith.constant 10111 : i32
      %broadcast_in_dim3A_528 = vector.broadcast %jit3A_527 : i32 to vector<16xi32>
      %select_n3A_529 = arith.select %or3A_526, %get3A_505, %broadcast_in_dim3A_528 : vector<16xi1>, vector<16xi32>
      %swap3A_530 = arith.constant 1 : i32
      %swap3A_531 = arith.index_cast %swap3A_530 : i32 to index
      %swap3A_532 = arith.constant 48 : index
      %swap3A_533 = tpu.vector_load %arg12[%swap3A_531, %swap3A_532] {strides = array<i32>} : memref<2x128xi32, #tpu.memory_space<vmem>>, vector<1x16xi32>,
      %swap3A_534 = vector.shape_cast %swap3A_533 : vector<1x16xi32> to vector<16xi32>
      %swap3A_535 = vector.shape_cast %select_n3A_529 : vector<16xi32> to vector<1x16xi32>
      tpu.vector_store %arg12[%swap3A_531, %swap3A_532], %swap3A_535 {strides = array<i32>} : memref<2x128xi32, #tpu.memory_space<vmem>>, vector<1x16xi32>,
      %get3A_536 = arith.constant 64 : index
      %get3A_537 = tpu.vector_load %arg11[%get3A_536] {strides = array<i32>} : memref<128xi32, #tpu.memory_space<vmem>>, vector<16xi32>,
      %get3A_538 = vector.shape_cast %get3A_537 : vector<16xi32> to vector<16xi32>
      %get3A_539 = arith.constant 64 : index
      %get3A_540 = tpu.vector_load %arg14[%get3A_539] {strides = array<i32>} : memref<128xf32, #tpu.memory_space<vmem>>, vector<16xf32>,
      %get3A_541 = vector.shape_cast %get3A_540 : vector<16xf32> to vector<16xf32>
      %get3A_542 = arith.constant 64 : index
      %get3A_543 = tpu.vector_load %arg15[%get3A_542] {strides = array<i32>} : memref<128xf32, #tpu.memory_space<vmem>>, vector<16xf32>,
      %get3A_544 = vector.shape_cast %get3A_543 : vector<16xf32> to vector<16xf32>
      %sub3A_545 = arith.subf %get3A_541, %get3A_544 : vector<16xf32>
      %get3A_546 = arith.constant 64 : index
      %get3A_547 = tpu.vector_load %arg16[%get3A_546] {strides = array<i32>} : memref<128xf32, #tpu.memory_space<vmem>>, vector<16xf32>,
      %get3A_548 = vector.shape_cast %get3A_547 : vector<16xf32> to vector<16xf32>
      %get3A_549 = arith.constant 64 : index
      %get3A_550 = tpu.vector_load %arg17[%get3A_549] {strides = array<i32>} : memref<128xf32, #tpu.memory_space<vmem>>, vector<16xf32>,
      %get3A_551 = vector.shape_cast %get3A_550 : vector<16xf32> to vector<16xf32>
      %sub3A_552 = arith.subf %get3A_548, %get3A_551 : vector<16xf32>
      %abs3A_553 = math.absf %sub3A_545 : vector<16xf32>
      %gt3A_554 = vector.broadcast %squeeze3A : f32 to vector<16xf32>
      %gt3A_555 = arith.cmpf ogt, %abs3A_553, %gt3A_554 : vector<16xf32>
      %abs3A_556 = math.absf %sub3A_552 : vector<16xf32>
      %gt3A_557 = vector.broadcast %squeeze3A : f32 to vector<16xf32>
      %gt3A_558 = arith.cmpf ogt, %abs3A_556, %gt3A_557 : vector<16xf32>
      %or3A_559 = arith.ori %gt3A_555, %gt3A_558 : vector<16xi1>
      %jit3A_560 = arith.constant 10111 : i32
      %broadcast_in_dim3A_561 = vector.broadcast %jit3A_560 : i32 to vector<16xi32>
      %select_n3A_562 = arith.select %or3A_559, %get3A_538, %broadcast_in_dim3A_561 : vector<16xi1>, vector<16xi32>
      %swap3A_563 = arith.constant 1 : i32
      %swap3A_564 = arith.index_cast %swap3A_563 : i32 to index
      %swap3A_565 = arith.constant 64 : index
      %swap3A_566 = tpu.vector_load %arg12[%swap3A_564, %swap3A_565] {strides = array<i32>} : memref<2x128xi32, #tpu.memory_space<vmem>>, vector<1x16xi32>,
      %swap3A_567 = vector.shape_cast %swap3A_566 : vector<1x16xi32> to vector<16xi32>
      %swap3A_568 = vector.shape_cast %select_n3A_562 : vector<16xi32> to vector<1x16xi32>
      tpu.vector_store %arg12[%swap3A_564, %swap3A_565], %swap3A_568 {strides = array<i32>} : memref<2x128xi32, #tpu.memory_space<vmem>>, vector<1x16xi32>,
      %get3A_569 = arith.constant 80 : index
      %get3A_570 = tpu.vector_load %arg11[%get3A_569] {strides = array<i32>} : memref<128xi32, #tpu.memory_space<vmem>>, vector<16xi32>,
      %get3A_571 = vector.shape_cast %get3A_570 : vector<16xi32> to vector<16xi32>
      %get3A_572 = arith.constant 80 : index
      %get3A_573 = tpu.vector_load %arg14[%get3A_572] {strides = array<i32>} : memref<128xf32, #tpu.memory_space<vmem>>, vector<16xf32>,
      %get3A_574 = vector.shape_cast %get3A_573 : vector<16xf32> to vector<16xf32>
      %get3A_575 = arith.constant 80 : index
      %get3A_576 = tpu.vector_load %arg15[%get3A_575] {strides = array<i32>} : memref<128xf32, #tpu.memory_space<vmem>>, vector<16xf32>,
      %get3A_577 = vector.shape_cast %get3A_576 : vector<16xf32> to vector<16xf32>
      %sub3A_578 = arith.subf %get3A_574, %get3A_577 : vector<16xf32>
      %get3A_579 = arith.constant 80 : index
      %get3A_580 = tpu.vector_load %arg16[%get3A_579] {strides = array<i32>} : memref<128xf32, #tpu.memory_space<vmem>>, vector<16xf32>,
      %get3A_581 = vector.shape_cast %get3A_580 : vector<16xf32> to vector<16xf32>
      %get3A_582 = arith.constant 80 : index
      %get3A_583 = tpu.vector_load %arg17[%get3A_582] {strides = array<i32>} : memref<128xf32, #tpu.memory_space<vmem>>, vector<16xf32>,
      %get3A_584 = vector.shape_cast %get3A_583 : vector<16xf32> to vector<16xf32>
      %sub3A_585 = arith.subf %get3A_581, %get3A_584 : vector<16xf32>
      %abs3A_586 = math.absf %sub3A_578 : vector<16xf32>
      %gt3A_587 = vector.broadcast %squeeze3A : f32 to vector<16xf32>
      %gt3A_588 = arith.cmpf ogt, %abs3A_586, %gt3A_587 : vector<16xf32>
      %abs3A_589 = math.absf %sub3A_585 : vector<16xf32>
      %gt3A_590 = vector.broadcast %squeeze3A : f32 to vector<16xf32>
      %gt3A_591 = arith.cmpf ogt, %abs3A_589, %gt3A_590 : vector<16xf32>
      %or3A_592 = arith.ori %gt3A_588, %gt3A_591 : vector<16xi1>
      %jit3A_593 = arith.constant 10111 : i32
      %broadcast_in_dim3A_594 = vector.broadcast %jit3A_593 : i32 to vector<16xi32>
      %select_n3A_595 = arith.select %or3A_592, %get3A_571, %broadcast_in_dim3A_594 : vector<16xi1>, vector<16xi32>
      %swap3A_596 = arith.constant 1 : i32
      %swap3A_597 = arith.index_cast %swap3A_596 : i32 to index
      %swap3A_598 = arith.constant 80 : index
      %swap3A_599 = tpu.vector_load %arg12[%swap3A_597, %swap3A_598] {strides = array<i32>} : memref<2x128xi32, #tpu.memory_space<vmem>>, vector<1x16xi32>,
      %swap3A_600 = vector.shape_cast %swap3A_599 : vector<1x16xi32> to vector<16xi32>
      %swap3A_601 = vector.shape_cast %select_n3A_595 : vector<16xi32> to vector<1x16xi32>
      tpu.vector_store %arg12[%swap3A_597, %swap3A_598], %swap3A_601 {strides = array<i32>} : memref<2x128xi32, #tpu.memory_space<vmem>>, vector<1x16xi32>,
      %get3A_602 = arith.constant 96 : index
      %get3A_603 = tpu.vector_load %arg11[%get3A_602] {strides = array<i32>} : memref<128xi32, #tpu.memory_space<vmem>>, vector<16xi32>,
      %get3A_604 = vector.shape_cast %get3A_603 : vector<16xi32> to vector<16xi32>
      %get3A_605 = arith.constant 96 : index
      %get3A_606 = tpu.vector_load %arg14[%get3A_605] {strides = array<i32>} : memref<128xf32, #tpu.memory_space<vmem>>, vector<16xf32>,
      %get3A_607 = vector.shape_cast %get3A_606 : vector<16xf32> to vector<16xf32>
      %get3A_608 = arith.constant 96 : index
      %get3A_609 = tpu.vector_load %arg15[%get3A_608] {strides = array<i32>} : memref<128xf32, #tpu.memory_space<vmem>>, vector<16xf32>,
      %get3A_610 = vector.shape_cast %get3A_609 : vector<16xf32> to vector<16xf32>
      %sub3A_611 = arith.subf %get3A_607, %get3A_610 : vector<16xf32>
      %get3A_612 = arith.constant 96 : index
      %get3A_613 = tpu.vector_load %arg16[%get3A_612] {strides = array<i32>} : memref<128xf32, #tpu.memory_space<vmem>>, vector<16xf32>,
      %get3A_614 = vector.shape_cast %get3A_613 : vector<16xf32> to vector<16xf32>
      %get3A_615 = arith.constant 96 : index
      %get3A_616 = tpu.vector_load %arg17[%get3A_615] {strides = array<i32>} : memref<128xf32, #tpu.memory_space<vmem>>, vector<16xf32>,
      %get3A_617 = vector.shape_cast %get3A_616 : vector<16xf32> to vector<16xf32>
      %sub3A_618 = arith.subf %get3A_614, %get3A_617 : vector<16xf32>
      %abs3A_619 = math.absf %sub3A_611 : vector<16xf32>
      %gt3A_620 = vector.broadcast %squeeze3A : f32 to vector<16xf32>
      %gt3A_621 = arith.cmpf ogt, %abs3A_619, %gt3A_620 : vector<16xf32>
      %abs3A_622 = math.absf %sub3A_618 : vector<16xf32>
      %gt3A_623 = vector.broadcast %squeeze3A : f32 to vector<16xf32>
      %gt3A_624 = arith.cmpf ogt, %abs3A_622, %gt3A_623 : vector<16xf32>
      %or3A_625 = arith.ori %gt3A_621, %gt3A_624 : vector<16xi1>
      %jit3A_626 = arith.constant 10111 : i32
      %broadcast_in_dim3A_627 = vector.broadcast %jit3A_626 : i32 to vector<16xi32>
      %select_n3A_628 = arith.select %or3A_625, %get3A_604, %broadcast_in_dim3A_627 : vector<16xi1>, vector<16xi32>
      %swap3A_629 = arith.constant 1 : i32
      %swap3A_630 = arith.index_cast %swap3A_629 : i32 to index
      %swap3A_631 = arith.constant 96 : index
      %swap3A_632 = tpu.vector_load %arg12[%swap3A_630, %swap3A_631] {strides = array<i32>} : memref<2x128xi32, #tpu.memory_space<vmem>>, vector<1x16xi32>,
      %swap3A_633 = vector.shape_cast %swap3A_632 : vector<1x16xi32> to vector<16xi32>
      %swap3A_634 = vector.shape_cast %select_n3A_628 : vector<16xi32> to vector<1x16xi32>
      tpu.vector_store %arg12[%swap3A_630, %swap3A_631], %swap3A_634 {strides = array<i32>} : memref<2x128xi32, #tpu.memory_space<vmem>>, vector<1x16xi32>,
      %get3A_635 = arith.constant 112 : index
      %get3A_636 = tpu.vector_load %arg11[%get3A_635] {strides = array<i32>} : memref<128xi32, #tpu.memory_space<vmem>>, vector<16xi32>,
      %get3A_637 = vector.shape_cast %get3A_636 : vector<16xi32> to vector<16xi32>
      %get3A_638 = arith.constant 112 : index
      %get3A_639 = tpu.vector_load %arg14[%get3A_638] {strides = array<i32>} : memref<128xf32, #tpu.memory_space<vmem>>, vector<16xf32>,
      %get3A_640 = vector.shape_cast %get3A_639 : vector<16xf32> to vector<16xf32>
      %get3A_641 = arith.constant 112 : index
      %get3A_642 = tpu.vector_load %arg15[%get3A_641] {strides = array<i32>} : memref<128xf32, #tpu.memory_space<vmem>>, vector<16xf32>,
      %get3A_643 = vector.shape_cast %get3A_642 : vector<16xf32> to vector<16xf32>
      %sub3A_644 = arith.subf %get3A_640, %get3A_643 : vector<16xf32>
      %get3A_645 = arith.constant 112 : index
      %get3A_646 = tpu.vector_load %arg16[%get3A_645] {strides = array<i32>} : memref<128xf32, #tpu.memory_space<vmem>>, vector<16xf32>,
      %get3A_647 = vector.shape_cast %get3A_646 : vector<16xf32> to vector<16xf32>
      %get3A_648 = arith.constant 112 : index
      %get3A_649 = tpu.vector_load %arg17[%get3A_648] {strides = array<i32>} : memref<128xf32, #tpu.memory_space<vmem>>, vector<16xf32>,
      %get3A_650 = vector.shape_cast %get3A_649 : vector<16xf32> to vector<16xf32>
      %sub3A_651 = arith.subf %get3A_647, %get3A_650 : vector<16xf32>
      %abs3A_652 = math.absf %sub3A_644 : vector<16xf32>
      %gt3A_653 = vector.broadcast %squeeze3A : f32 to vector<16xf32>
      %gt3A_654 = arith.cmpf ogt, %abs3A_652, %gt3A_653 : vector<16xf32>
      %abs3A_655 = math.absf %sub3A_651 : vector<16xf32>
      %gt3A_656 = vector.broadcast %squeeze3A : f32 to vector<16xf32>
      %gt3A_657 = arith.cmpf ogt, %abs3A_655, %gt3A_656 : vector<16xf32>
      %or3A_658 = arith.ori %gt3A_654, %gt3A_657 : vector<16xi1>
      %jit3A_659 = arith.constant 10111 : i32
      %broadcast_in_dim3A_660 = vector.broadcast %jit3A_659 : i32 to vector<16xi32>
      %select_n3A_661 = arith.select %or3A_658, %get3A_637, %broadcast_in_dim3A_660 : vector<16xi1>, vector<16xi32>
      %swap3A_662 = arith.constant 1 : i32
      %swap3A_663 = arith.index_cast %swap3A_662 : i32 to index
      %swap3A_664 = arith.constant 112 : index
      %swap3A_665 = tpu.vector_load %arg12[%swap3A_663, %swap3A_664] {strides = array<i32>} : memref<2x128xi32, #tpu.memory_space<vmem>>, vector<1x16xi32>,
      %swap3A_666 = vector.shape_cast %swap3A_665 : vector<1x16xi32> to vector<16xi32>
      %swap3A_667 = vector.shape_cast %select_n3A_661 : vector<16xi32> to vector<1x16xi32>
      tpu.vector_store %arg12[%swap3A_663, %swap3A_664], %swap3A_667 {strides = array<i32>} : memref<2x128xi32, #tpu.memory_space<vmem>>, vector<1x16xi32>,
      %dma_start3A_668 = arith.constant 1 : i32
      %dma_start3A_669 = arith.constant 1 : i32
      %dma_start3A_670 = arith.constant 0 : i32
      %dma_start3A_671 = arith.constant 0 : i32
      %dma_start3A_672 = tpu.memref_slice %arg13[%dma_start3A_668, %dma_start3A_670, %dma_start3A_671] : memref<2x128x128xf32, #tpu.memory_space<vmem>> -> memref<1x128x128xf32, #tpu.memory_space<vmem>>
      %dma_start3A_673 = tpu.memref_squeeze %dma_start3A_672 : memref<1x128x128xf32, #tpu.memory_space<vmem>> -> memref<128x128xf32, #tpu.memory_space<vmem>>
      %dma_start3A_674 = arith.constant 0 : i32
      %dma_start3A_675 = tpu.memref_slice %arg12[%dma_start3A_669, %dma_start3A_674] : memref<2x128xi32, #tpu.memory_space<vmem>> -> memref<1x128xi32, #tpu.memory_space<vmem>>
      %dma_start3A_676 = tpu.memref_squeeze %dma_start3A_675 : memref<1x128xi32, #tpu.memory_space<vmem>> -> memref<128xi32, #tpu.memory_space<vmem>>
      %dma_start3A_677 = arith.constant 0 : i32
      %dma_start3A_678 = arith.constant 0 : i32
      %dma_start3A_679 = tpu.memref_slice %arg18[%dma_start3A_677, %dma_start3A_678] : memref<10112x128xf32, #tpu.memory_space<vmem_shared>> -> memref<10112x128xf32, #tpu.memory_space<vmem_shared>>
      tpu.enqueue_indirect_dma source(%dma_start3A_673 : memref<128x128xf32, #tpu.memory_space<vmem>>) target(%dma_start3A_679 : memref<10112x128xf32, #tpu.memory_space<vmem_shared>>) offsets(%dma_start3A_676 : memref<128xi32, #tpu.memory_space<vmem>>) semaphore(%arg23 : memref<!tpu.dma_semaphore, #tpu.memory_space<semaphore_mem>>) {add = true}
    }
    %scan3A_23 = arith.constant 20 : i32
    %dma_wait3A = arith.constant 1 : i32
    %dma_wait3A_24 = arith.constant 1 : i32
    %dma_wait3A_25 = arith.constant 0 : i32
    %dma_wait3A_26 = arith.constant 0 : i32
    %dma_wait3A_27 = tpu.memref_slice %arg13[%dma_wait3A, %dma_wait3A_25, %dma_wait3A_26] : memref<2x128x128xf32, #tpu.memory_space<vmem>> -> memref<1x128x128xf32, #tpu.memory_space<vmem>>
    %dma_wait3A_28 = tpu.memref_squeeze %dma_wait3A_27 : memref<1x128x128xf32, #tpu.memory_space<vmem>> -> memref<128x128xf32, #tpu.memory_space<vmem>>
    %dma_wait3A_29 = arith.constant 0 : i32
    %dma_wait3A_30 = tpu.memref_slice %arg12[%dma_wait3A_24, %dma_wait3A_29] : memref<2x128xi32, #tpu.memory_space<vmem>> -> memref<1x128xi32, #tpu.memory_space<vmem>>
    %dma_wait3A_31 = tpu.memref_squeeze %dma_wait3A_30 : memref<1x128xi32, #tpu.memory_space<vmem>> -> memref<128xi32, #tpu.memory_space<vmem>>
    %dma_wait3A_32 = arith.constant 0 : i32
    %dma_wait3A_33 = arith.constant 0 : i32
    %dma_wait3A_34 = tpu.memref_slice %arg18[%dma_wait3A_32, %dma_wait3A_33] : memref<10112x128xf32, #tpu.memory_space<vmem_shared>> -> memref<10112x128xf32, #tpu.memory_space<vmem_shared>>
    tpu.wait_indirect_dma semaphore(%arg23 : memref<!tpu.dma_semaphore, #tpu.memory_space<semaphore_mem>>) src(%dma_wait3A_28 : memref<128x128xf32, #tpu.memory_space<vmem>>) dst(%dma_wait3A_34 : memref<10112x128xf32, #tpu.memory_space<vmem_shared>>)
    %barrier3A_35 = arith.constant 0 : index
    tpu.barrier barrier_id(%barrier3A_35)
    %mul3A_36 = arith.constant 632 : i32
    %mul3A_37 = arith.muli %arg1, %mul3A_36 : i32
    %mul3A_38 = arith.constant 632 : i32
    %mul3A_39 = arith.muli %arg1, %mul3A_38 : i32
    "tpu.region"() ({
      %run_scoped3A = tpu.sem_alloc : memref<!tpu.dma_semaphore, #tpu.memory_space<semaphore_mem>>
      %dma_start3A_40 = arith.constant 0 : i32
      %dma_start3A_41 = tpu.memref_slice %arg9[%arg0, %mul3A_39, %dma_start3A_40] : memref<2x10112x128xf32, #tpu.memory_space<hbm>> -> memref<1x632x128xf32, #tpu.memory_space<hbm>>
      %dma_start3A_42 = tpu.memref_squeeze %dma_start3A_41 : memref<1x632x128xf32, #tpu.memory_space<hbm>> -> memref<632x128xf32, #tpu.memory_space<hbm>>
      %dma_start3A_43 = arith.constant 0 : i32
      %dma_start3A_44 = tpu.memref_slice %arg18[%mul3A_37, %dma_start3A_43] : memref<10112x128xf32, #tpu.memory_space<vmem_shared>> -> memref<632x128xf32, #tpu.memory_space<vmem_shared>>
      tpu.enqueue_dma source(%dma_start3A_44 : memref<632x128xf32, #tpu.memory_space<vmem_shared>>) target(%dma_start3A_42 : memref<632x128xf32, #tpu.memory_space<hbm>>) target_semaphore(%run_scoped3A : memref<!tpu.dma_semaphore, #tpu.memory_space<semaphore_mem>>)
      %dma_wait3A_45 = arith.constant 0 : i32
      %dma_wait3A_46 = tpu.memref_slice %arg9[%arg0, %mul3A_39, %dma_wait3A_45] : memref<2x10112x128xf32, #tpu.memory_space<hbm>> -> memref<1x632x128xf32, #tpu.memory_space<hbm>>
      %dma_wait3A_47 = tpu.memref_squeeze %dma_wait3A_46 : memref<1x632x128xf32, #tpu.memory_space<hbm>> -> memref<632x128xf32, #tpu.memory_space<hbm>>
      %dma_wait3A_48 = arith.constant 0 : i32
      %dma_wait3A_49 = tpu.memref_slice %arg18[%mul3A_37, %dma_wait3A_48] : memref<10112x128xf32, #tpu.memory_space<vmem_shared>> -> memref<632x128xf32, #tpu.memory_space<vmem_shared>>
      tpu.wait_dma2 semaphore(%run_scoped3A : memref<!tpu.dma_semaphore, #tpu.memory_space<semaphore_mem>>) src(%dma_wait3A_49 : memref<632x128xf32, #tpu.memory_space<vmem_shared>>) dst(%dma_wait3A_47 : memref<632x128xf32, #tpu.memory_space<hbm>>)
      tpu.yield
    }) : () -> ()
    return
  }
}

#map = affine_map<(d0, d1) -> (0, 0, 0)>
#map1 = affine_map<(d0, d1) -> (0, 0)>
#map2 = affine_map<(d0, d1) -> (0)>
module attributes {stable_mosaic.version = 14 : i64} {
  func.func @_rewritten_body(%arg0: i32, %arg1: i32, %arg2: memref<32x40x128xi32, #tpu.memory_space<hbm>>, %arg3: memref<32x40x128xi32, #tpu.memory_space<hbm>>, %arg4: memref<163840x128xf32, #tpu.memory_space<hbm>>, %arg5: memref<10000xf32, #tpu.memory_space<hbm>>, %arg6: memref<10000xf32, #tpu.memory_space<hbm>>, %arg7: memref<632x128xf32, #tpu.memory_space<hbm>>, %arg8: memref<1xf32, #tpu.memory_space<hbm>>, %arg9: memref<2x10112x128xf32, #tpu.memory_space<hbm>>, %arg10: memref<128xi32, #tpu.memory_space<vmem>>, %arg11: memref<128xi32, #tpu.memory_space<vmem>>, %arg12: memref<2x128xi32, #tpu.memory_space<vmem>>, %arg13: memref<2x128x128xf32, #tpu.memory_space<vmem>>, %arg14: memref<128xf32, #tpu.memory_space<vmem>>, %arg15: memref<128xf32, #tpu.memory_space<vmem>>, %arg16: memref<128xf32, #tpu.memory_space<vmem>>, %arg17: memref<128xf32, #tpu.memory_space<vmem>>, %arg18: memref<10112x128xf32, #tpu.memory_space<vmem_shared>>, %arg19: memref<!tpu.dma_semaphore, #tpu.memory_space<semaphore_mem>>, %arg20: memref<!tpu.dma_semaphore, #tpu.memory_space<semaphore_mem>>, %arg21: memref<!tpu.dma_semaphore, #tpu.memory_space<semaphore_mem>>, %arg22: memref<!tpu.dma_semaphore, #tpu.memory_space<semaphore_mem>>, %arg23: memref<!tpu.dma_semaphore, #tpu.memory_space<semaphore_mem>>) attributes {dimension_semantics = [#tpu.dimension_semantics<core_parallel>, #tpu.dimension_semantics<subcore_parallel>], iteration_bounds = array<i64: 2, 16>, scalar_prefetch = 0 : i64, scratch_operands = 14 : i64, tpu.core_type = #tpu.core_type<sc_vector_subcore>, window_params = [{transform_indices = #map}, {transform_indices = #map}, {transform_indices = #map1}, {transform_indices = #map2}, {transform_indices = #map2}, {transform_indices = #map1}, {transform_indices = #map2}, {transform_indices = #map}]} {
    %empty_ref3A = memref.alloca() : memref<16xf32, #tpu.memory_space<vmem>>
    "tpu.region"() ({
      %run_scoped3A = tpu.sem_alloc : memref<!tpu.dma_semaphore, #tpu.memory_space<semaphore_mem>>
      %dma_start3A_40 = arith.constant 0 : i32
      %dma_start3A_41 = tpu.memref_slice %empty_ref3A[%dma_start3A_40] : memref<16xf32, #tpu.memory_space<vmem>> -> memref<1xf32, #tpu.memory_space<vmem>>
      %dma_start3A_42 = arith.constant 0 : i32
      %dma_start3A_43 = tpu.memref_slice %empty_ref3A[%dma_start3A_42] : memref<16xf32, #tpu.memory_space<vmem>> -> memref<1xf32, #tpu.memory_space<vmem>>
      tpu.enqueue_dma source(%arg8 : memref<1xf32, #tpu.memory_space<hbm>>) target(%dma_start3A_43 : memref<1xf32, #tpu.memory_space<vmem>>) target_semaphore(%run_scoped3A : memref<!tpu.dma_semaphore, #tpu.memory_space<semaphore_mem>>)
      %dma_wait3A_44 = arith.constant 0 : i32
      %dma_wait3A_45 = tpu.memref_slice %empty_ref3A[%dma_wait3A_44] : memref<16xf32, #tpu.memory_space<vmem>> -> memref<1xf32, #tpu.memory_space<vmem>>
      %dma_wait3A_46 = arith.constant 0 : i32
      %dma_wait3A_47 = tpu.memref_slice %empty_ref3A[%dma_wait3A_46] : memref<16xf32, #tpu.memory_space<vmem>> -> memref<1xf32, #tpu.memory_space<vmem>>
      tpu.wait_dma2 semaphore(%run_scoped3A : memref<!tpu.dma_semaphore, #tpu.memory_space<semaphore_mem>>) src(%arg8 : memref<1xf32, #tpu.memory_space<hbm>>) dst(%dma_wait3A_47 : memref<1xf32, #tpu.memory_space<vmem>>)
      tpu.yield
    }) : () -> ()
    %get3A = arith.constant 0 : index
    %get3A_0 = tpu.vector_load %empty_ref3A[%get3A] {strides = array<i32>} : memref<16xf32, #tpu.memory_space<vmem>>, vector<16xf32>,
    %get3A_1 = vector.shape_cast %get3A_0 : vector<16xf32> to vector<16xf32>
    %slice3A = vector.extract_strided_slice %get3A_1 {offsets = [0], sizes = [1], strides = [1]} : vector<16xf32> to vector<1xf32>
    %squeeze3A = vector.extract %slice3A[0] : f32 from vector<1xf32>
    %mul3A = arith.constant 2 : i32
    %mul3A_2 = arith.muli %arg1, %mul3A : i32
    %add3A = arith.addi %mul3A_2, %arg0 : i32
    %mul3A_3 = arith.constant 5120 : i32
    %mul3A_4 = arith.muli %add3A, %mul3A_3 : i32
    %mul3A_5 = arith.constant 632 : i32
    %mul3A_6 = arith.muli %arg1, %mul3A_5 : i32
    "tpu.region"() ({
      %run_scoped3A = tpu.sem_alloc : memref<!tpu.dma_semaphore, #tpu.memory_space<semaphore_mem>>
      %dma_start3A_40 = arith.constant 0 : i32
      %dma_start3A_41 = tpu.memref_slice %arg18[%mul3A_6, %dma_start3A_40] : memref<10112x128xf32, #tpu.memory_space<vmem_shared>> -> memref<632x128xf32, #tpu.memory_space<vmem_shared>>
      tpu.enqueue_dma source(%arg7 : memref<632x128xf32, #tpu.memory_space<hbm>>) target(%dma_start3A_41 : memref<632x128xf32, #tpu.memory_space<vmem_shared>>) target_semaphore(%run_scoped3A : memref<!tpu.dma_semaphore, #tpu.memory_space<semaphore_mem>>)
      %dma_wait3A_42 = arith.constant 0 : i32
      %dma_wait3A_43 = tpu.memref_slice %arg18[%mul3A_6, %dma_wait3A_42] : memref<10112x128xf32, #tpu.memory_space<vmem_shared>> -> memref<632x128xf32, #tpu.memory_space<vmem_shared>>
      tpu.wait_dma2 semaphore(%run_scoped3A : memref<!tpu.dma_semaphore, #tpu.memory_space<semaphore_mem>>) src(%arg7 : memref<632x128xf32, #tpu.memory_space<hbm>>) dst(%dma_wait3A_43 : memref<632x128xf32, #tpu.memory_space<vmem_shared>>)
      tpu.yield
    }) : () -> ()
    %barrier3A = arith.constant 0 : index
    tpu.barrier barrier_id(%barrier3A)
    %dma_start3A = arith.constant 0 : i32
    %dma_start3A_7 = arith.constant 0 : i32
    %dma_start3A_8 = arith.constant 0 : i32
    %dma_start3A_9 = tpu.memref_slice %arg13[%dma_start3A, %dma_start3A_7, %dma_start3A_8] : memref<2x128x128xf32, #tpu.memory_space<vmem>> -> memref<1x128x128xf32, #tpu.memory_space<vmem>>
    %dma_start3A_10 = tpu.memref_squeeze %dma_start3A_9 : memref<1x128x128xf32, #tpu.memory_space<vmem>> -> memref<128x128xf32, #tpu.memory_space<vmem>>
    %dma_start3A_11 = arith.constant 0 : i32
    %dma_start3A_12 = tpu.memref_slice %arg4[%mul3A_4, %dma_start3A_11] : memref<163840x128xf32, #tpu.memory_space<hbm>> -> memref<128x128xf32, #tpu.memory_space<hbm>>
    %dma_start3A_13 = arith.constant 0 : i32
    %dma_start3A_14 = arith.constant 0 : i32
    %dma_start3A_15 = tpu.memref_slice %arg13[%dma_start3A, %dma_start3A_13, %dma_start3A_14] : memref<2x128x128xf32, #tpu.memory_space<vmem>> -> memref<1x128x128xf32, #tpu.memory_space<vmem>>
    %dma_start3A_16 = tpu.memref_squeeze %dma_start3A_15 : memref<1x128x128xf32, #tpu.memory_space<vmem>> -> memref<128x128xf32, #tpu.memory_space<vmem>>
    %dma_start3A_17 = arith.constant 0 : i32
    %dma_start3A_18 = tpu.memref_slice %arg4[%mul3A_4, %dma_start3A_17] : memref<163840x128xf32, #tpu.memory_space<hbm>> -> memref<128x128xf32, #tpu.memory_space<hbm>>
    tpu.enqueue_dma source(%dma_start3A_18 : memref<128x128xf32, #tpu.memory_space<hbm>>) target(%dma_start3A_16 : memref<128x128xf32, #tpu.memory_space<vmem>>) target_semaphore(%arg19 : memref<!tpu.dma_semaphore, #tpu.memory_space<semaphore_mem>>)
    %scan3A = arith.constant 0 : i32
    %scan3A_19 = arith.constant 0 : i32
    %scan3A_20 = arith.constant 20 : i32
    %scan3A_21 = arith.addi %scan3A_19, %scan3A_20 : i32
    %scan3A_22 = arith.constant 1 : i32
    scf.for %scan3A_40 = %scan3A_19 to %scan3A_21 step %scan3A_22  : i32 {
      %mul3A_41 = arith.constant 2 : i32
      %mul3A_42 = arith.muli %scan3A_40, %mul3A_41 : i32
      %add3A_43 = arith.constant 0 : i32
      %add3A_44 = arith.addi %mul3A_42, %add3A_43 : i32
      "tpu.region"() ({
        %run_scoped3A = tpu.sem_alloc : memref<!tpu.dma_semaphore, #tpu.memory_space<semaphore_mem>>
        %dma_start3A_680 = arith.constant 0 : i32
        %dma_start3A_681 = tpu.memref_slice %arg2[%add3A, %add3A_44, %dma_start3A_680] : memref<32x40x128xi32, #tpu.memory_space<hbm>> -> memref<1x1x128xi32, #tpu.memory_space<hbm>>
        %dma_start3A_682 = tpu.memref_squeeze %dma_start3A_681 : memref<1x1x128xi32, #tpu.memory_space<hbm>> -> memref<128xi32, #tpu.memory_space<hbm>>
        %dma_start3A_683 = arith.constant 0 : i32
        %dma_start3A_684 = tpu.memref_slice %arg2[%add3A, %add3A_44, %dma_start3A_683] : memref<32x40x128xi32, #tpu.memory_space<hbm>> -> memref<1x1x128xi32, #tpu.memory_space<hbm>>
        %dma_start3A_685 = tpu.memref_squeeze %dma_start3A_684 : memref<1x1x128xi32, #tpu.memory_space<hbm>> -> memref<128xi32, #tpu.memory_space<hbm>>
        tpu.enqueue_dma source(%dma_start3A_685 : memref<128xi32, #tpu.memory_space<hbm>>) target(%arg10 : memref<128xi32, #tpu.memory_space<vmem>>) target_semaphore(%run_scoped3A : memref<!tpu.dma_semaphore, #tpu.memory_space<semaphore_mem>>)
        %dma_wait3A_686 = arith.constant 0 : i32
        %dma_wait3A_687 = tpu.memref_slice %arg2[%add3A, %add3A_44, %dma_wait3A_686] : memref<32x40x128xi32, #tpu.memory_space<hbm>> -> memref<1x1x128xi32, #tpu.memory_space<hbm>>
        %dma_wait3A_688 = tpu.memref_squeeze %dma_wait3A_687 : memref<1x1x128xi32, #tpu.memory_space<hbm>> -> memref<128xi32, #tpu.memory_space<hbm>>
        %dma_wait3A_689 = arith.constant 0 : i32
        %dma_wait3A_690 = tpu.memref_slice %arg2[%add3A, %add3A_44, %dma_wait3A_689] : memref<32x40x128xi32, #tpu.memory_space<hbm>> -> memref<1x1x128xi32, #tpu.memory_space<hbm>>
        %dma_wait3A_691 = tpu.memref_squeeze %dma_wait3A_690 : memref<1x1x128xi32, #tpu.memory_space<hbm>> -> memref<128xi32, #tpu.memory_space<hbm>>
        tpu.wait_dma2 semaphore(%run_scoped3A : memref<!tpu.dma_semaphore, #tpu.memory_space<semaphore_mem>>) src(%dma_wait3A_691 : memref<128xi32, #tpu.memory_space<hbm>>) dst(%arg10 : memref<128xi32, #tpu.memory_space<vmem>>)
        tpu.yield
      }) : () -> ()
      "tpu.region"() ({
        %run_scoped3A = tpu.sem_alloc : memref<!tpu.dma_semaphore, #tpu.memory_space<semaphore_mem>>
        %dma_start3A_680 = arith.constant 0 : i32
        %dma_start3A_681 = tpu.memref_slice %arg3[%add3A, %add3A_44, %dma_start3A_680] : memref<32x40x128xi32, #tpu.memory_space<hbm>> -> memref<1x1x128xi32, #tpu.memory_space<hbm>>
        %dma_start3A_682 = tpu.memref_squeeze %dma_start3A_681 : memref<1x1x128xi32, #tpu.memory_space<hbm>> -> memref<128xi32, #tpu.memory_space<hbm>>
        %dma_start3A_683 = arith.constant 0 : i32
        %dma_start3A_684 = tpu.memref_slice %arg3[%add3A, %add3A_44, %dma_start3A_683] : memref<32x40x128xi32, #tpu.memory_space<hbm>> -> memref<1x1x128xi32, #tpu.memory_space<hbm>>
        %dma_start3A_685 = tpu.memref_squeeze %dma_start3A_684 : memref<1x1x128xi32, #tpu.memory_space<hbm>> -> memref<128xi32, #tpu.memory_space<hbm>>
        tpu.enqueue_dma source(%dma_start3A_685 : memref<128xi32, #tpu.memory_space<hbm>>) target(%arg11 : memref<128xi32, #tpu.memory_space<vmem>>) target_semaphore(%run_scoped3A : memref<!tpu.dma_semaphore, #tpu.memory_space<semaphore_mem>>)
        %dma_wait3A_686 = arith.constant 0 : i32
        %dma_wait3A_687 = tpu.memref_slice %arg3[%add3A, %add3A_44, %dma_wait3A_686] : memref<32x40x128xi32, #tpu.memory_space<hbm>> -> memref<1x1x128xi32, #tpu.memory_space<hbm>>
        %dma_wait3A_688 = tpu.memref_squeeze %dma_wait3A_687 : memref<1x1x128xi32, #tpu.memory_space<hbm>> -> memref<128xi32, #tpu.memory_space<hbm>>
        %dma_wait3A_689 = arith.constant 0 : i32
        %dma_wait3A_690 = tpu.memref_slice %arg3[%add3A, %add3A_44, %dma_wait3A_689] : memref<32x40x128xi32, #tpu.memory_space<hbm>> -> memref<1x1x128xi32, #tpu.memory_space<hbm>>
        %dma_wait3A_691 = tpu.memref_squeeze %dma_wait3A_690 : memref<1x1x128xi32, #tpu.memory_space<hbm>> -> memref<128xi32, #tpu.memory_space<hbm>>
        tpu.wait_dma2 semaphore(%run_scoped3A : memref<!tpu.dma_semaphore, #tpu.memory_space<semaphore_mem>>) src(%dma_wait3A_691 : memref<128xi32, #tpu.memory_space<hbm>>) dst(%arg11 : memref<128xi32, #tpu.memory_space<vmem>>)
        tpu.yield
      }) : () -> ()
      %dma_start3A_45 = arith.constant 0 : i32
      %dma_start3A_46 = tpu.memref_slice %arg5[%dma_start3A_45] : memref<10000xf32, #tpu.memory_space<hbm>> -> memref<10000xf32, #tpu.memory_space<hbm>>
      tpu.enqueue_indirect_dma source(%dma_start3A_46 : memref<10000xf32, #tpu.memory_space<hbm>>) target(%arg14 : memref<128xf32, #tpu.memory_space<vmem>>) offsets(%arg10 : memref<128xi32, #tpu.memory_space<vmem>>) semaphore(%arg21 : memref<!tpu.dma_semaphore, #tpu.memory_space<semaphore_mem>>)
      %dma_start3A_47 = arith.constant 0 : i32
      %dma_start3A_48 = tpu.memref_slice %arg5[%dma_start3A_47] : memref<10000xf32, #tpu.memory_space<hbm>> -> memref<10000xf32, #tpu.memory_space<hbm>>
      tpu.enqueue_indirect_dma source(%dma_start3A_48 : memref<10000xf32, #tpu.memory_space<hbm>>) target(%arg15 : memref<128xf32, #tpu.memory_space<vmem>>) offsets(%arg11 : memref<128xi32, #tpu.memory_space<vmem>>) semaphore(%arg21 : memref<!tpu.dma_semaphore, #tpu.memory_space<semaphore_mem>>)
      %dma_start3A_49 = arith.constant 0 : i32
      %dma_start3A_50 = tpu.memref_slice %arg6[%dma_start3A_49] : memref<10000xf32, #tpu.memory_space<hbm>> -> memref<10000xf32, #tpu.memory_space<hbm>>
      tpu.enqueue_indirect_dma source(%dma_start3A_50 : memref<10000xf32, #tpu.memory_space<hbm>>) target(%arg16 : memref<128xf32, #tpu.memory_space<vmem>>) offsets(%arg10 : memref<128xi32, #tpu.memory_space<vmem>>) semaphore(%arg21 : memref<!tpu.dma_semaphore, #tpu.memory_space<semaphore_mem>>)
      %dma_start3A_51 = arith.constant 0 : i32
      %dma_start3A_52 = tpu.memref_slice %arg6[%dma_start3A_51] : memref<10000xf32, #tpu.memory_space<hbm>> -> memref<10000xf32, #tpu.memory_space<hbm>>
      tpu.enqueue_indirect_dma source(%dma_start3A_52 : memref<10000xf32, #tpu.memory_space<hbm>>) target(%arg17 : memref<128xf32, #tpu.memory_space<vmem>>) offsets(%arg11 : memref<128xi32, #tpu.memory_space<vmem>>) semaphore(%arg21 : memref<!tpu.dma_semaphore, #tpu.memory_space<semaphore_mem>>)
      %gt3A = arith.constant 0 : i32
      %gt3A_53 = arith.cmpi sgt, %scan3A_40, %gt3A : i32
      %or3A = arith.constant false
      %or3A_54 = arith.ori %gt3A_53, %or3A : i1
      %convert_element_type3A = arith.extui %or3A_54 : i1 to i32
      %cond3A = arith.constant 0 : i32
      %cond3A_55 = arith.cmpi ne, %convert_element_type3A, %cond3A : i32
      scf.if %cond3A_55 {
        %dma_wait3A_680 = arith.constant 1 : i32
        %dma_wait3A_681 = arith.constant 1 : i32
        %dma_wait3A_682 = arith.constant 0 : i32
        %dma_wait3A_683 = arith.constant 0 : i32
        %dma_wait3A_684 = tpu.memref_slice %arg13[%dma_wait3A_680, %dma_wait3A_682, %dma_wait3A_683] : memref<2x128x128xf32, #tpu.memory_space<vmem>> -> memref<1x128x128xf32, #tpu.memory_space<vmem>>
        %dma_wait3A_685 = tpu.memref_squeeze %dma_wait3A_684 : memref<1x128x128xf32, #tpu.memory_space<vmem>> -> memref<128x128xf32, #tpu.memory_space<vmem>>
        %dma_wait3A_686 = arith.constant 0 : i32
        %dma_wait3A_687 = tpu.memref_slice %arg12[%dma_wait3A_681, %dma_wait3A_686] : memref<2x128xi32, #tpu.memory_space<vmem>> -> memref<1x128xi32, #tpu.memory_space<vmem>>
        %dma_wait3A_688 = tpu.memref_squeeze %dma_wait3A_687 : memref<1x128xi32, #tpu.memory_space<vmem>> -> memref<128xi32, #tpu.memory_space<vmem>>
        %dma_wait3A_689 = arith.constant 0 : i32
        %dma_wait3A_690 = arith.constant 0 : i32
        %dma_wait3A_691 = tpu.memref_slice %arg18[%dma_wait3A_689, %dma_wait3A_690] : memref<10112x128xf32, #tpu.memory_space<vmem_shared>> -> memref<10112x128xf32, #tpu.memory_space<vmem_shared>>
        tpu.wait_indirect_dma semaphore(%arg23 : memref<!tpu.dma_semaphore, #tpu.memory_space<semaphore_mem>>) src(%dma_wait3A_685 : memref<128x128xf32, #tpu.memory_space<vmem>>) dst(%dma_wait3A_691 : memref<10112x128xf32, #tpu.memory_space<vmem_shared>>)
      } else {
      }
      %add3A_56 = arith.constant 1 : i32
      %add3A_57 = arith.addi %add3A_44, %add3A_56 : i32
      %lt3A = arith.constant 40 : i32
      %lt3A_58 = arith.cmpi slt, %add3A_57, %lt3A : i32
      %convert_element_type3A_59 = arith.extui %lt3A_58 : i1 to i32
      %cond3A_60 = arith.constant 0 : i32
      %cond3A_61 = arith.cmpi ne, %convert_element_type3A_59, %cond3A_60 : i32
      scf.if %cond3A_61 {
        %add3A_680 = arith.constant 1 : i32
        %add3A_681 = arith.addi %add3A_44, %add3A_680 : i32
        %mul3A_682 = arith.constant 128 : i32
        %mul3A_683 = arith.muli %add3A_681, %mul3A_682 : i32
        %add3A_684 = arith.addi %mul3A_4, %mul3A_683 : i32
        %dma_start3A_685 = arith.constant 1 : i32
        %dma_start3A_686 = arith.constant 0 : i32
        %dma_start3A_687 = arith.constant 0 : i32
        %dma_start3A_688 = tpu.memref_slice %arg13[%dma_start3A_685, %dma_start3A_686, %dma_start3A_687] : memref<2x128x128xf32, #tpu.memory_space<vmem>> -> memref<1x128x128xf32, #tpu.memory_space<vmem>>
        %dma_start3A_689 = tpu.memref_squeeze %dma_start3A_688 : memref<1x128x128xf32, #tpu.memory_space<vmem>> -> memref<128x128xf32, #tpu.memory_space<vmem>>
        %dma_start3A_690 = arith.constant 0 : i32
        %dma_start3A_691 = tpu.memref_slice %arg4[%add3A_684, %dma_start3A_690] : memref<163840x128xf32, #tpu.memory_space<hbm>> -> memref<128x128xf32, #tpu.memory_space<hbm>>
        %dma_start3A_692 = arith.constant 0 : i32
        %dma_start3A_693 = arith.constant 0 : i32
        %dma_start3A_694 = tpu.memref_slice %arg13[%dma_start3A_685, %dma_start3A_692, %dma_start3A_693] : memref<2x128x128xf32, #tpu.memory_space<vmem>> -> memref<1x128x128xf32, #tpu.memory_space<vmem>>
        %dma_start3A_695 = tpu.memref_squeeze %dma_start3A_694 : memref<1x128x128xf32, #tpu.memory_space<vmem>> -> memref<128x128xf32, #tpu.memory_space<vmem>>
        %dma_start3A_696 = arith.constant 0 : i32
        %dma_start3A_697 = tpu.memref_slice %arg4[%add3A_684, %dma_start3A_696] : memref<163840x128xf32, #tpu.memory_space<hbm>> -> memref<128x128xf32, #tpu.memory_space<hbm>>
        tpu.enqueue_dma source(%dma_start3A_697 : memref<128x128xf32, #tpu.memory_space<hbm>>) target(%dma_start3A_695 : memref<128x128xf32, #tpu.memory_space<vmem>>) target_semaphore(%arg20 : memref<!tpu.dma_semaphore, #tpu.memory_space<semaphore_mem>>)
      } else {
      }
      %dma_wait3A_62 = arith.constant 0 : i32
      %dma_wait3A_63 = arith.constant 0 : i32
      %dma_wait3A_64 = arith.constant 0 : i32
      %dma_wait3A_65 = tpu.memref_slice %arg13[%dma_wait3A_62, %dma_wait3A_63, %dma_wait3A_64] : memref<2x128x128xf32, #tpu.memory_space<vmem>> -> memref<1x128x128xf32, #tpu.memory_space<vmem>>
      %dma_wait3A_66 = tpu.memref_squeeze %dma_wait3A_65 : memref<1x128x128xf32, #tpu.memory_space<vmem>> -> memref<128x128xf32, #tpu.memory_space<vmem>>
      %dma_wait3A_67 = arith.constant 0 : i32
      %dma_wait3A_68 = arith.constant 0 : i32
      %dma_wait3A_69 = tpu.memref_slice %arg4[%dma_wait3A_67, %dma_wait3A_68] : memref<163840x128xf32, #tpu.memory_space<hbm>> -> memref<128x128xf32, #tpu.memory_space<hbm>>
      %dma_wait3A_70 = arith.constant 0 : i32
      %dma_wait3A_71 = arith.constant 0 : i32
      %dma_wait3A_72 = tpu.memref_slice %arg13[%dma_wait3A_62, %dma_wait3A_70, %dma_wait3A_71] : memref<2x128x128xf32, #tpu.memory_space<vmem>> -> memref<1x128x128xf32, #tpu.memory_space<vmem>>
      %dma_wait3A_73 = tpu.memref_squeeze %dma_wait3A_72 : memref<1x128x128xf32, #tpu.memory_space<vmem>> -> memref<128x128xf32, #tpu.memory_space<vmem>>
      %dma_wait3A_74 = arith.constant 0 : i32
      %dma_wait3A_75 = arith.constant 0 : i32
      %dma_wait3A_76 = tpu.memref_slice %arg4[%dma_wait3A_74, %dma_wait3A_75] : memref<163840x128xf32, #tpu.memory_space<hbm>> -> memref<128x128xf32, #tpu.memory_space<hbm>>
      tpu.wait_dma2 semaphore(%arg19 : memref<!tpu.dma_semaphore, #tpu.memory_space<semaphore_mem>>) src(%dma_wait3A_76 : memref<128x128xf32, #tpu.memory_space<hbm>>) dst(%dma_wait3A_73 : memref<128x128xf32, #tpu.memory_space<vmem>>)
      %dma_wait3A_77 = arith.constant 0 : i32
      %dma_wait3A_78 = tpu.memref_slice %arg5[%dma_wait3A_77] : memref<10000xf32, #tpu.memory_space<hbm>> -> memref<10000xf32, #tpu.memory_space<hbm>>
      tpu.wait_indirect_dma semaphore(%arg21 : memref<!tpu.dma_semaphore, #tpu.memory_space<semaphore_mem>>) src(%dma_wait3A_78 : memref<10000xf32, #tpu.memory_space<hbm>>) dst(%arg14 : memref<128xf32, #tpu.memory_space<vmem>>)
      %dma_wait3A_79 = arith.constant 0 : i32
      %dma_wait3A_80 = tpu.memref_slice %arg5[%dma_wait3A_79] : memref<10000xf32, #tpu.memory_space<hbm>> -> memref<10000xf32, #tpu.memory_space<hbm>>
      tpu.wait_indirect_dma semaphore(%arg21 : memref<!tpu.dma_semaphore, #tpu.memory_space<semaphore_mem>>) src(%dma_wait3A_80 : memref<10000xf32, #tpu.memory_space<hbm>>) dst(%arg15 : memref<128xf32, #tpu.memory_space<vmem>>)
      %dma_wait3A_81 = arith.constant 0 : i32
      %dma_wait3A_82 = tpu.memref_slice %arg6[%dma_wait3A_81] : memref<10000xf32, #tpu.memory_space<hbm>> -> memref<10000xf32, #tpu.memory_space<hbm>>
      tpu.wait_indirect_dma semaphore(%arg21 : memref<!tpu.dma_semaphore, #tpu.memory_space<semaphore_mem>>) src(%dma_wait3A_82 : memref<10000xf32, #tpu.memory_space<hbm>>) dst(%arg16 : memref<128xf32, #tpu.memory_space<vmem>>)
      %dma_wait3A_83 = arith.constant 0 : i32
      %dma_wait3A_84 = tpu.memref_slice %arg6[%dma_wait3A_83] : memref<10000xf32, #tpu.memory_space<hbm>> -> memref<10000xf32, #tpu.memory_space<hbm>>
      tpu.wait_indirect_dma semaphore(%arg21 : memref<!tpu.dma_semaphore, #tpu.memory_space<semaphore_mem>>) src(%dma_wait3A_84 : memref<10000xf32, #tpu.memory_space<hbm>>) dst(%arg17 : memref<128xf32, #tpu.memory_space<vmem>>)
      %get3A_85 = arith.constant 0 : index
      %get3A_86 = tpu.vector_load %arg11[%get3A_85] {strides = array<i32>} : memref<128xi32, #tpu.memory_space<vmem>>, vector<16xi32>,
      %get3A_87 = vector.shape_cast %get3A_86 : vector<16xi32> to vector<16xi32>
      %get3A_88 = arith.constant 0 : index
      %get3A_89 = tpu.vector_load %arg14[%get3A_88] {strides = array<i32>} : memref<128xf32, #tpu.memory_space<vmem>>, vector<16xf32>,
      %get3A_90 = vector.shape_cast %get3A_89 : vector<16xf32> to vector<16xf32>
      %get3A_91 = arith.constant 0 : index
      %get3A_92 = tpu.vector_load %arg15[%get3A_91] {strides = array<i32>} : memref<128xf32, #tpu.memory_space<vmem>>, vector<16xf32>,
      %get3A_93 = vector.shape_cast %get3A_92 : vector<16xf32> to vector<16xf32>
      %sub3A = arith.subf %get3A_90, %get3A_93 : vector<16xf32>
      %get3A_94 = arith.constant 0 : index
      %get3A_95 = tpu.vector_load %arg16[%get3A_94] {strides = array<i32>} : memref<128xf32, #tpu.memory_space<vmem>>, vector<16xf32>,
      %get3A_96 = vector.shape_cast %get3A_95 : vector<16xf32> to vector<16xf32>
      %get3A_97 = arith.constant 0 : index
      %get3A_98 = tpu.vector_load %arg17[%get3A_97] {strides = array<i32>} : memref<128xf32, #tpu.memory_space<vmem>>, vector<16xf32>,
      %get3A_99 = vector.shape_cast %get3A_98 : vector<16xf32> to vector<16xf32>
      %sub3A_100 = arith.subf %get3A_96, %get3A_99 : vector<16xf32>
      %abs3A = math.absf %sub3A : vector<16xf32>
      %gt3A_101 = vector.broadcast %squeeze3A : f32 to vector<16xf32>
      %gt3A_102 = arith.cmpf ogt, %abs3A, %gt3A_101 : vector<16xf32>
      %abs3A_103 = math.absf %sub3A_100 : vector<16xf32>
      %gt3A_104 = vector.broadcast %squeeze3A : f32 to vector<16xf32>
      %gt3A_105 = arith.cmpf ogt, %abs3A_103, %gt3A_104 : vector<16xf32>
      %or3A_106 = arith.ori %gt3A_102, %gt3A_105 : vector<16xi1>
      %jit3A = arith.constant 10111 : i32
      %broadcast_in_dim3A = vector.broadcast %jit3A : i32 to vector<16xi32>
      %select_n3A = arith.select %or3A_106, %get3A_87, %broadcast_in_dim3A : vector<16xi1>, vector<16xi32>
      %swap3A = arith.constant 0 : i32
      %swap3A_107 = arith.index_cast %swap3A : i32 to index
      %swap3A_108 = arith.constant 0 : index
      %swap3A_109 = tpu.vector_load %arg12[%swap3A_107, %swap3A_108] {strides = array<i32>} : memref<2x128xi32, #tpu.memory_space<vmem>>, vector<1x16xi32>,
      %swap3A_110 = vector.shape_cast %swap3A_109 : vector<1x16xi32> to vector<16xi32>
      %swap3A_111 = vector.shape_cast %select_n3A : vector<16xi32> to vector<1x16xi32>
      tpu.vector_store %arg12[%swap3A_107, %swap3A_108], %swap3A_111 {strides = array<i32>} : memref<2x128xi32, #tpu.memory_space<vmem>>, vector<1x16xi32>,
      %get3A_112 = arith.constant 16 : index
      %get3A_113 = tpu.vector_load %arg11[%get3A_112] {strides = array<i32>} : memref<128xi32, #tpu.memory_space<vmem>>, vector<16xi32>,
      %get3A_114 = vector.shape_cast %get3A_113 : vector<16xi32> to vector<16xi32>
      %get3A_115 = arith.constant 16 : index
      %get3A_116 = tpu.vector_load %arg14[%get3A_115] {strides = array<i32>} : memref<128xf32, #tpu.memory_space<vmem>>, vector<16xf32>,
      %get3A_117 = vector.shape_cast %get3A_116 : vector<16xf32> to vector<16xf32>
      %get3A_118 = arith.constant 16 : index
      %get3A_119 = tpu.vector_load %arg15[%get3A_118] {strides = array<i32>} : memref<128xf32, #tpu.memory_space<vmem>>, vector<16xf32>,
      %get3A_120 = vector.shape_cast %get3A_119 : vector<16xf32> to vector<16xf32>
      %sub3A_121 = arith.subf %get3A_117, %get3A_120 : vector<16xf32>
      %get3A_122 = arith.constant 16 : index
      %get3A_123 = tpu.vector_load %arg16[%get3A_122] {strides = array<i32>} : memref<128xf32, #tpu.memory_space<vmem>>, vector<16xf32>,
      %get3A_124 = vector.shape_cast %get3A_123 : vector<16xf32> to vector<16xf32>
      %get3A_125 = arith.constant 16 : index
      %get3A_126 = tpu.vector_load %arg17[%get3A_125] {strides = array<i32>} : memref<128xf32, #tpu.memory_space<vmem>>, vector<16xf32>,
      %get3A_127 = vector.shape_cast %get3A_126 : vector<16xf32> to vector<16xf32>
      %sub3A_128 = arith.subf %get3A_124, %get3A_127 : vector<16xf32>
      %abs3A_129 = math.absf %sub3A_121 : vector<16xf32>
      %gt3A_130 = vector.broadcast %squeeze3A : f32 to vector<16xf32>
      %gt3A_131 = arith.cmpf ogt, %abs3A_129, %gt3A_130 : vector<16xf32>
      %abs3A_132 = math.absf %sub3A_128 : vector<16xf32>
      %gt3A_133 = vector.broadcast %squeeze3A : f32 to vector<16xf32>
      %gt3A_134 = arith.cmpf ogt, %abs3A_132, %gt3A_133 : vector<16xf32>
      %or3A_135 = arith.ori %gt3A_131, %gt3A_134 : vector<16xi1>
      %jit3A_136 = arith.constant 10111 : i32
      %broadcast_in_dim3A_137 = vector.broadcast %jit3A_136 : i32 to vector<16xi32>
      %select_n3A_138 = arith.select %or3A_135, %get3A_114, %broadcast_in_dim3A_137 : vector<16xi1>, vector<16xi32>
      %swap3A_139 = arith.constant 0 : i32
      %swap3A_140 = arith.index_cast %swap3A_139 : i32 to index
      %swap3A_141 = arith.constant 16 : index
      %swap3A_142 = tpu.vector_load %arg12[%swap3A_140, %swap3A_141] {strides = array<i32>} : memref<2x128xi32, #tpu.memory_space<vmem>>, vector<1x16xi32>,
      %swap3A_143 = vector.shape_cast %swap3A_142 : vector<1x16xi32> to vector<16xi32>
      %swap3A_144 = vector.shape_cast %select_n3A_138 : vector<16xi32> to vector<1x16xi32>
      tpu.vector_store %arg12[%swap3A_140, %swap3A_141], %swap3A_144 {strides = array<i32>} : memref<2x128xi32, #tpu.memory_space<vmem>>, vector<1x16xi32>,
      %get3A_145 = arith.constant 32 : index
      %get3A_146 = tpu.vector_load %arg11[%get3A_145] {strides = array<i32>} : memref<128xi32, #tpu.memory_space<vmem>>, vector<16xi32>,
      %get3A_147 = vector.shape_cast %get3A_146 : vector<16xi32> to vector<16xi32>
      %get3A_148 = arith.constant 32 : index
      %get3A_149 = tpu.vector_load %arg14[%get3A_148] {strides = array<i32>} : memref<128xf32, #tpu.memory_space<vmem>>, vector<16xf32>,
      %get3A_150 = vector.shape_cast %get3A_149 : vector<16xf32> to vector<16xf32>
      %get3A_151 = arith.constant 32 : index
      %get3A_152 = tpu.vector_load %arg15[%get3A_151] {strides = array<i32>} : memref<128xf32, #tpu.memory_space<vmem>>, vector<16xf32>,
      %get3A_153 = vector.shape_cast %get3A_152 : vector<16xf32> to vector<16xf32>
      %sub3A_154 = arith.subf %get3A_150, %get3A_153 : vector<16xf32>
      %get3A_155 = arith.constant 32 : index
      %get3A_156 = tpu.vector_load %arg16[%get3A_155] {strides = array<i32>} : memref<128xf32, #tpu.memory_space<vmem>>, vector<16xf32>,
      %get3A_157 = vector.shape_cast %get3A_156 : vector<16xf32> to vector<16xf32>
      %get3A_158 = arith.constant 32 : index
      %get3A_159 = tpu.vector_load %arg17[%get3A_158] {strides = array<i32>} : memref<128xf32, #tpu.memory_space<vmem>>, vector<16xf32>,
      %get3A_160 = vector.shape_cast %get3A_159 : vector<16xf32> to vector<16xf32>
      %sub3A_161 = arith.subf %get3A_157, %get3A_160 : vector<16xf32>
      %abs3A_162 = math.absf %sub3A_154 : vector<16xf32>
      %gt3A_163 = vector.broadcast %squeeze3A : f32 to vector<16xf32>
      %gt3A_164 = arith.cmpf ogt, %abs3A_162, %gt3A_163 : vector<16xf32>
      %abs3A_165 = math.absf %sub3A_161 : vector<16xf32>
      %gt3A_166 = vector.broadcast %squeeze3A : f32 to vector<16xf32>
      %gt3A_167 = arith.cmpf ogt, %abs3A_165, %gt3A_166 : vector<16xf32>
      %or3A_168 = arith.ori %gt3A_164, %gt3A_167 : vector<16xi1>
      %jit3A_169 = arith.constant 10111 : i32
      %broadcast_in_dim3A_170 = vector.broadcast %jit3A_169 : i32 to vector<16xi32>
      %select_n3A_171 = arith.select %or3A_168, %get3A_147, %broadcast_in_dim3A_170 : vector<16xi1>, vector<16xi32>
      %swap3A_172 = arith.constant 0 : i32
      %swap3A_173 = arith.index_cast %swap3A_172 : i32 to index
      %swap3A_174 = arith.constant 32 : index
      %swap3A_175 = tpu.vector_load %arg12[%swap3A_173, %swap3A_174] {strides = array<i32>} : memref<2x128xi32, #tpu.memory_space<vmem>>, vector<1x16xi32>,
      %swap3A_176 = vector.shape_cast %swap3A_175 : vector<1x16xi32> to vector<16xi32>
      %swap3A_177 = vector.shape_cast %select_n3A_171 : vector<16xi32> to vector<1x16xi32>
      tpu.vector_store %arg12[%swap3A_173, %swap3A_174], %swap3A_177 {strides = array<i32>} : memref<2x128xi32, #tpu.memory_space<vmem>>, vector<1x16xi32>,
      %get3A_178 = arith.constant 48 : index
      %get3A_179 = tpu.vector_load %arg11[%get3A_178] {strides = array<i32>} : memref<128xi32, #tpu.memory_space<vmem>>, vector<16xi32>,
      %get3A_180 = vector.shape_cast %get3A_179 : vector<16xi32> to vector<16xi32>
      %get3A_181 = arith.constant 48 : index
      %get3A_182 = tpu.vector_load %arg14[%get3A_181] {strides = array<i32>} : memref<128xf32, #tpu.memory_space<vmem>>, vector<16xf32>,
      %get3A_183 = vector.shape_cast %get3A_182 : vector<16xf32> to vector<16xf32>
      %get3A_184 = arith.constant 48 : index
      %get3A_185 = tpu.vector_load %arg15[%get3A_184] {strides = array<i32>} : memref<128xf32, #tpu.memory_space<vmem>>, vector<16xf32>,
      %get3A_186 = vector.shape_cast %get3A_185 : vector<16xf32> to vector<16xf32>
      %sub3A_187 = arith.subf %get3A_183, %get3A_186 : vector<16xf32>
      %get3A_188 = arith.constant 48 : index
      %get3A_189 = tpu.vector_load %arg16[%get3A_188] {strides = array<i32>} : memref<128xf32, #tpu.memory_space<vmem>>, vector<16xf32>,
      %get3A_190 = vector.shape_cast %get3A_189 : vector<16xf32> to vector<16xf32>
      %get3A_191 = arith.constant 48 : index
      %get3A_192 = tpu.vector_load %arg17[%get3A_191] {strides = array<i32>} : memref<128xf32, #tpu.memory_space<vmem>>, vector<16xf32>,
      %get3A_193 = vector.shape_cast %get3A_192 : vector<16xf32> to vector<16xf32>
      %sub3A_194 = arith.subf %get3A_190, %get3A_193 : vector<16xf32>
      %abs3A_195 = math.absf %sub3A_187 : vector<16xf32>
      %gt3A_196 = vector.broadcast %squeeze3A : f32 to vector<16xf32>
      %gt3A_197 = arith.cmpf ogt, %abs3A_195, %gt3A_196 : vector<16xf32>
      %abs3A_198 = math.absf %sub3A_194 : vector<16xf32>
      %gt3A_199 = vector.broadcast %squeeze3A : f32 to vector<16xf32>
      %gt3A_200 = arith.cmpf ogt, %abs3A_198, %gt3A_199 : vector<16xf32>
      %or3A_201 = arith.ori %gt3A_197, %gt3A_200 : vector<16xi1>
      %jit3A_202 = arith.constant 10111 : i32
      %broadcast_in_dim3A_203 = vector.broadcast %jit3A_202 : i32 to vector<16xi32>
      %select_n3A_204 = arith.select %or3A_201, %get3A_180, %broadcast_in_dim3A_203 : vector<16xi1>, vector<16xi32>
      %swap3A_205 = arith.constant 0 : i32
      %swap3A_206 = arith.index_cast %swap3A_205 : i32 to index
      %swap3A_207 = arith.constant 48 : index
      %swap3A_208 = tpu.vector_load %arg12[%swap3A_206, %swap3A_207] {strides = array<i32>} : memref<2x128xi32, #tpu.memory_space<vmem>>, vector<1x16xi32>,
      %swap3A_209 = vector.shape_cast %swap3A_208 : vector<1x16xi32> to vector<16xi32>
      %swap3A_210 = vector.shape_cast %select_n3A_204 : vector<16xi32> to vector<1x16xi32>
      tpu.vector_store %arg12[%swap3A_206, %swap3A_207], %swap3A_210 {strides = array<i32>} : memref<2x128xi32, #tpu.memory_space<vmem>>, vector<1x16xi32>,
      %get3A_211 = arith.constant 64 : index
      %get3A_212 = tpu.vector_load %arg11[%get3A_211] {strides = array<i32>} : memref<128xi32, #tpu.memory_space<vmem>>, vector<16xi32>,
      %get3A_213 = vector.shape_cast %get3A_212 : vector<16xi32> to vector<16xi32>
      %get3A_214 = arith.constant 64 : index
      %get3A_215 = tpu.vector_load %arg14[%get3A_214] {strides = array<i32>} : memref<128xf32, #tpu.memory_space<vmem>>, vector<16xf32>,
      %get3A_216 = vector.shape_cast %get3A_215 : vector<16xf32> to vector<16xf32>
      %get3A_217 = arith.constant 64 : index
      %get3A_218 = tpu.vector_load %arg15[%get3A_217] {strides = array<i32>} : memref<128xf32, #tpu.memory_space<vmem>>, vector<16xf32>,
      %get3A_219 = vector.shape_cast %get3A_218 : vector<16xf32> to vector<16xf32>
      %sub3A_220 = arith.subf %get3A_216, %get3A_219 : vector<16xf32>
      %get3A_221 = arith.constant 64 : index
      %get3A_222 = tpu.vector_load %arg16[%get3A_221] {strides = array<i32>} : memref<128xf32, #tpu.memory_space<vmem>>, vector<16xf32>,
      %get3A_223 = vector.shape_cast %get3A_222 : vector<16xf32> to vector<16xf32>
      %get3A_224 = arith.constant 64 : index
      %get3A_225 = tpu.vector_load %arg17[%get3A_224] {strides = array<i32>} : memref<128xf32, #tpu.memory_space<vmem>>, vector<16xf32>,
      %get3A_226 = vector.shape_cast %get3A_225 : vector<16xf32> to vector<16xf32>
      %sub3A_227 = arith.subf %get3A_223, %get3A_226 : vector<16xf32>
      %abs3A_228 = math.absf %sub3A_220 : vector<16xf32>
      %gt3A_229 = vector.broadcast %squeeze3A : f32 to vector<16xf32>
      %gt3A_230 = arith.cmpf ogt, %abs3A_228, %gt3A_229 : vector<16xf32>
      %abs3A_231 = math.absf %sub3A_227 : vector<16xf32>
      %gt3A_232 = vector.broadcast %squeeze3A : f32 to vector<16xf32>
      %gt3A_233 = arith.cmpf ogt, %abs3A_231, %gt3A_232 : vector<16xf32>
      %or3A_234 = arith.ori %gt3A_230, %gt3A_233 : vector<16xi1>
      %jit3A_235 = arith.constant 10111 : i32
      %broadcast_in_dim3A_236 = vector.broadcast %jit3A_235 : i32 to vector<16xi32>
      %select_n3A_237 = arith.select %or3A_234, %get3A_213, %broadcast_in_dim3A_236 : vector<16xi1>, vector<16xi32>
      %swap3A_238 = arith.constant 0 : i32
      %swap3A_239 = arith.index_cast %swap3A_238 : i32 to index
      %swap3A_240 = arith.constant 64 : index
      %swap3A_241 = tpu.vector_load %arg12[%swap3A_239, %swap3A_240] {strides = array<i32>} : memref<2x128xi32, #tpu.memory_space<vmem>>, vector<1x16xi32>,
      %swap3A_242 = vector.shape_cast %swap3A_241 : vector<1x16xi32> to vector<16xi32>
      %swap3A_243 = vector.shape_cast %select_n3A_237 : vector<16xi32> to vector<1x16xi32>
      tpu.vector_store %arg12[%swap3A_239, %swap3A_240], %swap3A_243 {strides = array<i32>} : memref<2x128xi32, #tpu.memory_space<vmem>>, vector<1x16xi32>,
      %get3A_244 = arith.constant 80 : index
      %get3A_245 = tpu.vector_load %arg11[%get3A_244] {strides = array<i32>} : memref<128xi32, #tpu.memory_space<vmem>>, vector<16xi32>,
      %get3A_246 = vector.shape_cast %get3A_245 : vector<16xi32> to vector<16xi32>
      %get3A_247 = arith.constant 80 : index
      %get3A_248 = tpu.vector_load %arg14[%get3A_247] {strides = array<i32>} : memref<128xf32, #tpu.memory_space<vmem>>, vector<16xf32>,
      %get3A_249 = vector.shape_cast %get3A_248 : vector<16xf32> to vector<16xf32>
      %get3A_250 = arith.constant 80 : index
      %get3A_251 = tpu.vector_load %arg15[%get3A_250] {strides = array<i32>} : memref<128xf32, #tpu.memory_space<vmem>>, vector<16xf32>,
      %get3A_252 = vector.shape_cast %get3A_251 : vector<16xf32> to vector<16xf32>
      %sub3A_253 = arith.subf %get3A_249, %get3A_252 : vector<16xf32>
      %get3A_254 = arith.constant 80 : index
      %get3A_255 = tpu.vector_load %arg16[%get3A_254] {strides = array<i32>} : memref<128xf32, #tpu.memory_space<vmem>>, vector<16xf32>,
      %get3A_256 = vector.shape_cast %get3A_255 : vector<16xf32> to vector<16xf32>
      %get3A_257 = arith.constant 80 : index
      %get3A_258 = tpu.vector_load %arg17[%get3A_257] {strides = array<i32>} : memref<128xf32, #tpu.memory_space<vmem>>, vector<16xf32>,
      %get3A_259 = vector.shape_cast %get3A_258 : vector<16xf32> to vector<16xf32>
      %sub3A_260 = arith.subf %get3A_256, %get3A_259 : vector<16xf32>
      %abs3A_261 = math.absf %sub3A_253 : vector<16xf32>
      %gt3A_262 = vector.broadcast %squeeze3A : f32 to vector<16xf32>
      %gt3A_263 = arith.cmpf ogt, %abs3A_261, %gt3A_262 : vector<16xf32>
      %abs3A_264 = math.absf %sub3A_260 : vector<16xf32>
      %gt3A_265 = vector.broadcast %squeeze3A : f32 to vector<16xf32>
      %gt3A_266 = arith.cmpf ogt, %abs3A_264, %gt3A_265 : vector<16xf32>
      %or3A_267 = arith.ori %gt3A_263, %gt3A_266 : vector<16xi1>
      %jit3A_268 = arith.constant 10111 : i32
      %broadcast_in_dim3A_269 = vector.broadcast %jit3A_268 : i32 to vector<16xi32>
      %select_n3A_270 = arith.select %or3A_267, %get3A_246, %broadcast_in_dim3A_269 : vector<16xi1>, vector<16xi32>
      %swap3A_271 = arith.constant 0 : i32
      %swap3A_272 = arith.index_cast %swap3A_271 : i32 to index
      %swap3A_273 = arith.constant 80 : index
      %swap3A_274 = tpu.vector_load %arg12[%swap3A_272, %swap3A_273] {strides = array<i32>} : memref<2x128xi32, #tpu.memory_space<vmem>>, vector<1x16xi32>,
      %swap3A_275 = vector.shape_cast %swap3A_274 : vector<1x16xi32> to vector<16xi32>
      %swap3A_276 = vector.shape_cast %select_n3A_270 : vector<16xi32> to vector<1x16xi32>
      tpu.vector_store %arg12[%swap3A_272, %swap3A_273], %swap3A_276 {strides = array<i32>} : memref<2x128xi32, #tpu.memory_space<vmem>>, vector<1x16xi32>,
      %get3A_277 = arith.constant 96 : index
      %get3A_278 = tpu.vector_load %arg11[%get3A_277] {strides = array<i32>} : memref<128xi32, #tpu.memory_space<vmem>>, vector<16xi32>,
      %get3A_279 = vector.shape_cast %get3A_278 : vector<16xi32> to vector<16xi32>
      %get3A_280 = arith.constant 96 : index
      %get3A_281 = tpu.vector_load %arg14[%get3A_280] {strides = array<i32>} : memref<128xf32, #tpu.memory_space<vmem>>, vector<16xf32>,
      %get3A_282 = vector.shape_cast %get3A_281 : vector<16xf32> to vector<16xf32>
      %get3A_283 = arith.constant 96 : index
      %get3A_284 = tpu.vector_load %arg15[%get3A_283] {strides = array<i32>} : memref<128xf32, #tpu.memory_space<vmem>>, vector<16xf32>,
      %get3A_285 = vector.shape_cast %get3A_284 : vector<16xf32> to vector<16xf32>
      %sub3A_286 = arith.subf %get3A_282, %get3A_285 : vector<16xf32>
      %get3A_287 = arith.constant 96 : index
      %get3A_288 = tpu.vector_load %arg16[%get3A_287] {strides = array<i32>} : memref<128xf32, #tpu.memory_space<vmem>>, vector<16xf32>,
      %get3A_289 = vector.shape_cast %get3A_288 : vector<16xf32> to vector<16xf32>
      %get3A_290 = arith.constant 96 : index
      %get3A_291 = tpu.vector_load %arg17[%get3A_290] {strides = array<i32>} : memref<128xf32, #tpu.memory_space<vmem>>, vector<16xf32>,
      %get3A_292 = vector.shape_cast %get3A_291 : vector<16xf32> to vector<16xf32>
      %sub3A_293 = arith.subf %get3A_289, %get3A_292 : vector<16xf32>
      %abs3A_294 = math.absf %sub3A_286 : vector<16xf32>
      %gt3A_295 = vector.broadcast %squeeze3A : f32 to vector<16xf32>
      %gt3A_296 = arith.cmpf ogt, %abs3A_294, %gt3A_295 : vector<16xf32>
      %abs3A_297 = math.absf %sub3A_293 : vector<16xf32>
      %gt3A_298 = vector.broadcast %squeeze3A : f32 to vector<16xf32>
      %gt3A_299 = arith.cmpf ogt, %abs3A_297, %gt3A_298 : vector<16xf32>
      %or3A_300 = arith.ori %gt3A_296, %gt3A_299 : vector<16xi1>
      %jit3A_301 = arith.constant 10111 : i32
      %broadcast_in_dim3A_302 = vector.broadcast %jit3A_301 : i32 to vector<16xi32>
      %select_n3A_303 = arith.select %or3A_300, %get3A_279, %broadcast_in_dim3A_302 : vector<16xi1>, vector<16xi32>
      %swap3A_304 = arith.constant 0 : i32
      %swap3A_305 = arith.index_cast %swap3A_304 : i32 to index
      %swap3A_306 = arith.constant 96 : index
      %swap3A_307 = tpu.vector_load %arg12[%swap3A_305, %swap3A_306] {strides = array<i32>} : memref<2x128xi32, #tpu.memory_space<vmem>>, vector<1x16xi32>,
      %swap3A_308 = vector.shape_cast %swap3A_307 : vector<1x16xi32> to vector<16xi32>
      %swap3A_309 = vector.shape_cast %select_n3A_303 : vector<16xi32> to vector<1x16xi32>
      tpu.vector_store %arg12[%swap3A_305, %swap3A_306], %swap3A_309 {strides = array<i32>} : memref<2x128xi32, #tpu.memory_space<vmem>>, vector<1x16xi32>,
      %get3A_310 = arith.constant 112 : index
      %get3A_311 = tpu.vector_load %arg11[%get3A_310] {strides = array<i32>} : memref<128xi32, #tpu.memory_space<vmem>>, vector<16xi32>,
      %get3A_312 = vector.shape_cast %get3A_311 : vector<16xi32> to vector<16xi32>
      %get3A_313 = arith.constant 112 : index
      %get3A_314 = tpu.vector_load %arg14[%get3A_313] {strides = array<i32>} : memref<128xf32, #tpu.memory_space<vmem>>, vector<16xf32>,
      %get3A_315 = vector.shape_cast %get3A_314 : vector<16xf32> to vector<16xf32>
      %get3A_316 = arith.constant 112 : index
      %get3A_317 = tpu.vector_load %arg15[%get3A_316] {strides = array<i32>} : memref<128xf32, #tpu.memory_space<vmem>>, vector<16xf32>,
      %get3A_318 = vector.shape_cast %get3A_317 : vector<16xf32> to vector<16xf32>
      %sub3A_319 = arith.subf %get3A_315, %get3A_318 : vector<16xf32>
      %get3A_320 = arith.constant 112 : index
      %get3A_321 = tpu.vector_load %arg16[%get3A_320] {strides = array<i32>} : memref<128xf32, #tpu.memory_space<vmem>>, vector<16xf32>,
      %get3A_322 = vector.shape_cast %get3A_321 : vector<16xf32> to vector<16xf32>
      %get3A_323 = arith.constant 112 : index
      %get3A_324 = tpu.vector_load %arg17[%get3A_323] {strides = array<i32>} : memref<128xf32, #tpu.memory_space<vmem>>, vector<16xf32>,
      %get3A_325 = vector.shape_cast %get3A_324 : vector<16xf32> to vector<16xf32>
      %sub3A_326 = arith.subf %get3A_322, %get3A_325 : vector<16xf32>
      %abs3A_327 = math.absf %sub3A_319 : vector<16xf32>
      %gt3A_328 = vector.broadcast %squeeze3A : f32 to vector<16xf32>
      %gt3A_329 = arith.cmpf ogt, %abs3A_327, %gt3A_328 : vector<16xf32>
      %abs3A_330 = math.absf %sub3A_326 : vector<16xf32>
      %gt3A_331 = vector.broadcast %squeeze3A : f32 to vector<16xf32>
      %gt3A_332 = arith.cmpf ogt, %abs3A_330, %gt3A_331 : vector<16xf32>
      %or3A_333 = arith.ori %gt3A_329, %gt3A_332 : vector<16xi1>
      %jit3A_334 = arith.constant 10111 : i32
      %broadcast_in_dim3A_335 = vector.broadcast %jit3A_334 : i32 to vector<16xi32>
      %select_n3A_336 = arith.select %or3A_333, %get3A_312, %broadcast_in_dim3A_335 : vector<16xi1>, vector<16xi32>
      %swap3A_337 = arith.constant 0 : i32
      %swap3A_338 = arith.index_cast %swap3A_337 : i32 to index
      %swap3A_339 = arith.constant 112 : index
      %swap3A_340 = tpu.vector_load %arg12[%swap3A_338, %swap3A_339] {strides = array<i32>} : memref<2x128xi32, #tpu.memory_space<vmem>>, vector<1x16xi32>,
      %swap3A_341 = vector.shape_cast %swap3A_340 : vector<1x16xi32> to vector<16xi32>
      %swap3A_342 = vector.shape_cast %select_n3A_336 : vector<16xi32> to vector<1x16xi32>
      tpu.vector_store %arg12[%swap3A_338, %swap3A_339], %swap3A_342 {strides = array<i32>} : memref<2x128xi32, #tpu.memory_space<vmem>>, vector<1x16xi32>,
      %dma_start3A_343 = arith.constant 0 : i32
      %dma_start3A_344 = arith.constant 0 : i32
      %dma_start3A_345 = arith.constant 0 : i32
      %dma_start3A_346 = arith.constant 0 : i32
      %dma_start3A_347 = tpu.memref_slice %arg13[%dma_start3A_343, %dma_start3A_345, %dma_start3A_346] : memref<2x128x128xf32, #tpu.memory_space<vmem>> -> memref<1x128x128xf32, #tpu.memory_space<vmem>>
      %dma_start3A_348 = tpu.memref_squeeze %dma_start3A_347 : memref<1x128x128xf32, #tpu.memory_space<vmem>> -> memref<128x128xf32, #tpu.memory_space<vmem>>
      %dma_start3A_349 = arith.constant 0 : i32
      %dma_start3A_350 = tpu.memref_slice %arg12[%dma_start3A_344, %dma_start3A_349] : memref<2x128xi32, #tpu.memory_space<vmem>> -> memref<1x128xi32, #tpu.memory_space<vmem>>
      %dma_start3A_351 = tpu.memref_squeeze %dma_start3A_350 : memref<1x128xi32, #tpu.memory_space<vmem>> -> memref<128xi32, #tpu.memory_space<vmem>>
      %dma_start3A_352 = arith.constant 0 : i32
      %dma_start3A_353 = arith.constant 0 : i32
      %dma_start3A_354 = tpu.memref_slice %arg18[%dma_start3A_352, %dma_start3A_353] : memref<10112x128xf32, #tpu.memory_space<vmem_shared>> -> memref<10112x128xf32, #tpu.memory_space<vmem_shared>>
      tpu.enqueue_indirect_dma source(%dma_start3A_348 : memref<128x128xf32, #tpu.memory_space<vmem>>) target(%dma_start3A_354 : memref<10112x128xf32, #tpu.memory_space<vmem_shared>>) offsets(%dma_start3A_351 : memref<128xi32, #tpu.memory_space<vmem>>) semaphore(%arg22 : memref<!tpu.dma_semaphore, #tpu.memory_space<semaphore_mem>>) {add = true}
      %mul3A_355 = arith.constant 2 : i32
      %mul3A_356 = arith.muli %scan3A_40, %mul3A_355 : i32
      %add3A_357 = arith.constant 1 : i32
      %add3A_358 = arith.addi %mul3A_356, %add3A_357 : i32
      "tpu.region"() ({
        %run_scoped3A = tpu.sem_alloc : memref<!tpu.dma_semaphore, #tpu.memory_space<semaphore_mem>>
        %dma_start3A_680 = arith.constant 0 : i32
        %dma_start3A_681 = tpu.memref_slice %arg2[%add3A, %add3A_358, %dma_start3A_680] : memref<32x40x128xi32, #tpu.memory_space<hbm>> -> memref<1x1x128xi32, #tpu.memory_space<hbm>>
        %dma_start3A_682 = tpu.memref_squeeze %dma_start3A_681 : memref<1x1x128xi32, #tpu.memory_space<hbm>> -> memref<128xi32, #tpu.memory_space<hbm>>
        %dma_start3A_683 = arith.constant 0 : i32
        %dma_start3A_684 = tpu.memref_slice %arg2[%add3A, %add3A_358, %dma_start3A_683] : memref<32x40x128xi32, #tpu.memory_space<hbm>> -> memref<1x1x128xi32, #tpu.memory_space<hbm>>
        %dma_start3A_685 = tpu.memref_squeeze %dma_start3A_684 : memref<1x1x128xi32, #tpu.memory_space<hbm>> -> memref<128xi32, #tpu.memory_space<hbm>>
        tpu.enqueue_dma source(%dma_start3A_685 : memref<128xi32, #tpu.memory_space<hbm>>) target(%arg10 : memref<128xi32, #tpu.memory_space<vmem>>) target_semaphore(%run_scoped3A : memref<!tpu.dma_semaphore, #tpu.memory_space<semaphore_mem>>)
        %dma_wait3A_686 = arith.constant 0 : i32
        %dma_wait3A_687 = tpu.memref_slice %arg2[%add3A, %add3A_358, %dma_wait3A_686] : memref<32x40x128xi32, #tpu.memory_space<hbm>> -> memref<1x1x128xi32, #tpu.memory_space<hbm>>
        %dma_wait3A_688 = tpu.memref_squeeze %dma_wait3A_687 : memref<1x1x128xi32, #tpu.memory_space<hbm>> -> memref<128xi32, #tpu.memory_space<hbm>>
        %dma_wait3A_689 = arith.constant 0 : i32
        %dma_wait3A_690 = tpu.memref_slice %arg2[%add3A, %add3A_358, %dma_wait3A_689] : memref<32x40x128xi32, #tpu.memory_space<hbm>> -> memref<1x1x128xi32, #tpu.memory_space<hbm>>
        %dma_wait3A_691 = tpu.memref_squeeze %dma_wait3A_690 : memref<1x1x128xi32, #tpu.memory_space<hbm>> -> memref<128xi32, #tpu.memory_space<hbm>>
        tpu.wait_dma2 semaphore(%run_scoped3A : memref<!tpu.dma_semaphore, #tpu.memory_space<semaphore_mem>>) src(%dma_wait3A_691 : memref<128xi32, #tpu.memory_space<hbm>>) dst(%arg10 : memref<128xi32, #tpu.memory_space<vmem>>)
        tpu.yield
      }) : () -> ()
      "tpu.region"() ({
        %run_scoped3A = tpu.sem_alloc : memref<!tpu.dma_semaphore, #tpu.memory_space<semaphore_mem>>
        %dma_start3A_680 = arith.constant 0 : i32
        %dma_start3A_681 = tpu.memref_slice %arg3[%add3A, %add3A_358, %dma_start3A_680] : memref<32x40x128xi32, #tpu.memory_space<hbm>> -> memref<1x1x128xi32, #tpu.memory_space<hbm>>
        %dma_start3A_682 = tpu.memref_squeeze %dma_start3A_681 : memref<1x1x128xi32, #tpu.memory_space<hbm>> -> memref<128xi32, #tpu.memory_space<hbm>>
        %dma_start3A_683 = arith.constant 0 : i32
        %dma_start3A_684 = tpu.memref_slice %arg3[%add3A, %add3A_358, %dma_start3A_683] : memref<32x40x128xi32, #tpu.memory_space<hbm>> -> memref<1x1x128xi32, #tpu.memory_space<hbm>>
        %dma_start3A_685 = tpu.memref_squeeze %dma_start3A_684 : memref<1x1x128xi32, #tpu.memory_space<hbm>> -> memref<128xi32, #tpu.memory_space<hbm>>
        tpu.enqueue_dma source(%dma_start3A_685 : memref<128xi32, #tpu.memory_space<hbm>>) target(%arg11 : memref<128xi32, #tpu.memory_space<vmem>>) target_semaphore(%run_scoped3A : memref<!tpu.dma_semaphore, #tpu.memory_space<semaphore_mem>>)
        %dma_wait3A_686 = arith.constant 0 : i32
        %dma_wait3A_687 = tpu.memref_slice %arg3[%add3A, %add3A_358, %dma_wait3A_686] : memref<32x40x128xi32, #tpu.memory_space<hbm>> -> memref<1x1x128xi32, #tpu.memory_space<hbm>>
        %dma_wait3A_688 = tpu.memref_squeeze %dma_wait3A_687 : memref<1x1x128xi32, #tpu.memory_space<hbm>> -> memref<128xi32, #tpu.memory_space<hbm>>
        %dma_wait3A_689 = arith.constant 0 : i32
        %dma_wait3A_690 = tpu.memref_slice %arg3[%add3A, %add3A_358, %dma_wait3A_689] : memref<32x40x128xi32, #tpu.memory_space<hbm>> -> memref<1x1x128xi32, #tpu.memory_space<hbm>>
        %dma_wait3A_691 = tpu.memref_squeeze %dma_wait3A_690 : memref<1x1x128xi32, #tpu.memory_space<hbm>> -> memref<128xi32, #tpu.memory_space<hbm>>
        tpu.wait_dma2 semaphore(%run_scoped3A : memref<!tpu.dma_semaphore, #tpu.memory_space<semaphore_mem>>) src(%dma_wait3A_691 : memref<128xi32, #tpu.memory_space<hbm>>) dst(%arg11 : memref<128xi32, #tpu.memory_space<vmem>>)
        tpu.yield
      }) : () -> ()
      %dma_start3A_359 = arith.constant 0 : i32
      %dma_start3A_360 = tpu.memref_slice %arg5[%dma_start3A_359] : memref<10000xf32, #tpu.memory_space<hbm>> -> memref<10000xf32, #tpu.memory_space<hbm>>
      tpu.enqueue_indirect_dma source(%dma_start3A_360 : memref<10000xf32, #tpu.memory_space<hbm>>) target(%arg14 : memref<128xf32, #tpu.memory_space<vmem>>) offsets(%arg10 : memref<128xi32, #tpu.memory_space<vmem>>) semaphore(%arg21 : memref<!tpu.dma_semaphore, #tpu.memory_space<semaphore_mem>>)
      %dma_start3A_361 = arith.constant 0 : i32
      %dma_start3A_362 = tpu.memref_slice %arg5[%dma_start3A_361] : memref<10000xf32, #tpu.memory_space<hbm>> -> memref<10000xf32, #tpu.memory_space<hbm>>
      tpu.enqueue_indirect_dma source(%dma_start3A_362 : memref<10000xf32, #tpu.memory_space<hbm>>) target(%arg15 : memref<128xf32, #tpu.memory_space<vmem>>) offsets(%arg11 : memref<128xi32, #tpu.memory_space<vmem>>) semaphore(%arg21 : memref<!tpu.dma_semaphore, #tpu.memory_space<semaphore_mem>>)
      %dma_start3A_363 = arith.constant 0 : i32
      %dma_start3A_364 = tpu.memref_slice %arg6[%dma_start3A_363] : memref<10000xf32, #tpu.memory_space<hbm>> -> memref<10000xf32, #tpu.memory_space<hbm>>
      tpu.enqueue_indirect_dma source(%dma_start3A_364 : memref<10000xf32, #tpu.memory_space<hbm>>) target(%arg16 : memref<128xf32, #tpu.memory_space<vmem>>) offsets(%arg10 : memref<128xi32, #tpu.memory_space<vmem>>) semaphore(%arg21 : memref<!tpu.dma_semaphore, #tpu.memory_space<semaphore_mem>>)
      %dma_start3A_365 = arith.constant 0 : i32
      %dma_start3A_366 = tpu.memref_slice %arg6[%dma_start3A_365] : memref<10000xf32, #tpu.memory_space<hbm>> -> memref<10000xf32, #tpu.memory_space<hbm>>
      tpu.enqueue_indirect_dma source(%dma_start3A_366 : memref<10000xf32, #tpu.memory_space<hbm>>) target(%arg17 : memref<128xf32, #tpu.memory_space<vmem>>) offsets(%arg11 : memref<128xi32, #tpu.memory_space<vmem>>) semaphore(%arg21 : memref<!tpu.dma_semaphore, #tpu.memory_space<semaphore_mem>>)
      %gt3A_367 = arith.constant 0 : i32
      %gt3A_368 = arith.cmpi sgt, %scan3A_40, %gt3A_367 : i32
      %or3A_369 = arith.constant true
      %or3A_370 = arith.ori %gt3A_368, %or3A_369 : i1
      %convert_element_type3A_371 = arith.extui %or3A_370 : i1 to i32
      %cond3A_372 = arith.constant 0 : i32
      %cond3A_373 = arith.cmpi ne, %convert_element_type3A_371, %cond3A_372 : i32
      scf.if %cond3A_373 {
        %dma_wait3A_680 = arith.constant 0 : i32
        %dma_wait3A_681 = arith.constant 0 : i32
        %dma_wait3A_682 = arith.constant 0 : i32
        %dma_wait3A_683 = arith.constant 0 : i32
        %dma_wait3A_684 = tpu.memref_slice %arg13[%dma_wait3A_680, %dma_wait3A_682, %dma_wait3A_683] : memref<2x128x128xf32, #tpu.memory_space<vmem>> -> memref<1x128x128xf32, #tpu.memory_space<vmem>>
        %dma_wait3A_685 = tpu.memref_squeeze %dma_wait3A_684 : memref<1x128x128xf32, #tpu.memory_space<vmem>> -> memref<128x128xf32, #tpu.memory_space<vmem>>
        %dma_wait3A_686 = arith.constant 0 : i32
        %dma_wait3A_687 = tpu.memref_slice %arg12[%dma_wait3A_681, %dma_wait3A_686] : memref<2x128xi32, #tpu.memory_space<vmem>> -> memref<1x128xi32, #tpu.memory_space<vmem>>
        %dma_wait3A_688 = tpu.memref_squeeze %dma_wait3A_687 : memref<1x128xi32, #tpu.memory_space<vmem>> -> memref<128xi32, #tpu.memory_space<vmem>>
        %dma_wait3A_689 = arith.constant 0 : i32
        %dma_wait3A_690 = arith.constant 0 : i32
        %dma_wait3A_691 = tpu.memref_slice %arg18[%dma_wait3A_689, %dma_wait3A_690] : memref<10112x128xf32, #tpu.memory_space<vmem_shared>> -> memref<10112x128xf32, #tpu.memory_space<vmem_shared>>
        tpu.wait_indirect_dma semaphore(%arg22 : memref<!tpu.dma_semaphore, #tpu.memory_space<semaphore_mem>>) src(%dma_wait3A_685 : memref<128x128xf32, #tpu.memory_space<vmem>>) dst(%dma_wait3A_691 : memref<10112x128xf32, #tpu.memory_space<vmem_shared>>)
      } else {
      }
      %add3A_374 = arith.constant 1 : i32
      %add3A_375 = arith.addi %add3A_358, %add3A_374 : i32
      %lt3A_376 = arith.constant 40 : i32
      %lt3A_377 = arith.cmpi slt, %add3A_375, %lt3A_376 : i32
      %convert_element_type3A_378 = arith.extui %lt3A_377 : i1 to i32
      %cond3A_379 = arith.constant 0 : i32
      %cond3A_380 = arith.cmpi ne, %convert_element_type3A_378, %cond3A_379 : i32
      scf.if %cond3A_380 {
        %add3A_680 = arith.constant 1 : i32
        %add3A_681 = arith.addi %add3A_358, %add3A_680 : i32
        %mul3A_682 = arith.constant 128 : i32
        %mul3A_683 = arith.muli %add3A_681, %mul3A_682 : i32
        %add3A_684 = arith.addi %mul3A_4, %mul3A_683 : i32
        %dma_start3A_685 = arith.constant 0 : i32
        %dma_start3A_686 = arith.constant 0 : i32
        %dma_start3A_687 = arith.constant 0 : i32
        %dma_start3A_688 = tpu.memref_slice %arg13[%dma_start3A_685, %dma_start3A_686, %dma_start3A_687] : memref<2x128x128xf32, #tpu.memory_space<vmem>> -> memref<1x128x128xf32, #tpu.memory_space<vmem>>
        %dma_start3A_689 = tpu.memref_squeeze %dma_start3A_688 : memref<1x128x128xf32, #tpu.memory_space<vmem>> -> memref<128x128xf32, #tpu.memory_space<vmem>>
        %dma_start3A_690 = arith.constant 0 : i32
        %dma_start3A_691 = tpu.memref_slice %arg4[%add3A_684, %dma_start3A_690] : memref<163840x128xf32, #tpu.memory_space<hbm>> -> memref<128x128xf32, #tpu.memory_space<hbm>>
        %dma_start3A_692 = arith.constant 0 : i32
        %dma_start3A_693 = arith.constant 0 : i32
        %dma_start3A_694 = tpu.memref_slice %arg13[%dma_start3A_685, %dma_start3A_692, %dma_start3A_693] : memref<2x128x128xf32, #tpu.memory_space<vmem>> -> memref<1x128x128xf32, #tpu.memory_space<vmem>>
        %dma_start3A_695 = tpu.memref_squeeze %dma_start3A_694 : memref<1x128x128xf32, #tpu.memory_space<vmem>> -> memref<128x128xf32, #tpu.memory_space<vmem>>
        %dma_start3A_696 = arith.constant 0 : i32
        %dma_start3A_697 = tpu.memref_slice %arg4[%add3A_684, %dma_start3A_696] : memref<163840x128xf32, #tpu.memory_space<hbm>> -> memref<128x128xf32, #tpu.memory_space<hbm>>
        tpu.enqueue_dma source(%dma_start3A_697 : memref<128x128xf32, #tpu.memory_space<hbm>>) target(%dma_start3A_695 : memref<128x128xf32, #tpu.memory_space<vmem>>) target_semaphore(%arg19 : memref<!tpu.dma_semaphore, #tpu.memory_space<semaphore_mem>>)
      } else {
      }
      %dma_wait3A_381 = arith.constant 1 : i32
      %dma_wait3A_382 = arith.constant 0 : i32
      %dma_wait3A_383 = arith.constant 0 : i32
      %dma_wait3A_384 = tpu.memref_slice %arg13[%dma_wait3A_381, %dma_wait3A_382, %dma_wait3A_383] : memref<2x128x128xf32, #tpu.memory_space<vmem>> -> memref<1x128x128xf32, #tpu.memory_space<vmem>>
      %dma_wait3A_385 = tpu.memref_squeeze %dma_wait3A_384 : memref<1x128x128xf32, #tpu.memory_space<vmem>> -> memref<128x128xf32, #tpu.memory_space<vmem>>
      %dma_wait3A_386 = arith.constant 0 : i32
      %dma_wait3A_387 = arith.constant 0 : i32
      %dma_wait3A_388 = tpu.memref_slice %arg4[%dma_wait3A_386, %dma_wait3A_387] : memref<163840x128xf32, #tpu.memory_space<hbm>> -> memref<128x128xf32, #tpu.memory_space<hbm>>
      %dma_wait3A_389 = arith.constant 0 : i32
      %dma_wait3A_390 = arith.constant 0 : i32
      %dma_wait3A_391 = tpu.memref_slice %arg13[%dma_wait3A_381, %dma_wait3A_389, %dma_wait3A_390] : memref<2x128x128xf32, #tpu.memory_space<vmem>> -> memref<1x128x128xf32, #tpu.memory_space<vmem>>
      %dma_wait3A_392 = tpu.memref_squeeze %dma_wait3A_391 : memref<1x128x128xf32, #tpu.memory_space<vmem>> -> memref<128x128xf32, #tpu.memory_space<vmem>>
      %dma_wait3A_393 = arith.constant 0 : i32
      %dma_wait3A_394 = arith.constant 0 : i32
      %dma_wait3A_395 = tpu.memref_slice %arg4[%dma_wait3A_393, %dma_wait3A_394] : memref<163840x128xf32, #tpu.memory_space<hbm>> -> memref<128x128xf32, #tpu.memory_space<hbm>>
      tpu.wait_dma2 semaphore(%arg20 : memref<!tpu.dma_semaphore, #tpu.memory_space<semaphore_mem>>) src(%dma_wait3A_395 : memref<128x128xf32, #tpu.memory_space<hbm>>) dst(%dma_wait3A_392 : memref<128x128xf32, #tpu.memory_space<vmem>>)
      %dma_wait3A_396 = arith.constant 0 : i32
      %dma_wait3A_397 = tpu.memref_slice %arg5[%dma_wait3A_396] : memref<10000xf32, #tpu.memory_space<hbm>> -> memref<10000xf32, #tpu.memory_space<hbm>>
      tpu.wait_indirect_dma semaphore(%arg21 : memref<!tpu.dma_semaphore, #tpu.memory_space<semaphore_mem>>) src(%dma_wait3A_397 : memref<10000xf32, #tpu.memory_space<hbm>>) dst(%arg14 : memref<128xf32, #tpu.memory_space<vmem>>)
      %dma_wait3A_398 = arith.constant 0 : i32
      %dma_wait3A_399 = tpu.memref_slice %arg5[%dma_wait3A_398] : memref<10000xf32, #tpu.memory_space<hbm>> -> memref<10000xf32, #tpu.memory_space<hbm>>
      tpu.wait_indirect_dma semaphore(%arg21 : memref<!tpu.dma_semaphore, #tpu.memory_space<semaphore_mem>>) src(%dma_wait3A_399 : memref<10000xf32, #tpu.memory_space<hbm>>) dst(%arg15 : memref<128xf32, #tpu.memory_space<vmem>>)
      %dma_wait3A_400 = arith.constant 0 : i32
      %dma_wait3A_401 = tpu.memref_slice %arg6[%dma_wait3A_400] : memref<10000xf32, #tpu.memory_space<hbm>> -> memref<10000xf32, #tpu.memory_space<hbm>>
      tpu.wait_indirect_dma semaphore(%arg21 : memref<!tpu.dma_semaphore, #tpu.memory_space<semaphore_mem>>) src(%dma_wait3A_401 : memref<10000xf32, #tpu.memory_space<hbm>>) dst(%arg16 : memref<128xf32, #tpu.memory_space<vmem>>)
      %dma_wait3A_402 = arith.constant 0 : i32
      %dma_wait3A_403 = tpu.memref_slice %arg6[%dma_wait3A_402] : memref<10000xf32, #tpu.memory_space<hbm>> -> memref<10000xf32, #tpu.memory_space<hbm>>
      tpu.wait_indirect_dma semaphore(%arg21 : memref<!tpu.dma_semaphore, #tpu.memory_space<semaphore_mem>>) src(%dma_wait3A_403 : memref<10000xf32, #tpu.memory_space<hbm>>) dst(%arg17 : memref<128xf32, #tpu.memory_space<vmem>>)
      %get3A_404 = arith.constant 0 : index
      %get3A_405 = tpu.vector_load %arg11[%get3A_404] {strides = array<i32>} : memref<128xi32, #tpu.memory_space<vmem>>, vector<16xi32>,
      %get3A_406 = vector.shape_cast %get3A_405 : vector<16xi32> to vector<16xi32>
      %get3A_407 = arith.constant 0 : index
      %get3A_408 = tpu.vector_load %arg14[%get3A_407] {strides = array<i32>} : memref<128xf32, #tpu.memory_space<vmem>>, vector<16xf32>,
      %get3A_409 = vector.shape_cast %get3A_408 : vector<16xf32> to vector<16xf32>
      %get3A_410 = arith.constant 0 : index
      %get3A_411 = tpu.vector_load %arg15[%get3A_410] {strides = array<i32>} : memref<128xf32, #tpu.memory_space<vmem>>, vector<16xf32>,
      %get3A_412 = vector.shape_cast %get3A_411 : vector<16xf32> to vector<16xf32>
      %sub3A_413 = arith.subf %get3A_409, %get3A_412 : vector<16xf32>
      %get3A_414 = arith.constant 0 : index
      %get3A_415 = tpu.vector_load %arg16[%get3A_414] {strides = array<i32>} : memref<128xf32, #tpu.memory_space<vmem>>, vector<16xf32>,
      %get3A_416 = vector.shape_cast %get3A_415 : vector<16xf32> to vector<16xf32>
      %get3A_417 = arith.constant 0 : index
      %get3A_418 = tpu.vector_load %arg17[%get3A_417] {strides = array<i32>} : memref<128xf32, #tpu.memory_space<vmem>>, vector<16xf32>,
      %get3A_419 = vector.shape_cast %get3A_418 : vector<16xf32> to vector<16xf32>
      %sub3A_420 = arith.subf %get3A_416, %get3A_419 : vector<16xf32>
      %abs3A_421 = math.absf %sub3A_413 : vector<16xf32>
      %gt3A_422 = vector.broadcast %squeeze3A : f32 to vector<16xf32>
      %gt3A_423 = arith.cmpf ogt, %abs3A_421, %gt3A_422 : vector<16xf32>
      %abs3A_424 = math.absf %sub3A_420 : vector<16xf32>
      %gt3A_425 = vector.broadcast %squeeze3A : f32 to vector<16xf32>
      %gt3A_426 = arith.cmpf ogt, %abs3A_424, %gt3A_425 : vector<16xf32>
      %or3A_427 = arith.ori %gt3A_423, %gt3A_426 : vector<16xi1>
      %jit3A_428 = arith.constant 10111 : i32
      %broadcast_in_dim3A_429 = vector.broadcast %jit3A_428 : i32 to vector<16xi32>
      %select_n3A_430 = arith.select %or3A_427, %get3A_406, %broadcast_in_dim3A_429 : vector<16xi1>, vector<16xi32>
      %swap3A_431 = arith.constant 1 : i32
      %swap3A_432 = arith.index_cast %swap3A_431 : i32 to index
      %swap3A_433 = arith.constant 0 : index
      %swap3A_434 = tpu.vector_load %arg12[%swap3A_432, %swap3A_433] {strides = array<i32>} : memref<2x128xi32, #tpu.memory_space<vmem>>, vector<1x16xi32>,
      %swap3A_435 = vector.shape_cast %swap3A_434 : vector<1x16xi32> to vector<16xi32>
      %swap3A_436 = vector.shape_cast %select_n3A_430 : vector<16xi32> to vector<1x16xi32>
      tpu.vector_store %arg12[%swap3A_432, %swap3A_433], %swap3A_436 {strides = array<i32>} : memref<2x128xi32, #tpu.memory_space<vmem>>, vector<1x16xi32>,
      %get3A_437 = arith.constant 16 : index
      %get3A_438 = tpu.vector_load %arg11[%get3A_437] {strides = array<i32>} : memref<128xi32, #tpu.memory_space<vmem>>, vector<16xi32>,
      %get3A_439 = vector.shape_cast %get3A_438 : vector<16xi32> to vector<16xi32>
      %get3A_440 = arith.constant 16 : index
      %get3A_441 = tpu.vector_load %arg14[%get3A_440] {strides = array<i32>} : memref<128xf32, #tpu.memory_space<vmem>>, vector<16xf32>,
      %get3A_442 = vector.shape_cast %get3A_441 : vector<16xf32> to vector<16xf32>
      %get3A_443 = arith.constant 16 : index
      %get3A_444 = tpu.vector_load %arg15[%get3A_443] {strides = array<i32>} : memref<128xf32, #tpu.memory_space<vmem>>, vector<16xf32>,
      %get3A_445 = vector.shape_cast %get3A_444 : vector<16xf32> to vector<16xf32>
      %sub3A_446 = arith.subf %get3A_442, %get3A_445 : vector<16xf32>
      %get3A_447 = arith.constant 16 : index
      %get3A_448 = tpu.vector_load %arg16[%get3A_447] {strides = array<i32>} : memref<128xf32, #tpu.memory_space<vmem>>, vector<16xf32>,
      %get3A_449 = vector.shape_cast %get3A_448 : vector<16xf32> to vector<16xf32>
      %get3A_450 = arith.constant 16 : index
      %get3A_451 = tpu.vector_load %arg17[%get3A_450] {strides = array<i32>} : memref<128xf32, #tpu.memory_space<vmem>>, vector<16xf32>,
      %get3A_452 = vector.shape_cast %get3A_451 : vector<16xf32> to vector<16xf32>
      %sub3A_453 = arith.subf %get3A_449, %get3A_452 : vector<16xf32>
      %abs3A_454 = math.absf %sub3A_446 : vector<16xf32>
      %gt3A_455 = vector.broadcast %squeeze3A : f32 to vector<16xf32>
      %gt3A_456 = arith.cmpf ogt, %abs3A_454, %gt3A_455 : vector<16xf32>
      %abs3A_457 = math.absf %sub3A_453 : vector<16xf32>
      %gt3A_458 = vector.broadcast %squeeze3A : f32 to vector<16xf32>
      %gt3A_459 = arith.cmpf ogt, %abs3A_457, %gt3A_458 : vector<16xf32>
      %or3A_460 = arith.ori %gt3A_456, %gt3A_459 : vector<16xi1>
      %jit3A_461 = arith.constant 10111 : i32
      %broadcast_in_dim3A_462 = vector.broadcast %jit3A_461 : i32 to vector<16xi32>
      %select_n3A_463 = arith.select %or3A_460, %get3A_439, %broadcast_in_dim3A_462 : vector<16xi1>, vector<16xi32>
      %swap3A_464 = arith.constant 1 : i32
      %swap3A_465 = arith.index_cast %swap3A_464 : i32 to index
      %swap3A_466 = arith.constant 16 : index
      %swap3A_467 = tpu.vector_load %arg12[%swap3A_465, %swap3A_466] {strides = array<i32>} : memref<2x128xi32, #tpu.memory_space<vmem>>, vector<1x16xi32>,
      %swap3A_468 = vector.shape_cast %swap3A_467 : vector<1x16xi32> to vector<16xi32>
      %swap3A_469 = vector.shape_cast %select_n3A_463 : vector<16xi32> to vector<1x16xi32>
      tpu.vector_store %arg12[%swap3A_465, %swap3A_466], %swap3A_469 {strides = array<i32>} : memref<2x128xi32, #tpu.memory_space<vmem>>, vector<1x16xi32>,
      %get3A_470 = arith.constant 32 : index
      %get3A_471 = tpu.vector_load %arg11[%get3A_470] {strides = array<i32>} : memref<128xi32, #tpu.memory_space<vmem>>, vector<16xi32>,
      %get3A_472 = vector.shape_cast %get3A_471 : vector<16xi32> to vector<16xi32>
      %get3A_473 = arith.constant 32 : index
      %get3A_474 = tpu.vector_load %arg14[%get3A_473] {strides = array<i32>} : memref<128xf32, #tpu.memory_space<vmem>>, vector<16xf32>,
      %get3A_475 = vector.shape_cast %get3A_474 : vector<16xf32> to vector<16xf32>
      %get3A_476 = arith.constant 32 : index
      %get3A_477 = tpu.vector_load %arg15[%get3A_476] {strides = array<i32>} : memref<128xf32, #tpu.memory_space<vmem>>, vector<16xf32>,
      %get3A_478 = vector.shape_cast %get3A_477 : vector<16xf32> to vector<16xf32>
      %sub3A_479 = arith.subf %get3A_475, %get3A_478 : vector<16xf32>
      %get3A_480 = arith.constant 32 : index
      %get3A_481 = tpu.vector_load %arg16[%get3A_480] {strides = array<i32>} : memref<128xf32, #tpu.memory_space<vmem>>, vector<16xf32>,
      %get3A_482 = vector.shape_cast %get3A_481 : vector<16xf32> to vector<16xf32>
      %get3A_483 = arith.constant 32 : index
      %get3A_484 = tpu.vector_load %arg17[%get3A_483] {strides = array<i32>} : memref<128xf32, #tpu.memory_space<vmem>>, vector<16xf32>,
      %get3A_485 = vector.shape_cast %get3A_484 : vector<16xf32> to vector<16xf32>
      %sub3A_486 = arith.subf %get3A_482, %get3A_485 : vector<16xf32>
      %abs3A_487 = math.absf %sub3A_479 : vector<16xf32>
      %gt3A_488 = vector.broadcast %squeeze3A : f32 to vector<16xf32>
      %gt3A_489 = arith.cmpf ogt, %abs3A_487, %gt3A_488 : vector<16xf32>
      %abs3A_490 = math.absf %sub3A_486 : vector<16xf32>
      %gt3A_491 = vector.broadcast %squeeze3A : f32 to vector<16xf32>
      %gt3A_492 = arith.cmpf ogt, %abs3A_490, %gt3A_491 : vector<16xf32>
      %or3A_493 = arith.ori %gt3A_489, %gt3A_492 : vector<16xi1>
      %jit3A_494 = arith.constant 10111 : i32
      %broadcast_in_dim3A_495 = vector.broadcast %jit3A_494 : i32 to vector<16xi32>
      %select_n3A_496 = arith.select %or3A_493, %get3A_472, %broadcast_in_dim3A_495 : vector<16xi1>, vector<16xi32>
      %swap3A_497 = arith.constant 1 : i32
      %swap3A_498 = arith.index_cast %swap3A_497 : i32 to index
      %swap3A_499 = arith.constant 32 : index
      %swap3A_500 = tpu.vector_load %arg12[%swap3A_498, %swap3A_499] {strides = array<i32>} : memref<2x128xi32, #tpu.memory_space<vmem>>, vector<1x16xi32>,
      %swap3A_501 = vector.shape_cast %swap3A_500 : vector<1x16xi32> to vector<16xi32>
      %swap3A_502 = vector.shape_cast %select_n3A_496 : vector<16xi32> to vector<1x16xi32>
      tpu.vector_store %arg12[%swap3A_498, %swap3A_499], %swap3A_502 {strides = array<i32>} : memref<2x128xi32, #tpu.memory_space<vmem>>, vector<1x16xi32>,
      %get3A_503 = arith.constant 48 : index
      %get3A_504 = tpu.vector_load %arg11[%get3A_503] {strides = array<i32>} : memref<128xi32, #tpu.memory_space<vmem>>, vector<16xi32>,
      %get3A_505 = vector.shape_cast %get3A_504 : vector<16xi32> to vector<16xi32>
      %get3A_506 = arith.constant 48 : index
      %get3A_507 = tpu.vector_load %arg14[%get3A_506] {strides = array<i32>} : memref<128xf32, #tpu.memory_space<vmem>>, vector<16xf32>,
      %get3A_508 = vector.shape_cast %get3A_507 : vector<16xf32> to vector<16xf32>
      %get3A_509 = arith.constant 48 : index
      %get3A_510 = tpu.vector_load %arg15[%get3A_509] {strides = array<i32>} : memref<128xf32, #tpu.memory_space<vmem>>, vector<16xf32>,
      %get3A_511 = vector.shape_cast %get3A_510 : vector<16xf32> to vector<16xf32>
      %sub3A_512 = arith.subf %get3A_508, %get3A_511 : vector<16xf32>
      %get3A_513 = arith.constant 48 : index
      %get3A_514 = tpu.vector_load %arg16[%get3A_513] {strides = array<i32>} : memref<128xf32, #tpu.memory_space<vmem>>, vector<16xf32>,
      %get3A_515 = vector.shape_cast %get3A_514 : vector<16xf32> to vector<16xf32>
      %get3A_516 = arith.constant 48 : index
      %get3A_517 = tpu.vector_load %arg17[%get3A_516] {strides = array<i32>} : memref<128xf32, #tpu.memory_space<vmem>>, vector<16xf32>,
      %get3A_518 = vector.shape_cast %get3A_517 : vector<16xf32> to vector<16xf32>
      %sub3A_519 = arith.subf %get3A_515, %get3A_518 : vector<16xf32>
      %abs3A_520 = math.absf %sub3A_512 : vector<16xf32>
      %gt3A_521 = vector.broadcast %squeeze3A : f32 to vector<16xf32>
      %gt3A_522 = arith.cmpf ogt, %abs3A_520, %gt3A_521 : vector<16xf32>
      %abs3A_523 = math.absf %sub3A_519 : vector<16xf32>
      %gt3A_524 = vector.broadcast %squeeze3A : f32 to vector<16xf32>
      %gt3A_525 = arith.cmpf ogt, %abs3A_523, %gt3A_524 : vector<16xf32>
      %or3A_526 = arith.ori %gt3A_522, %gt3A_525 : vector<16xi1>
      %jit3A_527 = arith.constant 10111 : i32
      %broadcast_in_dim3A_528 = vector.broadcast %jit3A_527 : i32 to vector<16xi32>
      %select_n3A_529 = arith.select %or3A_526, %get3A_505, %broadcast_in_dim3A_528 : vector<16xi1>, vector<16xi32>
      %swap3A_530 = arith.constant 1 : i32
      %swap3A_531 = arith.index_cast %swap3A_530 : i32 to index
      %swap3A_532 = arith.constant 48 : index
      %swap3A_533 = tpu.vector_load %arg12[%swap3A_531, %swap3A_532] {strides = array<i32>} : memref<2x128xi32, #tpu.memory_space<vmem>>, vector<1x16xi32>,
      %swap3A_534 = vector.shape_cast %swap3A_533 : vector<1x16xi32> to vector<16xi32>
      %swap3A_535 = vector.shape_cast %select_n3A_529 : vector<16xi32> to vector<1x16xi32>
      tpu.vector_store %arg12[%swap3A_531, %swap3A_532], %swap3A_535 {strides = array<i32>} : memref<2x128xi32, #tpu.memory_space<vmem>>, vector<1x16xi32>,
      %get3A_536 = arith.constant 64 : index
      %get3A_537 = tpu.vector_load %arg11[%get3A_536] {strides = array<i32>} : memref<128xi32, #tpu.memory_space<vmem>>, vector<16xi32>,
      %get3A_538 = vector.shape_cast %get3A_537 : vector<16xi32> to vector<16xi32>
      %get3A_539 = arith.constant 64 : index
      %get3A_540 = tpu.vector_load %arg14[%get3A_539] {strides = array<i32>} : memref<128xf32, #tpu.memory_space<vmem>>, vector<16xf32>,
      %get3A_541 = vector.shape_cast %get3A_540 : vector<16xf32> to vector<16xf32>
      %get3A_542 = arith.constant 64 : index
      %get3A_543 = tpu.vector_load %arg15[%get3A_542] {strides = array<i32>} : memref<128xf32, #tpu.memory_space<vmem>>, vector<16xf32>,
      %get3A_544 = vector.shape_cast %get3A_543 : vector<16xf32> to vector<16xf32>
      %sub3A_545 = arith.subf %get3A_541, %get3A_544 : vector<16xf32>
      %get3A_546 = arith.constant 64 : index
      %get3A_547 = tpu.vector_load %arg16[%get3A_546] {strides = array<i32>} : memref<128xf32, #tpu.memory_space<vmem>>, vector<16xf32>,
      %get3A_548 = vector.shape_cast %get3A_547 : vector<16xf32> to vector<16xf32>
      %get3A_549 = arith.constant 64 : index
      %get3A_550 = tpu.vector_load %arg17[%get3A_549] {strides = array<i32>} : memref<128xf32, #tpu.memory_space<vmem>>, vector<16xf32>,
      %get3A_551 = vector.shape_cast %get3A_550 : vector<16xf32> to vector<16xf32>
      %sub3A_552 = arith.subf %get3A_548, %get3A_551 : vector<16xf32>
      %abs3A_553 = math.absf %sub3A_545 : vector<16xf32>
      %gt3A_554 = vector.broadcast %squeeze3A : f32 to vector<16xf32>
      %gt3A_555 = arith.cmpf ogt, %abs3A_553, %gt3A_554 : vector<16xf32>
      %abs3A_556 = math.absf %sub3A_552 : vector<16xf32>
      %gt3A_557 = vector.broadcast %squeeze3A : f32 to vector<16xf32>
      %gt3A_558 = arith.cmpf ogt, %abs3A_556, %gt3A_557 : vector<16xf32>
      %or3A_559 = arith.ori %gt3A_555, %gt3A_558 : vector<16xi1>
      %jit3A_560 = arith.constant 10111 : i32
      %broadcast_in_dim3A_561 = vector.broadcast %jit3A_560 : i32 to vector<16xi32>
      %select_n3A_562 = arith.select %or3A_559, %get3A_538, %broadcast_in_dim3A_561 : vector<16xi1>, vector<16xi32>
      %swap3A_563 = arith.constant 1 : i32
      %swap3A_564 = arith.index_cast %swap3A_563 : i32 to index
      %swap3A_565 = arith.constant 64 : index
      %swap3A_566 = tpu.vector_load %arg12[%swap3A_564, %swap3A_565] {strides = array<i32>} : memref<2x128xi32, #tpu.memory_space<vmem>>, vector<1x16xi32>,
      %swap3A_567 = vector.shape_cast %swap3A_566 : vector<1x16xi32> to vector<16xi32>
      %swap3A_568 = vector.shape_cast %select_n3A_562 : vector<16xi32> to vector<1x16xi32>
      tpu.vector_store %arg12[%swap3A_564, %swap3A_565], %swap3A_568 {strides = array<i32>} : memref<2x128xi32, #tpu.memory_space<vmem>>, vector<1x16xi32>,
      %get3A_569 = arith.constant 80 : index
      %get3A_570 = tpu.vector_load %arg11[%get3A_569] {strides = array<i32>} : memref<128xi32, #tpu.memory_space<vmem>>, vector<16xi32>,
      %get3A_571 = vector.shape_cast %get3A_570 : vector<16xi32> to vector<16xi32>
      %get3A_572 = arith.constant 80 : index
      %get3A_573 = tpu.vector_load %arg14[%get3A_572] {strides = array<i32>} : memref<128xf32, #tpu.memory_space<vmem>>, vector<16xf32>,
      %get3A_574 = vector.shape_cast %get3A_573 : vector<16xf32> to vector<16xf32>
      %get3A_575 = arith.constant 80 : index
      %get3A_576 = tpu.vector_load %arg15[%get3A_575] {strides = array<i32>} : memref<128xf32, #tpu.memory_space<vmem>>, vector<16xf32>,
      %get3A_577 = vector.shape_cast %get3A_576 : vector<16xf32> to vector<16xf32>
      %sub3A_578 = arith.subf %get3A_574, %get3A_577 : vector<16xf32>
      %get3A_579 = arith.constant 80 : index
      %get3A_580 = tpu.vector_load %arg16[%get3A_579] {strides = array<i32>} : memref<128xf32, #tpu.memory_space<vmem>>, vector<16xf32>,
      %get3A_581 = vector.shape_cast %get3A_580 : vector<16xf32> to vector<16xf32>
      %get3A_582 = arith.constant 80 : index
      %get3A_583 = tpu.vector_load %arg17[%get3A_582] {strides = array<i32>} : memref<128xf32, #tpu.memory_space<vmem>>, vector<16xf32>,
      %get3A_584 = vector.shape_cast %get3A_583 : vector<16xf32> to vector<16xf32>
      %sub3A_585 = arith.subf %get3A_581, %get3A_584 : vector<16xf32>
      %abs3A_586 = math.absf %sub3A_578 : vector<16xf32>
      %gt3A_587 = vector.broadcast %squeeze3A : f32 to vector<16xf32>
      %gt3A_588 = arith.cmpf ogt, %abs3A_586, %gt3A_587 : vector<16xf32>
      %abs3A_589 = math.absf %sub3A_585 : vector<16xf32>
      %gt3A_590 = vector.broadcast %squeeze3A : f32 to vector<16xf32>
      %gt3A_591 = arith.cmpf ogt, %abs3A_589, %gt3A_590 : vector<16xf32>
      %or3A_592 = arith.ori %gt3A_588, %gt3A_591 : vector<16xi1>
      %jit3A_593 = arith.constant 10111 : i32
      %broadcast_in_dim3A_594 = vector.broadcast %jit3A_593 : i32 to vector<16xi32>
      %select_n3A_595 = arith.select %or3A_592, %get3A_571, %broadcast_in_dim3A_594 : vector<16xi1>, vector<16xi32>
      %swap3A_596 = arith.constant 1 : i32
      %swap3A_597 = arith.index_cast %swap3A_596 : i32 to index
      %swap3A_598 = arith.constant 80 : index
      %swap3A_599 = tpu.vector_load %arg12[%swap3A_597, %swap3A_598] {strides = array<i32>} : memref<2x128xi32, #tpu.memory_space<vmem>>, vector<1x16xi32>,
      %swap3A_600 = vector.shape_cast %swap3A_599 : vector<1x16xi32> to vector<16xi32>
      %swap3A_601 = vector.shape_cast %select_n3A_595 : vector<16xi32> to vector<1x16xi32>
      tpu.vector_store %arg12[%swap3A_597, %swap3A_598], %swap3A_601 {strides = array<i32>} : memref<2x128xi32, #tpu.memory_space<vmem>>, vector<1x16xi32>,
      %get3A_602 = arith.constant 96 : index
      %get3A_603 = tpu.vector_load %arg11[%get3A_602] {strides = array<i32>} : memref<128xi32, #tpu.memory_space<vmem>>, vector<16xi32>,
      %get3A_604 = vector.shape_cast %get3A_603 : vector<16xi32> to vector<16xi32>
      %get3A_605 = arith.constant 96 : index
      %get3A_606 = tpu.vector_load %arg14[%get3A_605] {strides = array<i32>} : memref<128xf32, #tpu.memory_space<vmem>>, vector<16xf32>,
      %get3A_607 = vector.shape_cast %get3A_606 : vector<16xf32> to vector<16xf32>
      %get3A_608 = arith.constant 96 : index
      %get3A_609 = tpu.vector_load %arg15[%get3A_608] {strides = array<i32>} : memref<128xf32, #tpu.memory_space<vmem>>, vector<16xf32>,
      %get3A_610 = vector.shape_cast %get3A_609 : vector<16xf32> to vector<16xf32>
      %sub3A_611 = arith.subf %get3A_607, %get3A_610 : vector<16xf32>
      %get3A_612 = arith.constant 96 : index
      %get3A_613 = tpu.vector_load %arg16[%get3A_612] {strides = array<i32>} : memref<128xf32, #tpu.memory_space<vmem>>, vector<16xf32>,
      %get3A_614 = vector.shape_cast %get3A_613 : vector<16xf32> to vector<16xf32>
      %get3A_615 = arith.constant 96 : index
      %get3A_616 = tpu.vector_load %arg17[%get3A_615] {strides = array<i32>} : memref<128xf32, #tpu.memory_space<vmem>>, vector<16xf32>,
      %get3A_617 = vector.shape_cast %get3A_616 : vector<16xf32> to vector<16xf32>
      %sub3A_618 = arith.subf %get3A_614, %get3A_617 : vector<16xf32>
      %abs3A_619 = math.absf %sub3A_611 : vector<16xf32>
      %gt3A_620 = vector.broadcast %squeeze3A : f32 to vector<16xf32>
      %gt3A_621 = arith.cmpf ogt, %abs3A_619, %gt3A_620 : vector<16xf32>
      %abs3A_622 = math.absf %sub3A_618 : vector<16xf32>
      %gt3A_623 = vector.broadcast %squeeze3A : f32 to vector<16xf32>
      %gt3A_624 = arith.cmpf ogt, %abs3A_622, %gt3A_623 : vector<16xf32>
      %or3A_625 = arith.ori %gt3A_621, %gt3A_624 : vector<16xi1>
      %jit3A_626 = arith.constant 10111 : i32
      %broadcast_in_dim3A_627 = vector.broadcast %jit3A_626 : i32 to vector<16xi32>
      %select_n3A_628 = arith.select %or3A_625, %get3A_604, %broadcast_in_dim3A_627 : vector<16xi1>, vector<16xi32>
      %swap3A_629 = arith.constant 1 : i32
      %swap3A_630 = arith.index_cast %swap3A_629 : i32 to index
      %swap3A_631 = arith.constant 96 : index
      %swap3A_632 = tpu.vector_load %arg12[%swap3A_630, %swap3A_631] {strides = array<i32>} : memref<2x128xi32, #tpu.memory_space<vmem>>, vector<1x16xi32>,
      %swap3A_633 = vector.shape_cast %swap3A_632 : vector<1x16xi32> to vector<16xi32>
      %swap3A_634 = vector.shape_cast %select_n3A_628 : vector<16xi32> to vector<1x16xi32>
      tpu.vector_store %arg12[%swap3A_630, %swap3A_631], %swap3A_634 {strides = array<i32>} : memref<2x128xi32, #tpu.memory_space<vmem>>, vector<1x16xi32>,
      %get3A_635 = arith.constant 112 : index
      %get3A_636 = tpu.vector_load %arg11[%get3A_635] {strides = array<i32>} : memref<128xi32, #tpu.memory_space<vmem>>, vector<16xi32>,
      %get3A_637 = vector.shape_cast %get3A_636 : vector<16xi32> to vector<16xi32>
      %get3A_638 = arith.constant 112 : index
      %get3A_639 = tpu.vector_load %arg14[%get3A_638] {strides = array<i32>} : memref<128xf32, #tpu.memory_space<vmem>>, vector<16xf32>,
      %get3A_640 = vector.shape_cast %get3A_639 : vector<16xf32> to vector<16xf32>
      %get3A_641 = arith.constant 112 : index
      %get3A_642 = tpu.vector_load %arg15[%get3A_641] {strides = array<i32>} : memref<128xf32, #tpu.memory_space<vmem>>, vector<16xf32>,
      %get3A_643 = vector.shape_cast %get3A_642 : vector<16xf32> to vector<16xf32>
      %sub3A_644 = arith.subf %get3A_640, %get3A_643 : vector<16xf32>
      %get3A_645 = arith.constant 112 : index
      %get3A_646 = tpu.vector_load %arg16[%get3A_645] {strides = array<i32>} : memref<128xf32, #tpu.memory_space<vmem>>, vector<16xf32>,
      %get3A_647 = vector.shape_cast %get3A_646 : vector<16xf32> to vector<16xf32>
      %get3A_648 = arith.constant 112 : index
      %get3A_649 = tpu.vector_load %arg17[%get3A_648] {strides = array<i32>} : memref<128xf32, #tpu.memory_space<vmem>>, vector<16xf32>,
      %get3A_650 = vector.shape_cast %get3A_649 : vector<16xf32> to vector<16xf32>
      %sub3A_651 = arith.subf %get3A_647, %get3A_650 : vector<16xf32>
      %abs3A_652 = math.absf %sub3A_644 : vector<16xf32>
      %gt3A_653 = vector.broadcast %squeeze3A : f32 to vector<16xf32>
      %gt3A_654 = arith.cmpf ogt, %abs3A_652, %gt3A_653 : vector<16xf32>
      %abs3A_655 = math.absf %sub3A_651 : vector<16xf32>
      %gt3A_656 = vector.broadcast %squeeze3A : f32 to vector<16xf32>
      %gt3A_657 = arith.cmpf ogt, %abs3A_655, %gt3A_656 : vector<16xf32>
      %or3A_658 = arith.ori %gt3A_654, %gt3A_657 : vector<16xi1>
      %jit3A_659 = arith.constant 10111 : i32
      %broadcast_in_dim3A_660 = vector.broadcast %jit3A_659 : i32 to vector<16xi32>
      %select_n3A_661 = arith.select %or3A_658, %get3A_637, %broadcast_in_dim3A_660 : vector<16xi1>, vector<16xi32>
      %swap3A_662 = arith.constant 1 : i32
      %swap3A_663 = arith.index_cast %swap3A_662 : i32 to index
      %swap3A_664 = arith.constant 112 : index
      %swap3A_665 = tpu.vector_load %arg12[%swap3A_663, %swap3A_664] {strides = array<i32>} : memref<2x128xi32, #tpu.memory_space<vmem>>, vector<1x16xi32>,
      %swap3A_666 = vector.shape_cast %swap3A_665 : vector<1x16xi32> to vector<16xi32>
      %swap3A_667 = vector.shape_cast %select_n3A_661 : vector<16xi32> to vector<1x16xi32>
      tpu.vector_store %arg12[%swap3A_663, %swap3A_664], %swap3A_667 {strides = array<i32>} : memref<2x128xi32, #tpu.memory_space<vmem>>, vector<1x16xi32>,
      %dma_start3A_668 = arith.constant 1 : i32
      %dma_start3A_669 = arith.constant 1 : i32
      %dma_start3A_670 = arith.constant 0 : i32
      %dma_start3A_671 = arith.constant 0 : i32
      %dma_start3A_672 = tpu.memref_slice %arg13[%dma_start3A_668, %dma_start3A_670, %dma_start3A_671] : memref<2x128x128xf32, #tpu.memory_space<vmem>> -> memref<1x128x128xf32, #tpu.memory_space<vmem>>
      %dma_start3A_673 = tpu.memref_squeeze %dma_start3A_672 : memref<1x128x128xf32, #tpu.memory_space<vmem>> -> memref<128x128xf32, #tpu.memory_space<vmem>>
      %dma_start3A_674 = arith.constant 0 : i32
      %dma_start3A_675 = tpu.memref_slice %arg12[%dma_start3A_669, %dma_start3A_674] : memref<2x128xi32, #tpu.memory_space<vmem>> -> memref<1x128xi32, #tpu.memory_space<vmem>>
      %dma_start3A_676 = tpu.memref_squeeze %dma_start3A_675 : memref<1x128xi32, #tpu.memory_space<vmem>> -> memref<128xi32, #tpu.memory_space<vmem>>
      %dma_start3A_677 = arith.constant 0 : i32
      %dma_start3A_678 = arith.constant 0 : i32
      %dma_start3A_679 = tpu.memref_slice %arg18[%dma_start3A_677, %dma_start3A_678] : memref<10112x128xf32, #tpu.memory_space<vmem_shared>> -> memref<10112x128xf32, #tpu.memory_space<vmem_shared>>
      tpu.enqueue_indirect_dma source(%dma_start3A_673 : memref<128x128xf32, #tpu.memory_space<vmem>>) target(%dma_start3A_679 : memref<10112x128xf32, #tpu.memory_space<vmem_shared>>) offsets(%dma_start3A_676 : memref<128xi32, #tpu.memory_space<vmem>>) semaphore(%arg23 : memref<!tpu.dma_semaphore, #tpu.memory_space<semaphore_mem>>) {add = true}
    }
    %scan3A_23 = arith.constant 20 : i32
    %dma_wait3A = arith.constant 1 : i32
    %dma_wait3A_24 = arith.constant 1 : i32
    %dma_wait3A_25 = arith.constant 0 : i32
    %dma_wait3A_26 = arith.constant 0 : i32
    %dma_wait3A_27 = tpu.memref_slice %arg13[%dma_wait3A, %dma_wait3A_25, %dma_wait3A_26] : memref<2x128x128xf32, #tpu.memory_space<vmem>> -> memref<1x128x128xf32, #tpu.memory_space<vmem>>
    %dma_wait3A_28 = tpu.memref_squeeze %dma_wait3A_27 : memref<1x128x128xf32, #tpu.memory_space<vmem>> -> memref<128x128xf32, #tpu.memory_space<vmem>>
    %dma_wait3A_29 = arith.constant 0 : i32
    %dma_wait3A_30 = tpu.memref_slice %arg12[%dma_wait3A_24, %dma_wait3A_29] : memref<2x128xi32, #tpu.memory_space<vmem>> -> memref<1x128xi32, #tpu.memory_space<vmem>>
    %dma_wait3A_31 = tpu.memref_squeeze %dma_wait3A_30 : memref<1x128xi32, #tpu.memory_space<vmem>> -> memref<128xi32, #tpu.memory_space<vmem>>
    %dma_wait3A_32 = arith.constant 0 : i32
    %dma_wait3A_33 = arith.constant 0 : i32
    %dma_wait3A_34 = tpu.memref_slice %arg18[%dma_wait3A_32, %dma_wait3A_33] : memref<10112x128xf32, #tpu.memory_space<vmem_shared>> -> memref<10112x128xf32, #tpu.memory_space<vmem_shared>>
    tpu.wait_indirect_dma semaphore(%arg23 : memref<!tpu.dma_semaphore, #tpu.memory_space<semaphore_mem>>) src(%dma_wait3A_28 : memref<128x128xf32, #tpu.memory_space<vmem>>) dst(%dma_wait3A_34 : memref<10112x128xf32, #tpu.memory_space<vmem_shared>>)
    %barrier3A_35 = arith.constant 0 : index
    tpu.barrier barrier_id(%barrier3A_35)
    %mul3A_36 = arith.constant 632 : i32
    %mul3A_37 = arith.muli %arg1, %mul3A_36 : i32
    %mul3A_38 = arith.constant 632 : i32
    %mul3A_39 = arith.muli %arg1, %mul3A_38 : i32
    "tpu.region"() ({
      %run_scoped3A = tpu.sem_alloc : memref<!tpu.dma_semaphore, #tpu.memory_space<semaphore_mem>>
      %dma_start3A_40 = arith.constant 0 : i32
      %dma_start3A_41 = tpu.memref_slice %arg9[%arg0, %mul3A_39, %dma_start3A_40] : memref<2x10112x128xf32, #tpu.memory_space<hbm>> -> memref<1x632x128xf32, #tpu.memory_space<hbm>>
      %dma_start3A_42 = tpu.memref_squeeze %dma_start3A_41 : memref<1x632x128xf32, #tpu.memory_space<hbm>> -> memref<632x128xf32, #tpu.memory_space<hbm>>
      %dma_start3A_43 = arith.constant 0 : i32
      %dma_start3A_44 = tpu.memref_slice %arg18[%mul3A_37, %dma_start3A_43] : memref<10112x128xf32, #tpu.memory_space<vmem_shared>> -> memref<632x128xf32, #tpu.memory_space<vmem_shared>>
      tpu.enqueue_dma source(%dma_start3A_44 : memref<632x128xf32, #tpu.memory_space<vmem_shared>>) target(%dma_start3A_42 : memref<632x128xf32, #tpu.memory_space<hbm>>) target_semaphore(%run_scoped3A : memref<!tpu.dma_semaphore, #tpu.memory_space<semaphore_mem>>)
      %dma_wait3A_45 = arith.constant 0 : i32
      %dma_wait3A_46 = tpu.memref_slice %arg9[%arg0, %mul3A_39, %dma_wait3A_45] : memref<2x10112x128xf32, #tpu.memory_space<hbm>> -> memref<1x632x128xf32, #tpu.memory_space<hbm>>
      %dma_wait3A_47 = tpu.memref_squeeze %dma_wait3A_46 : memref<1x632x128xf32, #tpu.memory_space<hbm>> -> memref<632x128xf32, #tpu.memory_space<hbm>>
      %dma_wait3A_48 = arith.constant 0 : i32
      %dma_wait3A_49 = tpu.memref_slice %arg18[%mul3A_37, %dma_wait3A_48] : memref<10112x128xf32, #tpu.memory_space<vmem_shared>> -> memref<632x128xf32, #tpu.memory_space<vmem_shared>>
      tpu.wait_dma2 semaphore(%run_scoped3A : memref<!tpu.dma_semaphore, #tpu.memory_space<semaphore_mem>>) src(%dma_wait3A_49 : memref<632x128xf32, #tpu.memory_space<vmem_shared>>) dst(%dma_wait3A_47 : memref<632x128xf32, #tpu.memory_space<hbm>>)
      tpu.yield
    }) : () -> ()
    return
  }
}

#map = affine_map<(d0, d1) -> (0, 0, 0)>
#map1 = affine_map<(d0, d1) -> (0, 0)>
module attributes {stable_mosaic.version = 14 : i64} {
  func.func @_gather_k(%arg0: i32, %arg1: i32, %arg2: memref<32x20x256xi32, #tpu.memory_space<hbm>>, %arg3: memref<32x20x256xi32, #tpu.memory_space<hbm>>, %arg4: memref<10112x128xi32, #tpu.memory_space<hbm>>, %arg5: memref<10112x128xi32, #tpu.memory_space<hbm>>, %arg6: memref<163840x128xi32, #tpu.memory_space<hbm>>, %arg7: memref<163840x128xi32, #tpu.memory_space<hbm>>, %arg8: memref<20x256xi32, #tpu.memory_space<vmem>>, %arg9: memref<20x256xi32, #tpu.memory_space<vmem>>, %arg10: memref<2x128x128xi32, #tpu.memory_space<vmem>>, %arg11: memref<2x128x128xi32, #tpu.memory_space<vmem>>, %arg12: memref<!tpu.dma_semaphore, #tpu.memory_space<semaphore_mem>>, %arg13: memref<!tpu.dma_semaphore, #tpu.memory_space<semaphore_mem>>, %arg14: memref<!tpu.dma_semaphore, #tpu.memory_space<semaphore_mem>>, %arg15: memref<!tpu.dma_semaphore, #tpu.memory_space<semaphore_mem>>) attributes {dimension_semantics = [#tpu.dimension_semantics<core_parallel>, #tpu.dimension_semantics<subcore_parallel>], iteration_bounds = array<i64: 2, 16>, scalar_prefetch = 0 : i64, scratch_operands = 8 : i64, tpu.core_type = #tpu.core_type<sc_vector_subcore>, window_params = [{transform_indices = #map}, {transform_indices = #map}, {transform_indices = #map1}, {transform_indices = #map1}, {transform_indices = #map1}, {transform_indices = #map1}]} {
    %mul3A = arith.constant 2 : i32
    %mul3A_0 = arith.muli %arg1, %mul3A : i32
    %add3A = arith.addi %mul3A_0, %arg0 : i32
    %mul3A_1 = arith.constant 5120 : i32
    %mul3A_2 = arith.muli %add3A, %mul3A_1 : i32
    "tpu.region"() ({
      %run_scoped3A = tpu.sem_alloc : memref<!tpu.dma_semaphore, #tpu.memory_space<semaphore_mem>>
      %dma_start3A_60 = arith.constant 0 : i32
      %dma_start3A_61 = arith.constant 0 : i32
      %dma_start3A_62 = tpu.memref_slice %arg2[%add3A, %dma_start3A_60, %dma_start3A_61] : memref<32x20x256xi32, #tpu.memory_space<hbm>> -> memref<1x20x256xi32, #tpu.memory_space<hbm>>
      %dma_start3A_63 = tpu.memref_squeeze %dma_start3A_62 : memref<1x20x256xi32, #tpu.memory_space<hbm>> -> memref<20x256xi32, #tpu.memory_space<hbm>>
      %dma_start3A_64 = arith.constant 0 : i32
      %dma_start3A_65 = arith.constant 0 : i32
      %dma_start3A_66 = tpu.memref_slice %arg2[%add3A, %dma_start3A_64, %dma_start3A_65] : memref<32x20x256xi32, #tpu.memory_space<hbm>> -> memref<1x20x256xi32, #tpu.memory_space<hbm>>
      %dma_start3A_67 = tpu.memref_squeeze %dma_start3A_66 : memref<1x20x256xi32, #tpu.memory_space<hbm>> -> memref<20x256xi32, #tpu.memory_space<hbm>>
      tpu.enqueue_dma source(%dma_start3A_67 : memref<20x256xi32, #tpu.memory_space<hbm>>) target(%arg8 : memref<20x256xi32, #tpu.memory_space<vmem>>) target_semaphore(%run_scoped3A : memref<!tpu.dma_semaphore, #tpu.memory_space<semaphore_mem>>)
      %dma_wait3A_68 = arith.constant 0 : i32
      %dma_wait3A_69 = arith.constant 0 : i32
      %dma_wait3A_70 = tpu.memref_slice %arg2[%add3A, %dma_wait3A_68, %dma_wait3A_69] : memref<32x20x256xi32, #tpu.memory_space<hbm>> -> memref<1x20x256xi32, #tpu.memory_space<hbm>>
      %dma_wait3A_71 = tpu.memref_squeeze %dma_wait3A_70 : memref<1x20x256xi32, #tpu.memory_space<hbm>> -> memref<20x256xi32, #tpu.memory_space<hbm>>
      %dma_wait3A_72 = arith.constant 0 : i32
      %dma_wait3A_73 = arith.constant 0 : i32
      %dma_wait3A_74 = tpu.memref_slice %arg2[%add3A, %dma_wait3A_72, %dma_wait3A_73] : memref<32x20x256xi32, #tpu.memory_space<hbm>> -> memref<1x20x256xi32, #tpu.memory_space<hbm>>
      %dma_wait3A_75 = tpu.memref_squeeze %dma_wait3A_74 : memref<1x20x256xi32, #tpu.memory_space<hbm>> -> memref<20x256xi32, #tpu.memory_space<hbm>>
      tpu.wait_dma2 semaphore(%run_scoped3A : memref<!tpu.dma_semaphore, #tpu.memory_space<semaphore_mem>>) src(%dma_wait3A_75 : memref<20x256xi32, #tpu.memory_space<hbm>>) dst(%arg8 : memref<20x256xi32, #tpu.memory_space<vmem>>)
      tpu.yield
    }) : () -> ()
    "tpu.region"() ({
      %run_scoped3A = tpu.sem_alloc : memref<!tpu.dma_semaphore, #tpu.memory_space<semaphore_mem>>
      %dma_start3A_60 = arith.constant 0 : i32
      %dma_start3A_61 = arith.constant 0 : i32
      %dma_start3A_62 = tpu.memref_slice %arg3[%add3A, %dma_start3A_60, %dma_start3A_61] : memref<32x20x256xi32, #tpu.memory_space<hbm>> -> memref<1x20x256xi32, #tpu.memory_space<hbm>>
      %dma_start3A_63 = tpu.memref_squeeze %dma_start3A_62 : memref<1x20x256xi32, #tpu.memory_space<hbm>> -> memref<20x256xi32, #tpu.memory_space<hbm>>
      %dma_start3A_64 = arith.constant 0 : i32
      %dma_start3A_65 = arith.constant 0 : i32
      %dma_start3A_66 = tpu.memref_slice %arg3[%add3A, %dma_start3A_64, %dma_start3A_65] : memref<32x20x256xi32, #tpu.memory_space<hbm>> -> memref<1x20x256xi32, #tpu.memory_space<hbm>>
      %dma_start3A_67 = tpu.memref_squeeze %dma_start3A_66 : memref<1x20x256xi32, #tpu.memory_space<hbm>> -> memref<20x256xi32, #tpu.memory_space<hbm>>
      tpu.enqueue_dma source(%dma_start3A_67 : memref<20x256xi32, #tpu.memory_space<hbm>>) target(%arg9 : memref<20x256xi32, #tpu.memory_space<vmem>>) target_semaphore(%run_scoped3A : memref<!tpu.dma_semaphore, #tpu.memory_space<semaphore_mem>>)
      %dma_wait3A_68 = arith.constant 0 : i32
      %dma_wait3A_69 = arith.constant 0 : i32
      %dma_wait3A_70 = tpu.memref_slice %arg3[%add3A, %dma_wait3A_68, %dma_wait3A_69] : memref<32x20x256xi32, #tpu.memory_space<hbm>> -> memref<1x20x256xi32, #tpu.memory_space<hbm>>
      %dma_wait3A_71 = tpu.memref_squeeze %dma_wait3A_70 : memref<1x20x256xi32, #tpu.memory_space<hbm>> -> memref<20x256xi32, #tpu.memory_space<hbm>>
      %dma_wait3A_72 = arith.constant 0 : i32
      %dma_wait3A_73 = arith.constant 0 : i32
      %dma_wait3A_74 = tpu.memref_slice %arg3[%add3A, %dma_wait3A_72, %dma_wait3A_73] : memref<32x20x256xi32, #tpu.memory_space<hbm>> -> memref<1x20x256xi32, #tpu.memory_space<hbm>>
      %dma_wait3A_75 = tpu.memref_squeeze %dma_wait3A_74 : memref<1x20x256xi32, #tpu.memory_space<hbm>> -> memref<20x256xi32, #tpu.memory_space<hbm>>
      tpu.wait_dma2 semaphore(%run_scoped3A : memref<!tpu.dma_semaphore, #tpu.memory_space<semaphore_mem>>) src(%dma_wait3A_75 : memref<20x256xi32, #tpu.memory_space<hbm>>) dst(%arg9 : memref<20x256xi32, #tpu.memory_space<vmem>>)
      tpu.yield
    }) : () -> ()
    %dma_start3A = arith.constant 0 : i32
    %dma_start3A_3 = arith.constant 0 : i32
    %dma_start3A_4 = arith.constant 0 : i32
    %dma_start3A_5 = arith.constant 0 : i32
    %dma_start3A_6 = tpu.memref_slice %arg10[%dma_start3A_3, %dma_start3A_4, %dma_start3A_5] : memref<2x128x128xi32, #tpu.memory_space<vmem>> -> memref<1x128x128xi32, #tpu.memory_space<vmem>>
    %dma_start3A_7 = tpu.memref_squeeze %dma_start3A_6 : memref<1x128x128xi32, #tpu.memory_space<vmem>> -> memref<128x128xi32, #tpu.memory_space<vmem>>
    %dma_start3A_8 = arith.constant 0 : i32
    %dma_start3A_9 = tpu.memref_slice %arg8[%dma_start3A, %dma_start3A_8] : memref<20x256xi32, #tpu.memory_space<vmem>> -> memref<1x128xi32, #tpu.memory_space<vmem>>
    %dma_start3A_10 = tpu.memref_squeeze %dma_start3A_9 : memref<1x128xi32, #tpu.memory_space<vmem>> -> memref<128xi32, #tpu.memory_space<vmem>>
    %dma_start3A_11 = arith.constant 0 : i32
    %dma_start3A_12 = arith.constant 0 : i32
    %dma_start3A_13 = tpu.memref_slice %arg4[%dma_start3A_11, %dma_start3A_12] : memref<10112x128xi32, #tpu.memory_space<hbm>> -> memref<10112x128xi32, #tpu.memory_space<hbm>>
    tpu.enqueue_indirect_dma source(%dma_start3A_13 : memref<10112x128xi32, #tpu.memory_space<hbm>>) target(%dma_start3A_7 : memref<128x128xi32, #tpu.memory_space<vmem>>) offsets(%dma_start3A_10 : memref<128xi32, #tpu.memory_space<vmem>>) semaphore(%arg12 : memref<!tpu.dma_semaphore, #tpu.memory_space<semaphore_mem>>)
    %dma_start3A_14 = arith.constant 0 : i32
    %dma_start3A_15 = arith.constant 0 : i32
    %dma_start3A_16 = arith.constant 0 : i32
    %dma_start3A_17 = arith.constant 0 : i32
    %dma_start3A_18 = tpu.memref_slice %arg11[%dma_start3A_15, %dma_start3A_16, %dma_start3A_17] : memref<2x128x128xi32, #tpu.memory_space<vmem>> -> memref<1x128x128xi32, #tpu.memory_space<vmem>>
    %dma_start3A_19 = tpu.memref_squeeze %dma_start3A_18 : memref<1x128x128xi32, #tpu.memory_space<vmem>> -> memref<128x128xi32, #tpu.memory_space<vmem>>
    %dma_start3A_20 = arith.constant 0 : i32
    %dma_start3A_21 = tpu.memref_slice %arg9[%dma_start3A_14, %dma_start3A_20] : memref<20x256xi32, #tpu.memory_space<vmem>> -> memref<1x128xi32, #tpu.memory_space<vmem>>
    %dma_start3A_22 = tpu.memref_squeeze %dma_start3A_21 : memref<1x128xi32, #tpu.memory_space<vmem>> -> memref<128xi32, #tpu.memory_space<vmem>>
    %dma_start3A_23 = arith.constant 0 : i32
    %dma_start3A_24 = arith.constant 0 : i32
    %dma_start3A_25 = tpu.memref_slice %arg5[%dma_start3A_23, %dma_start3A_24] : memref<10112x128xi32, #tpu.memory_space<hbm>> -> memref<10112x128xi32, #tpu.memory_space<hbm>>
    tpu.enqueue_indirect_dma source(%dma_start3A_25 : memref<10112x128xi32, #tpu.memory_space<hbm>>) target(%dma_start3A_19 : memref<128x128xi32, #tpu.memory_space<vmem>>) offsets(%dma_start3A_22 : memref<128xi32, #tpu.memory_space<vmem>>) semaphore(%arg12 : memref<!tpu.dma_semaphore, #tpu.memory_space<semaphore_mem>>)
    %scan3A = arith.constant 0 : i32
    %scan3A_26 = arith.constant 0 : i32
    %scan3A_27 = arith.constant 20 : i32
    %scan3A_28 = arith.addi %scan3A_26, %scan3A_27 : i32
    %scan3A_29 = arith.constant 1 : i32
    scf.for %scan3A_60 = %scan3A_26 to %scan3A_28 step %scan3A_29  : i32 {
      %mul3A_61 = arith.constant 2 : i32
      %mul3A_62 = arith.muli %scan3A_60, %mul3A_61 : i32
      %add3A_63 = arith.constant 0 : i32
      %add3A_64 = arith.addi %mul3A_62, %add3A_63 : i32
      %gt3A = arith.constant 0 : i32
      %gt3A_65 = arith.cmpi sgt, %scan3A_60, %gt3A : i32
      %convert_element_type3A = arith.extui %gt3A_65 : i1 to i32
      %cond3A = arith.constant 0 : i32
      %cond3A_66 = arith.cmpi ne, %convert_element_type3A, %cond3A : i32
      scf.if %cond3A_66 {
        %dma_wait3A_235 = arith.constant 1 : i32
        %dma_wait3A_236 = arith.constant 0 : i32
        %dma_wait3A_237 = arith.constant 0 : i32
        %dma_wait3A_238 = tpu.memref_slice %arg10[%dma_wait3A_235, %dma_wait3A_236, %dma_wait3A_237] : memref<2x128x128xi32, #tpu.memory_space<vmem>> -> memref<1x128x128xi32, #tpu.memory_space<vmem>>
        %dma_wait3A_239 = tpu.memref_squeeze %dma_wait3A_238 : memref<1x128x128xi32, #tpu.memory_space<vmem>> -> memref<128x128xi32, #tpu.memory_space<vmem>>
        %dma_wait3A_240 = arith.constant 0 : i32
        %dma_wait3A_241 = arith.constant 0 : i32
        %dma_wait3A_242 = tpu.memref_slice %arg6[%dma_wait3A_240, %dma_wait3A_241] : memref<163840x128xi32, #tpu.memory_space<hbm>> -> memref<128x128xi32, #tpu.memory_space<hbm>>
        %dma_wait3A_243 = arith.constant 0 : i32
        %dma_wait3A_244 = arith.constant 0 : i32
        %dma_wait3A_245 = tpu.memref_slice %arg6[%dma_wait3A_243, %dma_wait3A_244] : memref<163840x128xi32, #tpu.memory_space<hbm>> -> memref<128x128xi32, #tpu.memory_space<hbm>>
        %dma_wait3A_246 = arith.constant 0 : i32
        %dma_wait3A_247 = arith.constant 0 : i32
        %dma_wait3A_248 = tpu.memref_slice %arg10[%dma_wait3A_235, %dma_wait3A_246, %dma_wait3A_247] : memref<2x128x128xi32, #tpu.memory_space<vmem>> -> memref<1x128x128xi32, #tpu.memory_space<vmem>>
        %dma_wait3A_249 = tpu.memref_squeeze %dma_wait3A_248 : memref<1x128x128xi32, #tpu.memory_space<vmem>> -> memref<128x128xi32, #tpu.memory_space<vmem>>
        tpu.wait_dma2 semaphore(%arg15 : memref<!tpu.dma_semaphore, #tpu.memory_space<semaphore_mem>>) src(%dma_wait3A_249 : memref<128x128xi32, #tpu.memory_space<vmem>>) dst(%dma_wait3A_245 : memref<128x128xi32, #tpu.memory_space<hbm>>)
        %dma_wait3A_250 = arith.constant 1 : i32
        %dma_wait3A_251 = arith.constant 0 : i32
        %dma_wait3A_252 = arith.constant 0 : i32
        %dma_wait3A_253 = tpu.memref_slice %arg11[%dma_wait3A_250, %dma_wait3A_251, %dma_wait3A_252] : memref<2x128x128xi32, #tpu.memory_space<vmem>> -> memref<1x128x128xi32, #tpu.memory_space<vmem>>
        %dma_wait3A_254 = tpu.memref_squeeze %dma_wait3A_253 : memref<1x128x128xi32, #tpu.memory_space<vmem>> -> memref<128x128xi32, #tpu.memory_space<vmem>>
        %dma_wait3A_255 = arith.constant 0 : i32
        %dma_wait3A_256 = arith.constant 0 : i32
        %dma_wait3A_257 = tpu.memref_slice %arg7[%dma_wait3A_255, %dma_wait3A_256] : memref<163840x128xi32, #tpu.memory_space<hbm>> -> memref<128x128xi32, #tpu.memory_space<hbm>>
        %dma_wait3A_258 = arith.constant 0 : i32
        %dma_wait3A_259 = arith.constant 0 : i32
        %dma_wait3A_260 = tpu.memref_slice %arg7[%dma_wait3A_258, %dma_wait3A_259] : memref<163840x128xi32, #tpu.memory_space<hbm>> -> memref<128x128xi32, #tpu.memory_space<hbm>>
        %dma_wait3A_261 = arith.constant 0 : i32
        %dma_wait3A_262 = arith.constant 0 : i32
        %dma_wait3A_263 = tpu.memref_slice %arg11[%dma_wait3A_250, %dma_wait3A_261, %dma_wait3A_262] : memref<2x128x128xi32, #tpu.memory_space<vmem>> -> memref<1x128x128xi32, #tpu.memory_space<vmem>>
        %dma_wait3A_264 = tpu.memref_squeeze %dma_wait3A_263 : memref<1x128x128xi32, #tpu.memory_space<vmem>> -> memref<128x128xi32, #tpu.memory_space<vmem>>
        tpu.wait_dma2 semaphore(%arg15 : memref<!tpu.dma_semaphore, #tpu.memory_space<semaphore_mem>>) src(%dma_wait3A_264 : memref<128x128xi32, #tpu.memory_space<vmem>>) dst(%dma_wait3A_260 : memref<128x128xi32, #tpu.memory_space<hbm>>)
      } else {
      }
      %dma_start3A_67 = arith.constant 1 : i32
      %dma_start3A_68 = arith.constant 0 : i32
      %dma_start3A_69 = arith.constant 0 : i32
      %dma_start3A_70 = tpu.memref_slice %arg10[%dma_start3A_67, %dma_start3A_68, %dma_start3A_69] : memref<2x128x128xi32, #tpu.memory_space<vmem>> -> memref<1x128x128xi32, #tpu.memory_space<vmem>>
      %dma_start3A_71 = tpu.memref_squeeze %dma_start3A_70 : memref<1x128x128xi32, #tpu.memory_space<vmem>> -> memref<128x128xi32, #tpu.memory_space<vmem>>
      %dma_start3A_72 = arith.constant 128 : i32
      %dma_start3A_73 = tpu.memref_slice %arg8[%scan3A_60, %dma_start3A_72] : memref<20x256xi32, #tpu.memory_space<vmem>> -> memref<1x128xi32, #tpu.memory_space<vmem>>
      %dma_start3A_74 = tpu.memref_squeeze %dma_start3A_73 : memref<1x128xi32, #tpu.memory_space<vmem>> -> memref<128xi32, #tpu.memory_space<vmem>>
      %dma_start3A_75 = arith.constant 0 : i32
      %dma_start3A_76 = arith.constant 0 : i32
      %dma_start3A_77 = tpu.memref_slice %arg4[%dma_start3A_75, %dma_start3A_76] : memref<10112x128xi32, #tpu.memory_space<hbm>> -> memref<10112x128xi32, #tpu.memory_space<hbm>>
      tpu.enqueue_indirect_dma source(%dma_start3A_77 : memref<10112x128xi32, #tpu.memory_space<hbm>>) target(%dma_start3A_71 : memref<128x128xi32, #tpu.memory_space<vmem>>) offsets(%dma_start3A_74 : memref<128xi32, #tpu.memory_space<vmem>>) semaphore(%arg13 : memref<!tpu.dma_semaphore, #tpu.memory_space<semaphore_mem>>)
      %dma_start3A_78 = arith.constant 1 : i32
      %dma_start3A_79 = arith.constant 0 : i32
      %dma_start3A_80 = arith.constant 0 : i32
      %dma_start3A_81 = tpu.memref_slice %arg11[%dma_start3A_78, %dma_start3A_79, %dma_start3A_80] : memref<2x128x128xi32, #tpu.memory_space<vmem>> -> memref<1x128x128xi32, #tpu.memory_space<vmem>>
      %dma_start3A_82 = tpu.memref_squeeze %dma_start3A_81 : memref<1x128x128xi32, #tpu.memory_space<vmem>> -> memref<128x128xi32, #tpu.memory_space<vmem>>
      %dma_start3A_83 = arith.constant 128 : i32
      %dma_start3A_84 = tpu.memref_slice %arg9[%scan3A_60, %dma_start3A_83] : memref<20x256xi32, #tpu.memory_space<vmem>> -> memref<1x128xi32, #tpu.memory_space<vmem>>
      %dma_start3A_85 = tpu.memref_squeeze %dma_start3A_84 : memref<1x128xi32, #tpu.memory_space<vmem>> -> memref<128xi32, #tpu.memory_space<vmem>>
      %dma_start3A_86 = arith.constant 0 : i32
      %dma_start3A_87 = arith.constant 0 : i32
      %dma_start3A_88 = tpu.memref_slice %arg5[%dma_start3A_86, %dma_start3A_87] : memref<10112x128xi32, #tpu.memory_space<hbm>> -> memref<10112x128xi32, #tpu.memory_space<hbm>>
      tpu.enqueue_indirect_dma source(%dma_start3A_88 : memref<10112x128xi32, #tpu.memory_space<hbm>>) target(%dma_start3A_82 : memref<128x128xi32, #tpu.memory_space<vmem>>) offsets(%dma_start3A_85 : memref<128xi32, #tpu.memory_space<vmem>>) semaphore(%arg13 : memref<!tpu.dma_semaphore, #tpu.memory_space<semaphore_mem>>)
      %dma_wait3A_89 = arith.constant 0 : i32
      %dma_wait3A_90 = arith.constant 0 : i32
      %dma_wait3A_91 = arith.constant 0 : i32
      %dma_wait3A_92 = arith.constant 0 : i32
      %dma_wait3A_93 = tpu.memref_slice %arg10[%dma_wait3A_90, %dma_wait3A_91, %dma_wait3A_92] : memref<2x128x128xi32, #tpu.memory_space<vmem>> -> memref<1x128x128xi32, #tpu.memory_space<vmem>>
      %dma_wait3A_94 = tpu.memref_squeeze %dma_wait3A_93 : memref<1x128x128xi32, #tpu.memory_space<vmem>> -> memref<128x128xi32, #tpu.memory_space<vmem>>
      %dma_wait3A_95 = arith.constant 0 : i32
      %dma_wait3A_96 = tpu.memref_slice %arg8[%dma_wait3A_89, %dma_wait3A_95] : memref<20x256xi32, #tpu.memory_space<vmem>> -> memref<1x128xi32, #tpu.memory_space<vmem>>
      %dma_wait3A_97 = tpu.memref_squeeze %dma_wait3A_96 : memref<1x128xi32, #tpu.memory_space<vmem>> -> memref<128xi32, #tpu.memory_space<vmem>>
      %dma_wait3A_98 = arith.constant 0 : i32
      %dma_wait3A_99 = arith.constant 0 : i32
      %dma_wait3A_100 = tpu.memref_slice %arg4[%dma_wait3A_98, %dma_wait3A_99] : memref<10112x128xi32, #tpu.memory_space<hbm>> -> memref<10112x128xi32, #tpu.memory_space<hbm>>
      tpu.wait_indirect_dma semaphore(%arg12 : memref<!tpu.dma_semaphore, #tpu.memory_space<semaphore_mem>>) src(%dma_wait3A_100 : memref<10112x128xi32, #tpu.memory_space<hbm>>) dst(%dma_wait3A_94 : memref<128x128xi32, #tpu.memory_space<vmem>>)
      %dma_wait3A_101 = arith.constant 0 : i32
      %dma_wait3A_102 = arith.constant 0 : i32
      %dma_wait3A_103 = arith.constant 0 : i32
      %dma_wait3A_104 = arith.constant 0 : i32
      %dma_wait3A_105 = tpu.memref_slice %arg11[%dma_wait3A_102, %dma_wait3A_103, %dma_wait3A_104] : memref<2x128x128xi32, #tpu.memory_space<vmem>> -> memref<1x128x128xi32, #tpu.memory_space<vmem>>
      %dma_wait3A_106 = tpu.memref_squeeze %dma_wait3A_105 : memref<1x128x128xi32, #tpu.memory_space<vmem>> -> memref<128x128xi32, #tpu.memory_space<vmem>>
      %dma_wait3A_107 = arith.constant 0 : i32
      %dma_wait3A_108 = tpu.memref_slice %arg9[%dma_wait3A_101, %dma_wait3A_107] : memref<20x256xi32, #tpu.memory_space<vmem>> -> memref<1x128xi32, #tpu.memory_space<vmem>>
      %dma_wait3A_109 = tpu.memref_squeeze %dma_wait3A_108 : memref<1x128xi32, #tpu.memory_space<vmem>> -> memref<128xi32, #tpu.memory_space<vmem>>
      %dma_wait3A_110 = arith.constant 0 : i32
      %dma_wait3A_111 = arith.constant 0 : i32
      %dma_wait3A_112 = tpu.memref_slice %arg5[%dma_wait3A_110, %dma_wait3A_111] : memref<10112x128xi32, #tpu.memory_space<hbm>> -> memref<10112x128xi32, #tpu.memory_space<hbm>>
      tpu.wait_indirect_dma semaphore(%arg12 : memref<!tpu.dma_semaphore, #tpu.memory_space<semaphore_mem>>) src(%dma_wait3A_112 : memref<10112x128xi32, #tpu.memory_space<hbm>>) dst(%dma_wait3A_106 : memref<128x128xi32, #tpu.memory_space<vmem>>)
      %mul3A_113 = arith.constant 128 : i32
      %mul3A_114 = arith.muli %add3A_64, %mul3A_113 : i32
      %add3A_115 = arith.addi %mul3A_2, %mul3A_114 : i32
      %dma_start3A_116 = arith.constant 0 : i32
      %dma_start3A_117 = arith.constant 0 : i32
      %dma_start3A_118 = arith.constant 0 : i32
      %dma_start3A_119 = tpu.memref_slice %arg10[%dma_start3A_116, %dma_start3A_117, %dma_start3A_118] : memref<2x128x128xi32, #tpu.memory_space<vmem>> -> memref<1x128x128xi32, #tpu.memory_space<vmem>>
      %dma_start3A_120 = tpu.memref_squeeze %dma_start3A_119 : memref<1x128x128xi32, #tpu.memory_space<vmem>> -> memref<128x128xi32, #tpu.memory_space<vmem>>
      %dma_start3A_121 = arith.constant 0 : i32
      %dma_start3A_122 = tpu.memref_slice %arg6[%add3A_115, %dma_start3A_121] : memref<163840x128xi32, #tpu.memory_space<hbm>> -> memref<128x128xi32, #tpu.memory_space<hbm>>
      %dma_start3A_123 = arith.constant 0 : i32
      %dma_start3A_124 = tpu.memref_slice %arg6[%add3A_115, %dma_start3A_123] : memref<163840x128xi32, #tpu.memory_space<hbm>> -> memref<128x128xi32, #tpu.memory_space<hbm>>
      %dma_start3A_125 = arith.constant 0 : i32
      %dma_start3A_126 = arith.constant 0 : i32
      %dma_start3A_127 = tpu.memref_slice %arg10[%dma_start3A_116, %dma_start3A_125, %dma_start3A_126] : memref<2x128x128xi32, #tpu.memory_space<vmem>> -> memref<1x128x128xi32, #tpu.memory_space<vmem>>
      %dma_start3A_128 = tpu.memref_squeeze %dma_start3A_127 : memref<1x128x128xi32, #tpu.memory_space<vmem>> -> memref<128x128xi32, #tpu.memory_space<vmem>>
      tpu.enqueue_dma source(%dma_start3A_128 : memref<128x128xi32, #tpu.memory_space<vmem>>) target(%dma_start3A_124 : memref<128x128xi32, #tpu.memory_space<hbm>>) target_semaphore(%arg14 : memref<!tpu.dma_semaphore, #tpu.memory_space<semaphore_mem>>)
      %dma_start3A_129 = arith.constant 0 : i32
      %dma_start3A_130 = arith.constant 0 : i32
      %dma_start3A_131 = arith.constant 0 : i32
      %dma_start3A_132 = tpu.memref_slice %arg11[%dma_start3A_129, %dma_start3A_130, %dma_start3A_131] : memref<2x128x128xi32, #tpu.memory_space<vmem>> -> memref<1x128x128xi32, #tpu.memory_space<vmem>>
      %dma_start3A_133 = tpu.memref_squeeze %dma_start3A_132 : memref<1x128x128xi32, #tpu.memory_space<vmem>> -> memref<128x128xi32, #tpu.memory_space<vmem>>
      %dma_start3A_134 = arith.constant 0 : i32
      %dma_start3A_135 = tpu.memref_slice %arg7[%add3A_115, %dma_start3A_134] : memref<163840x128xi32, #tpu.memory_space<hbm>> -> memref<128x128xi32, #tpu.memory_space<hbm>>
      %dma_start3A_136 = arith.constant 0 : i32
      %dma_start3A_137 = tpu.memref_slice %arg7[%add3A_115, %dma_start3A_136] : memref<163840x128xi32, #tpu.memory_space<hbm>> -> memref<128x128xi32, #tpu.memory_space<hbm>>
      %dma_start3A_138 = arith.constant 0 : i32
      %dma_start3A_139 = arith.constant 0 : i32
      %dma_start3A_140 = tpu.memref_slice %arg11[%dma_start3A_129, %dma_start3A_138, %dma_start3A_139] : memref<2x128x128xi32, #tpu.memory_space<vmem>> -> memref<1x128x128xi32, #tpu.memory_space<vmem>>
      %dma_start3A_141 = tpu.memref_squeeze %dma_start3A_140 : memref<1x128x128xi32, #tpu.memory_space<vmem>> -> memref<128x128xi32, #tpu.memory_space<vmem>>
      tpu.enqueue_dma source(%dma_start3A_141 : memref<128x128xi32, #tpu.memory_space<vmem>>) target(%dma_start3A_137 : memref<128x128xi32, #tpu.memory_space<hbm>>) target_semaphore(%arg14 : memref<!tpu.dma_semaphore, #tpu.memory_space<semaphore_mem>>)
      %mul3A_142 = arith.constant 2 : i32
      %mul3A_143 = arith.muli %scan3A_60, %mul3A_142 : i32
      %add3A_144 = arith.constant 1 : i32
      %add3A_145 = arith.addi %mul3A_143, %add3A_144 : i32
      %dma_wait3A_146 = arith.constant 0 : i32
      %dma_wait3A_147 = arith.constant 0 : i32
      %dma_wait3A_148 = arith.constant 0 : i32
      %dma_wait3A_149 = tpu.memref_slice %arg10[%dma_wait3A_146, %dma_wait3A_147, %dma_wait3A_148] : memref<2x128x128xi32, #tpu.memory_space<vmem>> -> memref<1x128x128xi32, #tpu.memory_space<vmem>>
      %dma_wait3A_150 = tpu.memref_squeeze %dma_wait3A_149 : memref<1x128x128xi32, #tpu.memory_space<vmem>> -> memref<128x128xi32, #tpu.memory_space<vmem>>
      %dma_wait3A_151 = arith.constant 0 : i32
      %dma_wait3A_152 = arith.constant 0 : i32
      %dma_wait3A_153 = tpu.memref_slice %arg6[%dma_wait3A_151, %dma_wait3A_152] : memref<163840x128xi32, #tpu.memory_space<hbm>> -> memref<128x128xi32, #tpu.memory_space<hbm>>
      %dma_wait3A_154 = arith.constant 0 : i32
      %dma_wait3A_155 = arith.constant 0 : i32
      %dma_wait3A_156 = tpu.memref_slice %arg6[%dma_wait3A_154, %dma_wait3A_155] : memref<163840x128xi32, #tpu.memory_space<hbm>> -> memref<128x128xi32, #tpu.memory_space<hbm>>
      %dma_wait3A_157 = arith.constant 0 : i32
      %dma_wait3A_158 = arith.constant 0 : i32
      %dma_wait3A_159 = tpu.memref_slice %arg10[%dma_wait3A_146, %dma_wait3A_157, %dma_wait3A_158] : memref<2x128x128xi32, #tpu.memory_space<vmem>> -> memref<1x128x128xi32, #tpu.memory_space<vmem>>
      %dma_wait3A_160 = tpu.memref_squeeze %dma_wait3A_159 : memref<1x128x128xi32, #tpu.memory_space<vmem>> -> memref<128x128xi32, #tpu.memory_space<vmem>>
      tpu.wait_dma2 semaphore(%arg14 : memref<!tpu.dma_semaphore, #tpu.memory_space<semaphore_mem>>) src(%dma_wait3A_160 : memref<128x128xi32, #tpu.memory_space<vmem>>) dst(%dma_wait3A_156 : memref<128x128xi32, #tpu.memory_space<hbm>>)
      %dma_wait3A_161 = arith.constant 0 : i32
      %dma_wait3A_162 = arith.constant 0 : i32
      %dma_wait3A_163 = arith.constant 0 : i32
      %dma_wait3A_164 = tpu.memref_slice %arg11[%dma_wait3A_161, %dma_wait3A_162, %dma_wait3A_163] : memref<2x128x128xi32, #tpu.memory_space<vmem>> -> memref<1x128x128xi32, #tpu.memory_space<vmem>>
      %dma_wait3A_165 = tpu.memref_squeeze %dma_wait3A_164 : memref<1x128x128xi32, #tpu.memory_space<vmem>> -> memref<128x128xi32, #tpu.memory_space<vmem>>
      %dma_wait3A_166 = arith.constant 0 : i32
      %dma_wait3A_167 = arith.constant 0 : i32
      %dma_wait3A_168 = tpu.memref_slice %arg7[%dma_wait3A_166, %dma_wait3A_167] : memref<163840x128xi32, #tpu.memory_space<hbm>> -> memref<128x128xi32, #tpu.memory_space<hbm>>
      %dma_wait3A_169 = arith.constant 0 : i32
      %dma_wait3A_170 = arith.constant 0 : i32
      %dma_wait3A_171 = tpu.memref_slice %arg7[%dma_wait3A_169, %dma_wait3A_170] : memref<163840x128xi32, #tpu.memory_space<hbm>> -> memref<128x128xi32, #tpu.memory_space<hbm>>
      %dma_wait3A_172 = arith.constant 0 : i32
      %dma_wait3A_173 = arith.constant 0 : i32
      %dma_wait3A_174 = tpu.memref_slice %arg11[%dma_wait3A_161, %dma_wait3A_172, %dma_wait3A_173] : memref<2x128x128xi32, #tpu.memory_space<vmem>> -> memref<1x128x128xi32, #tpu.memory_space<vmem>>
      %dma_wait3A_175 = tpu.memref_squeeze %dma_wait3A_174 : memref<1x128x128xi32, #tpu.memory_space<vmem>> -> memref<128x128xi32, #tpu.memory_space<vmem>>
      tpu.wait_dma2 semaphore(%arg14 : memref<!tpu.dma_semaphore, #tpu.memory_space<semaphore_mem>>) src(%dma_wait3A_175 : memref<128x128xi32, #tpu.memory_space<vmem>>) dst(%dma_wait3A_171 : memref<128x128xi32, #tpu.memory_space<hbm>>)
      %add3A_176 = arith.constant 1 : i32
      %add3A_177 = arith.addi %add3A_145, %add3A_176 : i32
      %lt3A = arith.constant 40 : i32
      %lt3A_178 = arith.cmpi slt, %add3A_177, %lt3A : i32
      %convert_element_type3A_179 = arith.extui %lt3A_178 : i1 to i32
      %cond3A_180 = arith.constant 0 : i32
      %cond3A_181 = arith.cmpi ne, %convert_element_type3A_179, %cond3A_180 : i32
      scf.if %cond3A_181 {
        %add3A_235 = arith.constant 1 : i32
        %add3A_236 = arith.addi %scan3A_60, %add3A_235 : i32
        %dma_start3A_237 = arith.constant 0 : i32
        %dma_start3A_238 = arith.constant 0 : i32
        %dma_start3A_239 = arith.constant 0 : i32
        %dma_start3A_240 = tpu.memref_slice %arg10[%dma_start3A_237, %dma_start3A_238, %dma_start3A_239] : memref<2x128x128xi32, #tpu.memory_space<vmem>> -> memref<1x128x128xi32, #tpu.memory_space<vmem>>
        %dma_start3A_241 = tpu.memref_squeeze %dma_start3A_240 : memref<1x128x128xi32, #tpu.memory_space<vmem>> -> memref<128x128xi32, #tpu.memory_space<vmem>>
        %dma_start3A_242 = arith.constant 0 : i32
        %dma_start3A_243 = tpu.memref_slice %arg8[%add3A_236, %dma_start3A_242] : memref<20x256xi32, #tpu.memory_space<vmem>> -> memref<1x128xi32, #tpu.memory_space<vmem>>
        %dma_start3A_244 = tpu.memref_squeeze %dma_start3A_243 : memref<1x128xi32, #tpu.memory_space<vmem>> -> memref<128xi32, #tpu.memory_space<vmem>>
        %dma_start3A_245 = arith.constant 0 : i32
        %dma_start3A_246 = arith.constant 0 : i32
        %dma_start3A_247 = tpu.memref_slice %arg4[%dma_start3A_245, %dma_start3A_246] : memref<10112x128xi32, #tpu.memory_space<hbm>> -> memref<10112x128xi32, #tpu.memory_space<hbm>>
        tpu.enqueue_indirect_dma source(%dma_start3A_247 : memref<10112x128xi32, #tpu.memory_space<hbm>>) target(%dma_start3A_241 : memref<128x128xi32, #tpu.memory_space<vmem>>) offsets(%dma_start3A_244 : memref<128xi32, #tpu.memory_space<vmem>>) semaphore(%arg12 : memref<!tpu.dma_semaphore, #tpu.memory_space<semaphore_mem>>)
        %dma_start3A_248 = arith.constant 0 : i32
        %dma_start3A_249 = arith.constant 0 : i32
        %dma_start3A_250 = arith.constant 0 : i32
        %dma_start3A_251 = tpu.memref_slice %arg11[%dma_start3A_248, %dma_start3A_249, %dma_start3A_250] : memref<2x128x128xi32, #tpu.memory_space<vmem>> -> memref<1x128x128xi32, #tpu.memory_space<vmem>>
        %dma_start3A_252 = tpu.memref_squeeze %dma_start3A_251 : memref<1x128x128xi32, #tpu.memory_space<vmem>> -> memref<128x128xi32, #tpu.memory_space<vmem>>
        %dma_start3A_253 = arith.constant 0 : i32
        %dma_start3A_254 = tpu.memref_slice %arg9[%add3A_236, %dma_start3A_253] : memref<20x256xi32, #tpu.memory_space<vmem>> -> memref<1x128xi32, #tpu.memory_space<vmem>>
        %dma_start3A_255 = tpu.memref_squeeze %dma_start3A_254 : memref<1x128xi32, #tpu.memory_space<vmem>> -> memref<128xi32, #tpu.memory_space<vmem>>
        %dma_start3A_256 = arith.constant 0 : i32
        %dma_start3A_257 = arith.constant 0 : i32
        %dma_start3A_258 = tpu.memref_slice %arg5[%dma_start3A_256, %dma_start3A_257] : memref<10112x128xi32, #tpu.memory_space<hbm>> -> memref<10112x128xi32, #tpu.memory_space<hbm>>
        tpu.enqueue_indirect_dma source(%dma_start3A_258 : memref<10112x128xi32, #tpu.memory_space<hbm>>) target(%dma_start3A_252 : memref<128x128xi32, #tpu.memory_space<vmem>>) offsets(%dma_start3A_255 : memref<128xi32, #tpu.memory_space<vmem>>) semaphore(%arg12 : memref<!tpu.dma_semaphore, #tpu.memory_space<semaphore_mem>>)
      } else {
      }
      %dma_wait3A_182 = arith.constant 0 : i32
      %dma_wait3A_183 = arith.constant 1 : i32
      %dma_wait3A_184 = arith.constant 0 : i32
      %dma_wait3A_185 = arith.constant 0 : i32
      %dma_wait3A_186 = tpu.memref_slice %arg10[%dma_wait3A_183, %dma_wait3A_184, %dma_wait3A_185] : memref<2x128x128xi32, #tpu.memory_space<vmem>> -> memref<1x128x128xi32, #tpu.memory_space<vmem>>
      %dma_wait3A_187 = tpu.memref_squeeze %dma_wait3A_186 : memref<1x128x128xi32, #tpu.memory_space<vmem>> -> memref<128x128xi32, #tpu.memory_space<vmem>>
      %dma_wait3A_188 = arith.constant 0 : i32
      %dma_wait3A_189 = tpu.memref_slice %arg8[%dma_wait3A_182, %dma_wait3A_188] : memref<20x256xi32, #tpu.memory_space<vmem>> -> memref<1x128xi32, #tpu.memory_space<vmem>>
      %dma_wait3A_190 = tpu.memref_squeeze %dma_wait3A_189 : memref<1x128xi32, #tpu.memory_space<vmem>> -> memref<128xi32, #tpu.memory_space<vmem>>
      %dma_wait3A_191 = arith.constant 0 : i32
      %dma_wait3A_192 = arith.constant 0 : i32
      %dma_wait3A_193 = tpu.memref_slice %arg4[%dma_wait3A_191, %dma_wait3A_192] : memref<10112x128xi32, #tpu.memory_space<hbm>> -> memref<10112x128xi32, #tpu.memory_space<hbm>>
      tpu.wait_indirect_dma semaphore(%arg13 : memref<!tpu.dma_semaphore, #tpu.memory_space<semaphore_mem>>) src(%dma_wait3A_193 : memref<10112x128xi32, #tpu.memory_space<hbm>>) dst(%dma_wait3A_187 : memref<128x128xi32, #tpu.memory_space<vmem>>)
      %dma_wait3A_194 = arith.constant 0 : i32
      %dma_wait3A_195 = arith.constant 1 : i32
      %dma_wait3A_196 = arith.constant 0 : i32
      %dma_wait3A_197 = arith.constant 0 : i32
      %dma_wait3A_198 = tpu.memref_slice %arg11[%dma_wait3A_195, %dma_wait3A_196, %dma_wait3A_197] : memref<2x128x128xi32, #tpu.memory_space<vmem>> -> memref<1x128x128xi32, #tpu.memory_space<vmem>>
      %dma_wait3A_199 = tpu.memref_squeeze %dma_wait3A_198 : memref<1x128x128xi32, #tpu.memory_space<vmem>> -> memref<128x128xi32, #tpu.memory_space<vmem>>
      %dma_wait3A_200 = arith.constant 0 : i32
      %dma_wait3A_201 = tpu.memref_slice %arg9[%dma_wait3A_194, %dma_wait3A_200] : memref<20x256xi32, #tpu.memory_space<vmem>> -> memref<1x128xi32, #tpu.memory_space<vmem>>
      %dma_wait3A_202 = tpu.memref_squeeze %dma_wait3A_201 : memref<1x128xi32, #tpu.memory_space<vmem>> -> memref<128xi32, #tpu.memory_space<vmem>>
      %dma_wait3A_203 = arith.constant 0 : i32
      %dma_wait3A_204 = arith.constant 0 : i32
      %dma_wait3A_205 = tpu.memref_slice %arg5[%dma_wait3A_203, %dma_wait3A_204] : memref<10112x128xi32, #tpu.memory_space<hbm>> -> memref<10112x128xi32, #tpu.memory_space<hbm>>
      tpu.wait_indirect_dma semaphore(%arg13 : memref<!tpu.dma_semaphore, #tpu.memory_space<semaphore_mem>>) src(%dma_wait3A_205 : memref<10112x128xi32, #tpu.memory_space<hbm>>) dst(%dma_wait3A_199 : memref<128x128xi32, #tpu.memory_space<vmem>>)
      %mul3A_206 = arith.constant 128 : i32
      %mul3A_207 = arith.muli %add3A_145, %mul3A_206 : i32
      %add3A_208 = arith.addi %mul3A_2, %mul3A_207 : i32
      %dma_start3A_209 = arith.constant 1 : i32
      %dma_start3A_210 = arith.constant 0 : i32
      %dma_start3A_211 = arith.constant 0 : i32
      %dma_start3A_212 = tpu.memref_slice %arg10[%dma_start3A_209, %dma_start3A_210, %dma_start3A_211] : memref<2x128x128xi32, #tpu.memory_space<vmem>> -> memref<1x128x128xi32, #tpu.memory_space<vmem>>
      %dma_start3A_213 = tpu.memref_squeeze %dma_start3A_212 : memref<1x128x128xi32, #tpu.memory_space<vmem>> -> memref<128x128xi32, #tpu.memory_space<vmem>>
      %dma_start3A_214 = arith.constant 0 : i32
      %dma_start3A_215 = tpu.memref_slice %arg6[%add3A_208, %dma_start3A_214] : memref<163840x128xi32, #tpu.memory_space<hbm>> -> memref<128x128xi32, #tpu.memory_space<hbm>>
      %dma_start3A_216 = arith.constant 0 : i32
      %dma_start3A_217 = tpu.memref_slice %arg6[%add3A_208, %dma_start3A_216] : memref<163840x128xi32, #tpu.memory_space<hbm>> -> memref<128x128xi32, #tpu.memory_space<hbm>>
      %dma_start3A_218 = arith.constant 0 : i32
      %dma_start3A_219 = arith.constant 0 : i32
      %dma_start3A_220 = tpu.memref_slice %arg10[%dma_start3A_209, %dma_start3A_218, %dma_start3A_219] : memref<2x128x128xi32, #tpu.memory_space<vmem>> -> memref<1x128x128xi32, #tpu.memory_space<vmem>>
      %dma_start3A_221 = tpu.memref_squeeze %dma_start3A_220 : memref<1x128x128xi32, #tpu.memory_space<vmem>> -> memref<128x128xi32, #tpu.memory_space<vmem>>
      tpu.enqueue_dma source(%dma_start3A_221 : memref<128x128xi32, #tpu.memory_space<vmem>>) target(%dma_start3A_217 : memref<128x128xi32, #tpu.memory_space<hbm>>) target_semaphore(%arg15 : memref<!tpu.dma_semaphore, #tpu.memory_space<semaphore_mem>>)
      %dma_start3A_222 = arith.constant 1 : i32
      %dma_start3A_223 = arith.constant 0 : i32
      %dma_start3A_224 = arith.constant 0 : i32
      %dma_start3A_225 = tpu.memref_slice %arg11[%dma_start3A_222, %dma_start3A_223, %dma_start3A_224] : memref<2x128x128xi32, #tpu.memory_space<vmem>> -> memref<1x128x128xi32, #tpu.memory_space<vmem>>
      %dma_start3A_226 = tpu.memref_squeeze %dma_start3A_225 : memref<1x128x128xi32, #tpu.memory_space<vmem>> -> memref<128x128xi32, #tpu.memory_space<vmem>>
      %dma_start3A_227 = arith.constant 0 : i32
      %dma_start3A_228 = tpu.memref_slice %arg7[%add3A_208, %dma_start3A_227] : memref<163840x128xi32, #tpu.memory_space<hbm>> -> memref<128x128xi32, #tpu.memory_space<hbm>>
      %dma_start3A_229 = arith.constant 0 : i32
      %dma_start3A_230 = tpu.memref_slice %arg7[%add3A_208, %dma_start3A_229] : memref<163840x128xi32, #tpu.memory_space<hbm>> -> memref<128x128xi32, #tpu.memory_space<hbm>>
      %dma_start3A_231 = arith.constant 0 : i32
      %dma_start3A_232 = arith.constant 0 : i32
      %dma_start3A_233 = tpu.memref_slice %arg11[%dma_start3A_222, %dma_start3A_231, %dma_start3A_232] : memref<2x128x128xi32, #tpu.memory_space<vmem>> -> memref<1x128x128xi32, #tpu.memory_space<vmem>>
      %dma_start3A_234 = tpu.memref_squeeze %dma_start3A_233 : memref<1x128x128xi32, #tpu.memory_space<vmem>> -> memref<128x128xi32, #tpu.memory_space<vmem>>
      tpu.enqueue_dma source(%dma_start3A_234 : memref<128x128xi32, #tpu.memory_space<vmem>>) target(%dma_start3A_230 : memref<128x128xi32, #tpu.memory_space<hbm>>) target_semaphore(%arg15 : memref<!tpu.dma_semaphore, #tpu.memory_space<semaphore_mem>>)
    }
    %scan3A_30 = arith.constant 20 : i32
    %dma_wait3A = arith.constant 1 : i32
    %dma_wait3A_31 = arith.constant 0 : i32
    %dma_wait3A_32 = arith.constant 0 : i32
    %dma_wait3A_33 = tpu.memref_slice %arg10[%dma_wait3A, %dma_wait3A_31, %dma_wait3A_32] : memref<2x128x128xi32, #tpu.memory_space<vmem>> -> memref<1x128x128xi32, #tpu.memory_space<vmem>>
    %dma_wait3A_34 = tpu.memref_squeeze %dma_wait3A_33 : memref<1x128x128xi32, #tpu.memory_space<vmem>> -> memref<128x128xi32, #tpu.memory_space<vmem>>
    %dma_wait3A_35 = arith.constant 0 : i32
    %dma_wait3A_36 = arith.constant 0 : i32
    %dma_wait3A_37 = tpu.memref_slice %arg6[%dma_wait3A_35, %dma_wait3A_36] : memref<163840x128xi32, #tpu.memory_space<hbm>> -> memref<128x128xi32, #tpu.memory_space<hbm>>
    %dma_wait3A_38 = arith.constant 0 : i32
    %dma_wait3A_39 = arith.constant 0 : i32
    %dma_wait3A_40 = tpu.memref_slice %arg6[%dma_wait3A_38, %dma_wait3A_39] : memref<163840x128xi32, #tpu.memory_space<hbm>> -> memref<128x128xi32, #tpu.memory_space<hbm>>
    %dma_wait3A_41 = arith.constant 0 : i32
    %dma_wait3A_42 = arith.constant 0 : i32
    %dma_wait3A_43 = tpu.memref_slice %arg10[%dma_wait3A, %dma_wait3A_41, %dma_wait3A_42] : memref<2x128x128xi32, #tpu.memory_space<vmem>> -> memref<1x128x128xi32, #tpu.memory_space<vmem>>
    %dma_wait3A_44 = tpu.memref_squeeze %dma_wait3A_43 : memref<1x128x128xi32, #tpu.memory_space<vmem>> -> memref<128x128xi32, #tpu.memory_space<vmem>>
    tpu.wait_dma2 semaphore(%arg15 : memref<!tpu.dma_semaphore, #tpu.memory_space<semaphore_mem>>) src(%dma_wait3A_44 : memref<128x128xi32, #tpu.memory_space<vmem>>) dst(%dma_wait3A_40 : memref<128x128xi32, #tpu.memory_space<hbm>>)
    %dma_wait3A_45 = arith.constant 1 : i32
    %dma_wait3A_46 = arith.constant 0 : i32
    %dma_wait3A_47 = arith.constant 0 : i32
    %dma_wait3A_48 = tpu.memref_slice %arg11[%dma_wait3A_45, %dma_wait3A_46, %dma_wait3A_47] : memref<2x128x128xi32, #tpu.memory_space<vmem>> -> memref<1x128x128xi32, #tpu.memory_space<vmem>>
    %dma_wait3A_49 = tpu.memref_squeeze %dma_wait3A_48 : memref<1x128x128xi32, #tpu.memory_space<vmem>> -> memref<128x128xi32, #tpu.memory_space<vmem>>
    %dma_wait3A_50 = arith.constant 0 : i32
    %dma_wait3A_51 = arith.constant 0 : i32
    %dma_wait3A_52 = tpu.memref_slice %arg7[%dma_wait3A_50, %dma_wait3A_51] : memref<163840x128xi32, #tpu.memory_space<hbm>> -> memref<128x128xi32, #tpu.memory_space<hbm>>
    %dma_wait3A_53 = arith.constant 0 : i32
    %dma_wait3A_54 = arith.constant 0 : i32
    %dma_wait3A_55 = tpu.memref_slice %arg7[%dma_wait3A_53, %dma_wait3A_54] : memref<163840x128xi32, #tpu.memory_space<hbm>> -> memref<128x128xi32, #tpu.memory_space<hbm>>
    %dma_wait3A_56 = arith.constant 0 : i32
    %dma_wait3A_57 = arith.constant 0 : i32
    %dma_wait3A_58 = tpu.memref_slice %arg11[%dma_wait3A_45, %dma_wait3A_56, %dma_wait3A_57] : memref<2x128x128xi32, #tpu.memory_space<vmem>> -> memref<1x128x128xi32, #tpu.memory_space<vmem>>
    %dma_wait3A_59 = tpu.memref_squeeze %dma_wait3A_58 : memref<1x128x128xi32, #tpu.memory_space<vmem>> -> memref<128x128xi32, #tpu.memory_space<vmem>>
    tpu.wait_dma2 semaphore(%arg15 : memref<!tpu.dma_semaphore, #tpu.memory_space<semaphore_mem>>) src(%dma_wait3A_59 : memref<128x128xi32, #tpu.memory_space<vmem>>) dst(%dma_wait3A_55 : memref<128x128xi32, #tpu.memory_space<hbm>>)
    return
  }
}

module attributes {stable_mosaic.version = 14 : i64} {
  func.func @_pack_body(%arg0: i32, %arg1: memref<2000x128xf32, #tpu.memory_space<vmem>>, %arg2: memref<128x128xf32, #tpu.memory_space<vmem>>, %arg3: memref<1x128xf32, #tpu.memory_space<vmem>>, %arg4: memref<128x128xf32, #tpu.memory_space<vmem>>, %arg5: memref<1x128xf32, #tpu.memory_space<vmem>>, %arg6: memref<128x128xf32, #tpu.memory_space<vmem>>, %arg7: memref<128x128xf32, #tpu.memory_space<vmem>>, %arg8: memref<128x128xf32, #tpu.memory_space<vmem>>, %arg9: memref<128x128xf32, #tpu.memory_space<vmem>>, %arg10: memref<1x128xf32, #tpu.memory_space<vmem>>, %arg11: memref<128x16xf32, #tpu.memory_space<vmem>>, %arg12: memref<1x16xf32, #tpu.memory_space<vmem>>, %arg13: memref<128x128xf32, #tpu.memory_space<vmem>>, %arg14: memref<16x128xf32, #tpu.memory_space<vmem>>, %arg15: memref<1x128xf32, #tpu.memory_space<vmem>>, %arg16: memref<2000x128xi32, #tpu.memory_space<vmem>>, %arg17: memref<2000x128xi32, #tpu.memory_space<vmem>>, %arg18: memref<2000x128xf32, #tpu.memory_space<vmem>>) attributes {dimension_semantics = [#tpu.dimension_semantics<arbitrary>], iteration_bounds = array<i64: 5>, scalar_prefetch = 0 : i64, scratch_operands = 0 : i64, tpu.core_type = #tpu.core_type<tc>, window_params = [{transform_indices = @transform_0, window_bounds = array<i64: 2000, 128>}, {pipeline_mode = #tpu.pipeline_mode<synchronous>, transform_indices = @transform_1, window_bounds = array<i64: 128, 128>}, {pipeline_mode = #tpu.pipeline_mode<synchronous>, transform_indices = @transform_2, window_bounds = array<i64: 1, 128>}, {pipeline_mode = #tpu.pipeline_mode<synchronous>, transform_indices = @transform_3, window_bounds = array<i64: 128, 128>}, {pipeline_mode = #tpu.pipeline_mode<synchronous>, transform_indices = @transform_4, window_bounds = array<i64: 1, 128>}, {pipeline_mode = #tpu.pipeline_mode<synchronous>, transform_indices = @transform_5, window_bounds = array<i64: 128, 128>}, {pipeline_mode = #tpu.pipeline_mode<synchronous>, transform_indices = @transform_6, window_bounds = array<i64: 128, 128>}, {pipeline_mode = #tpu.pipeline_mode<synchronous>, transform_indices = @transform_7, window_bounds = array<i64: 128, 128>}, {pipeline_mode = #tpu.pipeline_mode<synchronous>, transform_indices = @transform_8, window_bounds = array<i64: 128, 128>}, {pipeline_mode = #tpu.pipeline_mode<synchronous>, transform_indices = @transform_9, window_bounds = array<i64: 1, 128>}, {pipeline_mode = #tpu.pipeline_mode<synchronous>, transform_indices = @transform_10, window_bounds = array<i64: 128, 16>}, {pipeline_mode = #tpu.pipeline_mode<synchronous>, transform_indices = @transform_11, window_bounds = array<i64: 1, 16>}, {pipeline_mode = #tpu.pipeline_mode<synchronous>, transform_indices = @transform_12, window_bounds = array<i64: 128, 128>}, {pipeline_mode = #tpu.pipeline_mode<synchronous>, transform_indices = @transform_13, window_bounds = array<i64: 16, 128>}, {pipeline_mode = #tpu.pipeline_mode<synchronous>, transform_indices = @transform_14, window_bounds = array<i64: 1, 128>}, {transform_indices = @transform_15, window_bounds = array<i64: 2000, 128>}, {transform_indices = @transform_16, window_bounds = array<i64: 2000, 128>}, {transform_indices = @transform_17, window_bounds = array<i64: 2000, 128>}]} {
    %get3A = arith.constant 0 : index
    %get3A_0 = arith.constant 0 : index
    %get3A_1 = vector.load %arg1[%get3A, %get3A_0] : memref<2000x128xf32, #tpu.memory_space<vmem>>, vector<2000x128xf32>
    %get3A_2 = arith.constant 0 : index
    %get3A_3 = arith.constant 0 : index
    %get3A_4 = vector.load %arg2[%get3A_2, %get3A_3] : memref<128x128xf32, #tpu.memory_space<vmem>>, vector<128x128xf32>
    %dot_general3A = arith.constant dense<0.000000e+00> : vector<2000x128xf32>
    %dot_general3A_5 = tpu.matmul %get3A_1, %get3A_4, %dot_general3A {dimension_numbers = #tpu.dot_dimension_numbers<[1], [0], [0], [1], [0, 0, 1, 1], [], []>, transpose_lhs_hint = false} : vector<2000x128xf32>, vector<128x128xf32>, vector<2000x128xf32> -> vector<2000x128xf32>
    %get3A_6 = arith.constant 0 : index
    %get3A_7 = arith.constant 0 : index
    %get3A_8 = vector.load %arg3[%get3A_6, %get3A_7] : memref<1x128xf32, #tpu.memory_space<vmem>>, vector<1x128xf32>
    %add3A = vector.broadcast %get3A_8 : vector<1x128xf32> to vector<2000x128xf32>
    %add3A_9 = arith.addf %dot_general3A_5, %add3A : vector<2000x128xf32>
    %max3A = arith.constant 0.000000e+00 : f32
    %max3A_10 = vector.broadcast %max3A : f32 to vector<2000x128xf32>
    %max3A_11 = arith.maximumf %add3A_9, %max3A_10 : vector<2000x128xf32>
    %get3A_12 = arith.constant 0 : index
    %get3A_13 = arith.constant 0 : index
    %get3A_14 = vector.load %arg4[%get3A_12, %get3A_13] : memref<128x128xf32, #tpu.memory_space<vmem>>, vector<128x128xf32>
    %dot_general3A_15 = arith.constant dense<0.000000e+00> : vector<2000x128xf32>
    %dot_general3A_16 = tpu.matmul %max3A_11, %get3A_14, %dot_general3A_15 {dimension_numbers = #tpu.dot_dimension_numbers<[1], [0], [0], [1], [0, 0, 1, 1], [], []>, transpose_lhs_hint = false} : vector<2000x128xf32>, vector<128x128xf32>, vector<2000x128xf32> -> vector<2000x128xf32>
    %get3A_17 = arith.constant 0 : index
    %get3A_18 = arith.constant 0 : index
    %get3A_19 = vector.load %arg5[%get3A_17, %get3A_18] : memref<1x128xf32, #tpu.memory_space<vmem>>, vector<1x128xf32>
    %add3A_20 = vector.broadcast %get3A_19 : vector<1x128xf32> to vector<2000x128xf32>
    %add3A_21 = arith.addf %dot_general3A_16, %add3A_20 : vector<2000x128xf32>
    %max3A_22 = arith.constant 0.000000e+00 : f32
    %max3A_23 = vector.broadcast %max3A_22 : f32 to vector<2000x128xf32>
    %max3A_24 = arith.maximumf %add3A_21, %max3A_23 : vector<2000x128xf32>
    %get3A_25 = arith.constant 0 : index
    %get3A_26 = arith.constant 0 : index
    %get3A_27 = vector.load %arg6[%get3A_25, %get3A_26] : memref<128x128xf32, #tpu.memory_space<vmem>>, vector<128x128xf32>
    %dot_general3A_28 = arith.constant dense<0.000000e+00> : vector<2000x128xf32>
    %dot_general3A_29 = tpu.matmul %get3A_1, %get3A_27, %dot_general3A_28 {dimension_numbers = #tpu.dot_dimension_numbers<[1], [0], [0], [1], [0, 0, 1, 1], [], []>, transpose_lhs_hint = false} : vector<2000x128xf32>, vector<128x128xf32>, vector<2000x128xf32> -> vector<2000x128xf32>
    %get3A_30 = arith.constant 0 : index
    %get3A_31 = arith.constant 0 : index
    %get3A_32 = vector.load %arg7[%get3A_30, %get3A_31] : memref<128x128xf32, #tpu.memory_space<vmem>>, vector<128x128xf32>
    %dot_general3A_33 = arith.constant dense<0.000000e+00> : vector<2000x128xf32>
    %dot_general3A_34 = tpu.matmul %max3A_24, %get3A_32, %dot_general3A_33 {dimension_numbers = #tpu.dot_dimension_numbers<[1], [0], [0], [1], [0, 0, 1, 1], [], []>, transpose_lhs_hint = false} : vector<2000x128xf32>, vector<128x128xf32>, vector<2000x128xf32> -> vector<2000x128xf32>
    %get3A_35 = arith.constant 0 : index
    %get3A_36 = arith.constant 0 : index
    %get3A_37 = vector.load %arg8[%get3A_35, %get3A_36] : memref<128x128xf32, #tpu.memory_space<vmem>>, vector<128x128xf32>
    %dot_general3A_38 = arith.constant dense<0.000000e+00> : vector<2000x128xf32>
    %dot_general3A_39 = tpu.matmul %max3A_24, %get3A_37, %dot_general3A_38 {dimension_numbers = #tpu.dot_dimension_numbers<[1], [0], [0], [1], [0, 0, 1, 1], [], []>, transpose_lhs_hint = false} : vector<2000x128xf32>, vector<128x128xf32>, vector<2000x128xf32> -> vector<2000x128xf32>
    %get3A_40 = arith.constant 0 : index
    %get3A_41 = arith.constant 0 : index
    %get3A_42 = vector.load %arg9[%get3A_40, %get3A_41] : memref<128x128xf32, #tpu.memory_space<vmem>>, vector<128x128xf32>
    %dot_general3A_43 = arith.constant dense<0.000000e+00> : vector<2000x128xf32>
    %dot_general3A_44 = tpu.matmul %get3A_1, %get3A_42, %dot_general3A_43 {dimension_numbers = #tpu.dot_dimension_numbers<[1], [0], [0], [1], [0, 0, 1, 1], [], []>, transpose_lhs_hint = false} : vector<2000x128xf32>, vector<128x128xf32>, vector<2000x128xf32> -> vector<2000x128xf32>
    %get3A_45 = arith.constant 0 : index
    %get3A_46 = arith.constant 0 : index
    %get3A_47 = vector.load %arg10[%get3A_45, %get3A_46] : memref<1x128xf32, #tpu.memory_space<vmem>>, vector<1x128xf32>
    %add3A_48 = vector.broadcast %get3A_47 : vector<1x128xf32> to vector<2000x128xf32>
    %add3A_49 = arith.addf %dot_general3A_44, %add3A_48 : vector<2000x128xf32>
    %max3A_50 = arith.constant 0.000000e+00 : f32
    %max3A_51 = vector.broadcast %max3A_50 : f32 to vector<2000x128xf32>
    %max3A_52 = arith.maximumf %add3A_49, %max3A_51 : vector<2000x128xf32>
    %get3A_53 = arith.constant 0 : index
    %get3A_54 = arith.constant 0 : index
    %get3A_55 = vector.load %arg11[%get3A_53, %get3A_54] : memref<128x16xf32, #tpu.memory_space<vmem>>, vector<128x16xf32>
    %dot_general3A_56 = arith.constant dense<0.000000e+00> : vector<2000x16xf32>
    %dot_general3A_57 = tpu.matmul %max3A_52, %get3A_55, %dot_general3A_56 {dimension_numbers = #tpu.dot_dimension_numbers<[1], [0], [0], [1], [0, 0, 1, 1], [], []>, transpose_lhs_hint = false} : vector<2000x128xf32>, vector<128x16xf32>, vector<2000x16xf32> -> vector<2000x16xf32>
    %get3A_58 = arith.constant 0 : index
    %get3A_59 = arith.constant 0 : index
    %get3A_60 = vector.load %arg12[%get3A_58, %get3A_59] : memref<1x16xf32, #tpu.memory_space<vmem>>, vector<1x16xf32>
    %add3A_61 = vector.broadcast %get3A_60 : vector<1x16xf32> to vector<2000x16xf32>
    %add3A_62 = arith.addf %dot_general3A_57, %add3A_61 : vector<2000x16xf32>
    %max3A_63 = arith.constant 0.000000e+00 : f32
    %max3A_64 = vector.broadcast %max3A_63 : f32 to vector<2000x16xf32>
    %max3A_65 = arith.maximumf %add3A_62, %max3A_64 : vector<2000x16xf32>
    %slice3A = vector.extract_strided_slice %get3A_1 {offsets = [0, 0], sizes = [2000, 1], strides = [1, 1]} : vector<2000x128xf32> to vector<2000x1xf32>
    %abs3A = math.absf %slice3A : vector<2000x1xf32>
    %slice3A_66 = vector.extract_strided_slice %get3A_1 {offsets = [0, 4], sizes = [2000, 1], strides = [1, 1]} : vector<2000x128xf32> to vector<2000x1xf32>
    %abs3A_67 = math.absf %slice3A_66 : vector<2000x1xf32>
    %gt3A = arith.constant 9.700000e-01 : f32
    %gt3A_68 = vector.broadcast %gt3A : f32 to vector<2000x1xf32>
    %gt3A_69 = arith.cmpf ogt, %abs3A, %gt3A_68 : vector<2000x1xf32>
    %gt3A_70 = arith.constant 9.700000e-01 : f32
    %gt3A_71 = vector.broadcast %gt3A_70 : f32 to vector<2000x1xf32>
    %gt3A_72 = arith.cmpf ogt, %abs3A_67, %gt3A_71 : vector<2000x1xf32>
    %or3A = arith.ori %gt3A_69, %gt3A_72 : vector<2000x1xi1>
    %jit3A = arith.constant 1.000000e+00 : f32
    %jit3A_73 = arith.constant 0.000000e+00 : f32
    %broadcast_in_dim3A = vector.broadcast %jit3A : f32 to vector<2000x1xf32>
    %broadcast_in_dim3A_74 = vector.broadcast %jit3A_73 : f32 to vector<2000x1xf32>
    %select_n3A = arith.select %or3A, %broadcast_in_dim3A, %broadcast_in_dim3A_74 : vector<2000x1xi1>, vector<2000x1xf32>
    %get3A_75 = arith.constant 0 : index
    %get3A_76 = arith.constant 0 : index
    %get3A_77 = vector.load %arg13[%get3A_75, %get3A_76] : memref<128x128xf32, #tpu.memory_space<vmem>>, vector<128x128xf32>
    %dot_general3A_78 = arith.constant dense<0.000000e+00> : vector<2000x128xf32>
    %dot_general3A_79 = tpu.matmul %max3A_24, %get3A_77, %dot_general3A_78 {dimension_numbers = #tpu.dot_dimension_numbers<[1], [0], [0], [1], [0, 0, 1, 1], [], []>, transpose_lhs_hint = false} : vector<2000x128xf32>, vector<128x128xf32>, vector<2000x128xf32> -> vector<2000x128xf32>
    %mul3A = vector.broadcast %select_n3A : vector<2000x1xf32> to vector<2000x16xf32>
    %mul3A_80 = arith.mulf %max3A_65, %mul3A : vector<2000x16xf32>
    %get3A_81 = arith.constant 0 : index
    %get3A_82 = arith.constant 0 : index
    %get3A_83 = vector.load %arg14[%get3A_81, %get3A_82] : memref<16x128xf32, #tpu.memory_space<vmem>>, vector<16x128xf32>
    %dot_general3A_84 = arith.constant dense<0.000000e+00> : vector<2000x128xf32>
    %dot_general3A_85 = tpu.matmul %mul3A_80, %get3A_83, %dot_general3A_84 {dimension_numbers = #tpu.dot_dimension_numbers<[1], [0], [0], [1], [0, 0, 1, 1], [], []>, transpose_lhs_hint = false} : vector<2000x16xf32>, vector<16x128xf32>, vector<2000x128xf32> -> vector<2000x128xf32>
    %add3A_86 = arith.addf %dot_general3A_79, %dot_general3A_85 : vector<2000x128xf32>
    %get3A_87 = arith.constant 0 : index
    %get3A_88 = arith.constant 0 : index
    %get3A_89 = vector.load %arg15[%get3A_87, %get3A_88] : memref<1x128xf32, #tpu.memory_space<vmem>>, vector<1x128xf32>
    %add3A_90 = vector.broadcast %get3A_89 : vector<1x128xf32> to vector<2000x128xf32>
    %add3A_91 = arith.addf %add3A_86, %add3A_90 : vector<2000x128xf32>
    %swap3A = arith.constant 0 : index
    %swap3A_92 = arith.constant 0 : index
    %swap3A_93 = vector.load %arg18[%swap3A, %swap3A_92] : memref<2000x128xf32, #tpu.memory_space<vmem>>, vector<2000x128xf32>
    tpu.vector_store %arg18[%swap3A, %swap3A_92], %add3A_91 {strides = array<i32>} : memref<2000x128xf32, #tpu.memory_space<vmem>>, vector<2000x128xf32>,
    %convert_element_type3A = arith.truncf %dot_general3A_29 : vector<2000x128xf32> to vector<2000x128xbf16>
    %convert_element_type3A_94 = arith.extf %convert_element_type3A : vector<2000x128xbf16> to vector<2000x128xf32>
    %bitcast_convert_type3A = tpu.bitcast %convert_element_type3A_94 : vector<2000x128xf32> -> vector<2000x128xi32>
    %shift_right_logical3A = arith.constant 16 : i32
    %shift_right_logical3A_95 = vector.broadcast %shift_right_logical3A : i32 to vector<2000x128xi32>
    %shift_right_logical3A_96 = arith.shrui %bitcast_convert_type3A, %shift_right_logical3A_95 : vector<2000x128xi32>
    %convert_element_type3A_97 = arith.truncf %dot_general3A_34 : vector<2000x128xf32> to vector<2000x128xbf16>
    %convert_element_type3A_98 = arith.extf %convert_element_type3A_97 : vector<2000x128xbf16> to vector<2000x128xf32>
    %bitcast_convert_type3A_99 = tpu.bitcast %convert_element_type3A_98 : vector<2000x128xf32> -> vector<2000x128xi32>
    %and3A = arith.constant -65536 : i32
    %and3A_100 = vector.broadcast %and3A : i32 to vector<2000x128xi32>
    %and3A_101 = arith.andi %bitcast_convert_type3A_99, %and3A_100 : vector<2000x128xi32>
    %or3A_102 = arith.ori %shift_right_logical3A_96, %and3A_101 : vector<2000x128xi32>
    %bitcast_convert_type3A_103 = tpu.bitcast %or3A_102 : vector<2000x128xi32> -> vector<2000x128xi32>
    %swap3A_104 = arith.constant 0 : index
    %swap3A_105 = arith.constant 0 : index
    %swap3A_106 = vector.load %arg16[%swap3A_104, %swap3A_105] : memref<2000x128xi32, #tpu.memory_space<vmem>>, vector<2000x128xi32>
    tpu.vector_store %arg16[%swap3A_104, %swap3A_105], %bitcast_convert_type3A_103 {strides = array<i32>} : memref<2000x128xi32, #tpu.memory_space<vmem>>, vector<2000x128xi32>,
    %convert_element_type3A_107 = arith.truncf %dot_general3A_39 : vector<2000x128xf32> to vector<2000x128xbf16>
    %convert_element_type3A_108 = arith.extf %convert_element_type3A_107 : vector<2000x128xbf16> to vector<2000x128xf32>
    %bitcast_convert_type3A_109 = tpu.bitcast %convert_element_type3A_108 : vector<2000x128xf32> -> vector<2000x128xi32>
    %and3A_110 = arith.constant -65536 : i32
    %and3A_111 = vector.broadcast %and3A_110 : i32 to vector<2000x128xi32>
    %and3A_112 = arith.andi %bitcast_convert_type3A_109, %and3A_111 : vector<2000x128xi32>
    %or3A_113 = arith.ori %shift_right_logical3A_96, %and3A_112 : vector<2000x128xi32>
    %bitcast_convert_type3A_114 = tpu.bitcast %or3A_113 : vector<2000x128xi32> -> vector<2000x128xi32>
    %swap3A_115 = arith.constant 0 : index
    %swap3A_116 = arith.constant 0 : index
    %swap3A_117 = vector.load %arg17[%swap3A_115, %swap3A_116] : memref<2000x128xi32, #tpu.memory_space<vmem>>, vector<2000x128xi32>
    tpu.vector_store %arg17[%swap3A_115, %swap3A_116], %bitcast_convert_type3A_114 {strides = array<i32>} : memref<2000x128xi32, #tpu.memory_space<vmem>>, vector<2000x128xi32>,
    return
  }
  func.func @transform_0(%arg0: i32) -> (i32, i32) {
    %c0_i32 = arith.constant 0 : i32
    %c0_i32_0 = arith.constant 0 : i32
    return %arg0, %c0_i32 : i32, i32
  }
  func.func @transform_1(%arg0: i32) -> (i32, i32) {
    %c0_i32 = arith.constant 0 : i32
    %c0_i32_0 = arith.constant 0 : i32
    %c0_i32_1 = arith.constant 0 : i32
    return %c0_i32, %c0_i32_0 : i32, i32
  }
  func.func @transform_2(%arg0: i32) -> (i32, i32) {
    %c0_i32 = arith.constant 0 : i32
    %c0_i32_0 = arith.constant 0 : i32
    %c0_i32_1 = arith.constant 0 : i32
    return %c0_i32, %c0_i32_0 : i32, i32
  }
  func.func @transform_3(%arg0: i32) -> (i32, i32) {
    %c0_i32 = arith.constant 0 : i32
    %c0_i32_0 = arith.constant 0 : i32
    %c0_i32_1 = arith.constant 0 : i32
    return %c0_i32, %c0_i32_0 : i32, i32
  }
  func.func @transform_4(%arg0: i32) -> (i32, i32) {
    %c0_i32 = arith.constant 0 : i32
    %c0_i32_0 = arith.constant 0 : i32
    %c0_i32_1 = arith.constant 0 : i32
    return %c0_i32, %c0_i32_0 : i32, i32
  }
  func.func @transform_5(%arg0: i32) -> (i32, i32) {
    %c0_i32 = arith.constant 0 : i32
    %c0_i32_0 = arith.constant 0 : i32
    %c0_i32_1 = arith.constant 0 : i32
    return %c0_i32, %c0_i32_0 : i32, i32
  }
  func.func @transform_6(%arg0: i32) -> (i32, i32) {
    %c0_i32 = arith.constant 0 : i32
    %c0_i32_0 = arith.constant 0 : i32
    %c0_i32_1 = arith.constant 0 : i32
    return %c0_i32, %c0_i32_0 : i32, i32
  }
  func.func @transform_7(%arg0: i32) -> (i32, i32) {
    %c0_i32 = arith.constant 0 : i32
    %c0_i32_0 = arith.constant 0 : i32
    %c0_i32_1 = arith.constant 0 : i32
    return %c0_i32, %c0_i32_0 : i32, i32
  }
  func.func @transform_8(%arg0: i32) -> (i32, i32) {
    %c0_i32 = arith.constant 0 : i32
    %c0_i32_0 = arith.constant 0 : i32
    %c0_i32_1 = arith.constant 0 : i32
    return %c0_i32, %c0_i32_0 : i32, i32
  }
  func.func @transform_9(%arg0: i32) -> (i32, i32) {
    %c0_i32 = arith.constant 0 : i32
    %c0_i32_0 = arith.constant 0 : i32
    %c0_i32_1 = arith.constant 0 : i32
    return %c0_i32, %c0_i32_0 : i32, i32
  }
  func.func @transform_10(%arg0: i32) -> (i32, i32) {
    %c0_i32 = arith.constant 0 : i32
    %c0_i32_0 = arith.constant 0 : i32
    %c0_i32_1 = arith.constant 0 : i32
    return %c0_i32, %c0_i32_0 : i32, i32
  }
  func.func @transform_11(%arg0: i32) -> (i32, i32) {
    %c0_i32 = arith.constant 0 : i32
    %c0_i32_0 = arith.constant 0 : i32
    %c0_i32_1 = arith.constant 0 : i32
    return %c0_i32, %c0_i32_0 : i32, i32
  }
  func.func @transform_12(%arg0: i32) -> (i32, i32) {
    %c0_i32 = arith.constant 0 : i32
    %c0_i32_0 = arith.constant 0 : i32
    %c0_i32_1 = arith.constant 0 : i32
    return %c0_i32, %c0_i32_0 : i32, i32
  }
  func.func @transform_13(%arg0: i32) -> (i32, i32) {
    %c0_i32 = arith.constant 0 : i32
    %c0_i32_0 = arith.constant 0 : i32
    %c0_i32_1 = arith.constant 0 : i32
    return %c0_i32, %c0_i32_0 : i32, i32
  }
  func.func @transform_14(%arg0: i32) -> (i32, i32) {
    %c0_i32 = arith.constant 0 : i32
    %c0_i32_0 = arith.constant 0 : i32
    %c0_i32_1 = arith.constant 0 : i32
    return %c0_i32, %c0_i32_0 : i32, i32
  }
  func.func @transform_15(%arg0: i32) -> (i32, i32) {
    %c0_i32 = arith.constant 0 : i32
    %c0_i32_0 = arith.constant 0 : i32
    return %arg0, %c0_i32 : i32, i32
  }
  func.func @transform_16(%arg0: i32) -> (i32, i32) {
    %c0_i32 = arith.constant 0 : i32
    %c0_i32_0 = arith.constant 0 : i32
    return %arg0, %c0_i32 : i32, i32
  }
  func.func @transform_17(%arg0: i32) -> (i32, i32) {
    %c0_i32 = arith.constant 0 : i32
    %c0_i32_0 = arith.constant 0 : i32
    return %arg0, %c0_i32 : i32, i32
  }
}

module attributes {stable_mosaic.version = 14 : i64} {
  func.func @_edge_body(%arg0: i32, %arg1: memref<1024x128xi32, #tpu.memory_space<vmem>>, %arg2: memref<1024x128xi32, #tpu.memory_space<vmem>>, %arg3: memref<128x128xbf16, #tpu.memory_space<vmem>>, %arg4: memref<1x128xf32, #tpu.memory_space<vmem>>, %arg5: memref<1x128xf32, #tpu.memory_space<vmem>>, %arg6: memref<128x128xbf16, #tpu.memory_space<vmem>>, %arg7: memref<1x128xf32, #tpu.memory_space<vmem>>, %arg8: memref<1024x128xf32, #tpu.memory_space<vmem>>) attributes {dimension_semantics = [#tpu.dimension_semantics<arbitrary>], iteration_bounds = array<i64: 160>, scalar_prefetch = 0 : i64, scratch_operands = 0 : i64, tpu.core_type = #tpu.core_type<tc>, window_params = [{transform_indices = @transform_0, window_bounds = array<i64: 1024, 128>}, {transform_indices = @transform_1, window_bounds = array<i64: 1024, 128>}, {pipeline_mode = #tpu.pipeline_mode<synchronous>, transform_indices = @transform_2, window_bounds = array<i64: 128, 128>}, {pipeline_mode = #tpu.pipeline_mode<synchronous>, transform_indices = @transform_3, window_bounds = array<i64: 1, 128>}, {pipeline_mode = #tpu.pipeline_mode<synchronous>, transform_indices = @transform_4, window_bounds = array<i64: 1, 128>}, {pipeline_mode = #tpu.pipeline_mode<synchronous>, transform_indices = @transform_5, window_bounds = array<i64: 128, 128>}, {pipeline_mode = #tpu.pipeline_mode<synchronous>, transform_indices = @transform_6, window_bounds = array<i64: 1, 128>}, {transform_indices = @transform_7, window_bounds = array<i64: 1024, 128>}]} {
    %get3A = arith.constant 0 : index
    %get3A_0 = arith.constant 0 : index
    %get3A_1 = vector.load %arg1[%get3A, %get3A_0] : memref<1024x128xi32, #tpu.memory_space<vmem>>, vector<1024x128xi32>
    %get3A_2 = arith.constant 0 : index
    %get3A_3 = arith.constant 0 : index
    %get3A_4 = vector.load %arg2[%get3A_2, %get3A_3] : memref<1024x128xi32, #tpu.memory_space<vmem>>, vector<1024x128xi32>
    %shift_left3A = arith.constant 16 : i32
    %shift_left3A_5 = vector.broadcast %shift_left3A : i32 to vector<1024x128xi32>
    %shift_left3A_6 = arith.shli %get3A_1, %shift_left3A_5 : vector<1024x128xi32>
    %bitcast_convert_type3A = tpu.bitcast %shift_left3A_6 : vector<1024x128xi32> -> vector<1024x128xf32>
    %shift_left3A_7 = arith.constant 16 : i32
    %shift_left3A_8 = vector.broadcast %shift_left3A_7 : i32 to vector<1024x128xi32>
    %shift_left3A_9 = arith.shli %get3A_4, %shift_left3A_8 : vector<1024x128xi32>
    %bitcast_convert_type3A_10 = tpu.bitcast %shift_left3A_9 : vector<1024x128xi32> -> vector<1024x128xf32>
    %and3A = arith.constant -65536 : i32
    %and3A_11 = vector.broadcast %and3A : i32 to vector<1024x128xi32>
    %and3A_12 = arith.andi %get3A_1, %and3A_11 : vector<1024x128xi32>
    %bitcast_convert_type3A_13 = tpu.bitcast %and3A_12 : vector<1024x128xi32> -> vector<1024x128xf32>
    %and3A_14 = arith.constant -65536 : i32
    %and3A_15 = vector.broadcast %and3A_14 : i32 to vector<1024x128xi32>
    %and3A_16 = arith.andi %get3A_4, %and3A_15 : vector<1024x128xi32>
    %bitcast_convert_type3A_17 = tpu.bitcast %and3A_16 : vector<1024x128xi32> -> vector<1024x128xf32>
    %sub3A = arith.subf %bitcast_convert_type3A, %bitcast_convert_type3A_10 : vector<1024x128xf32>
    %get3A_18 = arith.constant 0 : index
    %get3A_19 = arith.constant 0 : index
    %get3A_20 = vector.load %arg4[%get3A_18, %get3A_19] : memref<1x128xf32, #tpu.memory_space<vmem>>, vector<1x128xf32>
    %add3A = vector.broadcast %get3A_20 : vector<1x128xf32> to vector<1024x128xf32>
    %add3A_21 = arith.addf %sub3A, %add3A : vector<1024x128xf32>
    %max3A = arith.constant 0.000000e+00 : f32
    %max3A_22 = vector.broadcast %max3A : f32 to vector<1024x128xf32>
    %max3A_23 = arith.maximumf %add3A_21, %max3A_22 : vector<1024x128xf32>
    %convert_element_type3A = arith.truncf %max3A_23 : vector<1024x128xf32> to vector<1024x128xbf16>
    %get3A_24 = arith.constant 0 : index
    %get3A_25 = arith.constant 0 : index
    %get3A_26 = vector.load %arg3[%get3A_24, %get3A_25] : memref<128x128xbf16, #tpu.memory_space<vmem>>, vector<128x128xbf16>
    %dot_general3A = arith.constant dense<0.000000e+00> : vector<1024x128xf32>
    %dot_general3A_27 = tpu.matmul %convert_element_type3A, %get3A_26, %dot_general3A {dimension_numbers = #tpu.dot_dimension_numbers<[1], [0], [0], [1], [0, 0, 1, 1], [], []>, transpose_lhs_hint = false} : vector<1024x128xbf16>, vector<128x128xbf16>, vector<1024x128xf32> -> vector<1024x128xf32>
    %get3A_28 = arith.constant 0 : index
    %get3A_29 = arith.constant 0 : index
    %get3A_30 = vector.load %arg5[%get3A_28, %get3A_29] : memref<1x128xf32, #tpu.memory_space<vmem>>, vector<1x128xf32>
    %add3A_31 = vector.broadcast %get3A_30 : vector<1x128xf32> to vector<1024x128xf32>
    %add3A_32 = arith.addf %dot_general3A_27, %add3A_31 : vector<1024x128xf32>
    %max3A_33 = arith.constant 0.000000e+00 : f32
    %max3A_34 = vector.broadcast %max3A_33 : f32 to vector<1024x128xf32>
    %max3A_35 = arith.maximumf %add3A_32, %max3A_34 : vector<1024x128xf32>
    %convert_element_type3A_36 = arith.truncf %max3A_35 : vector<1024x128xf32> to vector<1024x128xbf16>
    %get3A_37 = arith.constant 0 : index
    %get3A_38 = arith.constant 0 : index
    %get3A_39 = vector.load %arg6[%get3A_37, %get3A_38] : memref<128x128xbf16, #tpu.memory_space<vmem>>, vector<128x128xbf16>
    %dot_general3A_40 = arith.constant dense<0.000000e+00> : vector<1024x128xf32>
    %dot_general3A_41 = tpu.matmul %convert_element_type3A_36, %get3A_39, %dot_general3A_40 {dimension_numbers = #tpu.dot_dimension_numbers<[1], [0], [0], [1], [0, 0, 1, 1], [], []>, transpose_lhs_hint = false} : vector<1024x128xbf16>, vector<128x128xbf16>, vector<1024x128xf32> -> vector<1024x128xf32>
    %add3A_42 = arith.addf %bitcast_convert_type3A_13, %bitcast_convert_type3A_17 : vector<1024x128xf32>
    %add3A_43 = arith.addf %add3A_42, %dot_general3A_41 : vector<1024x128xf32>
    %get3A_44 = arith.constant 0 : index
    %get3A_45 = arith.constant 0 : index
    %get3A_46 = vector.load %arg7[%get3A_44, %get3A_45] : memref<1x128xf32, #tpu.memory_space<vmem>>, vector<1x128xf32>
    %add3A_47 = vector.broadcast %get3A_46 : vector<1x128xf32> to vector<1024x128xf32>
    %add3A_48 = arith.addf %add3A_43, %add3A_47 : vector<1024x128xf32>
    %max3A_49 = arith.constant 0.000000e+00 : f32
    %max3A_50 = vector.broadcast %max3A_49 : f32 to vector<1024x128xf32>
    %max3A_51 = arith.maximumf %add3A_48, %max3A_50 : vector<1024x128xf32>
    %swap3A = arith.constant 0 : index
    %swap3A_52 = arith.constant 0 : index
    %swap3A_53 = vector.load %arg8[%swap3A, %swap3A_52] : memref<1024x128xf32, #tpu.memory_space<vmem>>, vector<1024x128xf32>
    tpu.vector_store %arg8[%swap3A, %swap3A_52], %max3A_51 {strides = array<i32>} : memref<1024x128xf32, #tpu.memory_space<vmem>>, vector<1024x128xf32>,
    return
  }
  func.func @transform_0(%arg0: i32) -> (i32, i32) {
    %c0_i32 = arith.constant 0 : i32
    %c0_i32_0 = arith.constant 0 : i32
    return %arg0, %c0_i32 : i32, i32
  }
  func.func @transform_1(%arg0: i32) -> (i32, i32) {
    %c0_i32 = arith.constant 0 : i32
    %c0_i32_0 = arith.constant 0 : i32
    return %arg0, %c0_i32 : i32, i32
  }
  func.func @transform_2(%arg0: i32) -> (i32, i32) {
    %c0_i32 = arith.constant 0 : i32
    %c0_i32_0 = arith.constant 0 : i32
    %c0_i32_1 = arith.constant 0 : i32
    return %c0_i32, %c0_i32_0 : i32, i32
  }
  func.func @transform_3(%arg0: i32) -> (i32, i32) {
    %c0_i32 = arith.constant 0 : i32
    %c0_i32_0 = arith.constant 0 : i32
    %c0_i32_1 = arith.constant 0 : i32
    return %c0_i32, %c0_i32_0 : i32, i32
  }
  func.func @transform_4(%arg0: i32) -> (i32, i32) {
    %c0_i32 = arith.constant 0 : i32
    %c0_i32_0 = arith.constant 0 : i32
    %c0_i32_1 = arith.constant 0 : i32
    return %c0_i32, %c0_i32_0 : i32, i32
  }
  func.func @transform_5(%arg0: i32) -> (i32, i32) {
    %c0_i32 = arith.constant 0 : i32
    %c0_i32_0 = arith.constant 0 : i32
    %c0_i32_1 = arith.constant 0 : i32
    return %c0_i32, %c0_i32_0 : i32, i32
  }
  func.func @transform_6(%arg0: i32) -> (i32, i32) {
    %c0_i32 = arith.constant 0 : i32
    %c0_i32_0 = arith.constant 0 : i32
    %c0_i32_1 = arith.constant 0 : i32
    return %c0_i32, %c0_i32_0 : i32, i32
  }
  func.func @transform_7(%arg0: i32) -> (i32, i32) {
    %c0_i32 = arith.constant 0 : i32
    %c0_i32_0 = arith.constant 0 : i32
    return %arg0, %c0_i32 : i32, i32
  }
}

module attributes {stable_mosaic.version = 14 : i64} {
  func.func @_head_body(%arg0: i32, %arg1: memref<4x2000x128xf32, #tpu.memory_space<vmem>>, %arg2: memref<2000x128xf32, #tpu.memory_space<vmem>>, %arg3: memref<128x128xf32, #tpu.memory_space<vmem>>, %arg4: memref<128x128xf32, #tpu.memory_space<vmem>>, %arg5: memref<1x128xf32, #tpu.memory_space<vmem>>, %arg6: memref<128x128xf32, #tpu.memory_space<vmem>>, %arg7: memref<1x128xf32, #tpu.memory_space<vmem>>, %arg8: memref<128x64xf32, #tpu.memory_space<vmem>>, %arg9: memref<1x64xf32, #tpu.memory_space<vmem>>, %arg10: memref<2000x64xf32, #tpu.memory_space<vmem>>) attributes {dimension_semantics = [#tpu.dimension_semantics<arbitrary>], iteration_bounds = array<i64: 5>, scalar_prefetch = 0 : i64, scratch_operands = 0 : i64, tpu.core_type = #tpu.core_type<tc>, window_params = [{transform_indices = @transform_0, window_bounds = array<i64: 4, 2000, 128>}, {transform_indices = @transform_1, window_bounds = array<i64: 2000, 128>}, {pipeline_mode = #tpu.pipeline_mode<synchronous>, transform_indices = @transform_2, window_bounds = array<i64: 128, 128>}, {pipeline_mode = #tpu.pipeline_mode<synchronous>, transform_indices = @transform_3, window_bounds = array<i64: 128, 128>}, {pipeline_mode = #tpu.pipeline_mode<synchronous>, transform_indices = @transform_4, window_bounds = array<i64: 1, 128>}, {pipeline_mode = #tpu.pipeline_mode<synchronous>, transform_indices = @transform_5, window_bounds = array<i64: 128, 128>}, {pipeline_mode = #tpu.pipeline_mode<synchronous>, transform_indices = @transform_6, window_bounds = array<i64: 1, 128>}, {pipeline_mode = #tpu.pipeline_mode<synchronous>, transform_indices = @transform_7, window_bounds = array<i64: 128, 64>}, {pipeline_mode = #tpu.pipeline_mode<synchronous>, transform_indices = @transform_8, window_bounds = array<i64: 1, 64>}, {transform_indices = @transform_9, window_bounds = array<i64: 2000, 64>}]} {
    %get3A = arith.constant 0 : index
    %get3A_0 = arith.constant 0 : index
    %get3A_1 = arith.constant 0 : index
    %get3A_2 = vector.load %arg1[%get3A, %get3A_0, %get3A_1] : memref<4x2000x128xf32, #tpu.memory_space<vmem>>, vector<1x2000x128xf32>
    %get3A_3 = vector.shape_cast %get3A_2 : vector<1x2000x128xf32> to vector<2000x128xf32>
    %get3A_4 = arith.constant 1 : index
    %get3A_5 = arith.constant 0 : index
    %get3A_6 = arith.constant 0 : index
    %get3A_7 = vector.load %arg1[%get3A_4, %get3A_5, %get3A_6] : memref<4x2000x128xf32, #tpu.memory_space<vmem>>, vector<1x2000x128xf32>
    %get3A_8 = vector.shape_cast %get3A_7 : vector<1x2000x128xf32> to vector<2000x128xf32>
    %add3A = arith.addf %get3A_3, %get3A_8 : vector<2000x128xf32>
    %get3A_9 = arith.constant 2 : index
    %get3A_10 = arith.constant 0 : index
    %get3A_11 = arith.constant 0 : index
    %get3A_12 = vector.load %arg1[%get3A_9, %get3A_10, %get3A_11] : memref<4x2000x128xf32, #tpu.memory_space<vmem>>, vector<1x2000x128xf32>
    %get3A_13 = vector.shape_cast %get3A_12 : vector<1x2000x128xf32> to vector<2000x128xf32>
    %get3A_14 = arith.constant 3 : index
    %get3A_15 = arith.constant 0 : index
    %get3A_16 = arith.constant 0 : index
    %get3A_17 = vector.load %arg1[%get3A_14, %get3A_15, %get3A_16] : memref<4x2000x128xf32, #tpu.memory_space<vmem>>, vector<1x2000x128xf32>
    %get3A_18 = vector.shape_cast %get3A_17 : vector<1x2000x128xf32> to vector<2000x128xf32>
    %add3A_19 = arith.addf %get3A_13, %get3A_18 : vector<2000x128xf32>
    %add3A_20 = arith.addf %add3A, %add3A_19 : vector<2000x128xf32>
    %get3A_21 = arith.constant 0 : index
    %get3A_22 = arith.constant 0 : index
    %get3A_23 = vector.load %arg3[%get3A_21, %get3A_22] : memref<128x128xf32, #tpu.memory_space<vmem>>, vector<128x128xf32>
    %dot_general3A = arith.constant dense<0.000000e+00> : vector<2000x128xf32>
    %dot_general3A_24 = tpu.matmul %add3A_20, %get3A_23, %dot_general3A {dimension_numbers = #tpu.dot_dimension_numbers<[1], [0], [0], [1], [0, 0, 1, 1], [], []>, transpose_lhs_hint = false} : vector<2000x128xf32>, vector<128x128xf32>, vector<2000x128xf32> -> vector<2000x128xf32>
    %get3A_25 = arith.constant 0 : index
    %get3A_26 = arith.constant 0 : index
    %get3A_27 = vector.load %arg2[%get3A_25, %get3A_26] : memref<2000x128xf32, #tpu.memory_space<vmem>>, vector<2000x128xf32>
    %add3A_28 = arith.addf %dot_general3A_24, %get3A_27 : vector<2000x128xf32>
    %max3A = arith.constant 0.000000e+00 : f32
    %max3A_29 = vector.broadcast %max3A : f32 to vector<2000x128xf32>
    %max3A_30 = arith.maximumf %add3A_28, %max3A_29 : vector<2000x128xf32>
    %get3A_31 = arith.constant 0 : index
    %get3A_32 = arith.constant 0 : index
    %get3A_33 = vector.load %arg4[%get3A_31, %get3A_32] : memref<128x128xf32, #tpu.memory_space<vmem>>, vector<128x128xf32>
    %dot_general3A_34 = arith.constant dense<0.000000e+00> : vector<2000x128xf32>
    %dot_general3A_35 = tpu.matmul %max3A_30, %get3A_33, %dot_general3A_34 {dimension_numbers = #tpu.dot_dimension_numbers<[1], [0], [0], [1], [0, 0, 1, 1], [], []>, transpose_lhs_hint = false} : vector<2000x128xf32>, vector<128x128xf32>, vector<2000x128xf32> -> vector<2000x128xf32>
    %get3A_36 = arith.constant 0 : index
    %get3A_37 = arith.constant 0 : index
    %get3A_38 = vector.load %arg5[%get3A_36, %get3A_37] : memref<1x128xf32, #tpu.memory_space<vmem>>, vector<1x128xf32>
    %add3A_39 = vector.broadcast %get3A_38 : vector<1x128xf32> to vector<2000x128xf32>
    %add3A_40 = arith.addf %dot_general3A_35, %add3A_39 : vector<2000x128xf32>
    %max3A_41 = arith.constant 0.000000e+00 : f32
    %max3A_42 = vector.broadcast %max3A_41 : f32 to vector<2000x128xf32>
    %max3A_43 = arith.maximumf %add3A_40, %max3A_42 : vector<2000x128xf32>
    %get3A_44 = arith.constant 0 : index
    %get3A_45 = arith.constant 0 : index
    %get3A_46 = vector.load %arg6[%get3A_44, %get3A_45] : memref<128x128xf32, #tpu.memory_space<vmem>>, vector<128x128xf32>
    %dot_general3A_47 = arith.constant dense<0.000000e+00> : vector<2000x128xf32>
    %dot_general3A_48 = tpu.matmul %max3A_43, %get3A_46, %dot_general3A_47 {dimension_numbers = #tpu.dot_dimension_numbers<[1], [0], [0], [1], [0, 0, 1, 1], [], []>, transpose_lhs_hint = false} : vector<2000x128xf32>, vector<128x128xf32>, vector<2000x128xf32> -> vector<2000x128xf32>
    %get3A_49 = arith.constant 0 : index
    %get3A_50 = arith.constant 0 : index
    %get3A_51 = vector.load %arg7[%get3A_49, %get3A_50] : memref<1x128xf32, #tpu.memory_space<vmem>>, vector<1x128xf32>
    %add3A_52 = vector.broadcast %get3A_51 : vector<1x128xf32> to vector<2000x128xf32>
    %add3A_53 = arith.addf %dot_general3A_48, %add3A_52 : vector<2000x128xf32>
    %max3A_54 = arith.constant 0.000000e+00 : f32
    %max3A_55 = vector.broadcast %max3A_54 : f32 to vector<2000x128xf32>
    %max3A_56 = arith.maximumf %add3A_53, %max3A_55 : vector<2000x128xf32>
    %get3A_57 = arith.constant 0 : index
    %get3A_58 = arith.constant 0 : index
    %get3A_59 = vector.load %arg8[%get3A_57, %get3A_58] : memref<128x64xf32, #tpu.memory_space<vmem>>, vector<128x64xf32>
    %dot_general3A_60 = arith.constant dense<0.000000e+00> : vector<2000x64xf32>
    %dot_general3A_61 = tpu.matmul %max3A_56, %get3A_59, %dot_general3A_60 {dimension_numbers = #tpu.dot_dimension_numbers<[1], [0], [0], [1], [0, 0, 1, 1], [], []>, transpose_lhs_hint = false} : vector<2000x128xf32>, vector<128x64xf32>, vector<2000x64xf32> -> vector<2000x64xf32>
    %get3A_62 = arith.constant 0 : index
    %get3A_63 = arith.constant 0 : index
    %get3A_64 = vector.load %arg9[%get3A_62, %get3A_63] : memref<1x64xf32, #tpu.memory_space<vmem>>, vector<1x64xf32>
    %add3A_65 = vector.broadcast %get3A_64 : vector<1x64xf32> to vector<2000x64xf32>
    %add3A_66 = arith.addf %dot_general3A_61, %add3A_65 : vector<2000x64xf32>
    %swap3A = arith.constant 0 : index
    %swap3A_67 = arith.constant 0 : index
    %swap3A_68 = vector.load %arg10[%swap3A, %swap3A_67] : memref<2000x64xf32, #tpu.memory_space<vmem>>, vector<2000x64xf32>
    tpu.vector_store %arg10[%swap3A, %swap3A_67], %add3A_66 {strides = array<i32>} : memref<2000x64xf32, #tpu.memory_space<vmem>>, vector<2000x64xf32>,
    return
  }
  func.func @transform_0(%arg0: i32) -> (i32, i32, i32) {
    %c0_i32 = arith.constant 0 : i32
    %c0_i32_0 = arith.constant 0 : i32
    %c0_i32_1 = arith.constant 0 : i32
    return %c0_i32, %arg0, %c0_i32_0 : i32, i32, i32
  }
  func.func @transform_1(%arg0: i32) -> (i32, i32) {
    %c0_i32 = arith.constant 0 : i32
    %c0_i32_0 = arith.constant 0 : i32
    return %arg0, %c0_i32 : i32, i32
  }
  func.func @transform_2(%arg0: i32) -> (i32, i32) {
    %c0_i32 = arith.constant 0 : i32
    %c0_i32_0 = arith.constant 0 : i32
    %c0_i32_1 = arith.constant 0 : i32
    return %c0_i32, %c0_i32_0 : i32, i32
  }
  func.func @transform_3(%arg0: i32) -> (i32, i32) {
    %c0_i32 = arith.constant 0 : i32
    %c0_i32_0 = arith.constant 0 : i32
    %c0_i32_1 = arith.constant 0 : i32
    return %c0_i32, %c0_i32_0 : i32, i32
  }
  func.func @transform_4(%arg0: i32) -> (i32, i32) {
    %c0_i32 = arith.constant 0 : i32
    %c0_i32_0 = arith.constant 0 : i32
    %c0_i32_1 = arith.constant 0 : i32
    return %c0_i32, %c0_i32_0 : i32, i32
  }
  func.func @transform_5(%arg0: i32) -> (i32, i32) {
    %c0_i32 = arith.constant 0 : i32
    %c0_i32_0 = arith.constant 0 : i32
    %c0_i32_1 = arith.constant 0 : i32
    return %c0_i32, %c0_i32_0 : i32, i32
  }
  func.func @transform_6(%arg0: i32) -> (i32, i32) {
    %c0_i32 = arith.constant 0 : i32
    %c0_i32_0 = arith.constant 0 : i32
    %c0_i32_1 = arith.constant 0 : i32
    return %c0_i32, %c0_i32_0 : i32, i32
  }
  func.func @transform_7(%arg0: i32) -> (i32, i32) {
    %c0_i32 = arith.constant 0 : i32
    %c0_i32_0 = arith.constant 0 : i32
    %c0_i32_1 = arith.constant 0 : i32
    return %c0_i32, %c0_i32_0 : i32, i32
  }
  func.func @transform_8(%arg0: i32) -> (i32, i32) {
    %c0_i32 = arith.constant 0 : i32
    %c0_i32_0 = arith.constant 0 : i32
    %c0_i32_1 = arith.constant 0 : i32
    return %c0_i32, %c0_i32_0 : i32, i32
  }
  func.func @transform_9(%arg0: i32) -> (i32, i32) {
    %c0_i32 = arith.constant 0 : i32
    %c0_i32_0 = arith.constant 0 : i32
    return %arg0, %c0_i32 : i32, i32
  }
}

</mosaic_0001>

<sc_bundles>
// kernel: kernel.10.cloned.1.call-start
scs
__scs_entry_jumppad:
0x0: {  	(pc) =	sbr.rel $0x88, $3  }
0x1: {  	(tag) =	ssettag $0x0;
	lr =	simm.s32 $0x1  }
0x2: {  	[smem:$0x3F89] =	sst lr;
	_ =	strace $0xD0000000  }
0x3: {  	_ = 	snop  }
0x4: {  	_ = 	snop  }
0x5: {  	_ = 	snop  }
0x6: {  	_ = 	snop  }
0x7: {  	_ = 	snop  }
__scs_overlays_trampoline_lowered:
0x8: {  	[smem:$0x3F98] =	sst s0  }
0x9: {  	[smem:$0x3F99] =	sst s1  }
0xa: {  	[smem:$0x3F9A] =	sst s2  }
0xb: {  	[smem:$0x3F9B] =	sst s3  }
0xc: {  	[smem:$0x3F9C] =	sst s4  }
0xd: {  	[smem:$0x3F9D] =	sst s5  }
0xe: {  	[smem:$0x3F9E] =	sst s6  }
0xf: {  	[smem:$0x3F9F] =	sst s7  }
0x10: {  	[smem:$0x3FA0] =	sst s8  }
0x11: {  	[smem:$0x3FA1] =	sst s9;
	s0 =	simm.s32 @!p0 $0x0  }
0x12: {  	s1 =	sld [smem:$0x3F87];
	s0 =	simm.s32 @p0 $0x1  }
0x13: {  	[smem:$0x3FA2] =	sst s0;
	s0 =	simm.s32 @!p1 $0x0  }
0x14: {  	s2 =	sld [smem:$0x3F86];
	s0 =	simm.s32 @p1 $0x1  }
0x15: {  	[smem:$0x3FA3] =	sst s0;
	s0 =	simm.s32 @!p2 $0x0  }
0x16: {  	s3 =	sld [smem:$0x3FDB];
	s0 =	simm.s32 @p2 $0x1  }
0x17: {  	s4 =	simm.s32 $0x1BF5;
	[smem:$0x3FA5] =	sst s0  }
0x18: {  	s0 =	sld [smem:$0x3F88];
	_ =	swait.ge [sflag:s4], $0x0  }
0x19: {  	s7 =	sld [smem:$0x3F89]  }
0x1a: {  	s8 =	sadd.s32 $0xFFFFE003, lr  }
0x1b: {  	s9 =	sadd.s32 $0xFFFFFEF7, lr;
	s5 =	simm.s32 $0xFFFFFFFF;
	p2 =	slt.u32 s8, $0xFFFFF086  }
0x1c: {  	p1 =	slt.u32 s9, $0xF7A;
	s5 =	simm.s32 @!p2 $0x0  }
0x1d: {  	s5 =	simm.s32 @p1 $0x1;
	p0 =	seq.s32 s7, s2  }
0x1e: {  	s7 =	smul.u32 @!p0 $0xF7A, s2;
	p2 =	seq.s32 @!p0 s5, $0x0  }
0x1f: {  	s9 =	smul.u32 $0xF7A, s1;
	s8 =	simm.s32 @!p0 $0x1BF5;
	p2 =	por !p2, p0  }
0x20: {  	[sflag:s8] =	ssyncset.s32 @!p0 $0xFFFFF086;
	s6 =	sadd.s32 @!p0 s3, s7;
	s7 =	simm.s32 @!p0 $0x108  }
0x21: {  	s3 =	sadd.s32 s3, s9;
	s6 =	sadd.s32 @!p0 $0x88, s6;
	s7 =	simm.s32 @p2 $0x1082  }
0x22: {  	[simem:s7], [sflag:s8] =	dma.local @!p0 [hbm:s6], $0xF7A  }
0x23: {  	s9 =	sor.u32 $0xD0000000, s2;
	s6 =	simm.s32 $0x108;
	_ =	swait.ge @!p0 [sflag:s8], $0x0  }
0x24: {  	s3 =	sadd.s32 $0x88, s3;
	s6 =	simm.s32 @!p1 $0x1082;
	[sflag:s4] =	ssyncset.s32 $0xFFFFF086  }
0x25: {  	[simem:s6], [sflag:s4] =	dma.local [hbm:s3], $0xF7A  }
0x26: {  	[smem:$0x3F89] =	sst s1;
	(tag) =	ssettag s2;
	_ =	strace s9  }
0x27: {  	s1 =	sld [smem:$0x3F99]  }
0x28: {  	s2 =	sld [smem:$0x3F9A]  }
0x29: {  	s4 =	sld [smem:$0x3F9C]  }
0x2a: {  	p0 =	seq.s32 s5, $0x0;
	s5 =	sld [smem:$0x3F9D]  }
0x2b: {  	s6 =	sld [smem:$0x3F9E]  }
0x2c: {  	s7 =	sld [smem:$0x3F9F]  }
0x2d: {  	s3 =	simm.s32 $0x108;
	s8 =	sld [smem:$0x3FA0]  }
0x2e: {  	s3 =	simm.s32 @!p0 $0x1082;
	s9 =	sld [smem:$0x3FA1]  }
0x2f: {  	lr =	sadd.s32 s0, s3;
	s0 =	sld [smem:$0x3F98]  }
0x30: {  	s3 =	sld [smem:$0x3F9B]  }
0x31: {  	[smem:$0x3FA4] =	sst s10  }
0x32: {  	s10 =	sld [smem:$0x3FA2];
	_ =	sdelay $0x3  }
0x33: {  	p0 =	seq.s32 s10, $0x1;
	s10 =	sld [smem:$0x3FA4];
	_ =	sdelay $0x3  }
0x34: {  	[smem:$0x3FA4] =	sst s10  }
0x35: {  	s10 =	sld [smem:$0x3FA3];
	_ =	sdelay $0x3  }
0x36: {  	p1 =	seq.s32 s10, $0x1;
	s10 =	sld [smem:$0x3FA4];
	_ =	sdelay $0x3  }
0x37: {  	[smem:$0x3FA4] =	sst s10  }
0x38: {  	s10 =	sld [smem:$0x3FA5]  }
0x39: {  	_ = 	snop;
	(pc) =	sbr.ind lr, $3  }
0x3a: {  	_ = 	snop  }
0x3b: {  	_ = 	snop  }
0x3c: {  	p2 =	seq.s32 s10, $0x1;
	s10 =	sld [smem:$0x3FA4]  }
0x3d: {  	_ =	shalt  }
0x3e: {  	_ =	shalt  }
0x3f: {  	_ =	shalt  }
0x40: {  	_ =	shalt  }
0x41: {  	_ =	shalt  }
0x42: {  	_ =	shalt  }
0x43: {  	_ =	shalt  }
0x44: {  	_ =	shalt  }
0x45: {  	_ =	shalt  }
0x46: {  	_ =	shalt  }
0x47: {  	_ =	shalt  }
0x48: {  	_ =	shalt  }
0x49: {  	_ =	shalt  }
0x4a: {  	_ =	shalt  }
0x4b: {  	_ =	shalt  }
0x4c: {  	_ =	shalt  }
0x4d: {  	_ =	shalt  }
0x4e: {  	_ =	shalt  }
0x4f: {  	_ =	shalt  }
0x50: {  	_ =	shalt  }
0x51: {  	_ =	shalt  }
0x52: {  	_ =	shalt  }
0x53: {  	_ =	shalt  }
0x54: {  	_ =	shalt  }
0x55: {  	_ =	shalt  }
0x56: {  	_ =	shalt  }
0x57: {  	_ =	shalt  }
0x58: {  	_ =	shalt  }
0x59: {  	_ =	shalt  }
0x5a: {  	_ =	shalt  }
0x5b: {  	_ =	shalt  }
0x5c: {  	_ =	shalt  }
0x5d: {  	_ =	shalt  }
0x5e: {  	_ =	shalt  }
0x5f: {  	_ =	shalt  }
0x60: {  	_ =	shalt  }
0x61: {  	_ =	shalt  }
0x62: {  	_ =	shalt  }
0x63: {  	_ =	shalt  }
0x64: {  	_ =	shalt  }
0x65: {  	_ =	shalt  }
0x66: {  	_ =	shalt  }
0x67: {  	_ =	shalt  }
0x68: {  	_ =	shalt  }
0x69: {  	_ =	shalt  }
0x6a: {  	_ =	shalt  }
0x6b: {  	_ =	shalt  }
0x6c: {  	_ =	shalt  }
0x6d: {  	_ =	shalt  }
0x6e: {  	_ =	shalt  }
0x6f: {  	_ =	shalt  }
0x70: {  	_ =	shalt  }
0x71: {  	_ =	shalt  }
0x72: {  	_ =	shalt  }
0x73: {  	_ =	shalt  }
0x74: {  	_ =	shalt  }
0x75: {  	_ =	shalt  }
0x76: {  	_ =	shalt  }
0x77: {  	_ =	shalt  }
0x78: {  	_ =	shalt  }
0x79: {  	_ =	shalt  }
0x7a: {  	_ =	shalt  }
0x7b: {  	_ =	shalt  }
0x7c: {  	_ =	shalt  }
0x7d: {  	_ =	shalt  }
0x7e: {  	_ =	shalt  }
0x7f: {  	_ =	shalt  }
0x80: {  	_ =	shalt  }
0x81: {  	_ =	shalt  }
0x82: {  	_ =	shalt  }
0x83: {  	_ =	shalt  }
0x84: {  	_ =	shalt  }
0x85: {  	_ =	shalt  }
0x86: {  	_ =	shalt  }
0x87: {  	_ =	shalt  }
.Lfunc_end0:
.L_simem_size_0:
called_computation_lowered:
.L_overlay_start_0:
0x88: {  	s2 =	sld [smem:$0x3FD9]  }
0x89: {  	s3 =	sld [smem:$0x3FFE];
	_ =	sdelay $0x1  }
0x8a: {  	s1 =	srdreg.scid  }
0x8b: {  	s0 =	sand.u32 $0x1, s1  }
0x8c: {  	s16 =	sshll.u32 s0, $0xA;
	s2 =	sadd.s32 s3, s2  }
0x8d: {  	s2 =	sadd.s32 s2, s16  }
0x8e: {  	[smem:$0x3FB0] =	sst s2  }
0x8f: {  	_ = 	snop  }
0x90: {  	(tm) =	ssettm $0x1  }
0x91: {  	s17 =	sld [smem:$0x3FFB];
	_ =	sdelay $0x3  }
0x92: {  	_ =	strace s17  }
0x93: {  	s2 =	sld [smem:$0x3FFC];
	_ =	sdelay $0x3  }
0x94: {  	_ =	strace s2  }
0x95: {  	s2 =	sld [smem:$0x3FFD];
	_ =	sdelay $0x3  }
0x96: {  	_ =	strace s2  }
0x97: {  	_ =	strace $0x8FFFFFFF  }
0x98: {  	s18 =	sld [smem:$0x3FDB];
	_ =	sdelay $0x1  }
0x99: {  	s19 =	simm.s32 $_scs_section_size  }
0x9a: {  	s4 =	simm.s32 $_size__tile_overlayer_lowered;
	s5 =	simm.s32 $_tile_overlayer_lowered  }
0x9b: {  	s22 =	simm.s32 $0x1BFF;
	s21 =	sshll.u32 s5, $0x1;
	s2 =	sadd.s32 s19, s18  }
0x9c: {  	s6 =	simm.s32 $0x0;
	s20 =	sshll.u32 s4, $0x1;
	s4 =	sadd.s32 s21, s2  }
0x9d: {  	[timem:s6], [sflag:s22] =	dma.local [hbm:s4], s20  }
0x9e: {  	_ =	swait.ge [sflag:s22], s20  }
0x9f: {  	s3 =	ssub.s32 $0x0, s20;
	[sflag:s22] =	ssyncset.done $0x0  }
0xa0: {  	[sflag:s22] =	ssyncadd.s32 s3;
	_ =	sdelay $0x1  }
0xa1: {  	s23 =	simm.s32 $0x1B8B  }
0xa2: {  	_ =	swait.ge [sflag:s23], $0x1  }
0xa3: {  	[sflag:s23] =	ssyncset.done $0x0  }
0xa4: {  	s25 =	simm.s32 $0x1B8E;
	s24 =	sld [smem:$0x3FFE];
	[sflag:s23] =	ssyncadd.s32 $0xFFFFFFFF  }
0xa5: {  	s26 =	simm.s32 $execute0_lowered;
	[smem:$0x3FD2] =	sst s25  }
0xa6: {  	s4 =	sshll.u32 s26, $0x1;
	_ =	strace $0x80000046;
	[dreg:$0x1] =	wrdreg $0xFFFFFFFF  }
0xa7: {  	s28 =	simm.s32 $_size_execute0_lowered;
	s2 =	sadd.s32 s2, s4;
	[dreg:$0x0] =	wrdreg $0x0  }
0xa8: {  	s4 =	sshll.u32 s28, $0x1;
	[dreg:$0x2] =	wrdreg s2  }
0xa9: {  	[dreg:$0x3] =	wrdreg s4  }
0xaa: {  	[dreg:$0x4] =	wrdreg $0xC0  }
0xab: {  	_ =	task [dreg:s6], $0x5FFFF  }
0xac: {  	[dreg:$0x1] =	wrdreg $0xFFFFFFFF  }
0xad: {  	[dreg:$0x0] =	wrdreg $0x60  }
0xae: {  	[dreg:$0x2] =	wrdreg s24  }
0xaf: {  	[dreg:$0x3] =	wrdreg $0x9  }
0xb0: {  	_ =	task.clear_ibuf [dreg:s6], $0x4FFFF;
	_ =	strace $0x90000046  }
0xb1: {  	s29 =	simm.s32 $0x9;
	_ =	strace $0x80000048  }
0xb2: {  	_ =	swait.ge [sflag:s29], $0x1  }
0xb3: {  	[sflag:s29] =	ssyncadd.s32 $0xFFFFFFFF  }
0xb4: {  	_ =	strace $0x90000048  }
0xb5: {  	_ =	sfence  }
0xb6: {  	s30 =	sld [smem:$0x0];
	_ =	sdelay $0x2  }
0xb7: {  	s31 =	sshll.u32 s1, $0xD;
	s1 =	sshrl.u32 s1, $0x2  }
0xb8: {  	s3 =	sand.u32 $0x4000, s31;
	s1 =	sadd.s32 s1, s30  }
0xb9: {  	s0 =	sor.u32 s3, s0;
	s1 =	sshll.u32 s1, $0x11  }
0xba: {  	s0 =	sor.u32 s1, s0  }
0xbb: {  	s0 =	sadd.s32 $0x8F2B, s0  }
0xbc: {  	[sflag:s0] =	ssyncadd.remote.s32 $0x1  }
0xbd: {  	_ =	sfence.sel $0xFFFF  }
0xbe: {  	[dreg:$0x0] =	wrdreg $0xFFFFFFFF;
	(pc) =	sbr.abs _section_cstart, $3  }
0xbf: {  	[dreg:$0x1] =	wrdreg $0xFFFFFFFF  }
0xc0: {  	_ =	task.clear_ibuf [dreg:s6], $0x2FFFF;
	_ =	strace $0x9FFFFFFF  }
0xc1: {  	(tm) =	ssettm $0x7FFFFFFF  }
tec
execute0_lowered:
.L_overlay_start_1:
0x0: {  	(tag) =	ssettag $0x1  }
0x1: {  	s1 =	srdreg.scid  }
0x2: {  	s0 =	stileid.u32;
	s7 =	rddreg [dreg:$0x0];
	s2 =	simm.s32 $0x0  }
0x3: {  	s13 =	simm.s32 $0x1800;
	s14 =	simm.s32 $0x80;
	s15 =	simm.s32 $0x3000  }
0x4: {  	s16 =	simm.s32 $0xB000;
	s17 =	simm.s32 $0x7000;
	s18 =	simm.s32 $0xF000  }
0x5: {  	s19 =	simm.s32 $0x1;
	s20 =	simm.s32 $0x3;
	s21 =	simm.s32 $0x2  }
0x6: {  	s22 =	simm.s32 $0x4;
	s6 =	sand.u32 $0x1, s1;
	s1 =	rddreg [dreg:$0x1]  }
0x7: {  	s23 =	simm.s32 $0x0;
	s30 =	sshll.u32 s0, $0x1;
	[smem:$0x7FF] =	sst s2  }
0x8: {  	s4 =	sadd.s32 $0x53E00, s7;
	s5 =	sadd.s32 $0x9B600, s7;
	s9 =	sor.u32 s6, s30  }
0x9: {  	_ =	strace $0x80000047;
	s10 =	ssub.s32 $0x2, s6;
	s3 =	smul.u32 $0x300, s9  }
0xa: {  	s6 =	sadd.s32 $0x31B600, s7;
	s31 =	sshrl.u32 s10, $0x1;
	s11 =	smul.u32 $0x1400, s9  }
0xb: {  	s9 =	smul.u32 $0xA0000, s9;
	s12 =	ssub.s32 s10, s31;
	s8 =	sadd.s32 s3, s7  }
0xc: {  	s3 =	sadd.s32 $0x2C600, s7;
	s10 =	sor.u32 $0x80, s11;
	s11 =	smax.u32 s12, $0x1  }
0xd: {  	s12 =	simm.s32 $0x5;
	s7 =	sadd.s32 $0x8F600, s8;
	s8 =	sadd.s32 $0x95600, s8  }
.LBB2_1:
0xe: {  	[tilespmem:s2], [sflag:$0x5] =	stream.linear.gather [hbm4b:s7+s2], $0x1800, $0x38;
	[tilespmem:$0x13000] =	vst v63  }
0xf: {  	_ =	swait.ge [sflag:s12], $0x1800  }
0x10: {  	[sflag:s12] =	ssyncset.done $0x0  }
0x11: {  	[sflag:s12] =	ssyncadd.s32 $0xFFFFE800  }
0x12: {  	[tilespmem:s13], [sflag:$0x5] =	stream.linear.gather [hbm4b:s8+s2], $0x1800, $0x38;
	[tilespmem:$0x13000] =	vst v63  }
0x13: {  	_ =	swait.ge [sflag:s12], $0x1800  }
0x14: {  	[sflag:s12] =	ssyncset.done $0x0  }
0x15: {  	[sflag:s12] =	ssyncadd.s32 $0xFFFFE800  }
0x16: {  	[tilespmem:s15], [sflag:$0x1] =	stream.indirect.gather [hbm4b:s3+s14], $0x80, s2, s14, $0xb8;
	[tilespmem:$0x13000] =	vst v63  }
0x17: {  	s24 =	simm.s32 $0x0  }
0x18: {  	[tilespmem:s16], [sflag:$0x1] =	stream.indirect.gather [hbm4b:s4+s14], $0x80, s13, s14, $0xb8;
	[tilespmem:$0x13000] =	vst v63  }
.LBB2_2:
0x19: {  	p0 =	seq.s32 s24, $0x0  }
0x1a: {  	s25 =	simm.s32 @!p0 $0x4  }
0x1b: {  	_ =	swait.ge @!p0 [sflag:s25], $0x4000  }
0x1c: {  	[sflag:s25] =	ssyncset.done @!p0 $0x0  }
0x1d: {  	s26 =	sshll.u32 s24, $0x8;
	s28 =	sshll.u32 s24, $0x7;
	[sflag:s25] =	ssyncadd.s32 @!p0 $0xFFFFC000  }
0x1e: {  	s29 =	sand.u32 $0x1800, s26;
	s28 =	sand.u32 $0x380, s28;
	_ =	swait.ge @!p0 [sflag:s25], $0x4000  }
0x1f: {  	s28 =	sor.u32 s29, s28;
	[sflag:s25] =	ssyncset.done @!p0 $0x0  }
0x20: {  	s30 =	sor.u32 $0x400, s28;
	[sflag:s25] =	ssyncadd.s32 @!p0 $0xFFFFC000  }
0x21: {  	[tilespmem:s17], [sflag:$0x2] =	stream.indirect.gather [hbm4b:s3+s14], $0x80, s30, s14, $0xb8;
	[tilespmem:$0x13000] =	vst v63  }
0x22: {  	s31 =	sadd.s32 $0x1C00, s28  }
0x23: {  	[tilespmem:s18], [sflag:$0x2] =	stream.indirect.gather [hbm4b:s4+s14], $0x80, s31, s14, $0xb8;
	[tilespmem:$0x13000] =	vst v63  }
0x24: {  	_ =	swait.ge [sflag:s19], $0x4000  }
0x25: {  	[sflag:s19] =	ssyncset.done $0x0  }
0x26: {  	s28 =	sshll.u32 s24, $0xF;
	[sflag:s19] =	ssyncadd.s32 $0xFFFFC000  }
0x27: {  	s25 =	sadd.s32 s9, s28;
	_ =	swait.ge [sflag:s19], $0x4000  }
0x28: {  	s25 =	sshrl.u32 s25, $0x3;
	[sflag:s19] =	ssyncset.done $0x0  }
0x29: {  	s29 =	sadd.s32 s5, s25;
	[sflag:s19] =	ssyncadd.s32 $0xFFFFC000  }
0x2a: {  	[hbm4b:s29+s2] =	stream.linear.scatter [tilespmem:s15], [sflag:$0x3], $0x4000, $0x38;
	[tilespmem:$0x13000] =	vst v63  }
0x2b: {  	s25 =	sadd.s32 s6, s25  }
0x2c: {  	[hbm4b:s25+s2] =	stream.linear.scatter [tilespmem:s16], [sflag:$0x3], $0x4000, $0x38;
	[tilespmem:$0x13000] =	vst v63  }
0x2d: {  	p0 =	seq.s32 s24, $0x13;
	_ =	swait.ge [sflag:s20], $0x4000  }
0x2e: {  	s24 =	sadd.s32 @!p0 $0x1, s24;
	[sflag:s20] =	ssyncset.done $0x0  }
0x2f: {  	s28 =	sshll.u32 @!p0 s24, $0x7;
	[sflag:s20] =	ssyncadd.s32 $0xFFFFC000  }
0x30: {  	s28 =	sand.u32 @!p0 $0x380, s28;
	s25 =	sshll.u32 @!p0 s24, $0x8;
	_ =	swait.ge [sflag:s20], $0x4000  }
0x31: {  	s29 =	simm.s32 @!p0 $0x3000;
	s25 =	sand.u32 @!p0 $0x3800, s25;
	[sflag:s20] =	ssyncset.done $0x0  }
0x32: {  	s25 =	sor.u32 @!p0 s28, s25;
	s28 =	simm.s32 @!p0 $0x80;
	[sflag:s20] =	ssyncadd.s32 $0xFFFFC000  }
0x33: {  	[tilespmem:s29], [sflag:$0x1] =	stream.indirect.gather @!p0 [hbm4b:s3+s28], $0x80, s25, s28, $0xb8;
	[tilespmem:$0x13000] =	vst v63  }
0x34: {  	s25 =	sadd.s32 @!p0 $0x1800, s25;
	s29 =	simm.s32 @!p0 $0xB000  }
0x35: {  	[tilespmem:s29], [sflag:$0x1] =	stream.indirect.gather @!p0 [hbm4b:s4+s28], $0x80, s25, s28, $0xb8;
	[tilespmem:$0x13000] =	vst v63  }
0x36: {  	_ =	swait.ge [sflag:s21], $0x4000  }
0x37: {  	[sflag:s21] =	ssyncset.done $0x0  }
0x38: {  	s24 =	simm.s32 @p0 $0x14;
	[sflag:s21] =	ssyncadd.s32 $0xFFFFC000  }
0x39: {  	s30 =	sadd.s32 s26, s10;
	p0 =	sne.s32 s24, $0x14;
	_ =	swait.ge [sflag:s21], $0x4000  }
.Ltmp0:
0x3a: {  	s25 =	sshll.u32 s30, $0x4;
	[sflag:s21] =	ssyncset.done $0x0;
	(pc) =	sbr.rel @p0 .LBB2_2-.Ltmp0, $4  }
0x3b: {  	s31 =	sadd.s32 s5, s25;
	[sflag:s21] =	ssyncadd.s32 $0xFFFFC000  }
0x3c: {  	[hbm4b:s31+s2] =	stream.linear.scatter [tilespmem:s17], [sflag:$0x4], $0x4000, $0x38;
	[tilespmem:$0x13000] =	vst v63  }
0x3d: {  	s25 =	sadd.s32 s6, s25  }
0x3e: {  	[hbm4b:s25+s2] =	stream.linear.scatter [tilespmem:s18], [sflag:$0x4], $0x4000, $0x38;
	[tilespmem:$0x13000] =	vst v63  }
0x3f: {  	s23 =	sadd.s32 $0x1, s23  }
0x40: {  	_ =	swait.ge [sflag:s22], $0x4000;
	p0 =	sne.s32 s23, s11  }
.Ltmp1:
0x41: {  	[sflag:s22] =	ssyncset.done $0x0;
	(pc) =	sbr.rel @p0 .LBB2_1-.Ltmp1, $4  }
0x42: {  	[sflag:s22] =	ssyncadd.s32 $0xFFFFC000  }
0x43: {  	_ =	swait.ge [sflag:s22], $0x4000  }
0x44: {  	[sflag:s22] =	ssyncset.done $0x0  }
0x45: {  	[sflag:s22] =	ssyncadd.s32 $0xFFFFC000  }
0x46: {  	_ =	sfence.sel $0x180000  }
0x47: {  	[bflag:$0x0] =	sbarrier.arrive $0xFFFF  }
0x48: {  	p0 =	sne.s32 s0, $0x0;
	_ =	strace $0x90000047  }
0x49: {  	s0 =	sadd.s32 @!p0 $0x100000, s1;
	[bflag:$0x2] =	sbarrier.arrive $0xFFFF  }
0x4a: {  	[sflag:s0] =	ssyncadd.tile.s32 @!p0 $0x1;
	_ =	shalt  }
.Lfunc_end2:
_tile_overlayer_lowered:
.L_overlay_start_2:
0x4b: {  	(tag) =	ssettag $0x2  }
0x4c: {  	s0 =	rddreg [dreg:$0x0];
	s2 =	stileid.u32  }
0x4d: {  	s1 =	rddreg [dreg:$0x1];
	p0 =	sne.s32 s2, $0x0  }
0x4e: {  	s3 =	rddreg [dreg:$0x2];
	[bflag:$0x3] =	sbarrier.arrive $0xFFFF;
	s2 =	simm.s32 @!p0 $0x1C05  }
0x4f: {  	[timem:s3], [sflag:s2] =	dma.local @!p0 [hbm:s0], s1  }
0x50: {  	s0 =	simm.s32 @!p0 $0x5  }
0x51: {  	_ =	swait.ge @!p0 [sflag:s0], s1  }
0x52: {  	s1 =	ssub.s32 @!p0 $0x0, s1;
	[sflag:s0] =	ssyncset.done @!p0 $0x0  }
0x53: {  	[sflag:s0] =	ssyncadd.s32 @!p0 s1  }
0x54: {  	[bflag:$0x3] =	sbarrier.arrive $0xFFFF  }
0x55: {  	_ =	shalt  }

// kernel: kernel.13.cloned.1.call-start
scs
__scs_entry_jumppad:
0x0: {  	(pc) =	sbr.rel $0x88, $3  }
0x1: {  	(tag) =	ssettag $0x0;
	lr =	simm.s32 $0x1  }
0x2: {  	[smem:$0x3F89] =	sst lr;
	_ =	strace $0xD0000000  }
0x3: {  	_ = 	snop  }
0x4: {  	_ = 	snop  }
0x5: {  	_ = 	snop  }
0x6: {  	_ = 	snop  }
0x7: {  	_ = 	snop  }
__scs_overlays_trampoline_lowered:
0x8: {  	[smem:$0x3F98] =	sst s0  }
0x9: {  	[smem:$0x3F99] =	sst s1  }
0xa: {  	[smem:$0x3F9A] =	sst s2  }
0xb: {  	[smem:$0x3F9B] =	sst s3  }
0xc: {  	[smem:$0x3F9C] =	sst s4  }
0xd: {  	[smem:$0x3F9D] =	sst s5  }
0xe: {  	[smem:$0x3F9E] =	sst s6  }
0xf: {  	[smem:$0x3F9F] =	sst s7  }
0x10: {  	[smem:$0x3FA0] =	sst s8  }
0x11: {  	[smem:$0x3FA1] =	sst s9;
	s0 =	simm.s32 @!p0 $0x0  }
0x12: {  	s1 =	sld [smem:$0x3F87];
	s0 =	simm.s32 @p0 $0x1  }
0x13: {  	[smem:$0x3FA2] =	sst s0;
	s0 =	simm.s32 @!p1 $0x0  }
0x14: {  	s2 =	sld [smem:$0x3F86];
	s0 =	simm.s32 @p1 $0x1  }
0x15: {  	[smem:$0x3FA3] =	sst s0;
	s0 =	simm.s32 @!p2 $0x0  }
0x16: {  	s3 =	sld [smem:$0x3FDB];
	s0 =	simm.s32 @p2 $0x1  }
0x17: {  	s4 =	simm.s32 $0x1BF5;
	[smem:$0x3FA5] =	sst s0  }
0x18: {  	s0 =	sld [smem:$0x3F88];
	_ =	swait.ge [sflag:s4], $0x0  }
0x19: {  	s7 =	sld [smem:$0x3F89]  }
0x1a: {  	s8 =	sadd.s32 $0xFFFFE003, lr  }
0x1b: {  	s9 =	sadd.s32 $0xFFFFFEF7, lr;
	s5 =	simm.s32 $0xFFFFFFFF;
	p2 =	slt.u32 s8, $0xFFFFF086  }
0x1c: {  	p1 =	slt.u32 s9, $0xF7A;
	s5 =	simm.s32 @!p2 $0x0  }
0x1d: {  	s5 =	simm.s32 @p1 $0x1;
	p0 =	seq.s32 s7, s2  }
0x1e: {  	s7 =	smul.u32 @!p0 $0xF7A, s2;
	p2 =	seq.s32 @!p0 s5, $0x0  }
0x1f: {  	s9 =	smul.u32 $0xF7A, s1;
	s8 =	simm.s32 @!p0 $0x1BF5;
	p2 =	por !p2, p0  }
0x20: {  	[sflag:s8] =	ssyncset.s32 @!p0 $0xFFFFF086;
	s6 =	sadd.s32 @!p0 s3, s7;
	s7 =	simm.s32 @!p0 $0x108  }
0x21: {  	s3 =	sadd.s32 s3, s9;
	s6 =	sadd.s32 @!p0 $0x88, s6;
	s7 =	simm.s32 @p2 $0x1082  }
0x22: {  	[simem:s7], [sflag:s8] =	dma.local @!p0 [hbm:s6], $0xF7A  }
0x23: {  	s9 =	sor.u32 $0xD0000000, s2;
	s6 =	simm.s32 $0x108;
	_ =	swait.ge @!p0 [sflag:s8], $0x0  }
0x24: {  	s3 =	sadd.s32 $0x88, s3;
	s6 =	simm.s32 @!p1 $0x1082;
	[sflag:s4] =	ssyncset.s32 $0xFFFFF086  }
0x25: {  	[simem:s6], [sflag:s4] =	dma.local [hbm:s3], $0xF7A  }
0x26: {  	[smem:$0x3F89] =	sst s1;
	(tag) =	ssettag s2;
	_ =	strace s9  }
0x27: {  	s1 =	sld [smem:$0x3F99]  }
0x28: {  	s2 =	sld [smem:$0x3F9A]  }
0x29: {  	s4 =	sld [smem:$0x3F9C]  }
0x2a: {  	p0 =	seq.s32 s5, $0x0;
	s5 =	sld [smem:$0x3F9D]  }
0x2b: {  	s6 =	sld [smem:$0x3F9E]  }
0x2c: {  	s7 =	sld [smem:$0x3F9F]  }
0x2d: {  	s3 =	simm.s32 $0x108;
	s8 =	sld [smem:$0x3FA0]  }
0x2e: {  	s3 =	simm.s32 @!p0 $0x1082;
	s9 =	sld [smem:$0x3FA1]  }
0x2f: {  	lr =	sadd.s32 s0, s3;
	s0 =	sld [smem:$0x3F98]  }
0x30: {  	s3 =	sld [smem:$0x3F9B]  }
0x31: {  	[smem:$0x3FA4] =	sst s10  }
0x32: {  	s10 =	sld [smem:$0x3FA2];
	_ =	sdelay $0x3  }
0x33: {  	p0 =	seq.s32 s10, $0x1;
	s10 =	sld [smem:$0x3FA4];
	_ =	sdelay $0x3  }
0x34: {  	[smem:$0x3FA4] =	sst s10  }
0x35: {  	s10 =	sld [smem:$0x3FA3];
	_ =	sdelay $0x3  }
0x36: {  	p1 =	seq.s32 s10, $0x1;
	s10 =	sld [smem:$0x3FA4];
	_ =	sdelay $0x3  }
0x37: {  	[smem:$0x3FA4] =	sst s10  }
0x38: {  	s10 =	sld [smem:$0x3FA5]  }
0x39: {  	_ = 	snop;
	(pc) =	sbr.ind lr, $3  }
0x3a: {  	_ = 	snop  }
0x3b: {  	_ = 	snop  }
0x3c: {  	p2 =	seq.s32 s10, $0x1;
	s10 =	sld [smem:$0x3FA4]  }
0x3d: {  	_ =	shalt  }
0x3e: {  	_ =	shalt  }
0x3f: {  	_ =	shalt  }
0x40: {  	_ =	shalt  }
0x41: {  	_ =	shalt  }
0x42: {  	_ =	shalt  }
0x43: {  	_ =	shalt  }
0x44: {  	_ =	shalt  }
0x45: {  	_ =	shalt  }
0x46: {  	_ =	shalt  }
0x47: {  	_ =	shalt  }
0x48: {  	_ =	shalt  }
0x49: {  	_ =	shalt  }
0x4a: {  	_ =	shalt  }
0x4b: {  	_ =	shalt  }
0x4c: {  	_ =	shalt  }
0x4d: {  	_ =	shalt  }
0x4e: {  	_ =	shalt  }
0x4f: {  	_ =	shalt  }
0x50: {  	_ =	shalt  }
0x51: {  	_ =	shalt  }
0x52: {  	_ =	shalt  }
0x53: {  	_ =	shalt  }
0x54: {  	_ =	shalt  }
0x55: {  	_ =	shalt  }
0x56: {  	_ =	shalt  }
0x57: {  	_ =	shalt  }
0x58: {  	_ =	shalt  }
0x59: {  	_ =	shalt  }
0x5a: {  	_ =	shalt  }
0x5b: {  	_ =	shalt  }
0x5c: {  	_ =	shalt  }
0x5d: {  	_ =	shalt  }
0x5e: {  	_ =	shalt  }
0x5f: {  	_ =	shalt  }
0x60: {  	_ =	shalt  }
0x61: {  	_ =	shalt  }
0x62: {  	_ =	shalt  }
0x63: {  	_ =	shalt  }
0x64: {  	_ =	shalt  }
0x65: {  	_ =	shalt  }
0x66: {  	_ =	shalt  }
0x67: {  	_ =	shalt  }
0x68: {  	_ =	shalt  }
0x69: {  	_ =	shalt  }
0x6a: {  	_ =	shalt  }
0x6b: {  	_ =	shalt  }
0x6c: {  	_ =	shalt  }
0x6d: {  	_ =	shalt  }
0x6e: {  	_ =	shalt  }
0x6f: {  	_ =	shalt  }
0x70: {  	_ =	shalt  }
0x71: {  	_ =	shalt  }
0x72: {  	_ =	shalt  }
0x73: {  	_ =	shalt  }
0x74: {  	_ =	shalt  }
0x75: {  	_ =	shalt  }
0x76: {  	_ =	shalt  }
0x77: {  	_ =	shalt  }
0x78: {  	_ =	shalt  }
0x79: {  	_ =	shalt  }
0x7a: {  	_ =	shalt  }
0x7b: {  	_ =	shalt  }
0x7c: {  	_ =	shalt  }
0x7d: {  	_ =	shalt  }
0x7e: {  	_ =	shalt  }
0x7f: {  	_ =	shalt  }
0x80: {  	_ =	shalt  }
0x81: {  	_ =	shalt  }
0x82: {  	_ =	shalt  }
0x83: {  	_ =	shalt  }
0x84: {  	_ =	shalt  }
0x85: {  	_ =	shalt  }
0x86: {  	_ =	shalt  }
0x87: {  	_ =	shalt  }
.Lfunc_end0:
.L_simem_size_0:
called_computation.1_lowered:
.L_overlay_start_0:
0x88: {  	s2 =	sld [smem:$0x3FD9]  }
0x89: {  	s3 =	sld [smem:$0x3FFE];
	_ =	sdelay $0x1  }
0x8a: {  	s1 =	srdreg.scid  }
0x8b: {  	s0 =	sand.u32 $0x1, s1  }
0x8c: {  	s17 =	sshll.u32 s0, $0xA;
	s2 =	sadd.s32 s3, s2  }
0x8d: {  	s2 =	sadd.s32 s2, s17  }
0x8e: {  	[smem:$0x3FB0] =	sst s2  }
0x8f: {  	_ = 	snop  }
0x90: {  	(tm) =	ssettm $0x1  }
0x91: {  	s18 =	sld [smem:$0x3FFB];
	_ =	sdelay $0x3  }
0x92: {  	_ =	strace s18  }
0x93: {  	s2 =	sld [smem:$0x3FFC];
	_ =	sdelay $0x3  }
0x94: {  	_ =	strace s2  }
0x95: {  	s2 =	sld [smem:$0x3FFD];
	_ =	sdelay $0x3  }
0x96: {  	_ =	strace s2  }
0x97: {  	_ =	strace $0x8FFFFFFF  }
0x98: {  	s19 =	sld [smem:$0x3FDB];
	_ =	sdelay $0x1  }
0x99: {  	s20 =	simm.s32 $_scs_section_size  }
0x9a: {  	s4 =	simm.s32 $_size__tile_overlayer_lowered;
	s5 =	simm.s32 $_tile_overlayer_lowered  }
0x9b: {  	s6 =	simm.s32 $0x1BFF;
	s21 =	sshll.u32 s5, $0x1;
	s3 =	sadd.s32 s20, s19  }
0x9c: {  	s22 =	simm.s32 $0x0;
	s4 =	sshll.u32 s4, $0x1;
	s5 =	sadd.s32 s21, s3  }
0x9d: {  	[timem:s22], [sflag:s6] =	dma.local [hbm:s5], s4  }
0x9e: {  	_ =	swait.ge [sflag:s6], s4  }
0x9f: {  	s4 =	ssub.s32 $0x0, s4;
	[sflag:s6] =	ssyncset.done $0x0  }
0xa0: {  	[sflag:s6] =	ssyncadd.s32 s4;
	_ =	sdelay $0x1  }
0xa1: {  	s23 =	simm.s32 $0x1B8B  }
0xa2: {  	_ =	swait.ge [sflag:s23], $0x1  }
0xa3: {  	[sflag:s23] =	ssyncset.done $0x0  }
0xa4: {  	[sflag:s23] =	ssyncadd.s32 $0xFFFFFFFF  }
0xa5: {  	s4 =	sld [smem:$0x0]  }
0xa6: {  	s5 =	sand.u32 $0xFFFFFFFE, s1  }
0xa7: {  	p0 =	sne.s32 s1, s5  }
0xa8: {  	s5 =	sshll.u32 @p0 s5, $0xE  }
0xa9: {  	s5 =	sadd.s32 @p0 $0x11B8D, s5;
	s6 =	sshll.u32 @p0 s4, $0x11  }
0xaa: {  	s5 =	sor.u32 @p0 s6, s5  }
0xab: {  	[sflag:s5] =	ssyncadd.remote.s32 @p0 $0x1;
	_ =	sdelay $0x1  }
0xac: {  	s5 =	simm.s32 @p0 $0x1B8D  }
0xad: {  	_ =	swait.eq @p0 [sflag:s5], $0x1  }
0xae: {  	[sflag:s5] =	ssyncadd.s32 @p0 $0xFFFFFFFF  }
0xaf: {  	s6 =	sshll.u32 @!p0 s1, $0xE  }
0xb0: {  	s6 =	sor.u32 @!p0 $0x4000, s6;
	s5 =	simm.s32 @!p0 $0x1B8D  }
0xb1: {  	s4 =	sshll.u32 @!p0 s4, $0x11;
	s6 =	sadd.s32 @!p0 $0x11B8D, s6;
	_ =	swait.eq @!p0 [sflag:s5], $0x1  }
0xb2: {  	s4 =	sor.u32 @!p0 s4, s6;
	[sflag:s5] =	ssyncadd.s32 @!p0 $0xFFFFFFFF  }
0xb3: {  	s25 =	simm.s32 $0x1B8E;
	s24 =	sld [smem:$0x3FFE];
	[sflag:s4] =	ssyncadd.remote.s32 @!p0 $0x1  }
0xb4: {  	s26 =	simm.s32 $execute0_lowered;
	[smem:$0x3FD2] =	sst s25  }
0xb5: {  	s5 =	sshll.u32 s26, $0x1;
	_ =	strace $0x8000004C;
	[dreg:$0x1] =	wrdreg $0xFFFFFFFF  }
0xb6: {  	s28 =	simm.s32 $_size_execute0_lowered;
	s3 =	sadd.s32 s3, s5;
	[dreg:$0x0] =	wrdreg $0x0  }
0xb7: {  	s5 =	sshll.u32 s28, $0x1;
	[dreg:$0x2] =	wrdreg s3  }
0xb8: {  	[dreg:$0x3] =	wrdreg s5  }
0xb9: {  	[dreg:$0x4] =	wrdreg $0xC0  }
0xba: {  	_ =	task [dreg:s22], $0x5FFFF  }
0xbb: {  	[dreg:$0x1] =	wrdreg $0xFFFFFFFF  }
0xbc: {  	[dreg:$0x0] =	wrdreg $0x60  }
0xbd: {  	[dreg:$0x2] =	wrdreg s24  }
0xbe: {  	[dreg:$0x3] =	wrdreg $0x84000  }
0xbf: {  	[dreg:$0x4] =	wrdreg $0x9  }
0xc0: {  	_ =	task.clear_ibuf [dreg:s22], $0x5FFFF;
	_ =	strace $0x9000004C  }
0xc1: {  	s29 =	simm.s32 $0x9;
	_ =	strace $0x8000004E  }
0xc2: {  	_ =	swait.ge [sflag:s29], $0x1  }
0xc3: {  	[sflag:s29] =	ssyncadd.s32 $0xFFFFFFFF  }
0xc4: {  	_ =	strace $0x9000004E  }
0xc5: {  	_ =	sfence  }
0xc6: {  	s30 =	sld [smem:$0x0];
	_ =	sdelay $0x2  }
0xc7: {  	s31 =	sshll.u32 s1, $0xD;
	s1 =	sshrl.u32 s1, $0x2  }
0xc8: {  	s4 =	sand.u32 $0x4000, s31;
	s1 =	sadd.s32 s1, s30  }
0xc9: {  	s0 =	sor.u32 s4, s0;
	s1 =	sshll.u32 s1, $0x11  }
0xca: {  	s0 =	sor.u32 s1, s0  }
0xcb: {  	s0 =	sadd.s32 $0x8F2B, s0  }
0xcc: {  	[sflag:s0] =	ssyncadd.remote.s32 $0x1  }
0xcd: {  	_ =	sfence.sel $0xFFFF  }
0xce: {  	[dreg:$0x0] =	wrdreg $0xFFFFFFFF;
	(pc) =	sbr.abs _section_cstart, $3  }
0xcf: {  	[dreg:$0x1] =	wrdreg $0xFFFFFFFF  }
0xd0: {  	_ =	task.clear_ibuf [dreg:s22], $0x2FFFF;
	_ =	strace $0x9FFFFFFF  }
0xd1: {  	(tm) =	ssettm $0x7FFFFFFF  }
tec
execute0_lowered:
.L_overlay_start_1:
0x0: {  	(tag) =	ssettag $0x1  }
0x1: {  	s0 =	rddreg [dreg:$0x0]  }
0x2: {  	s1 =	rddreg [dreg:$0x1]  }
0x3: {  	s3 =	simm.s32 $0x0;
	s2 =	srdreg.scid;
	s15 =	stileid.u32  }
0x4: {  	s16 =	simm.s32 $0x6;
	s25 =	simm.s32 $0x100;
	s26 =	simm.s32 $0x180  }
0x5: {  	s28 =	simm.s32 $0x3;
	s29 =	simm.s32 $0x4;
	s30 =	simm.s32 $0x2  }
0x6: {  	s31 =	simm.s32 $0x5;
	[smem:$0x7FF] =	sst s3;
	s2 =	sand.u32 $0x1, s2  }
0x7: {  	s4 =	sadd.s32 $0x7B600, s0;
	s9 =	sadd.s32 $0xAA2200, s0;
	s10 =	smul.u32 $0x13C00, s15  }
0x8: {  	s5 =	sshll.u32 s15, $0x1;
	s6 =	sadd.s32 $0xAA1C00, s0;
	s7 =	sadd.s32 $0xAA1600, s0  }
0x9: {  	s13 =	sadd.s32 $0x8FA00, s0;
	s17 =	smul.u32 $0x4F000, s15;
	s14 =	sadd.s32 $0x8F600, s0  }
0xa: {  	s20 =	smul.u32 $0x140000, s15;
	_ =	strace $0x8000004D;
	[dreg:$0x6] =	wrdreg s13  }
0xb: {  	s24 =	sshll.u32 s15, $0x6;
	s8 =	smul.u32 $0x13C000, s2;
	[dreg:$0x7] =	wrdreg s14  }
0xc: {  	s11 =	sor.u32 s2, s5;
	s5 =	sadd.s32 $0x80600, s0;
	[dreg:$0x4] =	wrdreg s25  }
0xd: {  	s19 =	ssub.s32 $0x2, s2;
	s2 =	smul.u32 $0xA0000, s2;
	[dreg:$0x5] =	wrdreg s26  }
0xe: {  	s25 =	simm.s32 $0x4200;
	s26 =	simm.s32 $0x1;
	s12 =	smul.u32 $0x1400, s11  }
0xf: {  	s18 =	smul.u32 $0x14000, s11;
	s21 =	sshrl.u32 s19, $0x1;
	s22 =	sshrl.u32 s17, $0x2  }
0x10: {  	s17 =	sor.u32 $0x1C06, s24;
	s24 =	simm.s32 $0x8380;
	s8 =	sadd.s32 s10, s8  }
0x11: {  	s13 =	sadd.s32 s22, s1;
	s2 =	sadd.s32 s2, s20;
	s20 =	simm.s32 $0x80  }
0x12: {  	s22 =	simm.s32 $0x8280;
	s8 =	sshrl.u32 s8, $0x3;
	[dreg:$0x3] =	wrdreg s12  }
0x13: {  	s10 =	sadd.s32 s9, s18;
	s23 =	sor.u32 $0x8000, s2;
	s2 =	sor.u32 $0x4000, s2  }
0x14: {  	s18 =	sshrl.u32 s13, $0x3;
	s0 =	sadd.s32 s8, s0;
	s8 =	ssub.s32 s19, s21  }
0x15: {  	[dreg:$0x8] =	wrdreg s10;
	s2 =	sshrl.u32 s2, $0x3;
	s19 =	simm.s32 $0x200  }
0x16: {  	s21 =	simm.s32 $0x8200;
	s0 =	sadd.s32 $0x92200, s0;
	s12 =	smax.u32 s8, $0x1  }
0x17: {  	s2 =	sadd.s32 s2, s9;
	[dreg:$0x9] =	wrdreg s0;
	s0 =	sshrl.u32 s23, $0x3  }
0x18: {  	s23 =	simm.s32 $0x8300;
	s8 =	sadd.s32 s0, s9;
	s0 =	simm.s32 $0x0  }
.LBB2_1:
0x19: {  	s9 =	rddreg [dreg:$0x7];
	s10 =	simm.s32 $0x1C000  }
0x1a: {  	[tilespmem:s10], [sflag:$0x6] =	stream.linear.gather [hbm4b:s9+s3], $0x1, $0x38;
	[tilespmem:$0x1C080] =	vst v63  }
0x1b: {  	_ =	swait.ge [sflag:s16], $0x1  }
0x1c: {  	[sflag:s16] =	ssyncset.done $0x0  }
0x1d: {  	s14 =	rddreg [dreg:$0x6];
	[sflag:s16] =	ssyncadd.s32 $0xFFFFFFFF  }
0x1e: {  	v0 =	vld.msk [tilespmem:$0x1C000 ss:$0x0], $0xffff;
	[spmem:s18], [sflag:s17] =	dma.local [hbm:s14], $0x2780  }
0x1f: {  	_ =	swait.ge [sflag:s16], $0x2780  }
0x20: {  	[sflag:s16] =	ssyncset.done $0x0  }
0x21: {  	[sflag:s16] =	ssyncadd.s32 $0xFFFFD880  }
0x22: {  	[bflag:$0x0] =	sbarrier.arrive $0xFFFF  }
0x23: {  	s15 =	rddreg [dreg:$0x8]  }
0x24: {  	[tilespmem:s19], [sflag:$0x1] =	stream.linear.gather [hbm4b:s15+s3], $0x4000, $0x38;
	[tilespmem:$0x1C080] =	vst v63  }
0x25: {  	s13 =	smov.u32 s8;
	s14 =	smov.u32 s2;
	s15 =	simm.s32 $0x0  }
.LBB2_2:
0x26: {  	s9 =	rddreg [dreg:$0x3];
	s10 =	sand.u32 $0x1C00, s15  }
0x27: {  	s11 =	sand.u32 $0x300, s15;
	s9 =	sadd.s32 s9, s10  }
0x28: {  	s10 =	sor.u32 s11, s9  }
0x29: {  	s10 =	sshrl.u32 s10, $0x3  }
0x2a: {  	s11 =	sadd.s32 s4, s10  }
0x2b: {  	[tilespmem:s3], [sflag:$0x6] =	stream.linear.gather [hbm4b:s11+s3], $0x80, $0x38;
	[tilespmem:$0x1C080] =	vst v63  }
0x2c: {  	_ =	swait.ge [sflag:s16], $0x80  }
0x2d: {  	[sflag:s16] =	ssyncset.done $0x0  }
0x2e: {  	s10 =	sadd.s32 s5, s10;
	[sflag:s16] =	ssyncadd.s32 $0xFFFFFF80  }
0x2f: {  	[tilespmem:s20], [sflag:$0x6] =	stream.linear.gather [hbm4b:s10+s3], $0x80, $0x38;
	[tilespmem:$0x1C080] =	vst v63  }
0x30: {  	_ =	swait.ge [sflag:s16], $0x80  }
0x31: {  	[sflag:s16] =	ssyncset.done $0x0  }
0x32: {  	[sflag:s16] =	ssyncadd.s32 $0xFFFFFF80  }
0x33: {  	[tilespmem:s21], [sflag:$0x3] =	stream.indirect.gather [hbm4b:s6+s20], $0x1, s3, s20, $0xb8;
	[tilespmem:$0x1C080] =	vst v63  }
0x34: {  	_ = 	snop  }
0x35: {  	[tilespmem:s22], [sflag:$0x3] =	stream.indirect.gather [hbm4b:s6+s20], $0x1, s20, s20, $0xb8;
	[tilespmem:$0x1C080] =	vst v63  }
0x36: {  	p0 =	seq.s32 s15, $0x0  }
0x37: {  	[tilespmem:s23], [sflag:$0x3] =	stream.indirect.gather [hbm4b:s7+s20], $0x1, s3, s20, $0xb8;
	[tilespmem:$0x1C080] =	vst v63  }
0x38: {  	s10 =	simm.s32 @!p0 $0x5  }
0x39: {  	[tilespmem:s24], [sflag:$0x3] =	stream.indirect.gather [hbm4b:s7+s20], $0x1, s20, s20, $0xb8;
	[tilespmem:$0x1C080] =	vst v63  }
0x3a: {  	_ =	swait.ge @!p0 [sflag:s10], $0x4000  }
0x3b: {  	[sflag:s10] =	ssyncset.done @!p0 $0x0  }
0x3c: {  	[sflag:s10] =	ssyncadd.s32 @!p0 $0xFFFFC000  }
0x3d: {  	[tilespmem:s25], [sflag:$0x2] =	stream.linear.gather [hbm4b:s14+s3], $0x4000, $0x38;
	[tilespmem:$0x1C080] =	vst v63  }
0x3e: {  	_ =	swait.ge [sflag:s26], $0x4000  }
0x3f: {  	[sflag:s26] =	ssyncset.done $0x0  }
0x40: {  	[sflag:s26] =	ssyncadd.s32 $0xFFFFC000  }
0x41: {  	_ =	swait.ge [sflag:s28], $0x80  }
0x42: {  	[sflag:s28] =	ssyncset.done $0x0  }
0x43: {  	[sflag:s28] =	ssyncadd.s32 $0xFFFFFF80  }
0x44: {  	_ =	swait.ge [sflag:s28], $0x80  }
0x45: {  	[sflag:s28] =	ssyncset.done $0x0  }
0x46: {  	[sflag:s28] =	ssyncadd.s32 $0xFFFFFF80  }
0x47: {  	_ =	swait.ge [sflag:s28], $0x80  }
0x48: {  	[sflag:s28] =	ssyncset.done $0x0  }
0x49: {  	[sflag:s28] =	ssyncadd.s32 $0xFFFFFF80  }
0x4a: {  	_ =	swait.ge [sflag:s28], $0x80  }
0x4b: {  	[sflag:s28] =	ssyncset.done $0x0  }
0x4c: {  	[sflag:s28] =	ssyncadd.s32 $0xFFFFFF80  }
0x4d: {  	v1 =	vld [tilespmem:$0x80]  }
0x4e: {  	v2 =	vld [tilespmem:$0x8200]  }
0x4f: {  	v3 =	vld [tilespmem:$0x8280]  }
0x50: {  	v4 =	vld [tilespmem:$0x8300]  }
0x51: {  	v5 =	vld [tilespmem:$0x8380]  }
0x52: {  	v7 =	vld [tilespmem:$0x8210]  }
0x53: {  	v8 =	vld [tilespmem:$0x8290]  }
0x54: {  	v9 =	vld [tilespmem:$0x8310]  }
0x55: {  	v12 =	vld [tilespmem:$0x8220]  }
0x56: {  	v13 =	vld [tilespmem:$0x82A0]  }
0x57: {  	v14 =	vld [tilespmem:$0x8320]  }
0x58: {  	v15 =	vld [tilespmem:$0x83A0]  }
0x59: {  	v19 =	vld [tilespmem:$0x8330]  }
0x5a: {  	v20 =	vld [tilespmem:$0x83B0]  }
0x5b: {  	v22 =	vld [tilespmem:$0x8240]  }
0x5c: {  	v23 =	vld [tilespmem:$0x82C0]  }
0x5d: {  	v34 =	vld [tilespmem:$0x8350]  }
0x5e: {  	v36 =	vld [tilespmem:$0x83D0]  }
0x5f: {  	v40 =	vld [tilespmem:$0x8360]  }
0x60: {  	v41 =	vld [tilespmem:$0x83E0]  }
0x61: {  	v43 =	vld [tilespmem:$0x8270]  }
0x62: {  	v44 =	vld [tilespmem:$0x82F0]  }
0x63: {  	v47 =	vld [tilespmem:$0x8370]  }
0x64: {  	v49 =	vld [tilespmem:$0x83F0];
	v2 =	vsub.f32 v2, v3;
	v3 =	vsub.f32 v4, v5  }
0x65: {  	v10 =	vld [tilespmem:$0x8390];
	v7 =	vsub.f32 v7, v8;
	v33 =	vsub.f32 v12, v13  }
0x66: {  	v6 =	vld [tilespmem:$0x90];
	v35 =	vsub.f32 v14, v15;
	v39 =	vsub.f32 v19, v20  }
0x67: {  	v17 =	vld [tilespmem:$0x8230];
	v42 =	vsub.f32 v22, v23;
	v48 =	vsub.f32 v34, v36  }
0x68: {  	v18 =	vld [tilespmem:$0x82B0];
	v52 =	vsub.f32 v40, v41;
	v4 =	vsub.f32 v43, v44  }
0x69: {  	v30 =	vld [tilespmem:$0x8340];
	v54 =	vsub.f32 v47, v49;
	v2 =	vand.u32 $0x7FFFFFFF, v2;
	v3 =	vand.u32 $0x7FFFFFFF, v3  }
0x6a: {  	v32 =	vld [tilespmem:$0x8250];
	v7 =	vand.u32 $0x7FFFFFFF, v7;
	vm0 =	vgt.f32 v2, v0;
	v2 =	vsub.f32 v9, v10  }
0x6b: {  	v12 =	vand.u32 $0x7FFFFFFF, v39;
	v46 =	vand.u32 $0x7FFFFFFF, v42;
	vm1 =	vgt.f32 v3, v0;
	v3 =	vld [tilespmem:$0x82D0]  }
0x6c: {  	v31 =	vld [tilespmem:$0x83C0];
	v8 =	vand.u32 $0x7FFFFFFF, v48;
	v55 =	vand.u32 $0x7FFFFFFF, v54;
	v2 =	vand.u32 $0x7FFFFFFF, v2  }
0x6d: {  	v37 =	vld [tilespmem:$0x8260];
	vm7 =	vgt.f32 v7, v0;
	vm2 =	vgt.f32 v2, v0;
	v2 =	vand.u32 $0x7FFFFFFF, v33  }
0x6e: {  	v38 =	vld [tilespmem:$0x82E0];
	vm11 =	vgt.f32 v12, v0;
	vm8 =	vgt.f32 v2, v0;
	v2 =	vand.u32 $0x7FFFFFFF, v35  }
0x6f: {  	v11 =	vld [tilespmem:$0xA0];
	vm13 =	vgt.f32 v46, v0;
	vm3 =	vgt.f32 v2, v0;
	v2 =	vsub.f32 v17, v18  }
0x70: {  	v16 =	vld [tilespmem:$0xB0];
	vm0 =	vmor vm0, vm1;
	vm1 =	vmor vm7, vm2;
	v3 =	vsub.f32 v32, v3  }
0x71: {  	v1 =	vnsel vm0, $0x277F, v1;
	v6 =	vnsel vm1, $0x277F, v6;
	v2 =	vand.u32 $0x7FFFFFFF, v2  }
0x72: {  	vm9 =	vmor vm8, vm3;
	v3 =	vand.u32 $0x7FFFFFFF, v3;
	vm10 =	vgt.f32 v2, v0  }
0x73: {  	v21 =	vld [tilespmem:$0xC0];
	v2 =	vsub.f32 v30, v31;
	vm15 =	vgt.f32 v3, v0;
	v3 =	vsub.f32 v37, v38  }
0x74: {  	v51 =	vld [tilespmem:$0xE0];
	v45 =	vnsel vm9, $0x277F, v11;
	vm9 =	vgt.f32 v55, v0;
	vm12 =	vmor vm10, vm11  }
0x75: {  	v53 =	vld [tilespmem:$0xF0];
	[tilespmem:$0x100] =	vst v1;
	v2 =	vand.u32 $0x7FFFFFFF, v2;
	v50 =	vnsel vm12, $0x277F, v16;
	v3 =	vand.u32 $0x7FFFFFFF, v3  }
0x76: {  	[tilespmem:$0x110] =	vst v6;
	vm14 =	vgt.f32 v2, v0;
	v2 =	vld [tilespmem:$0xD0];
	vm6 =	vgt.f32 v3, v0;
	v3 =	vand.u32 $0x7FFFFFFF, v52  }
0x77: {  	[tilespmem:$0x120] =	vst v45;
	vm0 =	vmor vm13, vm14;
	vm7 =	vgt.f32 v3, v0;
	v3 =	vand.u32 $0x7FFFFFFF, v4  }
0x78: {  	[tilespmem:$0x130] =	vst v50;
	v1 =	vnsel vm0, $0x277F, v21;
	vm0 =	vmor vm6, vm7;
	vm8 =	vgt.f32 v3, v0  }
0x79: {  	vm4 =	vgt.f32 v8, v0;
	[tilespmem:$0x140] =	vst v1;
	v1 =	vnsel vm0, $0x277F, v51;
	vm10 =	vmor vm8, vm9  }
0x7a: {  	vm5 =	vmor vm15, vm4;
	[tilespmem:$0x160] =	vst v1;
	v1 =	vnsel vm10, $0x277F, v53  }
0x7b: {  	v2 =	vnsel vm5, $0x277F, v2;
	[tilespmem:$0x170] =	vst v1  }
0x7c: {  	s11 =	rddreg [dreg:$0x4];
	[tilespmem:$0x150] =	vst v2  }
0x7d: {  	[spmem:s1] =	stream.indirect.scatter.add.f32 [tilespmem:s19], [sflag:$0x4], $0x80, s11, s20, $0xb8;
	[tilespmem:$0x1C080] =	vst v63  }
0x7e: {  	s11 =	sadd.s32 $0x80, s15  }
0x7f: {  	s10 =	sand.u32 $0x380, s11  }
0x80: {  	s9 =	sor.u32 s9, s10  }
0x81: {  	s9 =	sshrl.u32 s9, $0x3  }
0x82: {  	s11 =	sadd.s32 s4, s9  }
0x83: {  	[tilespmem:s3], [sflag:$0x6] =	stream.linear.gather [hbm4b:s11+s3], $0x80, $0x38;
	[tilespmem:$0x1C080] =	vst v63  }
0x84: {  	_ =	swait.ge [sflag:s16], $0x80  }
0x85: {  	[sflag:s16] =	ssyncset.done $0x0  }
0x86: {  	s9 =	sadd.s32 s5, s9;
	[sflag:s16] =	ssyncadd.s32 $0xFFFFFF80  }
0x87: {  	[tilespmem:s20], [sflag:$0x6] =	stream.linear.gather [hbm4b:s9+s3], $0x80, $0x38;
	[tilespmem:$0x1C080] =	vst v63  }
0x88: {  	_ =	swait.ge [sflag:s16], $0x80  }
0x89: {  	[sflag:s16] =	ssyncset.done $0x0  }
0x8a: {  	[sflag:s16] =	ssyncadd.s32 $0xFFFFFF80  }
0x8b: {  	[tilespmem:s21], [sflag:$0x3] =	stream.indirect.gather [hbm4b:s6+s20], $0x1, s3, s20, $0xb8;
	[tilespmem:$0x1C080] =	vst v63  }
0x8c: {  	_ = 	snop  }
0x8d: {  	[tilespmem:s22], [sflag:$0x3] =	stream.indirect.gather [hbm4b:s6+s20], $0x1, s20, s20, $0xb8;
	[tilespmem:$0x1C080] =	vst v63  }
0x8e: {  	_ = 	snop  }
0x8f: {  	[tilespmem:s23], [sflag:$0x3] =	stream.indirect.gather [hbm4b:s7+s20], $0x1, s3, s20, $0xb8;
	[tilespmem:$0x1C080] =	vst v63  }
0x90: {  	_ = 	snop  }
0x91: {  	[tilespmem:s24], [sflag:$0x3] =	stream.indirect.gather [hbm4b:s7+s20], $0x1, s20, s20, $0xb8;
	[tilespmem:$0x1C080] =	vst v63  }
0x92: {  	_ =	swait.ge [sflag:s29], $0x4000  }
0x93: {  	p0 =	seq.s32 s15, $0x1300;
	[sflag:s29] =	ssyncset.done $0x0  }
0x94: {  	s10 =	simm.s32 @!p0 $0x200;
	s9 =	simm.s32 @!p0 $0x0;
	[sflag:s29] =	ssyncadd.s32 $0xFFFFC000  }
0x95: {  	[tilespmem:s10], [sflag:$0x1] =	stream.linear.gather @!p0 [hbm4b:s13+s9], $0x4000, $0x38;
	[tilespmem:$0x1C080] =	vst v63  }
0x96: {  	_ =	swait.ge [sflag:s30], $0x4000  }
0x97: {  	[sflag:s30] =	ssyncset.done $0x0  }
0x98: {  	[sflag:s30] =	ssyncadd.s32 $0xFFFFC000  }
0x99: {  	_ =	swait.ge [sflag:s28], $0x80  }
0x9a: {  	[sflag:s28] =	ssyncset.done $0x0  }
0x9b: {  	[sflag:s28] =	ssyncadd.s32 $0xFFFFFF80  }
0x9c: {  	_ =	swait.ge [sflag:s28], $0x80  }
0x9d: {  	[sflag:s28] =	ssyncset.done $0x0  }
0x9e: {  	[sflag:s28] =	ssyncadd.s32 $0xFFFFFF80  }
0x9f: {  	_ =	swait.ge [sflag:s28], $0x80  }
0xa0: {  	[sflag:s28] =	ssyncset.done $0x0  }
0xa1: {  	[sflag:s28] =	ssyncadd.s32 $0xFFFFFF80  }
0xa2: {  	_ =	swait.ge [sflag:s28], $0x80  }
0xa3: {  	[sflag:s28] =	ssyncset.done $0x0  }
0xa4: {  	[sflag:s28] =	ssyncadd.s32 $0xFFFFFF80  }
0xa5: {  	v1 =	vld [tilespmem:$0x80]  }
0xa6: {  	v2 =	vld [tilespmem:$0x8200]  }
0xa7: {  	v3 =	vld [tilespmem:$0x8280]  }
0xa8: {  	v56 =	vld [tilespmem:$0x8300]  }
0xa9: {  	v57 =	vld [tilespmem:$0x8380]  }
0xaa: {  	v59 =	vld [tilespmem:$0x8210]  }
0xab: {  	v60 =	vld [tilespmem:$0x8290]  }
0xac: {  	v61 =	vld [tilespmem:$0x8310]  }
0xad: {  	v62 =	vld [tilespmem:$0x8390]  }
0xae: {  	v24 =	vld [tilespmem:$0x8220]  }
0xaf: {  	v25 =	vld [tilespmem:$0x82A0]  }
0xb0: {  	v26 =	vld [tilespmem:$0x8320]  }
0xb1: {  	v27 =	vld [tilespmem:$0x83A0]  }
0xb2: {  	v29 =	vld [tilespmem:$0x8230]  }
0xb3: {  	v30 =	vld [tilespmem:$0x82B0]  }
0xb4: {  	v31 =	vld [tilespmem:$0x8330]  }
0xb5: {  	v32 =	vld [tilespmem:$0x83B0]  }
0xb6: {  	v34 =	vld [tilespmem:$0x8240]  }
0xb7: {  	v35 =	vld [tilespmem:$0x82C0]  }
0xb8: {  	v37 =	vld [tilespmem:$0x8250]  }
0xb9: {  	v39 =	vld [tilespmem:$0x82D0]  }
0xba: {  	v43 =	vld [tilespmem:$0x8260];
	v2 =	vsub.f32 v2, v3  }
0xbb: {  	v45 =	vld [tilespmem:$0x82E0];
	v4 =	vsub.f32 v56, v57  }
0xbc: {  	v53 =	vld [tilespmem:$0x8370];
	v7 =	vsub.f32 v59, v60;
	v38 =	vsub.f32 v61, v62;
	v2 =	vand.u32 $0x7FFFFFFF, v2  }
0xbd: {  	v54 =	vld [tilespmem:$0x83F0];
	v40 =	vsub.f32 v24, v25;
	vm11 =	vgt.f32 v2, v0;
	v2 =	vand.u32 $0x7FFFFFFF, v4  }
0xbe: {  	v36 =	vld [tilespmem:$0x83C0];
	v44 =	vsub.f32 v29, v30;
	vm12 =	vgt.f32 v2, v0;
	v2 =	vand.u32 $0x7FFFFFFF, v7  }
0xbf: {  	v41 =	vld [tilespmem:$0x8350];
	v46 =	vsub.f32 v31, v32;
	vm13 =	vgt.f32 v2, v0;
	v2 =	vand.u32 $0x7FFFFFFF, v38  }
0xc0: {  	v3 =	vld [tilespmem:$0x8340];
	v49 =	vsub.f32 v34, v35;
	vm14 =	vgt.f32 v2, v0;
	v2 =	vsub.f32 v26, v27  }
0xc1: {  	v47 =	vld [tilespmem:$0x8360];
	v8 =	vsub.f32 v37, v39;
	v57 =	vsub.f32 v43, v45  }
0xc2: {  	v48 =	vld [tilespmem:$0x83E0];
	v60 =	vsub.f32 v53, v54;
	v52 =	vand.u32 $0x7FFFFFFF, v49;
	v2 =	vand.u32 $0x7FFFFFFF, v2  }
0xc3: {  	v42 =	vld [tilespmem:$0x83D0];
	v55 =	vand.u32 $0x7FFFFFFF, v8;
	vm4 =	vgt.f32 v2, v0;
	v2 =	vand.u32 $0x7FFFFFFF, v44  }
0xc4: {  	v58 =	vld [tilespmem:$0x90];
	vm8 =	vgt.f32 v52, v0;
	vm5 =	vgt.f32 v2, v0;
	v2 =	vand.u32 $0x7FFFFFFF, v46  }
0xc5: {  	v50 =	vld [tilespmem:$0x8270];
	vm10 =	vgt.f32 v55, v0;
	vm6 =	vgt.f32 v2, v0;
	v2 =	vsub.f32 v3, v36  }
0xc6: {  	v4 =	vand.u32 $0x7FFFFFFF, v57;
	v7 =	vand.u32 $0x7FFFFFFF, v40;
	vm0 =	vmor vm11, vm12;
	v3 =	vld [tilespmem:$0x82F0]  }
0xc7: {  	v63 =	vld [tilespmem:$0xA0];
	vm15 =	vgt.f32 v7, v0;
	v7 =	vsub.f32 v47, v48;
	v2 =	vand.u32 $0x7FFFFFFF, v2  }
0xc8: {  	v28 =	vld [tilespmem:$0xB0];
	vm12 =	vgt.f32 v4, v0;
	vm9 =	vgt.f32 v2, v0;
	v2 =	vsub.f32 v41, v42  }
0xc9: {  	v33 =	vld [tilespmem:$0xC0];
	v1 =	vnsel vm0, $0x277F, v1;
	vm1 =	vmor vm13, vm14;
	v59 =	vand.u32 $0x7FFFFFFF, v7  }
0xca: {  	v6 =	vnsel vm1, $0x277F, v58;
	v58 =	vld [tilespmem:$0xD0];
	vm13 =	vgt.f32 v59, v0;
	v2 =	vand.u32 $0x7FFFFFFF, v2  }
0xcb: {  	[tilespmem:$0x180] =	vst v1;
	vm0 =	vmor vm15, vm4;
	vm11 =	vgt.f32 v2, v0;
	v2 =	vsub.f32 v50, v3;
	v3 =	vld [tilespmem:$0xE0]  }
0xcc: {  	v61 =	vld [tilespmem:$0xF0];
	[tilespmem:$0x190] =	vst v6;
	v51 =	vnsel vm0, $0x277F, v63;
	v63 =	vand.u32 $0x7FFFFFFF, v60;
	vm7 =	vmor vm5, vm6  }
0xcd: {  	s15 =	sadd.s32 $0x100, s15;
	[tilespmem:$0x1A0] =	vst v51;
	vm15 =	vgt.f32 v63, v0;
	v56 =	vnsel vm7, $0x277F, v28;
	vm1 =	vmor vm8, vm9  }
0xce: {  	p0 =	sne.s32 s15, $0x1400;
	[tilespmem:$0x1B0] =	vst v56;
	v1 =	vnsel vm1, $0x277F, v33;
	vm0 =	vmor vm10, vm11;
	v2 =	vand.u32 $0x7FFFFFFF, v2  }
.Ltmp0:
0xcf: {  	vm1 =	vmor vm12, vm13;
	[tilespmem:$0x1C0] =	vst v1;
	v62 =	vnsel vm0, $0x277F, v58;
	vm14 =	vgt.f32 v2, v0;
	(pc) =	sbr.rel @p0 .LBB2_2-.Ltmp0, $4  }
0xd0: {  	[tilespmem:$0x1D0] =	vst v62;
	vm0 =	vmor vm14, vm15;
	v1 =	vnsel vm1, $0x277F, v3  }
0xd1: {  	[tilespmem:$0x1E0] =	vst v1;
	v1 =	vnsel vm0, $0x277F, v61  }
0xd2: {  	s14 =	sadd.s32 $0x1000, s14;
	s13 =	sadd.s32 $0x1000, s13;
	s11 =	rddreg [dreg:$0x5];
	[tilespmem:$0x1F0] =	vst v1  }
0xd3: {  	[spmem:s1] =	stream.indirect.scatter.add.f32 [tilespmem:s25], [sflag:$0x5], $0x80, s11, s20, $0xb8;
	[tilespmem:$0x1C080] =	vst v63  }
0xd4: {  	_ =	swait.ge [sflag:s31], $0x4000  }
0xd5: {  	[sflag:s31] =	ssyncset.done $0x0  }
0xd6: {  	s0 =	sadd.s32 $0x1, s0;
	[sflag:s31] =	ssyncadd.s32 $0xFFFFC000  }
0xd7: {  	p0 =	sne.s32 s0, s12;
	[bflag:$0x0] =	sbarrier.arrive $0xFFFF  }
.Ltmp1:
0xd8: {  	s9 =	rddreg [dreg:$0x9];
	(pc) =	sbr.rel @p0 .LBB2_1-.Ltmp1, $4  }
0xd9: {  	[hbm:s9], [sflag:s17] =	dma.local [spmem:s18], $0x2780  }
0xda: {  	_ =	swait.ge [sflag:s16], $0x2780  }
0xdb: {  	[sflag:s16] =	ssyncset.done $0x0  }
0xdc: {  	[sflag:s16] =	ssyncadd.s32 $0xFFFFD880  }
0xdd: {  	_ =	sfence.sel $0x180000  }
0xde: {  	[bflag:$0x0] =	sbarrier.arrive $0xFFFF  }
0xdf: {  	_ =	strace $0x9000004D  }
0xe0: {  	s0 =	stileid.u32;
	[bflag:$0x2] =	sbarrier.arrive $0xFFFF  }
0xe1: {  	p0 =	sne.s32 s0, $0x0;
	s0 =	rddreg [dreg:$0x2]  }
0xe2: {  	s0 =	sadd.s32 @!p0 $0x100000, s0  }
0xe3: {  	[sflag:s0] =	ssyncadd.tile.s32 @!p0 $0x1;
	_ =	shalt  }
.Lfunc_end2:
_tile_overlayer_lowered:
.L_overlay_start_2:
0xe4: {  	(tag) =	ssettag $0x2  }
0xe5: {  	s0 =	rddreg [dreg:$0x0];
	s2 =	stileid.u32  }
0xe6: {  	s1 =	rddreg [dreg:$0x1];
	p0 =	sne.s32 s2, $0x0  }
0xe7: {  	s3 =	rddreg [dreg:$0x2];
	[bflag:$0x3] =	sbarrier.arrive $0xFFFF;
	s2 =	simm.s32 @!p0 $0x1C06  }
0xe8: {  	[timem:s3], [sflag:s2] =	dma.local @!p0 [hbm:s0], s1  }
0xe9: {  	s0 =	simm.s32 @!p0 $0x6  }
0xea: {  	_ =	swait.ge @!p0 [sflag:s0], s1  }
0xeb: {  	s1 =	ssub.s32 @!p0 $0x0, s1;
	[sflag:s0] =	ssyncset.done @!p0 $0x0  }
0xec: {  	[sflag:s0] =	ssyncadd.s32 @!p0 s1  }
0xed: {  	[bflag:$0x3] =	sbarrier.arrive $0xFFFF  }
0xee: {  	_ =	shalt  }

// kernel: kernel.16.cloned.1.call-start
scs
__scs_entry_jumppad:
0x0: {  	(pc) =	sbr.rel $0x88, $3  }
0x1: {  	(tag) =	ssettag $0x0;
	lr =	simm.s32 $0x1  }
0x2: {  	[smem:$0x3F89] =	sst lr;
	_ =	strace $0xD0000000  }
0x3: {  	_ = 	snop  }
0x4: {  	_ = 	snop  }
0x5: {  	_ = 	snop  }
0x6: {  	_ = 	snop  }
0x7: {  	_ = 	snop  }
__scs_overlays_trampoline_lowered:
0x8: {  	[smem:$0x3F98] =	sst s0  }
0x9: {  	[smem:$0x3F99] =	sst s1  }
0xa: {  	[smem:$0x3F9A] =	sst s2  }
0xb: {  	[smem:$0x3F9B] =	sst s3  }
0xc: {  	[smem:$0x3F9C] =	sst s4  }
0xd: {  	[smem:$0x3F9D] =	sst s5  }
0xe: {  	[smem:$0x3F9E] =	sst s6  }
0xf: {  	[smem:$0x3F9F] =	sst s7  }
0x10: {  	[smem:$0x3FA0] =	sst s8  }
0x11: {  	[smem:$0x3FA1] =	sst s9;
	s0 =	simm.s32 @!p0 $0x0  }
0x12: {  	s1 =	sld [smem:$0x3F87];
	s0 =	simm.s32 @p0 $0x1  }
0x13: {  	[smem:$0x3FA2] =	sst s0;
	s0 =	simm.s32 @!p1 $0x0  }
0x14: {  	s2 =	sld [smem:$0x3F86];
	s0 =	simm.s32 @p1 $0x1  }
0x15: {  	[smem:$0x3FA3] =	sst s0;
	s0 =	simm.s32 @!p2 $0x0  }
0x16: {  	s3 =	sld [smem:$0x3FDB];
	s0 =	simm.s32 @p2 $0x1  }
0x17: {  	s4 =	simm.s32 $0x1BF5;
	[smem:$0x3FA5] =	sst s0  }
0x18: {  	s0 =	sld [smem:$0x3F88];
	_ =	swait.ge [sflag:s4], $0x0  }
0x19: {  	s7 =	sld [smem:$0x3F89]  }
0x1a: {  	s8 =	sadd.s32 $0xFFFFE003, lr  }
0x1b: {  	s9 =	sadd.s32 $0xFFFFFEF7, lr;
	s5 =	simm.s32 $0xFFFFFFFF;
	p2 =	slt.u32 s8, $0xFFFFF086  }
0x1c: {  	p1 =	slt.u32 s9, $0xF7A;
	s5 =	simm.s32 @!p2 $0x0  }
0x1d: {  	s5 =	simm.s32 @p1 $0x1;
	p0 =	seq.s32 s7, s2  }
0x1e: {  	s7 =	smul.u32 @!p0 $0xF7A, s2;
	p2 =	seq.s32 @!p0 s5, $0x0  }
0x1f: {  	s9 =	smul.u32 $0xF7A, s1;
	s8 =	simm.s32 @!p0 $0x1BF5;
	p2 =	por !p2, p0  }
0x20: {  	[sflag:s8] =	ssyncset.s32 @!p0 $0xFFFFF086;
	s6 =	sadd.s32 @!p0 s3, s7;
	s7 =	simm.s32 @!p0 $0x108  }
0x21: {  	s3 =	sadd.s32 s3, s9;
	s6 =	sadd.s32 @!p0 $0x88, s6;
	s7 =	simm.s32 @p2 $0x1082  }
0x22: {  	[simem:s7], [sflag:s8] =	dma.local @!p0 [hbm:s6], $0xF7A  }
0x23: {  	s9 =	sor.u32 $0xD0000000, s2;
	s6 =	simm.s32 $0x108;
	_ =	swait.ge @!p0 [sflag:s8], $0x0  }
0x24: {  	s3 =	sadd.s32 $0x88, s3;
	s6 =	simm.s32 @!p1 $0x1082;
	[sflag:s4] =	ssyncset.s32 $0xFFFFF086  }
0x25: {  	[simem:s6], [sflag:s4] =	dma.local [hbm:s3], $0xF7A  }
0x26: {  	[smem:$0x3F89] =	sst s1;
	(tag) =	ssettag s2;
	_ =	strace s9  }
0x27: {  	s1 =	sld [smem:$0x3F99]  }
0x28: {  	s2 =	sld [smem:$0x3F9A]  }
0x29: {  	s4 =	sld [smem:$0x3F9C]  }
0x2a: {  	p0 =	seq.s32 s5, $0x0;
	s5 =	sld [smem:$0x3F9D]  }
0x2b: {  	s6 =	sld [smem:$0x3F9E]  }
0x2c: {  	s7 =	sld [smem:$0x3F9F]  }
0x2d: {  	s3 =	simm.s32 $0x108;
	s8 =	sld [smem:$0x3FA0]  }
0x2e: {  	s3 =	simm.s32 @!p0 $0x1082;
	s9 =	sld [smem:$0x3FA1]  }
0x2f: {  	lr =	sadd.s32 s0, s3;
	s0 =	sld [smem:$0x3F98]  }
0x30: {  	s3 =	sld [smem:$0x3F9B]  }
0x31: {  	[smem:$0x3FA4] =	sst s10  }
0x32: {  	s10 =	sld [smem:$0x3FA2];
	_ =	sdelay $0x3  }
0x33: {  	p0 =	seq.s32 s10, $0x1;
	s10 =	sld [smem:$0x3FA4];
	_ =	sdelay $0x3  }
0x34: {  	[smem:$0x3FA4] =	sst s10  }
0x35: {  	s10 =	sld [smem:$0x3FA3];
	_ =	sdelay $0x3  }
0x36: {  	p1 =	seq.s32 s10, $0x1;
	s10 =	sld [smem:$0x3FA4];
	_ =	sdelay $0x3  }
0x37: {  	[smem:$0x3FA4] =	sst s10  }
0x38: {  	s10 =	sld [smem:$0x3FA5]  }
0x39: {  	_ = 	snop;
	(pc) =	sbr.ind lr, $3  }
0x3a: {  	_ = 	snop  }
0x3b: {  	_ = 	snop  }
0x3c: {  	p2 =	seq.s32 s10, $0x1;
	s10 =	sld [smem:$0x3FA4]  }
0x3d: {  	_ =	shalt  }
0x3e: {  	_ =	shalt  }
0x3f: {  	_ =	shalt  }
0x40: {  	_ =	shalt  }
0x41: {  	_ =	shalt  }
0x42: {  	_ =	shalt  }
0x43: {  	_ =	shalt  }
0x44: {  	_ =	shalt  }
0x45: {  	_ =	shalt  }
0x46: {  	_ =	shalt  }
0x47: {  	_ =	shalt  }
0x48: {  	_ =	shalt  }
0x49: {  	_ =	shalt  }
0x4a: {  	_ =	shalt  }
0x4b: {  	_ =	shalt  }
0x4c: {  	_ =	shalt  }
0x4d: {  	_ =	shalt  }
0x4e: {  	_ =	shalt  }
0x4f: {  	_ =	shalt  }
0x50: {  	_ =	shalt  }
0x51: {  	_ =	shalt  }
0x52: {  	_ =	shalt  }
0x53: {  	_ =	shalt  }
0x54: {  	_ =	shalt  }
0x55: {  	_ =	shalt  }
0x56: {  	_ =	shalt  }
0x57: {  	_ =	shalt  }
0x58: {  	_ =	shalt  }
0x59: {  	_ =	shalt  }
0x5a: {  	_ =	shalt  }
0x5b: {  	_ =	shalt  }
0x5c: {  	_ =	shalt  }
0x5d: {  	_ =	shalt  }
0x5e: {  	_ =	shalt  }
0x5f: {  	_ =	shalt  }
0x60: {  	_ =	shalt  }
0x61: {  	_ =	shalt  }
0x62: {  	_ =	shalt  }
0x63: {  	_ =	shalt  }
0x64: {  	_ =	shalt  }
0x65: {  	_ =	shalt  }
0x66: {  	_ =	shalt  }
0x67: {  	_ =	shalt  }
0x68: {  	_ =	shalt  }
0x69: {  	_ =	shalt  }
0x6a: {  	_ =	shalt  }
0x6b: {  	_ =	shalt  }
0x6c: {  	_ =	shalt  }
0x6d: {  	_ =	shalt  }
0x6e: {  	_ =	shalt  }
0x6f: {  	_ =	shalt  }
0x70: {  	_ =	shalt  }
0x71: {  	_ =	shalt  }
0x72: {  	_ =	shalt  }
0x73: {  	_ =	shalt  }
0x74: {  	_ =	shalt  }
0x75: {  	_ =	shalt  }
0x76: {  	_ =	shalt  }
0x77: {  	_ =	shalt  }
0x78: {  	_ =	shalt  }
0x79: {  	_ =	shalt  }
0x7a: {  	_ =	shalt  }
0x7b: {  	_ =	shalt  }
0x7c: {  	_ =	shalt  }
0x7d: {  	_ =	shalt  }
0x7e: {  	_ =	shalt  }
0x7f: {  	_ =	shalt  }
0x80: {  	_ =	shalt  }
0x81: {  	_ =	shalt  }
0x82: {  	_ =	shalt  }
0x83: {  	_ =	shalt  }
0x84: {  	_ =	shalt  }
0x85: {  	_ =	shalt  }
0x86: {  	_ =	shalt  }
0x87: {  	_ =	shalt  }
.Lfunc_end0:
.L_simem_size_0:
called_computation.2_lowered:
.L_overlay_start_0:
0x88: {  	s2 =	sld [smem:$0x3FD9]  }
0x89: {  	s3 =	sld [smem:$0x3FFE];
	_ =	sdelay $0x1  }
0x8a: {  	s1 =	srdreg.scid  }
0x8b: {  	s0 =	sand.u32 $0x1, s1  }
0x8c: {  	s17 =	sshll.u32 s0, $0xA;
	s2 =	sadd.s32 s3, s2  }
0x8d: {  	s2 =	sadd.s32 s2, s17  }
0x8e: {  	[smem:$0x3FB0] =	sst s2  }
0x8f: {  	_ = 	snop  }
0x90: {  	s18 =	sld [smem:$0x3FD0];
	(tm) =	ssettm $0x1  }
0x91: {  	s19 =	sld [smem:$0x3FFB];
	_ =	sdelay $0x3  }
0x92: {  	_ =	strace s19  }
0x93: {  	s2 =	sld [smem:$0x3FFC];
	_ =	sdelay $0x3  }
0x94: {  	_ =	strace s2  }
0x95: {  	s2 =	sld [smem:$0x3FFD];
	_ =	sdelay $0x3  }
0x96: {  	_ =	strace s2  }
0x97: {  	_ =	strace $0x8FFFFFFF  }
0x98: {  	s20 =	sld [smem:$0x3FDB];
	_ =	sdelay $0x1  }
0x99: {  	s4 =	simm.s32 $_scs_section_size  }
0x9a: {  	s5 =	simm.s32 $_size__tile_overlayer_lowered;
	s6 =	simm.s32 $_tile_overlayer_lowered  }
0x9b: {  	s7 =	simm.s32 $0x1BFF;
	s21 =	sshll.u32 s6, $0x1;
	s4 =	sadd.s32 s4, s20  }
0x9c: {  	s22 =	simm.s32 $0x0;
	s5 =	sshll.u32 s5, $0x1;
	s6 =	sadd.s32 s21, s4  }
0x9d: {  	[timem:s22], [sflag:s7] =	dma.local [hbm:s6], s5  }
0x9e: {  	_ =	swait.ge [sflag:s7], s5  }
0x9f: {  	s5 =	ssub.s32 $0x0, s5;
	[sflag:s7] =	ssyncset.done $0x0  }
0xa0: {  	[sflag:s7] =	ssyncadd.s32 s5;
	_ =	sdelay $0x1  }
0xa1: {  	s23 =	simm.s32 $0x1B8B  }
0xa2: {  	_ =	swait.ge [sflag:s23], $0x1  }
0xa3: {  	[sflag:s23] =	ssyncset.done $0x0  }
0xa4: {  	[sflag:s23] =	ssyncadd.s32 $0xFFFFFFFF  }
0xa5: {  	s5 =	sld [smem:$0x0]  }
0xa6: {  	s6 =	sand.u32 $0xFFFFFFFE, s1  }
0xa7: {  	p0 =	sne.s32 s1, s6  }
0xa8: {  	s6 =	sshll.u32 @p0 s6, $0xE  }
0xa9: {  	s6 =	sadd.s32 @p0 $0x11B8D, s6;
	s7 =	sshll.u32 @p0 s5, $0x11  }
0xaa: {  	s6 =	sor.u32 @p0 s7, s6  }
0xab: {  	[sflag:s6] =	ssyncadd.remote.s32 @p0 $0x1;
	_ =	sdelay $0x1  }
0xac: {  	s6 =	simm.s32 @p0 $0x1B8D  }
0xad: {  	_ =	swait.eq @p0 [sflag:s6], $0x1  }
0xae: {  	[sflag:s6] =	ssyncadd.s32 @p0 $0xFFFFFFFF  }
0xaf: {  	s7 =	sshll.u32 @!p0 s1, $0xE  }
0xb0: {  	s7 =	sor.u32 @!p0 $0x4000, s7;
	s6 =	simm.s32 @!p0 $0x1B8D  }
0xb1: {  	s5 =	sshll.u32 @!p0 s5, $0x11;
	s7 =	sadd.s32 @!p0 $0x11B8D, s7;
	_ =	swait.eq @!p0 [sflag:s6], $0x1  }
0xb2: {  	s5 =	sor.u32 @!p0 s5, s7;
	[sflag:s6] =	ssyncadd.s32 @!p0 $0xFFFFFFFF  }
0xb3: {  	s25 =	simm.s32 $0x1B8E;
	s24 =	sld [smem:$0x3FFE];
	[sflag:s5] =	ssyncadd.remote.s32 @!p0 $0x1  }
0xb4: {  	s26 =	simm.s32 $execute0_lowered;
	[smem:$0x3FD2] =	sst s25  }
0xb5: {  	s6 =	sshll.u32 s26, $0x1;
	_ =	strace $0x80000049;
	[dreg:$0x1] =	wrdreg $0xFFFFFFFF  }
0xb6: {  	s28 =	simm.s32 $_size_execute0_lowered;
	s4 =	sadd.s32 s4, s6;
	[dreg:$0x0] =	wrdreg $0x0  }
0xb7: {  	s6 =	sshll.u32 s28, $0x1;
	[dreg:$0x2] =	wrdreg s4  }
0xb8: {  	[dreg:$0x3] =	wrdreg s6  }
0xb9: {  	[dreg:$0x4] =	wrdreg $0xC0  }
0xba: {  	_ =	task [dreg:s22], $0x5FFFF  }
0xbb: {  	[dreg:$0x1] =	wrdreg $0xFFFFFFFF  }
0xbc: {  	[dreg:$0x0] =	wrdreg $0x60  }
0xbd: {  	[dreg:$0x2] =	wrdreg s18  }
0xbe: {  	[dreg:$0x3] =	wrdreg s24  }
0xbf: {  	[dreg:$0x4] =	wrdreg $0xA  }
0xc0: {  	_ =	task.clear_ibuf [dreg:s22], $0x5FFFF;
	_ =	strace $0x90000049  }
0xc1: {  	s29 =	simm.s32 $0xA;
	_ =	strace $0x8000004B  }
0xc2: {  	_ =	swait.ge [sflag:s29], $0x1  }
0xc3: {  	[sflag:s29] =	ssyncadd.s32 $0xFFFFFFFF  }
0xc4: {  	_ =	strace $0x9000004B  }
0xc5: {  	_ =	sfence  }
0xc6: {  	s30 =	sld [smem:$0x0];
	_ =	sdelay $0x2  }
0xc7: {  	s31 =	sshll.u32 s1, $0xD;
	s1 =	sshrl.u32 s1, $0x2  }
0xc8: {  	s4 =	sand.u32 $0x4000, s31;
	s1 =	sadd.s32 s1, s30  }
0xc9: {  	s0 =	sor.u32 s4, s0;
	s1 =	sshll.u32 s1, $0x11  }
0xca: {  	s0 =	sor.u32 s1, s0  }
0xcb: {  	s0 =	sadd.s32 $0x8F2B, s0  }
0xcc: {  	[sflag:s0] =	ssyncadd.remote.s32 $0x1  }
0xcd: {  	_ =	sfence.sel $0xFFFF  }
0xce: {  	[dreg:$0x0] =	wrdreg $0xFFFFFFFF;
	(pc) =	sbr.abs _section_cstart, $3  }
0xcf: {  	[dreg:$0x1] =	wrdreg $0xFFFFFFFF  }
0xd0: {  	_ =	task.clear_ibuf [dreg:s22], $0x2FFFF;
	_ =	strace $0x9FFFFFFF  }
0xd1: {  	(tm) =	ssettm $0x7FFFFFFF  }
tec
execute0_lowered:
.L_overlay_start_1:
0x0: {  	(tag) =	ssettag $0x1  }
0x1: {  	s1 =	srdreg.scid;
	s7 =	rddreg [dreg:$0x0]  }
0x2: {  	s0 =	stileid.u32;
	s8 =	rddreg [dreg:$0x1];
	s2 =	simm.s32 $0x0  }
0x3: {  	s14 =	simm.s32 $0x80;
	s15 =	simm.s32 $0x3000;
	s16 =	simm.s32 $0xB000  }
0x4: {  	s17 =	simm.s32 $0x7000;
	s18 =	simm.s32 $0xF000;
	s19 =	simm.s32 $0x1  }
0x5: {  	s20 =	simm.s32 $0x3;
	s21 =	simm.s32 $0x2;
	s22 =	simm.s32 $0x4  }
0x6: {  	s23 =	simm.s32 $0x0;
	s6 =	sand.u32 $0x1, s1;
	s1 =	rddreg [dreg:$0x2]  }
0x7: {  	s30 =	sshll.u32 s0, $0x1;
	[smem:$0x7FF] =	sst s2;
	s3 =	sadd.s32 $0x2C600, s8  }
0x8: {  	s4 =	sadd.s32 $0x53E00, s8;
	s5 =	sadd.s32 $0x5A1600, s8;
	s9 =	sor.u32 s6, s30  }
0x9: {  	_ =	strace $0x8000004A;
	s12 =	ssub.s32 $0x2, s6;
	s10 =	smul.u32 $0x300, s9  }
0xa: {  	s6 =	sadd.s32 $0x821600, s8;
	s31 =	sshrl.u32 s12, $0x1;
	s13 =	smul.u32 $0x1400, s9  }
0xb: {  	s9 =	smul.u32 $0xA0000, s9;
	s12 =	ssub.s32 s12, s31;
	s11 =	sadd.s32 s10, s8  }
0xc: {  	s7 =	sadd.s32 s7, s10;
	s10 =	sor.u32 $0x80, s13;
	s13 =	simm.s32 $0x1800  }
0xd: {  	s8 =	sadd.s32 $0x59B600, s11;
	s11 =	smax.u32 s12, $0x1;
	s12 =	simm.s32 $0x5  }
.LBB2_1:
0xe: {  	[tilespmem:s2], [sflag:$0x5] =	stream.linear.gather [hbm4b:s7+s2], $0x1800, $0x38;
	[tilespmem:$0x13000] =	vst v63  }
0xf: {  	_ =	swait.ge [sflag:s12], $0x1800  }
0x10: {  	[sflag:s12] =	ssyncset.done $0x0  }
0x11: {  	[sflag:s12] =	ssyncadd.s32 $0xFFFFE800  }
0x12: {  	[tilespmem:s13], [sflag:$0x5] =	stream.linear.gather [hbm4b:s8+s2], $0x1800, $0x38;
	[tilespmem:$0x13000] =	vst v63  }
0x13: {  	_ =	swait.ge [sflag:s12], $0x1800  }
0x14: {  	[sflag:s12] =	ssyncset.done $0x0  }
0x15: {  	[sflag:s12] =	ssyncadd.s32 $0xFFFFE800  }
0x16: {  	[tilespmem:s15], [sflag:$0x1] =	stream.indirect.gather [hbm4b:s3+s14], $0x80, s2, s14, $0xb8;
	[tilespmem:$0x13000] =	vst v63  }
0x17: {  	s24 =	simm.s32 $0x0  }
0x18: {  	[tilespmem:s16], [sflag:$0x1] =	stream.indirect.gather [hbm4b:s4+s14], $0x80, s13, s14, $0xb8;
	[tilespmem:$0x13000] =	vst v63  }
.LBB2_2:
0x19: {  	p0 =	seq.s32 s24, $0x0  }
0x1a: {  	s25 =	simm.s32 @!p0 $0x4  }
0x1b: {  	_ =	swait.ge @!p0 [sflag:s25], $0x4000  }
0x1c: {  	[sflag:s25] =	ssyncset.done @!p0 $0x0  }
0x1d: {  	s26 =	sshll.u32 s24, $0x8;
	s28 =	sshll.u32 s24, $0x7;
	[sflag:s25] =	ssyncadd.s32 @!p0 $0xFFFFC000  }
0x1e: {  	s29 =	sand.u32 $0x1800, s26;
	s28 =	sand.u32 $0x380, s28;
	_ =	swait.ge @!p0 [sflag:s25], $0x4000  }
0x1f: {  	s28 =	sor.u32 s29, s28;
	[sflag:s25] =	ssyncset.done @!p0 $0x0  }
0x20: {  	s30 =	sor.u32 $0x400, s28;
	[sflag:s25] =	ssyncadd.s32 @!p0 $0xFFFFC000  }
0x21: {  	[tilespmem:s17], [sflag:$0x2] =	stream.indirect.gather [hbm4b:s3+s14], $0x80, s30, s14, $0xb8;
	[tilespmem:$0x13000] =	vst v63  }
0x22: {  	s31 =	sadd.s32 $0x1C00, s28  }
0x23: {  	[tilespmem:s18], [sflag:$0x2] =	stream.indirect.gather [hbm4b:s4+s14], $0x80, s31, s14, $0xb8;
	[tilespmem:$0x13000] =	vst v63  }
0x24: {  	_ =	swait.ge [sflag:s19], $0x4000  }
0x25: {  	[sflag:s19] =	ssyncset.done $0x0  }
0x26: {  	s28 =	sshll.u32 s24, $0xF;
	[sflag:s19] =	ssyncadd.s32 $0xFFFFC000  }
0x27: {  	s25 =	sadd.s32 s9, s28;
	_ =	swait.ge [sflag:s19], $0x4000  }
0x28: {  	s25 =	sshrl.u32 s25, $0x3;
	[sflag:s19] =	ssyncset.done $0x0  }
0x29: {  	s29 =	sadd.s32 s5, s25;
	[sflag:s19] =	ssyncadd.s32 $0xFFFFC000  }
0x2a: {  	[hbm4b:s29+s2] =	stream.linear.scatter [tilespmem:s15], [sflag:$0x3], $0x4000, $0x38;
	[tilespmem:$0x13000] =	vst v63  }
0x2b: {  	s25 =	sadd.s32 s6, s25  }
0x2c: {  	[hbm4b:s25+s2] =	stream.linear.scatter [tilespmem:s16], [sflag:$0x3], $0x4000, $0x38;
	[tilespmem:$0x13000] =	vst v63  }
0x2d: {  	p0 =	seq.s32 s24, $0x13;
	_ =	swait.ge [sflag:s20], $0x4000  }
0x2e: {  	s24 =	sadd.s32 @!p0 $0x1, s24;
	[sflag:s20] =	ssyncset.done $0x0  }
0x2f: {  	s28 =	sshll.u32 @!p0 s24, $0x7;
	[sflag:s20] =	ssyncadd.s32 $0xFFFFC000  }
0x30: {  	s28 =	sand.u32 @!p0 $0x380, s28;
	s25 =	sshll.u32 @!p0 s24, $0x8;
	_ =	swait.ge [sflag:s20], $0x4000  }
0x31: {  	s29 =	simm.s32 @!p0 $0x3000;
	s25 =	sand.u32 @!p0 $0x3800, s25;
	[sflag:s20] =	ssyncset.done $0x0  }
0x32: {  	s25 =	sor.u32 @!p0 s28, s25;
	s28 =	simm.s32 @!p0 $0x80;
	[sflag:s20] =	ssyncadd.s32 $0xFFFFC000  }
0x33: {  	[tilespmem:s29], [sflag:$0x1] =	stream.indirect.gather @!p0 [hbm4b:s3+s28], $0x80, s25, s28, $0xb8;
	[tilespmem:$0x13000] =	vst v63  }
0x34: {  	s25 =	sadd.s32 @!p0 $0x1800, s25;
	s29 =	simm.s32 @!p0 $0xB000  }
0x35: {  	[tilespmem:s29], [sflag:$0x1] =	stream.indirect.gather @!p0 [hbm4b:s4+s28], $0x80, s25, s28, $0xb8;
	[tilespmem:$0x13000] =	vst v63  }
0x36: {  	_ =	swait.ge [sflag:s21], $0x4000  }
0x37: {  	[sflag:s21] =	ssyncset.done $0x0  }
0x38: {  	s24 =	simm.s32 @p0 $0x14;
	[sflag:s21] =	ssyncadd.s32 $0xFFFFC000  }
0x39: {  	s30 =	sadd.s32 s26, s10;
	p0 =	sne.s32 s24, $0x14;
	_ =	swait.ge [sflag:s21], $0x4000  }
.Ltmp0:
0x3a: {  	s25 =	sshll.u32 s30, $0x4;
	[sflag:s21] =	ssyncset.done $0x0;
	(pc) =	sbr.rel @p0 .LBB2_2-.Ltmp0, $4  }
0x3b: {  	s31 =	sadd.s32 s5, s25;
	[sflag:s21] =	ssyncadd.s32 $0xFFFFC000  }
0x3c: {  	[hbm4b:s31+s2] =	stream.linear.scatter [tilespmem:s17], [sflag:$0x4], $0x4000, $0x38;
	[tilespmem:$0x13000] =	vst v63  }
0x3d: {  	s25 =	sadd.s32 s6, s25  }
0x3e: {  	[hbm4b:s25+s2] =	stream.linear.scatter [tilespmem:s18], [sflag:$0x4], $0x4000, $0x38;
	[tilespmem:$0x13000] =	vst v63  }
0x3f: {  	s23 =	sadd.s32 $0x1, s23  }
0x40: {  	_ =	swait.ge [sflag:s22], $0x4000;
	p0 =	sne.s32 s23, s11  }
.Ltmp1:
0x41: {  	[sflag:s22] =	ssyncset.done $0x0;
	(pc) =	sbr.rel @p0 .LBB2_1-.Ltmp1, $4  }
0x42: {  	[sflag:s22] =	ssyncadd.s32 $0xFFFFC000  }
0x43: {  	_ =	swait.ge [sflag:s22], $0x4000  }
0x44: {  	[sflag:s22] =	ssyncset.done $0x0  }
0x45: {  	[sflag:s22] =	ssyncadd.s32 $0xFFFFC000  }
0x46: {  	_ =	sfence.sel $0x180000  }
0x47: {  	[bflag:$0x0] =	sbarrier.arrive $0xFFFF  }
0x48: {  	p0 =	sne.s32 s0, $0x0;
	_ =	strace $0x9000004A  }
0x49: {  	s0 =	sadd.s32 @!p0 $0x100000, s1;
	[bflag:$0x2] =	sbarrier.arrive $0xFFFF  }
0x4a: {  	[sflag:s0] =	ssyncadd.tile.s32 @!p0 $0x1;
	_ =	shalt  }
.Lfunc_end2:
_tile_overlayer_lowered:
.L_overlay_start_2:
0x4b: {  	(tag) =	ssettag $0x2  }
0x4c: {  	s0 =	rddreg [dreg:$0x0];
	s2 =	stileid.u32  }
0x4d: {  	s1 =	rddreg [dreg:$0x1];
	p0 =	sne.s32 s2, $0x0  }
0x4e: {  	s3 =	rddreg [dreg:$0x2];
	[bflag:$0x3] =	sbarrier.arrive $0xFFFF;
	s2 =	simm.s32 @!p0 $0x1C05  }
0x4f: {  	[timem:s3], [sflag:s2] =	dma.local @!p0 [hbm:s0], s1  }
0x50: {  	s0 =	simm.s32 @!p0 $0x5  }
0x51: {  	_ =	swait.ge @!p0 [sflag:s0], s1  }
0x52: {  	s1 =	ssub.s32 @!p0 $0x0, s1;
	[sflag:s0] =	ssyncset.done @!p0 $0x0  }
0x53: {  	[sflag:s0] =	ssyncadd.s32 @!p0 s1  }
0x54: {  	[bflag:$0x3] =	sbarrier.arrive $0xFFFF  }
0x55: {  	_ =	shalt  }

// kernel: kernel.19.cloned.1.call-start
scs
__scs_entry_jumppad:
0x0: {  	(pc) =	sbr.rel $0x88, $3  }
0x1: {  	(tag) =	ssettag $0x0;
	lr =	simm.s32 $0x1  }
0x2: {  	[smem:$0x3F89] =	sst lr;
	_ =	strace $0xD0000000  }
0x3: {  	_ = 	snop  }
0x4: {  	_ = 	snop  }
0x5: {  	_ = 	snop  }
0x6: {  	_ = 	snop  }
0x7: {  	_ = 	snop  }
__scs_overlays_trampoline_lowered:
0x8: {  	[smem:$0x3F98] =	sst s0  }
0x9: {  	[smem:$0x3F99] =	sst s1  }
0xa: {  	[smem:$0x3F9A] =	sst s2  }
0xb: {  	[smem:$0x3F9B] =	sst s3  }
0xc: {  	[smem:$0x3F9C] =	sst s4  }
0xd: {  	[smem:$0x3F9D] =	sst s5  }
0xe: {  	[smem:$0x3F9E] =	sst s6  }
0xf: {  	[smem:$0x3F9F] =	sst s7  }
0x10: {  	[smem:$0x3FA0] =	sst s8  }
0x11: {  	[smem:$0x3FA1] =	sst s9;
	s0 =	simm.s32 @!p0 $0x0  }
0x12: {  	s1 =	sld [smem:$0x3F87];
	s0 =	simm.s32 @p0 $0x1  }
0x13: {  	[smem:$0x3FA2] =	sst s0;
	s0 =	simm.s32 @!p1 $0x0  }
0x14: {  	s2 =	sld [smem:$0x3F86];
	s0 =	simm.s32 @p1 $0x1  }
0x15: {  	[smem:$0x3FA3] =	sst s0;
	s0 =	simm.s32 @!p2 $0x0  }
0x16: {  	s3 =	sld [smem:$0x3FDB];
	s0 =	simm.s32 @p2 $0x1  }
0x17: {  	s4 =	simm.s32 $0x1BF5;
	[smem:$0x3FA5] =	sst s0  }
0x18: {  	s0 =	sld [smem:$0x3F88];
	_ =	swait.ge [sflag:s4], $0x0  }
0x19: {  	s7 =	sld [smem:$0x3F89]  }
0x1a: {  	s8 =	sadd.s32 $0xFFFFE003, lr  }
0x1b: {  	s9 =	sadd.s32 $0xFFFFFEF7, lr;
	s5 =	simm.s32 $0xFFFFFFFF;
	p2 =	slt.u32 s8, $0xFFFFF086  }
0x1c: {  	p1 =	slt.u32 s9, $0xF7A;
	s5 =	simm.s32 @!p2 $0x0  }
0x1d: {  	s5 =	simm.s32 @p1 $0x1;
	p0 =	seq.s32 s7, s2  }
0x1e: {  	s7 =	smul.u32 @!p0 $0xF7A, s2;
	p2 =	seq.s32 @!p0 s5, $0x0  }
0x1f: {  	s9 =	smul.u32 $0xF7A, s1;
	s8 =	simm.s32 @!p0 $0x1BF5;
	p2 =	por !p2, p0  }
0x20: {  	[sflag:s8] =	ssyncset.s32 @!p0 $0xFFFFF086;
	s6 =	sadd.s32 @!p0 s3, s7;
	s7 =	simm.s32 @!p0 $0x108  }
0x21: {  	s3 =	sadd.s32 s3, s9;
	s6 =	sadd.s32 @!p0 $0x88, s6;
	s7 =	simm.s32 @p2 $0x1082  }
0x22: {  	[simem:s7], [sflag:s8] =	dma.local @!p0 [hbm:s6], $0xF7A  }
0x23: {  	s9 =	sor.u32 $0xD0000000, s2;
	s6 =	simm.s32 $0x108;
	_ =	swait.ge @!p0 [sflag:s8], $0x0  }
0x24: {  	s3 =	sadd.s32 $0x88, s3;
	s6 =	simm.s32 @!p1 $0x1082;
	[sflag:s4] =	ssyncset.s32 $0xFFFFF086  }
0x25: {  	[simem:s6], [sflag:s4] =	dma.local [hbm:s3], $0xF7A  }
0x26: {  	[smem:$0x3F89] =	sst s1;
	(tag) =	ssettag s2;
	_ =	strace s9  }
0x27: {  	s1 =	sld [smem:$0x3F99]  }
0x28: {  	s2 =	sld [smem:$0x3F9A]  }
0x29: {  	s4 =	sld [smem:$0x3F9C]  }
0x2a: {  	p0 =	seq.s32 s5, $0x0;
	s5 =	sld [smem:$0x3F9D]  }
0x2b: {  	s6 =	sld [smem:$0x3F9E]  }
0x2c: {  	s7 =	sld [smem:$0x3F9F]  }
0x2d: {  	s3 =	simm.s32 $0x108;
	s8 =	sld [smem:$0x3FA0]  }
0x2e: {  	s3 =	simm.s32 @!p0 $0x1082;
	s9 =	sld [smem:$0x3FA1]  }
0x2f: {  	lr =	sadd.s32 s0, s3;
	s0 =	sld [smem:$0x3F98]  }
0x30: {  	s3 =	sld [smem:$0x3F9B]  }
0x31: {  	[smem:$0x3FA4] =	sst s10  }
0x32: {  	s10 =	sld [smem:$0x3FA2];
	_ =	sdelay $0x3  }
0x33: {  	p0 =	seq.s32 s10, $0x1;
	s10 =	sld [smem:$0x3FA4];
	_ =	sdelay $0x3  }
0x34: {  	[smem:$0x3FA4] =	sst s10  }
0x35: {  	s10 =	sld [smem:$0x3FA3];
	_ =	sdelay $0x3  }
0x36: {  	p1 =	seq.s32 s10, $0x1;
	s10 =	sld [smem:$0x3FA4];
	_ =	sdelay $0x3  }
0x37: {  	[smem:$0x3FA4] =	sst s10  }
0x38: {  	s10 =	sld [smem:$0x3FA5]  }
0x39: {  	_ = 	snop;
	(pc) =	sbr.ind lr, $3  }
0x3a: {  	_ = 	snop  }
0x3b: {  	_ = 	snop  }
0x3c: {  	p2 =	seq.s32 s10, $0x1;
	s10 =	sld [smem:$0x3FA4]  }
0x3d: {  	_ =	shalt  }
0x3e: {  	_ =	shalt  }
0x3f: {  	_ =	shalt  }
0x40: {  	_ =	shalt  }
0x41: {  	_ =	shalt  }
0x42: {  	_ =	shalt  }
0x43: {  	_ =	shalt  }
0x44: {  	_ =	shalt  }
0x45: {  	_ =	shalt  }
0x46: {  	_ =	shalt  }
0x47: {  	_ =	shalt  }
0x48: {  	_ =	shalt  }
0x49: {  	_ =	shalt  }
0x4a: {  	_ =	shalt  }
0x4b: {  	_ =	shalt  }
0x4c: {  	_ =	shalt  }
0x4d: {  	_ =	shalt  }
0x4e: {  	_ =	shalt  }
0x4f: {  	_ =	shalt  }
0x50: {  	_ =	shalt  }
0x51: {  	_ =	shalt  }
0x52: {  	_ =	shalt  }
0x53: {  	_ =	shalt  }
0x54: {  	_ =	shalt  }
0x55: {  	_ =	shalt  }
0x56: {  	_ =	shalt  }
0x57: {  	_ =	shalt  }
0x58: {  	_ =	shalt  }
0x59: {  	_ =	shalt  }
0x5a: {  	_ =	shalt  }
0x5b: {  	_ =	shalt  }
0x5c: {  	_ =	shalt  }
0x5d: {  	_ =	shalt  }
0x5e: {  	_ =	shalt  }
0x5f: {  	_ =	shalt  }
0x60: {  	_ =	shalt  }
0x61: {  	_ =	shalt  }
0x62: {  	_ =	shalt  }
0x63: {  	_ =	shalt  }
0x64: {  	_ =	shalt  }
0x65: {  	_ =	shalt  }
0x66: {  	_ =	shalt  }
0x67: {  	_ =	shalt  }
0x68: {  	_ =	shalt  }
0x69: {  	_ =	shalt  }
0x6a: {  	_ =	shalt  }
0x6b: {  	_ =	shalt  }
0x6c: {  	_ =	shalt  }
0x6d: {  	_ =	shalt  }
0x6e: {  	_ =	shalt  }
0x6f: {  	_ =	shalt  }
0x70: {  	_ =	shalt  }
0x71: {  	_ =	shalt  }
0x72: {  	_ =	shalt  }
0x73: {  	_ =	shalt  }
0x74: {  	_ =	shalt  }
0x75: {  	_ =	shalt  }
0x76: {  	_ =	shalt  }
0x77: {  	_ =	shalt  }
0x78: {  	_ =	shalt  }
0x79: {  	_ =	shalt  }
0x7a: {  	_ =	shalt  }
0x7b: {  	_ =	shalt  }
0x7c: {  	_ =	shalt  }
0x7d: {  	_ =	shalt  }
0x7e: {  	_ =	shalt  }
0x7f: {  	_ =	shalt  }
0x80: {  	_ =	shalt  }
0x81: {  	_ =	shalt  }
0x82: {  	_ =	shalt  }
0x83: {  	_ =	shalt  }
0x84: {  	_ =	shalt  }
0x85: {  	_ =	shalt  }
0x86: {  	_ =	shalt  }
0x87: {  	_ =	shalt  }
.Lfunc_end0:
.L_simem_size_0:
called_computation.3_lowered:
.L_overlay_start_0:
0x88: {  	s2 =	sld [smem:$0x3FD9]  }
0x89: {  	s3 =	sld [smem:$0x3FFE];
	_ =	sdelay $0x1  }
0x8a: {  	s1 =	srdreg.scid  }
0x8b: {  	s0 =	sand.u32 $0x1, s1  }
0x8c: {  	s17 =	sshll.u32 s0, $0xA;
	s2 =	sadd.s32 s3, s2  }
0x8d: {  	s2 =	sadd.s32 s2, s17  }
0x8e: {  	[smem:$0x3FB0] =	sst s2  }
0x8f: {  	_ = 	snop  }
0x90: {  	(tm) =	ssettm $0x1  }
0x91: {  	s18 =	sld [smem:$0x3FFB];
	_ =	sdelay $0x3  }
0x92: {  	_ =	strace s18  }
0x93: {  	s2 =	sld [smem:$0x3FFC];
	_ =	sdelay $0x3  }
0x94: {  	_ =	strace s2  }
0x95: {  	s2 =	sld [smem:$0x3FFD];
	_ =	sdelay $0x3  }
0x96: {  	_ =	strace s2  }
0x97: {  	_ =	strace $0x8FFFFFFF  }
0x98: {  	s19 =	sld [smem:$0x3FDB];
	_ =	sdelay $0x1  }
0x99: {  	s20 =	simm.s32 $_scs_section_size  }
0x9a: {  	s4 =	simm.s32 $_size__tile_overlayer_lowered;
	s5 =	simm.s32 $_tile_overlayer_lowered  }
0x9b: {  	s6 =	simm.s32 $0x1BFF;
	s21 =	sshll.u32 s5, $0x1;
	s3 =	sadd.s32 s20, s19  }
0x9c: {  	s22 =	simm.s32 $0x0;
	s4 =	sshll.u32 s4, $0x1;
	s5 =	sadd.s32 s21, s3  }
0x9d: {  	[timem:s22], [sflag:s6] =	dma.local [hbm:s5], s4  }
0x9e: {  	_ =	swait.ge [sflag:s6], s4  }
0x9f: {  	s4 =	ssub.s32 $0x0, s4;
	[sflag:s6] =	ssyncset.done $0x0  }
0xa0: {  	[sflag:s6] =	ssyncadd.s32 s4;
	_ =	sdelay $0x1  }
0xa1: {  	s23 =	simm.s32 $0x1B8B  }
0xa2: {  	_ =	swait.ge [sflag:s23], $0x1  }
0xa3: {  	[sflag:s23] =	ssyncset.done $0x0  }
0xa4: {  	[sflag:s23] =	ssyncadd.s32 $0xFFFFFFFF  }
0xa5: {  	s4 =	sld [smem:$0x0]  }
0xa6: {  	s5 =	sand.u32 $0xFFFFFFFE, s1  }
0xa7: {  	p0 =	sne.s32 s1, s5  }
0xa8: {  	s5 =	sshll.u32 @p0 s5, $0xE  }
0xa9: {  	s5 =	sadd.s32 @p0 $0x11B8D, s5;
	s6 =	sshll.u32 @p0 s4, $0x11  }
0xaa: {  	s5 =	sor.u32 @p0 s6, s5  }
0xab: {  	[sflag:s5] =	ssyncadd.remote.s32 @p0 $0x1;
	_ =	sdelay $0x1  }
0xac: {  	s5 =	simm.s32 @p0 $0x1B8D  }
0xad: {  	_ =	swait.eq @p0 [sflag:s5], $0x1  }
0xae: {  	[sflag:s5] =	ssyncadd.s32 @p0 $0xFFFFFFFF  }
0xaf: {  	s6 =	sshll.u32 @!p0 s1, $0xE  }
0xb0: {  	s6 =	sor.u32 @!p0 $0x4000, s6;
	s5 =	simm.s32 @!p0 $0x1B8D  }
0xb1: {  	s4 =	sshll.u32 @!p0 s4, $0x11;
	s6 =	sadd.s32 @!p0 $0x11B8D, s6;
	_ =	swait.eq @!p0 [sflag:s5], $0x1  }
0xb2: {  	s4 =	sor.u32 @!p0 s4, s6;
	[sflag:s5] =	ssyncadd.s32 @!p0 $0xFFFFFFFF  }
0xb3: {  	s25 =	simm.s32 $0x1B8E;
	s24 =	sld [smem:$0x3FFE];
	[sflag:s4] =	ssyncadd.remote.s32 @!p0 $0x1  }
0xb4: {  	s26 =	simm.s32 $execute0_lowered;
	[smem:$0x3FD2] =	sst s25  }
0xb5: {  	s5 =	sshll.u32 s26, $0x1;
	_ =	strace $0x8000004F;
	[dreg:$0x1] =	wrdreg $0xFFFFFFFF  }
0xb6: {  	s28 =	simm.s32 $_size_execute0_lowered;
	s3 =	sadd.s32 s3, s5;
	[dreg:$0x0] =	wrdreg $0x0  }
0xb7: {  	s5 =	sshll.u32 s28, $0x1;
	[dreg:$0x2] =	wrdreg s3  }
0xb8: {  	[dreg:$0x3] =	wrdreg s5  }
0xb9: {  	[dreg:$0x4] =	wrdreg $0xC0  }
0xba: {  	_ =	task [dreg:s22], $0x5FFFF  }
0xbb: {  	[dreg:$0x1] =	wrdreg $0xFFFFFFFF  }
0xbc: {  	[dreg:$0x0] =	wrdreg $0x60  }
0xbd: {  	[dreg:$0x2] =	wrdreg s24  }
0xbe: {  	[dreg:$0x3] =	wrdreg $0x84000  }
0xbf: {  	[dreg:$0x4] =	wrdreg $0xA  }
0xc0: {  	_ =	task.clear_ibuf [dreg:s22], $0x5FFFF;
	_ =	strace $0x9000004F  }
0xc1: {  	s29 =	simm.s32 $0xA;
	_ =	strace $0x80000051  }
0xc2: {  	_ =	swait.ge [sflag:s29], $0x1  }
0xc3: {  	[sflag:s29] =	ssyncadd.s32 $0xFFFFFFFF  }
0xc4: {  	_ =	strace $0x90000051  }
0xc5: {  	_ =	sfence  }
0xc6: {  	s30 =	sld [smem:$0x0];
	_ =	sdelay $0x2  }
0xc7: {  	s31 =	sshll.u32 s1, $0xD;
	s1 =	sshrl.u32 s1, $0x2  }
0xc8: {  	s4 =	sand.u32 $0x4000, s31;
	s1 =	sadd.s32 s1, s30  }
0xc9: {  	s0 =	sor.u32 s4, s0;
	s1 =	sshll.u32 s1, $0x11  }
0xca: {  	s0 =	sor.u32 s1, s0  }
0xcb: {  	s0 =	sadd.s32 $0x8F2B, s0  }
0xcc: {  	[sflag:s0] =	ssyncadd.remote.s32 $0x1  }
0xcd: {  	_ =	sfence.sel $0xFFFF  }
0xce: {  	[dreg:$0x0] =	wrdreg $0xFFFFFFFF;
	(pc) =	sbr.abs _section_cstart, $3  }
0xcf: {  	[dreg:$0x1] =	wrdreg $0xFFFFFFFF  }
0xd0: {  	_ =	task.clear_ibuf [dreg:s22], $0x2FFFF;
	_ =	strace $0x9FFFFFFF  }
0xd1: {  	(tm) =	ssettm $0x7FFFFFFF  }
tec
execute0_lowered:
.L_overlay_start_1:
0x0: {  	(tag) =	ssettag $0x1  }
0x1: {  	s0 =	rddreg [dreg:$0x0]  }
0x2: {  	s1 =	rddreg [dreg:$0x1]  }
0x3: {  	s3 =	simm.s32 $0x0;
	s2 =	srdreg.scid;
	s16 =	stileid.u32  }
0x4: {  	s25 =	simm.s32 $0x100;
	s26 =	simm.s32 $0x180;
	s28 =	simm.s32 $0x3  }
0x5: {  	s29 =	simm.s32 $0x4;
	s30 =	simm.s32 $0x2;
	s31 =	simm.s32 $0x5  }
0x6: {  	[smem:$0x7FF] =	sst s3;
	s2 =	sand.u32 $0x1, s2;
	s4 =	sadd.s32 $0x85600, s0  }
0x7: {  	s6 =	sshll.u32 s16, $0x1;
	s5 =	sadd.s32 $0x8A600, s0;
	s9 =	smul.u32 $0x13C00, s16  }
0x8: {  	s13 =	sadd.s32 $0xE1200, s0;
	s7 =	sadd.s32 $0xAA1600, s0;
	s17 =	smul.u32 $0x4F000, s16  }
0x9: {  	s12 =	sadd.s32 $0x8FA00, s0;
	s14 =	sadd.s32 $0x8F800, s0;
	s20 =	smul.u32 $0x140000, s16  }
0xa: {  	s24 =	sshll.u32 s16, $0x6;
	_ =	strace $0x80000050;
	[dreg:$0x6] =	wrdreg s12  }
0xb: {  	s16 =	simm.s32 $0x6;
	s8 =	smul.u32 $0x13C000, s2;
	[dreg:$0x7] =	wrdreg s14  }
0xc: {  	s10 =	sor.u32 s2, s6;
	s6 =	sadd.s32 $0xAA1C00, s0;
	[dreg:$0x4] =	wrdreg s25  }
0xd: {  	s19 =	ssub.s32 $0x2, s2;
	s2 =	smul.u32 $0xA0000, s2;
	[dreg:$0x5] =	wrdreg s26  }
0xe: {  	s25 =	simm.s32 $0x4200;
	s26 =	simm.s32 $0x1;
	s11 =	smul.u32 $0x1400, s10  }
0xf: {  	s18 =	smul.u32 $0x14000, s10;
	s21 =	sshrl.u32 s19, $0x1;
	s22 =	sshrl.u32 s17, $0x2  }
0x10: {  	s17 =	sor.u32 $0x1C06, s24;
	s24 =	simm.s32 $0x8380;
	s8 =	sadd.s32 s9, s8  }
0x11: {  	s15 =	sadd.s32 s22, s1;
	s2 =	sadd.s32 s2, s20;
	s20 =	simm.s32 $0x80  }
0x12: {  	s22 =	simm.s32 $0x8280;
	s8 =	sshrl.u32 s8, $0x3;
	[dreg:$0x3] =	wrdreg s11  }
0x13: {  	s9 =	sadd.s32 s13, s18;
	s23 =	sor.u32 $0x8000, s2;
	s2 =	sor.u32 $0x4000, s2  }
0x14: {  	s18 =	sshrl.u32 s15, $0x3;
	s0 =	sadd.s32 s8, s0;
	s8 =	ssub.s32 s19, s21  }
0x15: {  	[dreg:$0x8] =	wrdreg s9;
	s2 =	sshrl.u32 s2, $0x3;
	s19 =	simm.s32 $0x200  }
0x16: {  	s21 =	simm.s32 $0x8200;
	s0 =	sadd.s32 $0x2C600, s0;
	s12 =	smax.u32 s8, $0x1  }
0x17: {  	s2 =	sadd.s32 s2, s13;
	[dreg:$0x9] =	wrdreg s0;
	s0 =	sshrl.u32 s23, $0x3  }
0x18: {  	s23 =	simm.s32 $0x8300;
	s8 =	sadd.s32 s0, s13;
	s0 =	simm.s32 $0x0  }
.LBB2_1:
0x19: {  	s9 =	rddreg [dreg:$0x7];
	s10 =	simm.s32 $0x1C000  }
0x1a: {  	[tilespmem:s10], [sflag:$0x6] =	stream.linear.gather [hbm4b:s9+s3], $0x1, $0x38;
	[tilespmem:$0x1C080] =	vst v63  }
0x1b: {  	_ =	swait.ge [sflag:s16], $0x1  }
0x1c: {  	[sflag:s16] =	ssyncset.done $0x0  }
0x1d: {  	s14 =	rddreg [dreg:$0x6];
	[sflag:s16] =	ssyncadd.s32 $0xFFFFFFFF  }
0x1e: {  	v0 =	vld.msk [tilespmem:$0x1C000 ss:$0x0], $0xffff;
	[spmem:s18], [sflag:s17] =	dma.local [hbm:s14], $0x2780  }
0x1f: {  	_ =	swait.ge [sflag:s16], $0x2780  }
0x20: {  	[sflag:s16] =	ssyncset.done $0x0  }
0x21: {  	[sflag:s16] =	ssyncadd.s32 $0xFFFFD880  }
0x22: {  	[bflag:$0x0] =	sbarrier.arrive $0xFFFF  }
0x23: {  	s15 =	rddreg [dreg:$0x8]  }
0x24: {  	[tilespmem:s19], [sflag:$0x1] =	stream.linear.gather [hbm4b:s15+s3], $0x4000, $0x38;
	[tilespmem:$0x1C080] =	vst v63  }
0x25: {  	s13 =	smov.u32 s8;
	s14 =	smov.u32 s2;
	s15 =	simm.s32 $0x0  }
.LBB2_2:
0x26: {  	s9 =	rddreg [dreg:$0x3];
	s10 =	sand.u32 $0x1C00, s15  }
0x27: {  	s11 =	sand.u32 $0x300, s15;
	s9 =	sadd.s32 s9, s10  }
0x28: {  	s10 =	sor.u32 s11, s9  }
0x29: {  	s10 =	sshrl.u32 s10, $0x3  }
0x2a: {  	s11 =	sadd.s32 s4, s10  }
0x2b: {  	[tilespmem:s3], [sflag:$0x6] =	stream.linear.gather [hbm4b:s11+s3], $0x80, $0x38;
	[tilespmem:$0x1C080] =	vst v63  }
0x2c: {  	_ =	swait.ge [sflag:s16], $0x80  }
0x2d: {  	[sflag:s16] =	ssyncset.done $0x0  }
0x2e: {  	s10 =	sadd.s32 s5, s10;
	[sflag:s16] =	ssyncadd.s32 $0xFFFFFF80  }
0x2f: {  	[tilespmem:s20], [sflag:$0x6] =	stream.linear.gather [hbm4b:s10+s3], $0x80, $0x38;
	[tilespmem:$0x1C080] =	vst v63  }
0x30: {  	_ =	swait.ge [sflag:s16], $0x80  }
0x31: {  	[sflag:s16] =	ssyncset.done $0x0  }
0x32: {  	[sflag:s16] =	ssyncadd.s32 $0xFFFFFF80  }
0x33: {  	[tilespmem:s21], [sflag:$0x3] =	stream.indirect.gather [hbm4b:s6+s20], $0x1, s3, s20, $0xb8;
	[tilespmem:$0x1C080] =	vst v63  }
0x34: {  	_ = 	snop  }
0x35: {  	[tilespmem:s22], [sflag:$0x3] =	stream.indirect.gather [hbm4b:s6+s20], $0x1, s20, s20, $0xb8;
	[tilespmem:$0x1C080] =	vst v63  }
0x36: {  	p0 =	seq.s32 s15, $0x0  }
0x37: {  	[tilespmem:s23], [sflag:$0x3] =	stream.indirect.gather [hbm4b:s7+s20], $0x1, s3, s20, $0xb8;
	[tilespmem:$0x1C080] =	vst v63  }
0x38: {  	s10 =	simm.s32 @!p0 $0x5  }
0x39: {  	[tilespmem:s24], [sflag:$0x3] =	stream.indirect.gather [hbm4b:s7+s20], $0x1, s20, s20, $0xb8;
	[tilespmem:$0x1C080] =	vst v63  }
0x3a: {  	_ =	swait.ge @!p0 [sflag:s10], $0x4000  }
0x3b: {  	[sflag:s10] =	ssyncset.done @!p0 $0x0  }
0x3c: {  	[sflag:s10] =	ssyncadd.s32 @!p0 $0xFFFFC000  }
0x3d: {  	[tilespmem:s25], [sflag:$0x2] =	stream.linear.gather [hbm4b:s14+s3], $0x4000, $0x38;
	[tilespmem:$0x1C080] =	vst v63  }
0x3e: {  	_ =	swait.ge [sflag:s26], $0x4000  }
0x3f: {  	[sflag:s26] =	ssyncset.done $0x0  }
0x40: {  	[sflag:s26] =	ssyncadd.s32 $0xFFFFC000  }
0x41: {  	_ =	swait.ge [sflag:s28], $0x80  }
0x42: {  	[sflag:s28] =	ssyncset.done $0x0  }
0x43: {  	[sflag:s28] =	ssyncadd.s32 $0xFFFFFF80  }
0x44: {  	_ =	swait.ge [sflag:s28], $0x80  }
0x45: {  	[sflag:s28] =	ssyncset.done $0x0  }
0x46: {  	[sflag:s28] =	ssyncadd.s32 $0xFFFFFF80  }
0x47: {  	_ =	swait.ge [sflag:s28], $0x80  }
0x48: {  	[sflag:s28] =	ssyncset.done $0x0  }
0x49: {  	[sflag:s28] =	ssyncadd.s32 $0xFFFFFF80  }
0x4a: {  	_ =	swait.ge [sflag:s28], $0x80  }
0x4b: {  	[sflag:s28] =	ssyncset.done $0x0  }
0x4c: {  	[sflag:s28] =	ssyncadd.s32 $0xFFFFFF80  }
0x4d: {  	v1 =	vld [tilespmem:$0x80]  }
0x4e: {  	v2 =	vld [tilespmem:$0x8200]  }
0x4f: {  	v3 =	vld [tilespmem:$0x8280]  }
0x50: {  	v4 =	vld [tilespmem:$0x8300]  }
0x51: {  	v5 =	vld [tilespmem:$0x8380]  }
0x52: {  	v7 =	vld [tilespmem:$0x8210]  }
0x53: {  	v8 =	vld [tilespmem:$0x8290]  }
0x54: {  	v9 =	vld [tilespmem:$0x8310]  }
0x55: {  	v12 =	vld [tilespmem:$0x8220]  }
0x56: {  	v13 =	vld [tilespmem:$0x82A0]  }
0x57: {  	v14 =	vld [tilespmem:$0x8320]  }
0x58: {  	v15 =	vld [tilespmem:$0x83A0]  }
0x59: {  	v19 =	vld [tilespmem:$0x8330]  }
0x5a: {  	v20 =	vld [tilespmem:$0x83B0]  }
0x5b: {  	v22 =	vld [tilespmem:$0x8240]  }
0x5c: {  	v23 =	vld [tilespmem:$0x82C0]  }
0x5d: {  	v34 =	vld [tilespmem:$0x8350]  }
0x5e: {  	v36 =	vld [tilespmem:$0x83D0]  }
0x5f: {  	v40 =	vld [tilespmem:$0x8360]  }
0x60: {  	v41 =	vld [tilespmem:$0x83E0]  }
0x61: {  	v43 =	vld [tilespmem:$0x8270]  }
0x62: {  	v44 =	vld [tilespmem:$0x82F0]  }
0x63: {  	v47 =	vld [tilespmem:$0x8370]  }
0x64: {  	v49 =	vld [tilespmem:$0x83F0];
	v2 =	vsub.f32 v2, v3;
	v3 =	vsub.f32 v4, v5  }
0x65: {  	v10 =	vld [tilespmem:$0x8390];
	v7 =	vsub.f32 v7, v8;
	v33 =	vsub.f32 v12, v13  }
0x66: {  	v6 =	vld [tilespmem:$0x90];
	v35 =	vsub.f32 v14, v15;
	v39 =	vsub.f32 v19, v20  }
0x67: {  	v17 =	vld [tilespmem:$0x8230];
	v42 =	vsub.f32 v22, v23;
	v48 =	vsub.f32 v34, v36  }
0x68: {  	v18 =	vld [tilespmem:$0x82B0];
	v52 =	vsub.f32 v40, v41;
	v4 =	vsub.f32 v43, v44  }
0x69: {  	v30 =	vld [tilespmem:$0x8340];
	v54 =	vsub.f32 v47, v49;
	v2 =	vand.u32 $0x7FFFFFFF, v2;
	v3 =	vand.u32 $0x7FFFFFFF, v3  }
0x6a: {  	v32 =	vld [tilespmem:$0x8250];
	v7 =	vand.u32 $0x7FFFFFFF, v7;
	vm0 =	vgt.f32 v2, v0;
	v2 =	vsub.f32 v9, v10  }
0x6b: {  	v12 =	vand.u32 $0x7FFFFFFF, v39;
	v46 =	vand.u32 $0x7FFFFFFF, v42;
	vm1 =	vgt.f32 v3, v0;
	v3 =	vld [tilespmem:$0x82D0]  }
0x6c: {  	v31 =	vld [tilespmem:$0x83C0];
	v8 =	vand.u32 $0x7FFFFFFF, v48;
	v55 =	vand.u32 $0x7FFFFFFF, v54;
	v2 =	vand.u32 $0x7FFFFFFF, v2  }
0x6d: {  	v37 =	vld [tilespmem:$0x8260];
	vm7 =	vgt.f32 v7, v0;
	vm2 =	vgt.f32 v2, v0;
	v2 =	vand.u32 $0x7FFFFFFF, v33  }
0x6e: {  	v38 =	vld [tilespmem:$0x82E0];
	vm11 =	vgt.f32 v12, v0;
	vm8 =	vgt.f32 v2, v0;
	v2 =	vand.u32 $0x7FFFFFFF, v35  }
0x6f: {  	v11 =	vld [tilespmem:$0xA0];
	vm13 =	vgt.f32 v46, v0;
	vm3 =	vgt.f32 v2, v0;
	v2 =	vsub.f32 v17, v18  }
0x70: {  	v16 =	vld [tilespmem:$0xB0];
	vm0 =	vmor vm0, vm1;
	vm1 =	vmor vm7, vm2;
	v3 =	vsub.f32 v32, v3  }
0x71: {  	v1 =	vnsel vm0, $0x277F, v1;
	v6 =	vnsel vm1, $0x277F, v6;
	v2 =	vand.u32 $0x7FFFFFFF, v2  }
0x72: {  	vm9 =	vmor vm8, vm3;
	v3 =	vand.u32 $0x7FFFFFFF, v3;
	vm10 =	vgt.f32 v2, v0  }
0x73: {  	v21 =	vld [tilespmem:$0xC0];
	v2 =	vsub.f32 v30, v31;
	vm15 =	vgt.f32 v3, v0;
	v3 =	vsub.f32 v37, v38  }
0x74: {  	v51 =	vld [tilespmem:$0xE0];
	v45 =	vnsel vm9, $0x277F, v11;
	vm9 =	vgt.f32 v55, v0;
	vm12 =	vmor vm10, vm11  }
0x75: {  	v53 =	vld [tilespmem:$0xF0];
	[tilespmem:$0x100] =	vst v1;
	v2 =	vand.u32 $0x7FFFFFFF, v2;
	v50 =	vnsel vm12, $0x277F, v16;
	v3 =	vand.u32 $0x7FFFFFFF, v3  }
0x76: {  	[tilespmem:$0x110] =	vst v6;
	vm14 =	vgt.f32 v2, v0;
	v2 =	vld [tilespmem:$0xD0];
	vm6 =	vgt.f32 v3, v0;
	v3 =	vand.u32 $0x7FFFFFFF, v52  }
0x77: {  	[tilespmem:$0x120] =	vst v45;
	vm0 =	vmor vm13, vm14;
	vm7 =	vgt.f32 v3, v0;
	v3 =	vand.u32 $0x7FFFFFFF, v4  }
0x78: {  	[tilespmem:$0x130] =	vst v50;
	v1 =	vnsel vm0, $0x277F, v21;
	vm0 =	vmor vm6, vm7;
	vm8 =	vgt.f32 v3, v0  }
0x79: {  	vm4 =	vgt.f32 v8, v0;
	[tilespmem:$0x140] =	vst v1;
	v1 =	vnsel vm0, $0x277F, v51;
	vm10 =	vmor vm8, vm9  }
0x7a: {  	vm5 =	vmor vm15, vm4;
	[tilespmem:$0x160] =	vst v1;
	v1 =	vnsel vm10, $0x277F, v53  }
0x7b: {  	v2 =	vnsel vm5, $0x277F, v2;
	[tilespmem:$0x170] =	vst v1  }
0x7c: {  	s11 =	rddreg [dreg:$0x4];
	[tilespmem:$0x150] =	vst v2  }
0x7d: {  	[spmem:s1] =	stream.indirect.scatter.add.f32 [tilespmem:s19], [sflag:$0x4], $0x80, s11, s20, $0xb8;
	[tilespmem:$0x1C080] =	vst v63  }
0x7e: {  	s11 =	sadd.s32 $0x80, s15  }
0x7f: {  	s10 =	sand.u32 $0x380, s11  }
0x80: {  	s9 =	sor.u32 s9, s10  }
0x81: {  	s9 =	sshrl.u32 s9, $0x3  }
0x82: {  	s11 =	sadd.s32 s4, s9  }
0x83: {  	[tilespmem:s3], [sflag:$0x6] =	stream.linear.gather [hbm4b:s11+s3], $0x80, $0x38;
	[tilespmem:$0x1C080] =	vst v63  }
0x84: {  	_ =	swait.ge [sflag:s16], $0x80  }
0x85: {  	[sflag:s16] =	ssyncset.done $0x0  }
0x86: {  	s9 =	sadd.s32 s5, s9;
	[sflag:s16] =	ssyncadd.s32 $0xFFFFFF80  }
0x87: {  	[tilespmem:s20], [sflag:$0x6] =	stream.linear.gather [hbm4b:s9+s3], $0x80, $0x38;
	[tilespmem:$0x1C080] =	vst v63  }
0x88: {  	_ =	swait.ge [sflag:s16], $0x80  }
0x89: {  	[sflag:s16] =	ssyncset.done $0x0  }
0x8a: {  	[sflag:s16] =	ssyncadd.s32 $0xFFFFFF80  }
0x8b: {  	[tilespmem:s21], [sflag:$0x3] =	stream.indirect.gather [hbm4b:s6+s20], $0x1, s3, s20, $0xb8;
	[tilespmem:$0x1C080] =	vst v63  }
0x8c: {  	_ = 	snop  }
0x8d: {  	[tilespmem:s22], [sflag:$0x3] =	stream.indirect.gather [hbm4b:s6+s20], $0x1, s20, s20, $0xb8;
	[tilespmem:$0x1C080] =	vst v63  }
0x8e: {  	_ = 	snop  }
0x8f: {  	[tilespmem:s23], [sflag:$0x3] =	stream.indirect.gather [hbm4b:s7+s20], $0x1, s3, s20, $0xb8;
	[tilespmem:$0x1C080] =	vst v63  }
0x90: {  	_ = 	snop  }
0x91: {  	[tilespmem:s24], [sflag:$0x3] =	stream.indirect.gather [hbm4b:s7+s20], $0x1, s20, s20, $0xb8;
	[tilespmem:$0x1C080] =	vst v63  }
0x92: {  	_ =	swait.ge [sflag:s29], $0x4000  }
0x93: {  	p0 =	seq.s32 s15, $0x1300;
	[sflag:s29] =	ssyncset.done $0x0  }
0x94: {  	s10 =	simm.s32 @!p0 $0x200;
	s9 =	simm.s32 @!p0 $0x0;
	[sflag:s29] =	ssyncadd.s32 $0xFFFFC000  }
0x95: {  	[tilespmem:s10], [sflag:$0x1] =	stream.linear.gather @!p0 [hbm4b:s13+s9], $0x4000, $0x38;
	[tilespmem:$0x1C080] =	vst v63  }
0x96: {  	_ =	swait.ge [sflag:s30], $0x4000  }
0x97: {  	[sflag:s30] =	ssyncset.done $0x0  }
0x98: {  	[sflag:s30] =	ssyncadd.s32 $0xFFFFC000  }
0x99: {  	_ =	swait.ge [sflag:s28], $0x80  }
0x9a: {  	[sflag:s28] =	ssyncset.done $0x0  }
0x9b: {  	[sflag:s28] =	ssyncadd.s32 $0xFFFFFF80  }
0x9c: {  	_ =	swait.ge [sflag:s28], $0x80  }
0x9d: {  	[sflag:s28] =	ssyncset.done $0x0  }
0x9e: {  	[sflag:s28] =	ssyncadd.s32 $0xFFFFFF80  }
0x9f: {  	_ =	swait.ge [sflag:s28], $0x80  }
0xa0: {  	[sflag:s28] =	ssyncset.done $0x0  }
0xa1: {  	[sflag:s28] =	ssyncadd.s32 $0xFFFFFF80  }
0xa2: {  	_ =	swait.ge [sflag:s28], $0x80  }
0xa3: {  	[sflag:s28] =	ssyncset.done $0x0  }
0xa4: {  	[sflag:s28] =	ssyncadd.s32 $0xFFFFFF80  }
0xa5: {  	v1 =	vld [tilespmem:$0x80]  }
0xa6: {  	v2 =	vld [tilespmem:$0x8200]  }
0xa7: {  	v3 =	vld [tilespmem:$0x8280]  }
0xa8: {  	v56 =	vld [tilespmem:$0x8300]  }
0xa9: {  	v57 =	vld [tilespmem:$0x8380]  }
0xaa: {  	v59 =	vld [tilespmem:$0x8210]  }
0xab: {  	v60 =	vld [tilespmem:$0x8290]  }
0xac: {  	v61 =	vld [tilespmem:$0x8310]  }
0xad: {  	v62 =	vld [tilespmem:$0x8390]  }
0xae: {  	v24 =	vld [tilespmem:$0x8220]  }
0xaf: {  	v25 =	vld [tilespmem:$0x82A0]  }
0xb0: {  	v26 =	vld [tilespmem:$0x8320]  }
0xb1: {  	v27 =	vld [tilespmem:$0x83A0]  }
0xb2: {  	v29 =	vld [tilespmem:$0x8230]  }
0xb3: {  	v30 =	vld [tilespmem:$0x82B0]  }
0xb4: {  	v31 =	vld [tilespmem:$0x8330]  }
0xb5: {  	v32 =	vld [tilespmem:$0x83B0]  }
0xb6: {  	v34 =	vld [tilespmem:$0x8240]  }
0xb7: {  	v35 =	vld [tilespmem:$0x82C0]  }
0xb8: {  	v37 =	vld [tilespmem:$0x8250]  }
0xb9: {  	v39 =	vld [tilespmem:$0x82D0]  }
0xba: {  	v43 =	vld [tilespmem:$0x8260];
	v2 =	vsub.f32 v2, v3  }
0xbb: {  	v45 =	vld [tilespmem:$0x82E0];
	v4 =	vsub.f32 v56, v57  }
0xbc: {  	v53 =	vld [tilespmem:$0x8370];
	v7 =	vsub.f32 v59, v60;
	v38 =	vsub.f32 v61, v62;
	v2 =	vand.u32 $0x7FFFFFFF, v2  }
0xbd: {  	v54 =	vld [tilespmem:$0x83F0];
	v40 =	vsub.f32 v24, v25;
	vm11 =	vgt.f32 v2, v0;
	v2 =	vand.u32 $0x7FFFFFFF, v4  }
0xbe: {  	v36 =	vld [tilespmem:$0x83C0];
	v44 =	vsub.f32 v29, v30;
	vm12 =	vgt.f32 v2, v0;
	v2 =	vand.u32 $0x7FFFFFFF, v7  }
0xbf: {  	v41 =	vld [tilespmem:$0x8350];
	v46 =	vsub.f32 v31, v32;
	vm13 =	vgt.f32 v2, v0;
	v2 =	vand.u32 $0x7FFFFFFF, v38  }
0xc0: {  	v3 =	vld [tilespmem:$0x8340];
	v49 =	vsub.f32 v34, v35;
	vm14 =	vgt.f32 v2, v0;
	v2 =	vsub.f32 v26, v27  }
0xc1: {  	v47 =	vld [tilespmem:$0x8360];
	v8 =	vsub.f32 v37, v39;
	v57 =	vsub.f32 v43, v45  }
0xc2: {  	v48 =	vld [tilespmem:$0x83E0];
	v60 =	vsub.f32 v53, v54;
	v52 =	vand.u32 $0x7FFFFFFF, v49;
	v2 =	vand.u32 $0x7FFFFFFF, v2  }
0xc3: {  	v42 =	vld [tilespmem:$0x83D0];
	v55 =	vand.u32 $0x7FFFFFFF, v8;
	vm4 =	vgt.f32 v2, v0;
	v2 =	vand.u32 $0x7FFFFFFF, v44  }
0xc4: {  	v58 =	vld [tilespmem:$0x90];
	vm8 =	vgt.f32 v52, v0;
	vm5 =	vgt.f32 v2, v0;
	v2 =	vand.u32 $0x7FFFFFFF, v46  }
0xc5: {  	v50 =	vld [tilespmem:$0x8270];
	vm10 =	vgt.f32 v55, v0;
	vm6 =	vgt.f32 v2, v0;
	v2 =	vsub.f32 v3, v36  }
0xc6: {  	v4 =	vand.u32 $0x7FFFFFFF, v57;
	v7 =	vand.u32 $0x7FFFFFFF, v40;
	vm0 =	vmor vm11, vm12;
	v3 =	vld [tilespmem:$0x82F0]  }
0xc7: {  	v63 =	vld [tilespmem:$0xA0];
	vm15 =	vgt.f32 v7, v0;
	v7 =	vsub.f32 v47, v48;
	v2 =	vand.u32 $0x7FFFFFFF, v2  }
0xc8: {  	v28 =	vld [tilespmem:$0xB0];
	vm12 =	vgt.f32 v4, v0;
	vm9 =	vgt.f32 v2, v0;
	v2 =	vsub.f32 v41, v42  }
0xc9: {  	v33 =	vld [tilespmem:$0xC0];
	v1 =	vnsel vm0, $0x277F, v1;
	vm1 =	vmor vm13, vm14;
	v59 =	vand.u32 $0x7FFFFFFF, v7  }
0xca: {  	v6 =	vnsel vm1, $0x277F, v58;
	v58 =	vld [tilespmem:$0xD0];
	vm13 =	vgt.f32 v59, v0;
	v2 =	vand.u32 $0x7FFFFFFF, v2  }
0xcb: {  	[tilespmem:$0x180] =	vst v1;
	vm0 =	vmor vm15, vm4;
	vm11 =	vgt.f32 v2, v0;
	v2 =	vsub.f32 v50, v3;
	v3 =	vld [tilespmem:$0xE0]  }
0xcc: {  	v61 =	vld [tilespmem:$0xF0];
	[tilespmem:$0x190] =	vst v6;
	v51 =	vnsel vm0, $0x277F, v63;
	v63 =	vand.u32 $0x7FFFFFFF, v60;
	vm7 =	vmor vm5, vm6  }
0xcd: {  	s15 =	sadd.s32 $0x100, s15;
	[tilespmem:$0x1A0] =	vst v51;
	vm15 =	vgt.f32 v63, v0;
	v56 =	vnsel vm7, $0x277F, v28;
	vm1 =	vmor vm8, vm9  }
0xce: {  	p0 =	sne.s32 s15, $0x1400;
	[tilespmem:$0x1B0] =	vst v56;
	v1 =	vnsel vm1, $0x277F, v33;
	vm0 =	vmor vm10, vm11;
	v2 =	vand.u32 $0x7FFFFFFF, v2  }
.Ltmp0:
0xcf: {  	vm1 =	vmor vm12, vm13;
	[tilespmem:$0x1C0] =	vst v1;
	v62 =	vnsel vm0, $0x277F, v58;
	vm14 =	vgt.f32 v2, v0;
	(pc) =	sbr.rel @p0 .LBB2_2-.Ltmp0, $4  }
0xd0: {  	[tilespmem:$0x1D0] =	vst v62;
	vm0 =	vmor vm14, vm15;
	v1 =	vnsel vm1, $0x277F, v3  }
0xd1: {  	[tilespmem:$0x1E0] =	vst v1;
	v1 =	vnsel vm0, $0x277F, v61  }
0xd2: {  	s14 =	sadd.s32 $0x1000, s14;
	s13 =	sadd.s32 $0x1000, s13;
	s11 =	rddreg [dreg:$0x5];
	[tilespmem:$0x1F0] =	vst v1  }
0xd3: {  	[spmem:s1] =	stream.indirect.scatter.add.f32 [tilespmem:s25], [sflag:$0x5], $0x80, s11, s20, $0xb8;
	[tilespmem:$0x1C080] =	vst v63  }
0xd4: {  	_ =	swait.ge [sflag:s31], $0x4000  }
0xd5: {  	[sflag:s31] =	ssyncset.done $0x0  }
0xd6: {  	s0 =	sadd.s32 $0x1, s0;
	[sflag:s31] =	ssyncadd.s32 $0xFFFFC000  }
0xd7: {  	p0 =	sne.s32 s0, s12;
	[bflag:$0x0] =	sbarrier.arrive $0xFFFF  }
.Ltmp1:
0xd8: {  	s9 =	rddreg [dreg:$0x9];
	(pc) =	sbr.rel @p0 .LBB2_1-.Ltmp1, $4  }
0xd9: {  	[hbm:s9], [sflag:s17] =	dma.local [spmem:s18], $0x2780  }
0xda: {  	_ =	swait.ge [sflag:s16], $0x2780  }
0xdb: {  	[sflag:s16] =	ssyncset.done $0x0  }
0xdc: {  	[sflag:s16] =	ssyncadd.s32 $0xFFFFD880  }
0xdd: {  	_ =	sfence.sel $0x180000  }
0xde: {  	[bflag:$0x0] =	sbarrier.arrive $0xFFFF  }
0xdf: {  	_ =	strace $0x90000050  }
0xe0: {  	s0 =	stileid.u32;
	[bflag:$0x2] =	sbarrier.arrive $0xFFFF  }
0xe1: {  	p0 =	sne.s32 s0, $0x0;
	s0 =	rddreg [dreg:$0x2]  }
0xe2: {  	s0 =	sadd.s32 @!p0 $0x100000, s0  }
0xe3: {  	[sflag:s0] =	ssyncadd.tile.s32 @!p0 $0x1;
	_ =	shalt  }
.Lfunc_end2:
_tile_overlayer_lowered:
.L_overlay_start_2:
0xe4: {  	(tag) =	ssettag $0x2  }
0xe5: {  	s0 =	rddreg [dreg:$0x0];
	s2 =	stileid.u32  }
0xe6: {  	s1 =	rddreg [dreg:$0x1];
	p0 =	sne.s32 s2, $0x0  }
0xe7: {  	s3 =	rddreg [dreg:$0x2];
	[bflag:$0x3] =	sbarrier.arrive $0xFFFF;
	s2 =	simm.s32 @!p0 $0x1C06  }
0xe8: {  	[timem:s3], [sflag:s2] =	dma.local @!p0 [hbm:s0], s1  }
0xe9: {  	s0 =	simm.s32 @!p0 $0x6  }
0xea: {  	_ =	swait.ge @!p0 [sflag:s0], s1  }
0xeb: {  	s1 =	ssub.s32 @!p0 $0x0, s1;
	[sflag:s0] =	ssyncset.done @!p0 $0x0  }
0xec: {  	[sflag:s0] =	ssyncadd.s32 @!p0 s1  }
0xed: {  	[bflag:$0x3] =	sbarrier.arrive $0xFFFF  }
0xee: {  	_ =	shalt  }

</sc_bundles>
